<compile_context>
chip_gen: v7x
topology: tpu7x:2x2x1
jax: 0.10.2.dev20260603
libtpu: 0.0.44.dev20260713+nightly
codegen_flags: <defaults>
</compile_context>

<pallas_src>
import functools

import jax
import jax.numpy as jnp
from jax import lax
from jax.experimental import pallas as pl
from jax.experimental.pallas import tpu as pltpu
from jax.experimental.pallas import tpu_sc as plsc

H = 256
W = 256
G = 8192
TS = 16
TX = W // TS
TY = H // TS
NT = TX * TY
L = 512
LCH = L // 128
KF = 256
KD = 128
NW = 32
TPW = NT // NW
ALPHA_THR = 1.0 / 255.0
TRANS_THR = 1.0e-4



_SC_MESH = plsc.VectorSubcoreMesh(
    core_axis_name="c", subcore_axis_name="s", num_cores=2, num_subcores=16
)


@functools.partial(
    pl.kernel,
    out_type=(
        jax.ShapeDtypeStruct((NW, 16), jnp.int32),
        jax.ShapeDtypeStruct((NT, L, 16), jnp.float32),
    ),
    mesh=_SC_MESH,
    scratch_types=(
        pltpu.VMEM((4, G), jnp.int32),
        pltpu.VMEM((L + 16,), jnp.int32),
        pltpu.VMEM((L, 16), jnp.float32),
        pltpu.VMEM((16,), jnp.int32),
        pltpu.SemaphoreType.DMA,
    ),
    compiler_params=pltpu.CompilerParams(
        needs_layout_passes=False, use_tc_tiling_on_sc=False
    ),
)
def _sc_bin(bbox_hbm, params_hbm, counts_hbm, binned_hbm,
            bbox_v, list_v, rows_v, cnts_v, sem):
    wid = lax.axis_index("s") * 2 + lax.axis_index("c")
    pltpu.sync_copy(bbox_hbm, bbox_v)

    zeros16 = jnp.zeros((16,), jnp.int32)
    for i in range((L + 16) // 16):
        list_v[pl.ds(i * 16, 16)] = zeros16

    lane = lax.broadcasted_iota(jnp.int32, (16,), 0)
    counts_vec = zeros16

    for k in range(TPW):
        t = wid * TPW + k
        txs = lax.rem(t, TX)
        tys = lax.div(t, TX)

        def body(j, cnt):
            tx0 = bbox_v[0, pl.ds(j * 16, 16)]
            tx1 = bbox_v[1, pl.ds(j * 16, 16)]
            ty0 = bbox_v[2, pl.ds(j * 16, 16)]
            ty1 = bbox_v[3, pl.ds(j * 16, 16)]
            hit = ((tx0 <= txs) & (txs <= tx1)
                   & (ty0 <= tys) & (tys <= ty1))
            popc = plsc.all_reduce_population_count(hit)
            npop = jnp.max(popc, axis=0)

            def append(c):
                pos = plsc.cumsum(hit.astype(jnp.int32))
                idx = jnp.minimum(c, jnp.int32(L)) + pos - 1
                plsc.store_scatter(list_v, [idx], j * 16 + lane, mask=hit)
                return c + npop

            return lax.cond(npop > 0, append, lambda c: c, cnt)

        cnt = lax.fori_loop(0, G // 16, body, jnp.int32(0))
        counts_vec = jnp.where(lane == k, cnt, counts_vec)

        for ch in range(LCH):

            def move_chunk(ch=ch):
                cp = pltpu.async_copy(
                    params_hbm.at[list_v.at[pl.ds(ch * 128, 128)]],
                    rows_v.at[pl.ds(ch * 128, 128)],
                    sem,
                )
                cp.wait()
                pltpu.sync_copy(
                    rows_v.at[pl.ds(ch * 128, 128)],
                    binned_hbm.at[t, pl.ds(ch * 128, 128)],
                )

            pl.when(cnt > ch * 128)(move_chunk)

    cnts_v[...] = counts_vec
    pltpu.sync_copy(cnts_v, counts_hbm.at[wid])



def _prefix_prod_incl(t):
    k = t.shape[0]
    s = 1
    while s < k:
        t = t * jnp.concatenate(
            [jnp.ones((s, t.shape[1]), jnp.float32), t[:-s, :]], axis=0
        )
        s *= 2
    return t


def _composite_chunk(pr, gmask, px, py, carry):
    T, r, g, b = carry
    mx = pr[:, 0:1]
    my = pr[:, 1:2]
    ca = pr[:, 2:3]
    cb = pr[:, 3:4]
    cc = pr[:, 4:5]
    cr = pr[:, 5:6]
    cg = pr[:, 6:7]
    cbl = pr[:, 7:8]
    op = pr[:, 8:9]
    dx = px - mx
    dy = py - my
    sigma = 0.5 * (ca * dx * dx + cc * dy * dy) + cb * dx * dy
    al = jnp.minimum(0.99, op * jnp.exp(-sigma))
    ok = (sigma >= 0.0) & (al >= ALPHA_THR)
    if gmask is not None:
        ok = ok & gmask
    al = jnp.where(ok, al, 0.0)
    inc = _prefix_prod_incl(1.0 - al)
    npix = px.shape[1]
    tb = T * jnp.concatenate(
        [jnp.ones((1, npix), jnp.float32), inc[:-1, :]], axis=0
    )
    wgt = jnp.where(tb > TRANS_THR, al * tb, 0.0)
    r = r + jnp.sum(wgt * cr, axis=0, keepdims=True)
    g = g + jnp.sum(wgt * cg, axis=0, keepdims=True)
    b = b + jnp.sum(wgt * cbl, axis=0, keepdims=True)
    T = T * inc[-1:, :]
    return T, r, g, b


def _tile_kernel(counts_ref, binned_ref, params_ref, out_ref):
    t = pl.program_id(0)
    cnt = counts_ref[t]
    x0 = ((t % TX) * TS).astype(jnp.float32)
    y0 = ((t // TX) * TS).astype(jnp.float32)
    lane = lax.broadcasted_iota(jnp.int32, (1, TS * TS), 1)
    px = x0 + (lane % TS).astype(jnp.float32) + 0.5
    py = y0 + (lane // TS).astype(jnp.float32) + 0.5

    T0 = jnp.ones((1, TS * TS), jnp.float32)
    z = jnp.zeros((1, TS * TS), jnp.float32)
    init = (T0, z, z, z)

    def fast_fn(_):
        nch = (cnt + (KF - 1)) // KF
        gidx = lax.broadcasted_iota(jnp.int32, (KF, 1), 0)

        def chunk(j, carry):
            pr = binned_ref[0, pl.ds(j * KF, KF), :]
            gmask = (j * KF + gidx) < cnt
            return _composite_chunk(pr, gmask, px, py, carry)

        def body(j, carry):
            return lax.cond(
                jnp.any(carry[0] > TRANS_THR), lambda c: chunk(j, c),
                lambda c: c, carry)

        return lax.fori_loop(0, nch, body, init)

    def dense_fn(_):
        def chunk(i, carry):
            pr = params_ref[pl.ds(i * KD, KD), :]
            return _composite_chunk(pr, None, px, py, carry)

        def body(i, carry):
            return lax.cond(
                jnp.any(carry[0] > TRANS_THR), lambda c: chunk(i, c),
                lambda c: c, carry)

        return lax.fori_loop(0, G // KD, body, init)

    T, r, g, b = lax.cond(cnt <= L, fast_fn, dense_fn, None)
    out_ref[0, :, :] = jnp.concatenate([r, g, b], axis=0)


def _tile_ranges(params):
    mx = params[:, 0]
    my = params[:, 1]
    a = params[:, 2]
    b = params[:, 3]
    c = params[:, 4]
    op = params[:, 8]
    lnmax = jnp.log(jnp.maximum(255.0 * op, 1e-20))
    valid = lnmax > 0.0
    lnmax = jnp.maximum(lnmax, 0.0)
    rx = jnp.sqrt(2.0 * lnmax / jnp.maximum(a - b * b / c, 1e-6)) + 0.05
    ry = jnp.sqrt(2.0 * lnmax / jnp.maximum(c - b * b / a, 1e-6)) + 0.05
    tx0 = jnp.maximum(jnp.ceil((mx - rx - (TS - 0.5)) / TS), 0.0)
    tx1 = jnp.minimum(jnp.floor((mx + rx - 0.5) / TS), TX - 1.0)
    ty0 = jnp.maximum(jnp.ceil((my - ry - (TS - 0.5)) / TS), 0.0)
    ty1 = jnp.minimum(jnp.floor((my + ry - 0.5) / TS), TY - 1.0)
    tx0 = jnp.where(valid, tx0, 1.0).astype(jnp.int32)
    tx1 = jnp.where(valid, tx1, 0.0).astype(jnp.int32)
    ty0 = jnp.where(valid, ty0, 1.0).astype(jnp.int32)
    ty1 = jnp.where(valid, ty1, 0.0).astype(jnp.int32)
    return tx0, tx1, ty0, ty1


def kernel(means2d, conics, colors, opacities, depths):
    order = jnp.argsort(lax.stop_gradient(depths))
    params = jnp.concatenate(
        [
            means2d,
            conics,
            colors,
            opacities[:, None],
            jnp.zeros((G, 7), jnp.float32),
        ],
        axis=1,
    )
    params = jnp.take(params, order, axis=0)

    tx0, tx1, ty0, ty1 = _tile_ranges(params)
    bbox = jnp.stack([tx0, tx1, ty0, ty1], axis=0)

    counts2d, binned = _sc_bin(bbox, params)
    counts = counts2d[:, :TPW].reshape(NT)

    out = pl.pallas_call(
        _tile_kernel,
        grid=(NT,),
        in_specs=[
            pl.BlockSpec(memory_space=pltpu.SMEM),
            pl.BlockSpec((1, L, 16), lambda t: (t, 0, 0)),
            pl.BlockSpec((G, 16), lambda t: (0, 0)),
        ],
        out_specs=pl.BlockSpec((1, 3, TS * TS), lambda t: (t, 0, 0)),
        out_shape=jax.ShapeDtypeStruct((NT, 3, TS * TS), jnp.float32),
        compiler_params=pltpu.CompilerParams(
            dimension_semantics=("parallel",)
        ),
    )(counts, binned, params)

    img = out.reshape(TY, TX, 3, TS, TS)
    img = jnp.transpose(img, (0, 3, 1, 4, 2)).reshape(H, W, 3)
    return img

# --- scband reference (transcript-rebuilt; emitter-appended) ---
"""Pipeline reference for scband-projected-gaussian-rasterizer-89386859364996 (READ-ONLY COPY).

The authoritative reference and input builder live on the scoring server;
editing this copy changes nothing except your own understanding.
"""

import jax, jax.numpy as jnp
import numpy as np

H = 256
W = 256
G = 8192
TILE = 16
ALPHA_THR = 1.0 / 255.0
TRANS_THR = 1.0e-4
BG = np.array([0.0, 0.0, 0.0], dtype=np.float32)


def setup_inputs(seed: int = 0) -> dict:
    key = jax.random.key(seed)
    k1, k2, k3, k4, k5 = jax.random.split(key, 5)
    # means2d: uniform over the image plane [0,W) x [0,H)
    means2d = jax.random.uniform(k1, (G, 2), dtype=jnp.float32) * jnp.array([float(W), float(H)], dtype=jnp.float32)
    # conics: inverse-covariance (a, b, c) kept positive definite (b^2 < a*c)
    u = jax.random.uniform(k2, (G, 3), dtype=jnp.float32)
    a = 0.02 + 0.08 * u[:, 0]
    c = 0.02 + 0.08 * u[:, 1]
    b = (u[:, 2] - 0.5) * 0.02
    conics = jnp.stack([a, b, c], axis=1)
    colors = jax.random.uniform(k3, (G, 3), dtype=jnp.float32)
    opacities = jax.random.uniform(k4, (G,), dtype=jnp.float32)
    depths = jax.random.uniform(k5, (G,), dtype=jnp.float32) * 10.0
    return {
        "means2d": means2d,
        "conics": conics,
        "colors": colors,
        "opacities": opacities,
        "depths": depths,
    }


def _render(means2d, conics, colors, opacities, depths):
    # Depth sort (stable, on detached depths) == perm = argsort(depths.detach()) in torch.
    order = jnp.argsort(jax.lax.stop_gradient(depths))
    m = jnp.take(means2d, order, axis=0)
    co = jnp.take(conics, order, axis=0)
    cl = jnp.take(colors, order, axis=0)
    op = jnp.take(opacities, order, axis=0)
    xs = jnp.arange(W, dtype=jnp.float32) + 0.5
    bg = jnp.asarray(BG)

    def row_fn(y):
        # One image row of pixels against all depth-sorted gaussians.
        py = y + 0.5
        dx = xs[:, None] - m[None, :, 0]            # [W, G]
        dy = (py - m[:, 1])[None, :]                # [1, G] -> broadcast
        a = co[None, :, 0]
        b = co[None, :, 1]
        c = co[None, :, 2]
        sigma = 0.5 * (a * dx * dx + c * dy * dy) + b * dx * dy
        alpha = jnp.minimum(0.99, op[None, :] * jnp.exp(-sigma))
        # cull: invalid sigma or alpha below alpha_threshold contributes nothing
        alpha = jnp.where((sigma >= 0.0) & (alpha >= ALPHA_THR), alpha, 0.0)
        # front-to-back transmittance along sorted gaussian axis
        t = jnp.cumprod(1.0 - alpha, axis=1)
        t_before = jnp.concatenate([jnp.ones((W, 1), dtype=jnp.float32), t[:, :-1]], axis=1)
        # early-termination when transmittance falls below threshold
        live = jnp.where(t_before > TRANS_THR, 1.0, 0.0)
        wgt = alpha * t_before * live               # [W, G]
        rgb = wgt @ cl                              # [W, 3]
        t_final = 1.0 - jnp.sum(wgt, axis=1)        # remaining transmittance
        return rgb + t_final[:, None] * bg[None, :]

    ys = jnp.arange(H, dtype=jnp.float32)
    img = jax.lax.map(jax.checkpoint(row_fn), ys)   # [H, W, 3]
    return img


def reference(means2d, conics, colors, opacities, depths):
    return _render(means2d, conics, colors, opacities, depths)

if __name__ == "__main__":
    import jax
    _d = setup_inputs()
    print(jax.jit(kernel)(*tuple(_d.values())))

</pallas_src>

<mosaic_0001>
#map = affine_map<(d0, d1) -> (0, 0)>
#map1 = affine_map<(d0, d1) -> (0, 0, 0)>
module attributes {stable_mosaic.version = 14 : i64} {
  func.func @_sc_bin(%arg0: i32, %arg1: i32, %arg2: memref<4x8192xi32, #tpu.memory_space<hbm>>, %arg3: memref<8192x16xf32, #tpu.memory_space<hbm>>, %arg4: memref<32x16xi32, #tpu.memory_space<hbm>>, %arg5: memref<256x512x16xf32, #tpu.memory_space<hbm>>, %arg6: memref<4x8192xi32, #tpu.memory_space<vmem>>, %arg7: memref<528xi32, #tpu.memory_space<vmem>>, %arg8: memref<512x16xf32, #tpu.memory_space<vmem>>, %arg9: memref<16xi32, #tpu.memory_space<vmem>>, %arg10: memref<!tpu.dma_semaphore, #tpu.memory_space<semaphore_mem>>) attributes {dimension_semantics = [#tpu.dimension_semantics<core_parallel>, #tpu.dimension_semantics<subcore_parallel>], iteration_bounds = array<i64: 2, 16>, scalar_prefetch = 0 : i64, scratch_operands = 5 : i64, tpu.core_type = #tpu.core_type<sc_vector_subcore>, window_params = [{transform_indices = #map}, {transform_indices = #map}, {transform_indices = #map}, {transform_indices = #map1}]} {
    %mul3A = arith.constant 2 : i32
    %mul3A_0 = arith.muli %arg1, %mul3A : i32
    %add3A = arith.addi %mul3A_0, %arg0 : i32
    "tpu.region"() ({
      %run_scoped3A = tpu.sem_alloc : memref<!tpu.dma_semaphore, #tpu.memory_space<semaphore_mem>>
      tpu.enqueue_dma source(%arg2 : memref<4x8192xi32, #tpu.memory_space<hbm>>) target(%arg6 : memref<4x8192xi32, #tpu.memory_space<vmem>>) target_semaphore(%run_scoped3A : memref<!tpu.dma_semaphore, #tpu.memory_space<semaphore_mem>>)
      tpu.wait_dma2 semaphore(%run_scoped3A : memref<!tpu.dma_semaphore, #tpu.memory_space<semaphore_mem>>) src(%arg2 : memref<4x8192xi32, #tpu.memory_space<hbm>>) dst(%arg6 : memref<4x8192xi32, #tpu.memory_space<vmem>>)
      tpu.yield
    }) : () -> ()
    %broadcast_in_dim3A = arith.constant 0 : i32
    %broadcast_in_dim3A_1 = vector.broadcast %broadcast_in_dim3A : i32 to vector<16xi32>
    %swap3A = arith.constant 0 : index
    %swap3A_2 = tpu.vector_load %arg7[%swap3A] {strides = array<i32>} : memref<528xi32, #tpu.memory_space<vmem>>, vector<16xi32>,
    tpu.vector_store %arg7[%swap3A], %broadcast_in_dim3A_1 {strides = array<i32>} : memref<528xi32, #tpu.memory_space<vmem>>, vector<16xi32>,
    %swap3A_3 = arith.constant 16 : index
    %swap3A_4 = tpu.vector_load %arg7[%swap3A_3] {strides = array<i32>} : memref<528xi32, #tpu.memory_space<vmem>>, vector<16xi32>,
    tpu.vector_store %arg7[%swap3A_3], %broadcast_in_dim3A_1 {strides = array<i32>} : memref<528xi32, #tpu.memory_space<vmem>>, vector<16xi32>,
    %swap3A_5 = arith.constant 32 : index
    %swap3A_6 = tpu.vector_load %arg7[%swap3A_5] {strides = array<i32>} : memref<528xi32, #tpu.memory_space<vmem>>, vector<16xi32>,
    tpu.vector_store %arg7[%swap3A_5], %broadcast_in_dim3A_1 {strides = array<i32>} : memref<528xi32, #tpu.memory_space<vmem>>, vector<16xi32>,
    %swap3A_7 = arith.constant 48 : index
    %swap3A_8 = tpu.vector_load %arg7[%swap3A_7] {strides = array<i32>} : memref<528xi32, #tpu.memory_space<vmem>>, vector<16xi32>,
    tpu.vector_store %arg7[%swap3A_7], %broadcast_in_dim3A_1 {strides = array<i32>} : memref<528xi32, #tpu.memory_space<vmem>>, vector<16xi32>,
    %swap3A_9 = arith.constant 64 : index
    %swap3A_10 = tpu.vector_load %arg7[%swap3A_9] {strides = array<i32>} : memref<528xi32, #tpu.memory_space<vmem>>, vector<16xi32>,
    tpu.vector_store %arg7[%swap3A_9], %broadcast_in_dim3A_1 {strides = array<i32>} : memref<528xi32, #tpu.memory_space<vmem>>, vector<16xi32>,
    %swap3A_11 = arith.constant 80 : index
    %swap3A_12 = tpu.vector_load %arg7[%swap3A_11] {strides = array<i32>} : memref<528xi32, #tpu.memory_space<vmem>>, vector<16xi32>,
    tpu.vector_store %arg7[%swap3A_11], %broadcast_in_dim3A_1 {strides = array<i32>} : memref<528xi32, #tpu.memory_space<vmem>>, vector<16xi32>,
    %swap3A_13 = arith.constant 96 : index
    %swap3A_14 = tpu.vector_load %arg7[%swap3A_13] {strides = array<i32>} : memref<528xi32, #tpu.memory_space<vmem>>, vector<16xi32>,
    tpu.vector_store %arg7[%swap3A_13], %broadcast_in_dim3A_1 {strides = array<i32>} : memref<528xi32, #tpu.memory_space<vmem>>, vector<16xi32>,
    %swap3A_15 = arith.constant 112 : index
    %swap3A_16 = tpu.vector_load %arg7[%swap3A_15] {strides = array<i32>} : memref<528xi32, #tpu.memory_space<vmem>>, vector<16xi32>,
    tpu.vector_store %arg7[%swap3A_15], %broadcast_in_dim3A_1 {strides = array<i32>} : memref<528xi32, #tpu.memory_space<vmem>>, vector<16xi32>,
    %swap3A_17 = arith.constant 128 : index
    %swap3A_18 = tpu.vector_load %arg7[%swap3A_17] {strides = array<i32>} : memref<528xi32, #tpu.memory_space<vmem>>, vector<16xi32>,
    tpu.vector_store %arg7[%swap3A_17], %broadcast_in_dim3A_1 {strides = array<i32>} : memref<528xi32, #tpu.memory_space<vmem>>, vector<16xi32>,
    %swap3A_19 = arith.constant 144 : index
    %swap3A_20 = tpu.vector_load %arg7[%swap3A_19] {strides = array<i32>} : memref<528xi32, #tpu.memory_space<vmem>>, vector<16xi32>,
    tpu.vector_store %arg7[%swap3A_19], %broadcast_in_dim3A_1 {strides = array<i32>} : memref<528xi32, #tpu.memory_space<vmem>>, vector<16xi32>,
    %swap3A_21 = arith.constant 160 : index
    %swap3A_22 = tpu.vector_load %arg7[%swap3A_21] {strides = array<i32>} : memref<528xi32, #tpu.memory_space<vmem>>, vector<16xi32>,
    tpu.vector_store %arg7[%swap3A_21], %broadcast_in_dim3A_1 {strides = array<i32>} : memref<528xi32, #tpu.memory_space<vmem>>, vector<16xi32>,
    %swap3A_23 = arith.constant 176 : index
    %swap3A_24 = tpu.vector_load %arg7[%swap3A_23] {strides = array<i32>} : memref<528xi32, #tpu.memory_space<vmem>>, vector<16xi32>,
    tpu.vector_store %arg7[%swap3A_23], %broadcast_in_dim3A_1 {strides = array<i32>} : memref<528xi32, #tpu.memory_space<vmem>>, vector<16xi32>,
    %swap3A_25 = arith.constant 192 : index
    %swap3A_26 = tpu.vector_load %arg7[%swap3A_25] {strides = array<i32>} : memref<528xi32, #tpu.memory_space<vmem>>, vector<16xi32>,
    tpu.vector_store %arg7[%swap3A_25], %broadcast_in_dim3A_1 {strides = array<i32>} : memref<528xi32, #tpu.memory_space<vmem>>, vector<16xi32>,
    %swap3A_27 = arith.constant 208 : index
    %swap3A_28 = tpu.vector_load %arg7[%swap3A_27] {strides = array<i32>} : memref<528xi32, #tpu.memory_space<vmem>>, vector<16xi32>,
    tpu.vector_store %arg7[%swap3A_27], %broadcast_in_dim3A_1 {strides = array<i32>} : memref<528xi32, #tpu.memory_space<vmem>>, vector<16xi32>,
    %swap3A_29 = arith.constant 224 : index
    %swap3A_30 = tpu.vector_load %arg7[%swap3A_29] {strides = array<i32>} : memref<528xi32, #tpu.memory_space<vmem>>, vector<16xi32>,
    tpu.vector_store %arg7[%swap3A_29], %broadcast_in_dim3A_1 {strides = array<i32>} : memref<528xi32, #tpu.memory_space<vmem>>, vector<16xi32>,
    %swap3A_31 = arith.constant 240 : index
    %swap3A_32 = tpu.vector_load %arg7[%swap3A_31] {strides = array<i32>} : memref<528xi32, #tpu.memory_space<vmem>>, vector<16xi32>,
    tpu.vector_store %arg7[%swap3A_31], %broadcast_in_dim3A_1 {strides = array<i32>} : memref<528xi32, #tpu.memory_space<vmem>>, vector<16xi32>,
    %swap3A_33 = arith.constant 256 : index
    %swap3A_34 = tpu.vector_load %arg7[%swap3A_33] {strides = array<i32>} : memref<528xi32, #tpu.memory_space<vmem>>, vector<16xi32>,
    tpu.vector_store %arg7[%swap3A_33], %broadcast_in_dim3A_1 {strides = array<i32>} : memref<528xi32, #tpu.memory_space<vmem>>, vector<16xi32>,
    %swap3A_35 = arith.constant 272 : index
    %swap3A_36 = tpu.vector_load %arg7[%swap3A_35] {strides = array<i32>} : memref<528xi32, #tpu.memory_space<vmem>>, vector<16xi32>,
    tpu.vector_store %arg7[%swap3A_35], %broadcast_in_dim3A_1 {strides = array<i32>} : memref<528xi32, #tpu.memory_space<vmem>>, vector<16xi32>,
    %swap3A_37 = arith.constant 288 : index
    %swap3A_38 = tpu.vector_load %arg7[%swap3A_37] {strides = array<i32>} : memref<528xi32, #tpu.memory_space<vmem>>, vector<16xi32>,
    tpu.vector_store %arg7[%swap3A_37], %broadcast_in_dim3A_1 {strides = array<i32>} : memref<528xi32, #tpu.memory_space<vmem>>, vector<16xi32>,
    %swap3A_39 = arith.constant 304 : index
    %swap3A_40 = tpu.vector_load %arg7[%swap3A_39] {strides = array<i32>} : memref<528xi32, #tpu.memory_space<vmem>>, vector<16xi32>,
    tpu.vector_store %arg7[%swap3A_39], %broadcast_in_dim3A_1 {strides = array<i32>} : memref<528xi32, #tpu.memory_space<vmem>>, vector<16xi32>,
    %swap3A_41 = arith.constant 320 : index
    %swap3A_42 = tpu.vector_load %arg7[%swap3A_41] {strides = array<i32>} : memref<528xi32, #tpu.memory_space<vmem>>, vector<16xi32>,
    tpu.vector_store %arg7[%swap3A_41], %broadcast_in_dim3A_1 {strides = array<i32>} : memref<528xi32, #tpu.memory_space<vmem>>, vector<16xi32>,
    %swap3A_43 = arith.constant 336 : index
    %swap3A_44 = tpu.vector_load %arg7[%swap3A_43] {strides = array<i32>} : memref<528xi32, #tpu.memory_space<vmem>>, vector<16xi32>,
    tpu.vector_store %arg7[%swap3A_43], %broadcast_in_dim3A_1 {strides = array<i32>} : memref<528xi32, #tpu.memory_space<vmem>>, vector<16xi32>,
    %swap3A_45 = arith.constant 352 : index
    %swap3A_46 = tpu.vector_load %arg7[%swap3A_45] {strides = array<i32>} : memref<528xi32, #tpu.memory_space<vmem>>, vector<16xi32>,
    tpu.vector_store %arg7[%swap3A_45], %broadcast_in_dim3A_1 {strides = array<i32>} : memref<528xi32, #tpu.memory_space<vmem>>, vector<16xi32>,
    %swap3A_47 = arith.constant 368 : index
    %swap3A_48 = tpu.vector_load %arg7[%swap3A_47] {strides = array<i32>} : memref<528xi32, #tpu.memory_space<vmem>>, vector<16xi32>,
    tpu.vector_store %arg7[%swap3A_47], %broadcast_in_dim3A_1 {strides = array<i32>} : memref<528xi32, #tpu.memory_space<vmem>>, vector<16xi32>,
    %swap3A_49 = arith.constant 384 : index
    %swap3A_50 = tpu.vector_load %arg7[%swap3A_49] {strides = array<i32>} : memref<528xi32, #tpu.memory_space<vmem>>, vector<16xi32>,
    tpu.vector_store %arg7[%swap3A_49], %broadcast_in_dim3A_1 {strides = array<i32>} : memref<528xi32, #tpu.memory_space<vmem>>, vector<16xi32>,
    %swap3A_51 = arith.constant 400 : index
    %swap3A_52 = tpu.vector_load %arg7[%swap3A_51] {strides = array<i32>} : memref<528xi32, #tpu.memory_space<vmem>>, vector<16xi32>,
    tpu.vector_store %arg7[%swap3A_51], %broadcast_in_dim3A_1 {strides = array<i32>} : memref<528xi32, #tpu.memory_space<vmem>>, vector<16xi32>,
    %swap3A_53 = arith.constant 416 : index
    %swap3A_54 = tpu.vector_load %arg7[%swap3A_53] {strides = array<i32>} : memref<528xi32, #tpu.memory_space<vmem>>, vector<16xi32>,
    tpu.vector_store %arg7[%swap3A_53], %broadcast_in_dim3A_1 {strides = array<i32>} : memref<528xi32, #tpu.memory_space<vmem>>, vector<16xi32>,
    %swap3A_55 = arith.constant 432 : index
    %swap3A_56 = tpu.vector_load %arg7[%swap3A_55] {strides = array<i32>} : memref<528xi32, #tpu.memory_space<vmem>>, vector<16xi32>,
    tpu.vector_store %arg7[%swap3A_55], %broadcast_in_dim3A_1 {strides = array<i32>} : memref<528xi32, #tpu.memory_space<vmem>>, vector<16xi32>,
    %swap3A_57 = arith.constant 448 : index
    %swap3A_58 = tpu.vector_load %arg7[%swap3A_57] {strides = array<i32>} : memref<528xi32, #tpu.memory_space<vmem>>, vector<16xi32>,
    tpu.vector_store %arg7[%swap3A_57], %broadcast_in_dim3A_1 {strides = array<i32>} : memref<528xi32, #tpu.memory_space<vmem>>, vector<16xi32>,
    %swap3A_59 = arith.constant 464 : index
    %swap3A_60 = tpu.vector_load %arg7[%swap3A_59] {strides = array<i32>} : memref<528xi32, #tpu.memory_space<vmem>>, vector<16xi32>,
    tpu.vector_store %arg7[%swap3A_59], %broadcast_in_dim3A_1 {strides = array<i32>} : memref<528xi32, #tpu.memory_space<vmem>>, vector<16xi32>,
    %swap3A_61 = arith.constant 480 : index
    %swap3A_62 = tpu.vector_load %arg7[%swap3A_61] {strides = array<i32>} : memref<528xi32, #tpu.memory_space<vmem>>, vector<16xi32>,
    tpu.vector_store %arg7[%swap3A_61], %broadcast_in_dim3A_1 {strides = array<i32>} : memref<528xi32, #tpu.memory_space<vmem>>, vector<16xi32>,
    %swap3A_63 = arith.constant 496 : index
    %swap3A_64 = tpu.vector_load %arg7[%swap3A_63] {strides = array<i32>} : memref<528xi32, #tpu.memory_space<vmem>>, vector<16xi32>,
    tpu.vector_store %arg7[%swap3A_63], %broadcast_in_dim3A_1 {strides = array<i32>} : memref<528xi32, #tpu.memory_space<vmem>>, vector<16xi32>,
    %swap3A_65 = arith.constant 512 : index
    %swap3A_66 = tpu.vector_load %arg7[%swap3A_65] {strides = array<i32>} : memref<528xi32, #tpu.memory_space<vmem>>, vector<16xi32>,
    tpu.vector_store %arg7[%swap3A_65], %broadcast_in_dim3A_1 {strides = array<i32>} : memref<528xi32, #tpu.memory_space<vmem>>, vector<16xi32>,
    %iota3A = tpu.iota {dimensions = array<i32: 0>} : vector<16xi32>
    %mul3A_67 = arith.constant 8 : i32
    %mul3A_68 = arith.muli %add3A, %mul3A_67 : i32
    %add3A_69 = arith.constant 0 : i32
    %add3A_70 = arith.addi %mul3A_68, %add3A_69 : i32
    %rem3A = arith.constant 16 : i32
    %rem3A_71 = arith.remsi %add3A_70, %rem3A : i32
    %div3A = arith.constant 16 : i32
    %div3A_72 = arith.divsi %add3A_70, %div3A : i32
    %scan3A = arith.constant 0 : i32
    %scan3A_73 = arith.constant 0 : i32
    %scan3A_74 = arith.constant 512 : i32
    %scan3A_75 = arith.addi %scan3A_73, %scan3A_74 : i32
    %scan3A_76 = arith.constant 1 : i32
    %scan3A_77 = scf.for %scan3A_381 = %scan3A_73 to %scan3A_75 step %scan3A_76 iter_args(%scan3A_382 = %scan3A) -> (i32)  : i32 {
      %mul3A_383 = arith.constant 16 : i32
      %mul3A_384 = arith.muli %scan3A_381, %mul3A_383 : i32
      %get3A = arith.constant 0 : i32
      %get3A_385 = arith.index_cast %get3A : i32 to index
      %get3A_386 = arith.index_cast %mul3A_384 : i32 to index
      %get3A_387 = tpu.vector_load %arg6[%get3A_385, %get3A_386] {strides = array<i32>} : memref<4x8192xi32, #tpu.memory_space<vmem>>, vector<16xi32>,
      %mul3A_388 = arith.constant 16 : i32
      %mul3A_389 = arith.muli %scan3A_381, %mul3A_388 : i32
      %get3A_390 = arith.constant 1 : i32
      %get3A_391 = arith.index_cast %get3A_390 : i32 to index
      %get3A_392 = arith.index_cast %mul3A_389 : i32 to index
      %get3A_393 = tpu.vector_load %arg6[%get3A_391, %get3A_392] {strides = array<i32>} : memref<4x8192xi32, #tpu.memory_space<vmem>>, vector<16xi32>,
      %mul3A_394 = arith.constant 16 : i32
      %mul3A_395 = arith.muli %scan3A_381, %mul3A_394 : i32
      %get3A_396 = arith.constant 2 : i32
      %get3A_397 = arith.index_cast %get3A_396 : i32 to index
      %get3A_398 = arith.index_cast %mul3A_395 : i32 to index
      %get3A_399 = tpu.vector_load %arg6[%get3A_397, %get3A_398] {strides = array<i32>} : memref<4x8192xi32, #tpu.memory_space<vmem>>, vector<16xi32>,
      %mul3A_400 = arith.constant 16 : i32
      %mul3A_401 = arith.muli %scan3A_381, %mul3A_400 : i32
      %get3A_402 = arith.constant 3 : i32
      %get3A_403 = arith.index_cast %get3A_402 : i32 to index
      %get3A_404 = arith.index_cast %mul3A_401 : i32 to index
      %get3A_405 = tpu.vector_load %arg6[%get3A_403, %get3A_404] {strides = array<i32>} : memref<4x8192xi32, #tpu.memory_space<vmem>>, vector<16xi32>,
      %le3A = vector.broadcast %rem3A_71 : i32 to vector<16xi32>
      %le3A_406 = arith.cmpi sle, %get3A_387, %le3A : vector<16xi32>
      %le3A_407 = vector.broadcast %rem3A_71 : i32 to vector<16xi32>
      %le3A_408 = arith.cmpi sle, %le3A_407, %get3A_393 : vector<16xi32>
      %and3A = arith.andi %le3A_406, %le3A_408 : vector<16xi1>
      %le3A_409 = vector.broadcast %div3A_72 : i32 to vector<16xi32>
      %le3A_410 = arith.cmpi sle, %get3A_399, %le3A_409 : vector<16xi32>
      %and3A_411 = arith.andi %and3A, %le3A_410 : vector<16xi1>
      %le3A_412 = vector.broadcast %div3A_72 : i32 to vector<16xi32>
      %le3A_413 = arith.cmpi sle, %le3A_412, %get3A_405 : vector<16xi32>
      %and3A_414 = arith.andi %and3A_411, %le3A_413 : vector<16xi1>
      %all_reduce_population_count3A = tpu.all_reduce %and3A_414 {dim = 0 : i64, kind = #tpu.reduction_kind<sum>} : vector<16xi1> -> vector<16xi32>
      %reduce_max3A = arith.constant true
      %reduce_max3A_415 = vector.broadcast %reduce_max3A : i1 to vector<16xi1>
      %reduce_max3A_416 = arith.constant -2147483648 : i32
      %reduce_max3A_417 = vector.broadcast %reduce_max3A_416 : i32 to vector<16xi32>
      %reduce_max3A_418 = arith.xori %all_reduce_population_count3A, %reduce_max3A_417 : vector<16xi32>
      %reduce_max3A_419 = tpu.scan <max>, %reduce_max3A_418 masked %reduce_max3A_415 : vector<16xi32>, vector<16xi1> -> vector<16xi32>
      %reduce_max3A_420 = arith.xori %reduce_max3A_419, %reduce_max3A_417 : vector<16xi32>
      %reduce_max3A_421 = vector.extract %reduce_max3A_420[15] : i32 from vector<16xi32>
      %gt3A_422 = arith.constant 0 : i32
      %gt3A_423 = arith.cmpi sgt, %reduce_max3A_421, %gt3A_422 : i32
      %convert_element_type3A_424 = arith.extui %gt3A_423 : i1 to i32
      %cond3A_425 = arith.constant 0 : i32
      %cond3A_426 = arith.cmpi ne, %convert_element_type3A_424, %cond3A_425 : i32
      %cond3A_427 = scf.if %cond3A_426 -> (i32) {
        %convert_element_type3A_428 = arith.extui %and3A_414 : vector<16xi1> to vector<16xi32>
        %broadcast_in_dim3A_429 = arith.constant true
        %broadcast_in_dim3A_430 = vector.broadcast %broadcast_in_dim3A_429 : i1 to vector<16xi1>
        %masked_cumsum3A = tpu.scan <sum>, %convert_element_type3A_428 masked %broadcast_in_dim3A_430 : vector<16xi32>, vector<16xi1> -> vector<16xi32>
        %min3A = arith.constant 512 : i32
        %min3A_431 = arith.minsi %scan3A_382, %min3A : i32
        %add3A_432 = vector.broadcast %min3A_431 : i32 to vector<16xi32>
        %add3A_433 = arith.addi %add3A_432, %masked_cumsum3A : vector<16xi32>
        %sub3A = arith.constant 1 : i32
        %sub3A_434 = vector.broadcast %sub3A : i32 to vector<16xi32>
        %sub3A_435 = arith.subi %add3A_433, %sub3A_434 : vector<16xi32>
        %mul3A_436 = arith.constant 16 : i32
        %mul3A_437 = arith.muli %scan3A_381, %mul3A_436 : i32
        %add3A_438 = vector.broadcast %mul3A_437 : i32 to vector<16xi32>
        %add3A_439 = arith.addi %add3A_438, %iota3A : vector<16xi32>
        tpu.vector_store_idx %arg7[%sub3A_435], %add3A_439 masked %and3A_414 : memref<528xi32, #tpu.memory_space<vmem>>[vector<16xi32>], vector<16xi32>, vector<16xi1>
        %add3A_440 = arith.addi %scan3A_382, %reduce_max3A_421 : i32
        scf.yield %add3A_440 : i32
      } else {
        scf.yield %scan3A_382 : i32
      }
      scf.yield %cond3A_427 : i32
    }
    %scan3A_78 = arith.constant 512 : i32
    %eq3A = arith.constant 0 : i32
    %eq3A_79 = vector.broadcast %eq3A : i32 to vector<16xi32>
    %eq3A_80 = arith.cmpi eq, %iota3A, %eq3A_79 : vector<16xi32>
    %broadcast_in_dim3A_81 = vector.broadcast %scan3A_77 : i32 to vector<16xi32>
    %select_n3A = arith.select %eq3A_80, %broadcast_in_dim3A_81, %broadcast_in_dim3A_1 : vector<16xi1>, vector<16xi32>
    %gt3A = arith.constant 0 : i32
    %gt3A_82 = arith.cmpi sgt, %scan3A_77, %gt3A : i32
    %convert_element_type3A = arith.extui %gt3A_82 : i1 to i32
    %cond3A = arith.constant 0 : i32
    %cond3A_83 = arith.cmpi ne, %convert_element_type3A, %cond3A : i32
    scf.if %cond3A_83 {
      %dma_start3A = arith.constant 0 : i32
      %dma_start3A_381 = arith.constant 0 : i32
      %dma_start3A_382 = tpu.memref_slice %arg8[%dma_start3A, %dma_start3A_381] : memref<512x16xf32, #tpu.memory_space<vmem>> -> memref<128x16xf32, #tpu.memory_space<vmem>>
      %dma_start3A_383 = arith.constant 0 : i32
      %dma_start3A_384 = tpu.memref_slice %arg7[%dma_start3A_383] : memref<528xi32, #tpu.memory_space<vmem>> -> memref<128xi32, #tpu.memory_space<vmem>>
      %dma_start3A_385 = arith.constant 0 : i32
      %dma_start3A_386 = arith.constant 0 : i32
      %dma_start3A_387 = tpu.memref_slice %arg3[%dma_start3A_385, %dma_start3A_386] : memref<8192x16xf32, #tpu.memory_space<hbm>> -> memref<8192x16xf32, #tpu.memory_space<hbm>>
      tpu.enqueue_indirect_dma source(%dma_start3A_387 : memref<8192x16xf32, #tpu.memory_space<hbm>>) target(%dma_start3A_382 : memref<128x16xf32, #tpu.memory_space<vmem>>) offsets(%dma_start3A_384 : memref<128xi32, #tpu.memory_space<vmem>>) semaphore(%arg10 : memref<!tpu.dma_semaphore, #tpu.memory_space<semaphore_mem>>)
      %dma_wait3A = arith.constant 0 : i32
      %dma_wait3A_388 = arith.constant 0 : i32
      %dma_wait3A_389 = tpu.memref_slice %arg8[%dma_wait3A, %dma_wait3A_388] : memref<512x16xf32, #tpu.memory_space<vmem>> -> memref<128x16xf32, #tpu.memory_space<vmem>>
      %dma_wait3A_390 = arith.constant 0 : i32
      %dma_wait3A_391 = tpu.memref_slice %arg7[%dma_wait3A_390] : memref<528xi32, #tpu.memory_space<vmem>> -> memref<128xi32, #tpu.memory_space<vmem>>
      %dma_wait3A_392 = arith.constant 0 : i32
      %dma_wait3A_393 = arith.constant 0 : i32
      %dma_wait3A_394 = tpu.memref_slice %arg3[%dma_wait3A_392, %dma_wait3A_393] : memref<8192x16xf32, #tpu.memory_space<hbm>> -> memref<8192x16xf32, #tpu.memory_space<hbm>>
      tpu.wait_indirect_dma semaphore(%arg10 : memref<!tpu.dma_semaphore, #tpu.memory_space<semaphore_mem>>) src(%dma_wait3A_394 : memref<8192x16xf32, #tpu.memory_space<hbm>>) dst(%dma_wait3A_389 : memref<128x16xf32, #tpu.memory_space<vmem>>)
      "tpu.region"() ({
        %run_scoped3A = tpu.sem_alloc : memref<!tpu.dma_semaphore, #tpu.memory_space<semaphore_mem>>
        %dma_start3A_395 = arith.constant 0 : i32
        %dma_start3A_396 = arith.constant 0 : i32
        %dma_start3A_397 = tpu.memref_slice %arg8[%dma_start3A_395, %dma_start3A_396] : memref<512x16xf32, #tpu.memory_space<vmem>> -> memref<128x16xf32, #tpu.memory_space<vmem>>
        %dma_start3A_398 = arith.constant 0 : i32
        %dma_start3A_399 = arith.constant 0 : i32
        %dma_start3A_400 = tpu.memref_slice %arg5[%add3A_70, %dma_start3A_398, %dma_start3A_399] : memref<256x512x16xf32, #tpu.memory_space<hbm>> -> memref<1x128x16xf32, #tpu.memory_space<hbm>>
        %dma_start3A_401 = tpu.memref_squeeze %dma_start3A_400 : memref<1x128x16xf32, #tpu.memory_space<hbm>> -> memref<128x16xf32, #tpu.memory_space<hbm>>
        %dma_start3A_402 = arith.constant 0 : i32
        %dma_start3A_403 = arith.constant 0 : i32
        %dma_start3A_404 = tpu.memref_slice %arg5[%add3A_70, %dma_start3A_402, %dma_start3A_403] : memref<256x512x16xf32, #tpu.memory_space<hbm>> -> memref<1x128x16xf32, #tpu.memory_space<hbm>>
        %dma_start3A_405 = tpu.memref_squeeze %dma_start3A_404 : memref<1x128x16xf32, #tpu.memory_space<hbm>> -> memref<128x16xf32, #tpu.memory_space<hbm>>
        %dma_start3A_406 = arith.constant 0 : i32
        %dma_start3A_407 = arith.constant 0 : i32
        %dma_start3A_408 = tpu.memref_slice %arg8[%dma_start3A_406, %dma_start3A_407] : memref<512x16xf32, #tpu.memory_space<vmem>> -> memref<128x16xf32, #tpu.memory_space<vmem>>
        tpu.enqueue_dma source(%dma_start3A_408 : memref<128x16xf32, #tpu.memory_space<vmem>>) target(%dma_start3A_405 : memref<128x16xf32, #tpu.memory_space<hbm>>) target_semaphore(%run_scoped3A : memref<!tpu.dma_semaphore, #tpu.memory_space<semaphore_mem>>)
        %dma_wait3A_409 = arith.constant 0 : i32
        %dma_wait3A_410 = arith.constant 0 : i32
        %dma_wait3A_411 = tpu.memref_slice %arg8[%dma_wait3A_409, %dma_wait3A_410] : memref<512x16xf32, #tpu.memory_space<vmem>> -> memref<128x16xf32, #tpu.memory_space<vmem>>
        %dma_wait3A_412 = arith.constant 0 : i32
        %dma_wait3A_413 = arith.constant 0 : i32
        %dma_wait3A_414 = tpu.memref_slice %arg5[%add3A_70, %dma_wait3A_412, %dma_wait3A_413] : memref<256x512x16xf32, #tpu.memory_space<hbm>> -> memref<1x128x16xf32, #tpu.memory_space<hbm>>
        %dma_wait3A_415 = tpu.memref_squeeze %dma_wait3A_414 : memref<1x128x16xf32, #tpu.memory_space<hbm>> -> memref<128x16xf32, #tpu.memory_space<hbm>>
        %dma_wait3A_416 = arith.constant 0 : i32
        %dma_wait3A_417 = arith.constant 0 : i32
        %dma_wait3A_418 = tpu.memref_slice %arg5[%add3A_70, %dma_wait3A_416, %dma_wait3A_417] : memref<256x512x16xf32, #tpu.memory_space<hbm>> -> memref<1x128x16xf32, #tpu.memory_space<hbm>>
        %dma_wait3A_419 = tpu.memref_squeeze %dma_wait3A_418 : memref<1x128x16xf32, #tpu.memory_space<hbm>> -> memref<128x16xf32, #tpu.memory_space<hbm>>
        %dma_wait3A_420 = arith.constant 0 : i32
        %dma_wait3A_421 = arith.constant 0 : i32
        %dma_wait3A_422 = tpu.memref_slice %arg8[%dma_wait3A_420, %dma_wait3A_421] : memref<512x16xf32, #tpu.memory_space<vmem>> -> memref<128x16xf32, #tpu.memory_space<vmem>>
        tpu.wait_dma2 semaphore(%run_scoped3A : memref<!tpu.dma_semaphore, #tpu.memory_space<semaphore_mem>>) src(%dma_wait3A_422 : memref<128x16xf32, #tpu.memory_space<vmem>>) dst(%dma_wait3A_419 : memref<128x16xf32, #tpu.memory_space<hbm>>)
        tpu.yield
      }) : () -> ()
    } else {
    }
    %gt3A_84 = arith.constant 128 : i32
    %gt3A_85 = arith.cmpi sgt, %scan3A_77, %gt3A_84 : i32
    %convert_element_type3A_86 = arith.extui %gt3A_85 : i1 to i32
    %cond3A_87 = arith.constant 0 : i32
    %cond3A_88 = arith.cmpi ne, %convert_element_type3A_86, %cond3A_87 : i32
    scf.if %cond3A_88 {
      %dma_start3A = arith.constant 128 : i32
      %dma_start3A_381 = arith.constant 0 : i32
      %dma_start3A_382 = tpu.memref_slice %arg8[%dma_start3A, %dma_start3A_381] : memref<512x16xf32, #tpu.memory_space<vmem>> -> memref<128x16xf32, #tpu.memory_space<vmem>>
      %dma_start3A_383 = arith.constant 128 : i32
      %dma_start3A_384 = tpu.memref_slice %arg7[%dma_start3A_383] : memref<528xi32, #tpu.memory_space<vmem>> -> memref<128xi32, #tpu.memory_space<vmem>>
      %dma_start3A_385 = arith.constant 0 : i32
      %dma_start3A_386 = arith.constant 0 : i32
      %dma_start3A_387 = tpu.memref_slice %arg3[%dma_start3A_385, %dma_start3A_386] : memref<8192x16xf32, #tpu.memory_space<hbm>> -> memref<8192x16xf32, #tpu.memory_space<hbm>>
      tpu.enqueue_indirect_dma source(%dma_start3A_387 : memref<8192x16xf32, #tpu.memory_space<hbm>>) target(%dma_start3A_382 : memref<128x16xf32, #tpu.memory_space<vmem>>) offsets(%dma_start3A_384 : memref<128xi32, #tpu.memory_space<vmem>>) semaphore(%arg10 : memref<!tpu.dma_semaphore, #tpu.memory_space<semaphore_mem>>)
      %dma_wait3A = arith.constant 128 : i32
      %dma_wait3A_388 = arith.constant 0 : i32
      %dma_wait3A_389 = tpu.memref_slice %arg8[%dma_wait3A, %dma_wait3A_388] : memref<512x16xf32, #tpu.memory_space<vmem>> -> memref<128x16xf32, #tpu.memory_space<vmem>>
      %dma_wait3A_390 = arith.constant 128 : i32
      %dma_wait3A_391 = tpu.memref_slice %arg7[%dma_wait3A_390] : memref<528xi32, #tpu.memory_space<vmem>> -> memref<128xi32, #tpu.memory_space<vmem>>
      %dma_wait3A_392 = arith.constant 0 : i32
      %dma_wait3A_393 = arith.constant 0 : i32
      %dma_wait3A_394 = tpu.memref_slice %arg3[%dma_wait3A_392, %dma_wait3A_393] : memref<8192x16xf32, #tpu.memory_space<hbm>> -> memref<8192x16xf32, #tpu.memory_space<hbm>>
      tpu.wait_indirect_dma semaphore(%arg10 : memref<!tpu.dma_semaphore, #tpu.memory_space<semaphore_mem>>) src(%dma_wait3A_394 : memref<8192x16xf32, #tpu.memory_space<hbm>>) dst(%dma_wait3A_389 : memref<128x16xf32, #tpu.memory_space<vmem>>)
      "tpu.region"() ({
        %run_scoped3A = tpu.sem_alloc : memref<!tpu.dma_semaphore, #tpu.memory_space<semaphore_mem>>
        %dma_start3A_395 = arith.constant 128 : i32
        %dma_start3A_396 = arith.constant 0 : i32
        %dma_start3A_397 = tpu.memref_slice %arg8[%dma_start3A_395, %dma_start3A_396] : memref<512x16xf32, #tpu.memory_space<vmem>> -> memref<128x16xf32, #tpu.memory_space<vmem>>
        %dma_start3A_398 = arith.constant 128 : i32
        %dma_start3A_399 = arith.constant 0 : i32
        %dma_start3A_400 = tpu.memref_slice %arg5[%add3A_70, %dma_start3A_398, %dma_start3A_399] : memref<256x512x16xf32, #tpu.memory_space<hbm>> -> memref<1x128x16xf32, #tpu.memory_space<hbm>>
        %dma_start3A_401 = tpu.memref_squeeze %dma_start3A_400 : memref<1x128x16xf32, #tpu.memory_space<hbm>> -> memref<128x16xf32, #tpu.memory_space<hbm>>
        %dma_start3A_402 = arith.constant 128 : i32
        %dma_start3A_403 = arith.constant 0 : i32
        %dma_start3A_404 = tpu.memref_slice %arg5[%add3A_70, %dma_start3A_402, %dma_start3A_403] : memref<256x512x16xf32, #tpu.memory_space<hbm>> -> memref<1x128x16xf32, #tpu.memory_space<hbm>>
        %dma_start3A_405 = tpu.memref_squeeze %dma_start3A_404 : memref<1x128x16xf32, #tpu.memory_space<hbm>> -> memref<128x16xf32, #tpu.memory_space<hbm>>
        %dma_start3A_406 = arith.constant 128 : i32
        %dma_start3A_407 = arith.constant 0 : i32
        %dma_start3A_408 = tpu.memref_slice %arg8[%dma_start3A_406, %dma_start3A_407] : memref<512x16xf32, #tpu.memory_space<vmem>> -> memref<128x16xf32, #tpu.memory_space<vmem>>
        tpu.enqueue_dma source(%dma_start3A_408 : memref<128x16xf32, #tpu.memory_space<vmem>>) target(%dma_start3A_405 : memref<128x16xf32, #tpu.memory_space<hbm>>) target_semaphore(%run_scoped3A : memref<!tpu.dma_semaphore, #tpu.memory_space<semaphore_mem>>)
        %dma_wait3A_409 = arith.constant 128 : i32
        %dma_wait3A_410 = arith.constant 0 : i32
        %dma_wait3A_411 = tpu.memref_slice %arg8[%dma_wait3A_409, %dma_wait3A_410] : memref<512x16xf32, #tpu.memory_space<vmem>> -> memref<128x16xf32, #tpu.memory_space<vmem>>
        %dma_wait3A_412 = arith.constant 128 : i32
        %dma_wait3A_413 = arith.constant 0 : i32
        %dma_wait3A_414 = tpu.memref_slice %arg5[%add3A_70, %dma_wait3A_412, %dma_wait3A_413] : memref<256x512x16xf32, #tpu.memory_space<hbm>> -> memref<1x128x16xf32, #tpu.memory_space<hbm>>
        %dma_wait3A_415 = tpu.memref_squeeze %dma_wait3A_414 : memref<1x128x16xf32, #tpu.memory_space<hbm>> -> memref<128x16xf32, #tpu.memory_space<hbm>>
        %dma_wait3A_416 = arith.constant 128 : i32
        %dma_wait3A_417 = arith.constant 0 : i32
        %dma_wait3A_418 = tpu.memref_slice %arg5[%add3A_70, %dma_wait3A_416, %dma_wait3A_417] : memref<256x512x16xf32, #tpu.memory_space<hbm>> -> memref<1x128x16xf32, #tpu.memory_space<hbm>>
        %dma_wait3A_419 = tpu.memref_squeeze %dma_wait3A_418 : memref<1x128x16xf32, #tpu.memory_space<hbm>> -> memref<128x16xf32, #tpu.memory_space<hbm>>
        %dma_wait3A_420 = arith.constant 128 : i32
        %dma_wait3A_421 = arith.constant 0 : i32
        %dma_wait3A_422 = tpu.memref_slice %arg8[%dma_wait3A_420, %dma_wait3A_421] : memref<512x16xf32, #tpu.memory_space<vmem>> -> memref<128x16xf32, #tpu.memory_space<vmem>>
        tpu.wait_dma2 semaphore(%run_scoped3A : memref<!tpu.dma_semaphore, #tpu.memory_space<semaphore_mem>>) src(%dma_wait3A_422 : memref<128x16xf32, #tpu.memory_space<vmem>>) dst(%dma_wait3A_419 : memref<128x16xf32, #tpu.memory_space<hbm>>)
        tpu.yield
      }) : () -> ()
    } else {
    }
    %gt3A_89 = arith.constant 256 : i32
    %gt3A_90 = arith.cmpi sgt, %scan3A_77, %gt3A_89 : i32
    %convert_element_type3A_91 = arith.extui %gt3A_90 : i1 to i32
    %cond3A_92 = arith.constant 0 : i32
    %cond3A_93 = arith.cmpi ne, %convert_element_type3A_91, %cond3A_92 : i32
    scf.if %cond3A_93 {
      %dma_start3A = arith.constant 256 : i32
      %dma_start3A_381 = arith.constant 0 : i32
      %dma_start3A_382 = tpu.memref_slice %arg8[%dma_start3A, %dma_start3A_381] : memref<512x16xf32, #tpu.memory_space<vmem>> -> memref<128x16xf32, #tpu.memory_space<vmem>>
      %dma_start3A_383 = arith.constant 256 : i32
      %dma_start3A_384 = tpu.memref_slice %arg7[%dma_start3A_383] : memref<528xi32, #tpu.memory_space<vmem>> -> memref<128xi32, #tpu.memory_space<vmem>>
      %dma_start3A_385 = arith.constant 0 : i32
      %dma_start3A_386 = arith.constant 0 : i32
      %dma_start3A_387 = tpu.memref_slice %arg3[%dma_start3A_385, %dma_start3A_386] : memref<8192x16xf32, #tpu.memory_space<hbm>> -> memref<8192x16xf32, #tpu.memory_space<hbm>>
      tpu.enqueue_indirect_dma source(%dma_start3A_387 : memref<8192x16xf32, #tpu.memory_space<hbm>>) target(%dma_start3A_382 : memref<128x16xf32, #tpu.memory_space<vmem>>) offsets(%dma_start3A_384 : memref<128xi32, #tpu.memory_space<vmem>>) semaphore(%arg10 : memref<!tpu.dma_semaphore, #tpu.memory_space<semaphore_mem>>)
      %dma_wait3A = arith.constant 256 : i32
      %dma_wait3A_388 = arith.constant 0 : i32
      %dma_wait3A_389 = tpu.memref_slice %arg8[%dma_wait3A, %dma_wait3A_388] : memref<512x16xf32, #tpu.memory_space<vmem>> -> memref<128x16xf32, #tpu.memory_space<vmem>>
      %dma_wait3A_390 = arith.constant 256 : i32
      %dma_wait3A_391 = tpu.memref_slice %arg7[%dma_wait3A_390] : memref<528xi32, #tpu.memory_space<vmem>> -> memref<128xi32, #tpu.memory_space<vmem>>
      %dma_wait3A_392 = arith.constant 0 : i32
      %dma_wait3A_393 = arith.constant 0 : i32
      %dma_wait3A_394 = tpu.memref_slice %arg3[%dma_wait3A_392, %dma_wait3A_393] : memref<8192x16xf32, #tpu.memory_space<hbm>> -> memref<8192x16xf32, #tpu.memory_space<hbm>>
      tpu.wait_indirect_dma semaphore(%arg10 : memref<!tpu.dma_semaphore, #tpu.memory_space<semaphore_mem>>) src(%dma_wait3A_394 : memref<8192x16xf32, #tpu.memory_space<hbm>>) dst(%dma_wait3A_389 : memref<128x16xf32, #tpu.memory_space<vmem>>)
      "tpu.region"() ({
        %run_scoped3A = tpu.sem_alloc : memref<!tpu.dma_semaphore, #tpu.memory_space<semaphore_mem>>
        %dma_start3A_395 = arith.constant 256 : i32
        %dma_start3A_396 = arith.constant 0 : i32
        %dma_start3A_397 = tpu.memref_slice %arg8[%dma_start3A_395, %dma_start3A_396] : memref<512x16xf32, #tpu.memory_space<vmem>> -> memref<128x16xf32, #tpu.memory_space<vmem>>
        %dma_start3A_398 = arith.constant 256 : i32
        %dma_start3A_399 = arith.constant 0 : i32
        %dma_start3A_400 = tpu.memref_slice %arg5[%add3A_70, %dma_start3A_398, %dma_start3A_399] : memref<256x512x16xf32, #tpu.memory_space<hbm>> -> memref<1x128x16xf32, #tpu.memory_space<hbm>>
        %dma_start3A_401 = tpu.memref_squeeze %dma_start3A_400 : memref<1x128x16xf32, #tpu.memory_space<hbm>> -> memref<128x16xf32, #tpu.memory_space<hbm>>
        %dma_start3A_402 = arith.constant 256 : i32
        %dma_start3A_403 = arith.constant 0 : i32
        %dma_start3A_404 = tpu.memref_slice %arg5[%add3A_70, %dma_start3A_402, %dma_start3A_403] : memref<256x512x16xf32, #tpu.memory_space<hbm>> -> memref<1x128x16xf32, #tpu.memory_space<hbm>>
        %dma_start3A_405 = tpu.memref_squeeze %dma_start3A_404 : memref<1x128x16xf32, #tpu.memory_space<hbm>> -> memref<128x16xf32, #tpu.memory_space<hbm>>
        %dma_start3A_406 = arith.constant 256 : i32
        %dma_start3A_407 = arith.constant 0 : i32
        %dma_start3A_408 = tpu.memref_slice %arg8[%dma_start3A_406, %dma_start3A_407] : memref<512x16xf32, #tpu.memory_space<vmem>> -> memref<128x16xf32, #tpu.memory_space<vmem>>
        tpu.enqueue_dma source(%dma_start3A_408 : memref<128x16xf32, #tpu.memory_space<vmem>>) target(%dma_start3A_405 : memref<128x16xf32, #tpu.memory_space<hbm>>) target_semaphore(%run_scoped3A : memref<!tpu.dma_semaphore, #tpu.memory_space<semaphore_mem>>)
        %dma_wait3A_409 = arith.constant 256 : i32
        %dma_wait3A_410 = arith.constant 0 : i32
        %dma_wait3A_411 = tpu.memref_slice %arg8[%dma_wait3A_409, %dma_wait3A_410] : memref<512x16xf32, #tpu.memory_space<vmem>> -> memref<128x16xf32, #tpu.memory_space<vmem>>
        %dma_wait3A_412 = arith.constant 256 : i32
        %dma_wait3A_413 = arith.constant 0 : i32
        %dma_wait3A_414 = tpu.memref_slice %arg5[%add3A_70, %dma_wait3A_412, %dma_wait3A_413] : memref<256x512x16xf32, #tpu.memory_space<hbm>> -> memref<1x128x16xf32, #tpu.memory_space<hbm>>
        %dma_wait3A_415 = tpu.memref_squeeze %dma_wait3A_414 : memref<1x128x16xf32, #tpu.memory_space<hbm>> -> memref<128x16xf32, #tpu.memory_space<hbm>>
        %dma_wait3A_416 = arith.constant 256 : i32
        %dma_wait3A_417 = arith.constant 0 : i32
        %dma_wait3A_418 = tpu.memref_slice %arg5[%add3A_70, %dma_wait3A_416, %dma_wait3A_417] : memref<256x512x16xf32, #tpu.memory_space<hbm>> -> memref<1x128x16xf32, #tpu.memory_space<hbm>>
        %dma_wait3A_419 = tpu.memref_squeeze %dma_wait3A_418 : memref<1x128x16xf32, #tpu.memory_space<hbm>> -> memref<128x16xf32, #tpu.memory_space<hbm>>
        %dma_wait3A_420 = arith.constant 256 : i32
        %dma_wait3A_421 = arith.constant 0 : i32
        %dma_wait3A_422 = tpu.memref_slice %arg8[%dma_wait3A_420, %dma_wait3A_421] : memref<512x16xf32, #tpu.memory_space<vmem>> -> memref<128x16xf32, #tpu.memory_space<vmem>>
        tpu.wait_dma2 semaphore(%run_scoped3A : memref<!tpu.dma_semaphore, #tpu.memory_space<semaphore_mem>>) src(%dma_wait3A_422 : memref<128x16xf32, #tpu.memory_space<vmem>>) dst(%dma_wait3A_419 : memref<128x16xf32, #tpu.memory_space<hbm>>)
        tpu.yield
      }) : () -> ()
    } else {
    }
    %gt3A_94 = arith.constant 384 : i32
    %gt3A_95 = arith.cmpi sgt, %scan3A_77, %gt3A_94 : i32
    %convert_element_type3A_96 = arith.extui %gt3A_95 : i1 to i32
    %cond3A_97 = arith.constant 0 : i32
    %cond3A_98 = arith.cmpi ne, %convert_element_type3A_96, %cond3A_97 : i32
    scf.if %cond3A_98 {
      %dma_start3A = arith.constant 384 : i32
      %dma_start3A_381 = arith.constant 0 : i32
      %dma_start3A_382 = tpu.memref_slice %arg8[%dma_start3A, %dma_start3A_381] : memref<512x16xf32, #tpu.memory_space<vmem>> -> memref<128x16xf32, #tpu.memory_space<vmem>>
      %dma_start3A_383 = arith.constant 384 : i32
      %dma_start3A_384 = tpu.memref_slice %arg7[%dma_start3A_383] : memref<528xi32, #tpu.memory_space<vmem>> -> memref<128xi32, #tpu.memory_space<vmem>>
      %dma_start3A_385 = arith.constant 0 : i32
      %dma_start3A_386 = arith.constant 0 : i32
      %dma_start3A_387 = tpu.memref_slice %arg3[%dma_start3A_385, %dma_start3A_386] : memref<8192x16xf32, #tpu.memory_space<hbm>> -> memref<8192x16xf32, #tpu.memory_space<hbm>>
      tpu.enqueue_indirect_dma source(%dma_start3A_387 : memref<8192x16xf32, #tpu.memory_space<hbm>>) target(%dma_start3A_382 : memref<128x16xf32, #tpu.memory_space<vmem>>) offsets(%dma_start3A_384 : memref<128xi32, #tpu.memory_space<vmem>>) semaphore(%arg10 : memref<!tpu.dma_semaphore, #tpu.memory_space<semaphore_mem>>)
      %dma_wait3A = arith.constant 384 : i32
      %dma_wait3A_388 = arith.constant 0 : i32
      %dma_wait3A_389 = tpu.memref_slice %arg8[%dma_wait3A, %dma_wait3A_388] : memref<512x16xf32, #tpu.memory_space<vmem>> -> memref<128x16xf32, #tpu.memory_space<vmem>>
      %dma_wait3A_390 = arith.constant 384 : i32
      %dma_wait3A_391 = tpu.memref_slice %arg7[%dma_wait3A_390] : memref<528xi32, #tpu.memory_space<vmem>> -> memref<128xi32, #tpu.memory_space<vmem>>
      %dma_wait3A_392 = arith.constant 0 : i32
      %dma_wait3A_393 = arith.constant 0 : i32
      %dma_wait3A_394 = tpu.memref_slice %arg3[%dma_wait3A_392, %dma_wait3A_393] : memref<8192x16xf32, #tpu.memory_space<hbm>> -> memref<8192x16xf32, #tpu.memory_space<hbm>>
      tpu.wait_indirect_dma semaphore(%arg10 : memref<!tpu.dma_semaphore, #tpu.memory_space<semaphore_mem>>) src(%dma_wait3A_394 : memref<8192x16xf32, #tpu.memory_space<hbm>>) dst(%dma_wait3A_389 : memref<128x16xf32, #tpu.memory_space<vmem>>)
      "tpu.region"() ({
        %run_scoped3A = tpu.sem_alloc : memref<!tpu.dma_semaphore, #tpu.memory_space<semaphore_mem>>
        %dma_start3A_395 = arith.constant 384 : i32
        %dma_start3A_396 = arith.constant 0 : i32
        %dma_start3A_397 = tpu.memref_slice %arg8[%dma_start3A_395, %dma_start3A_396] : memref<512x16xf32, #tpu.memory_space<vmem>> -> memref<128x16xf32, #tpu.memory_space<vmem>>
        %dma_start3A_398 = arith.constant 384 : i32
        %dma_start3A_399 = arith.constant 0 : i32
        %dma_start3A_400 = tpu.memref_slice %arg5[%add3A_70, %dma_start3A_398, %dma_start3A_399] : memref<256x512x16xf32, #tpu.memory_space<hbm>> -> memref<1x128x16xf32, #tpu.memory_space<hbm>>
        %dma_start3A_401 = tpu.memref_squeeze %dma_start3A_400 : memref<1x128x16xf32, #tpu.memory_space<hbm>> -> memref<128x16xf32, #tpu.memory_space<hbm>>
        %dma_start3A_402 = arith.constant 384 : i32
        %dma_start3A_403 = arith.constant 0 : i32
        %dma_start3A_404 = tpu.memref_slice %arg5[%add3A_70, %dma_start3A_402, %dma_start3A_403] : memref<256x512x16xf32, #tpu.memory_space<hbm>> -> memref<1x128x16xf32, #tpu.memory_space<hbm>>
        %dma_start3A_405 = tpu.memref_squeeze %dma_start3A_404 : memref<1x128x16xf32, #tpu.memory_space<hbm>> -> memref<128x16xf32, #tpu.memory_space<hbm>>
        %dma_start3A_406 = arith.constant 384 : i32
        %dma_start3A_407 = arith.constant 0 : i32
        %dma_start3A_408 = tpu.memref_slice %arg8[%dma_start3A_406, %dma_start3A_407] : memref<512x16xf32, #tpu.memory_space<vmem>> -> memref<128x16xf32, #tpu.memory_space<vmem>>
        tpu.enqueue_dma source(%dma_start3A_408 : memref<128x16xf32, #tpu.memory_space<vmem>>) target(%dma_start3A_405 : memref<128x16xf32, #tpu.memory_space<hbm>>) target_semaphore(%run_scoped3A : memref<!tpu.dma_semaphore, #tpu.memory_space<semaphore_mem>>)
        %dma_wait3A_409 = arith.constant 384 : i32
        %dma_wait3A_410 = arith.constant 0 : i32
        %dma_wait3A_411 = tpu.memref_slice %arg8[%dma_wait3A_409, %dma_wait3A_410] : memref<512x16xf32, #tpu.memory_space<vmem>> -> memref<128x16xf32, #tpu.memory_space<vmem>>
        %dma_wait3A_412 = arith.constant 384 : i32
        %dma_wait3A_413 = arith.constant 0 : i32
        %dma_wait3A_414 = tpu.memref_slice %arg5[%add3A_70, %dma_wait3A_412, %dma_wait3A_413] : memref<256x512x16xf32, #tpu.memory_space<hbm>> -> memref<1x128x16xf32, #tpu.memory_space<hbm>>
        %dma_wait3A_415 = tpu.memref_squeeze %dma_wait3A_414 : memref<1x128x16xf32, #tpu.memory_space<hbm>> -> memref<128x16xf32, #tpu.memory_space<hbm>>
        %dma_wait3A_416 = arith.constant 384 : i32
        %dma_wait3A_417 = arith.constant 0 : i32
        %dma_wait3A_418 = tpu.memref_slice %arg5[%add3A_70, %dma_wait3A_416, %dma_wait3A_417] : memref<256x512x16xf32, #tpu.memory_space<hbm>> -> memref<1x128x16xf32, #tpu.memory_space<hbm>>
        %dma_wait3A_419 = tpu.memref_squeeze %dma_wait3A_418 : memref<1x128x16xf32, #tpu.memory_space<hbm>> -> memref<128x16xf32, #tpu.memory_space<hbm>>
        %dma_wait3A_420 = arith.constant 384 : i32
        %dma_wait3A_421 = arith.constant 0 : i32
        %dma_wait3A_422 = tpu.memref_slice %arg8[%dma_wait3A_420, %dma_wait3A_421] : memref<512x16xf32, #tpu.memory_space<vmem>> -> memref<128x16xf32, #tpu.memory_space<vmem>>
        tpu.wait_dma2 semaphore(%run_scoped3A : memref<!tpu.dma_semaphore, #tpu.memory_space<semaphore_mem>>) src(%dma_wait3A_422 : memref<128x16xf32, #tpu.memory_space<vmem>>) dst(%dma_wait3A_419 : memref<128x16xf32, #tpu.memory_space<hbm>>)
        tpu.yield
      }) : () -> ()
    } else {
    }
    %mul3A_99 = arith.constant 8 : i32
    %mul3A_100 = arith.muli %add3A, %mul3A_99 : i32
    %add3A_101 = arith.constant 1 : i32
    %add3A_102 = arith.addi %mul3A_100, %add3A_101 : i32
    %rem3A_103 = arith.constant 16 : i32
    %rem3A_104 = arith.remsi %add3A_102, %rem3A_103 : i32
    %div3A_105 = arith.constant 16 : i32
    %div3A_106 = arith.divsi %add3A_102, %div3A_105 : i32
    %scan3A_107 = arith.constant 0 : i32
    %scan3A_108 = arith.constant 0 : i32
    %scan3A_109 = arith.constant 512 : i32
    %scan3A_110 = arith.addi %scan3A_108, %scan3A_109 : i32
    %scan3A_111 = arith.constant 1 : i32
    %scan3A_112 = scf.for %scan3A_381 = %scan3A_108 to %scan3A_110 step %scan3A_111 iter_args(%scan3A_382 = %scan3A_107) -> (i32)  : i32 {
      %mul3A_383 = arith.constant 16 : i32
      %mul3A_384 = arith.muli %scan3A_381, %mul3A_383 : i32
      %get3A = arith.constant 0 : i32
      %get3A_385 = arith.index_cast %get3A : i32 to index
      %get3A_386 = arith.index_cast %mul3A_384 : i32 to index
      %get3A_387 = tpu.vector_load %arg6[%get3A_385, %get3A_386] {strides = array<i32>} : memref<4x8192xi32, #tpu.memory_space<vmem>>, vector<16xi32>,
      %mul3A_388 = arith.constant 16 : i32
      %mul3A_389 = arith.muli %scan3A_381, %mul3A_388 : i32
      %get3A_390 = arith.constant 1 : i32
      %get3A_391 = arith.index_cast %get3A_390 : i32 to index
      %get3A_392 = arith.index_cast %mul3A_389 : i32 to index
      %get3A_393 = tpu.vector_load %arg6[%get3A_391, %get3A_392] {strides = array<i32>} : memref<4x8192xi32, #tpu.memory_space<vmem>>, vector<16xi32>,
      %mul3A_394 = arith.constant 16 : i32
      %mul3A_395 = arith.muli %scan3A_381, %mul3A_394 : i32
      %get3A_396 = arith.constant 2 : i32
      %get3A_397 = arith.index_cast %get3A_396 : i32 to index
      %get3A_398 = arith.index_cast %mul3A_395 : i32 to index
      %get3A_399 = tpu.vector_load %arg6[%get3A_397, %get3A_398] {strides = array<i32>} : memref<4x8192xi32, #tpu.memory_space<vmem>>, vector<16xi32>,
      %mul3A_400 = arith.constant 16 : i32
      %mul3A_401 = arith.muli %scan3A_381, %mul3A_400 : i32
      %get3A_402 = arith.constant 3 : i32
      %get3A_403 = arith.index_cast %get3A_402 : i32 to index
      %get3A_404 = arith.index_cast %mul3A_401 : i32 to index
      %get3A_405 = tpu.vector_load %arg6[%get3A_403, %get3A_404] {strides = array<i32>} : memref<4x8192xi32, #tpu.memory_space<vmem>>, vector<16xi32>,
      %le3A = vector.broadcast %rem3A_104 : i32 to vector<16xi32>
      %le3A_406 = arith.cmpi sle, %get3A_387, %le3A : vector<16xi32>
      %le3A_407 = vector.broadcast %rem3A_104 : i32 to vector<16xi32>
      %le3A_408 = arith.cmpi sle, %le3A_407, %get3A_393 : vector<16xi32>
      %and3A = arith.andi %le3A_406, %le3A_408 : vector<16xi1>
      %le3A_409 = vector.broadcast %div3A_106 : i32 to vector<16xi32>
      %le3A_410 = arith.cmpi sle, %get3A_399, %le3A_409 : vector<16xi32>
      %and3A_411 = arith.andi %and3A, %le3A_410 : vector<16xi1>
      %le3A_412 = vector.broadcast %div3A_106 : i32 to vector<16xi32>
      %le3A_413 = arith.cmpi sle, %le3A_412, %get3A_405 : vector<16xi32>
      %and3A_414 = arith.andi %and3A_411, %le3A_413 : vector<16xi1>
      %all_reduce_population_count3A = tpu.all_reduce %and3A_414 {dim = 0 : i64, kind = #tpu.reduction_kind<sum>} : vector<16xi1> -> vector<16xi32>
      %reduce_max3A = arith.constant true
      %reduce_max3A_415 = vector.broadcast %reduce_max3A : i1 to vector<16xi1>
      %reduce_max3A_416 = arith.constant -2147483648 : i32
      %reduce_max3A_417 = vector.broadcast %reduce_max3A_416 : i32 to vector<16xi32>
      %reduce_max3A_418 = arith.xori %all_reduce_population_count3A, %reduce_max3A_417 : vector<16xi32>
      %reduce_max3A_419 = tpu.scan <max>, %reduce_max3A_418 masked %reduce_max3A_415 : vector<16xi32>, vector<16xi1> -> vector<16xi32>
      %reduce_max3A_420 = arith.xori %reduce_max3A_419, %reduce_max3A_417 : vector<16xi32>
      %reduce_max3A_421 = vector.extract %reduce_max3A_420[15] : i32 from vector<16xi32>
      %gt3A_422 = arith.constant 0 : i32
      %gt3A_423 = arith.cmpi sgt, %reduce_max3A_421, %gt3A_422 : i32
      %convert_element_type3A_424 = arith.extui %gt3A_423 : i1 to i32
      %cond3A_425 = arith.constant 0 : i32
      %cond3A_426 = arith.cmpi ne, %convert_element_type3A_424, %cond3A_425 : i32
      %cond3A_427 = scf.if %cond3A_426 -> (i32) {
        %convert_element_type3A_428 = arith.extui %and3A_414 : vector<16xi1> to vector<16xi32>
        %broadcast_in_dim3A_429 = arith.constant true
        %broadcast_in_dim3A_430 = vector.broadcast %broadcast_in_dim3A_429 : i1 to vector<16xi1>
        %masked_cumsum3A = tpu.scan <sum>, %convert_element_type3A_428 masked %broadcast_in_dim3A_430 : vector<16xi32>, vector<16xi1> -> vector<16xi32>
        %min3A = arith.constant 512 : i32
        %min3A_431 = arith.minsi %scan3A_382, %min3A : i32
        %add3A_432 = vector.broadcast %min3A_431 : i32 to vector<16xi32>
        %add3A_433 = arith.addi %add3A_432, %masked_cumsum3A : vector<16xi32>
        %sub3A = arith.constant 1 : i32
        %sub3A_434 = vector.broadcast %sub3A : i32 to vector<16xi32>
        %sub3A_435 = arith.subi %add3A_433, %sub3A_434 : vector<16xi32>
        %mul3A_436 = arith.constant 16 : i32
        %mul3A_437 = arith.muli %scan3A_381, %mul3A_436 : i32
        %add3A_438 = vector.broadcast %mul3A_437 : i32 to vector<16xi32>
        %add3A_439 = arith.addi %add3A_438, %iota3A : vector<16xi32>
        tpu.vector_store_idx %arg7[%sub3A_435], %add3A_439 masked %and3A_414 : memref<528xi32, #tpu.memory_space<vmem>>[vector<16xi32>], vector<16xi32>, vector<16xi1>
        %add3A_440 = arith.addi %scan3A_382, %reduce_max3A_421 : i32
        scf.yield %add3A_440 : i32
      } else {
        scf.yield %scan3A_382 : i32
      }
      scf.yield %cond3A_427 : i32
    }
    %scan3A_113 = arith.constant 512 : i32
    %eq3A_114 = arith.constant 1 : i32
    %eq3A_115 = vector.broadcast %eq3A_114 : i32 to vector<16xi32>
    %eq3A_116 = arith.cmpi eq, %iota3A, %eq3A_115 : vector<16xi32>
    %broadcast_in_dim3A_117 = vector.broadcast %scan3A_112 : i32 to vector<16xi32>
    %select_n3A_118 = arith.select %eq3A_116, %broadcast_in_dim3A_117, %select_n3A : vector<16xi1>, vector<16xi32>
    %gt3A_119 = arith.constant 0 : i32
    %gt3A_120 = arith.cmpi sgt, %scan3A_112, %gt3A_119 : i32
    %convert_element_type3A_121 = arith.extui %gt3A_120 : i1 to i32
    %cond3A_122 = arith.constant 0 : i32
    %cond3A_123 = arith.cmpi ne, %convert_element_type3A_121, %cond3A_122 : i32
    scf.if %cond3A_123 {
      %dma_start3A = arith.constant 0 : i32
      %dma_start3A_381 = arith.constant 0 : i32
      %dma_start3A_382 = tpu.memref_slice %arg8[%dma_start3A, %dma_start3A_381] : memref<512x16xf32, #tpu.memory_space<vmem>> -> memref<128x16xf32, #tpu.memory_space<vmem>>
      %dma_start3A_383 = arith.constant 0 : i32
      %dma_start3A_384 = tpu.memref_slice %arg7[%dma_start3A_383] : memref<528xi32, #tpu.memory_space<vmem>> -> memref<128xi32, #tpu.memory_space<vmem>>
      %dma_start3A_385 = arith.constant 0 : i32
      %dma_start3A_386 = arith.constant 0 : i32
      %dma_start3A_387 = tpu.memref_slice %arg3[%dma_start3A_385, %dma_start3A_386] : memref<8192x16xf32, #tpu.memory_space<hbm>> -> memref<8192x16xf32, #tpu.memory_space<hbm>>
      tpu.enqueue_indirect_dma source(%dma_start3A_387 : memref<8192x16xf32, #tpu.memory_space<hbm>>) target(%dma_start3A_382 : memref<128x16xf32, #tpu.memory_space<vmem>>) offsets(%dma_start3A_384 : memref<128xi32, #tpu.memory_space<vmem>>) semaphore(%arg10 : memref<!tpu.dma_semaphore, #tpu.memory_space<semaphore_mem>>)
      %dma_wait3A = arith.constant 0 : i32
      %dma_wait3A_388 = arith.constant 0 : i32
      %dma_wait3A_389 = tpu.memref_slice %arg8[%dma_wait3A, %dma_wait3A_388] : memref<512x16xf32, #tpu.memory_space<vmem>> -> memref<128x16xf32, #tpu.memory_space<vmem>>
      %dma_wait3A_390 = arith.constant 0 : i32
      %dma_wait3A_391 = tpu.memref_slice %arg7[%dma_wait3A_390] : memref<528xi32, #tpu.memory_space<vmem>> -> memref<128xi32, #tpu.memory_space<vmem>>
      %dma_wait3A_392 = arith.constant 0 : i32
      %dma_wait3A_393 = arith.constant 0 : i32
      %dma_wait3A_394 = tpu.memref_slice %arg3[%dma_wait3A_392, %dma_wait3A_393] : memref<8192x16xf32, #tpu.memory_space<hbm>> -> memref<8192x16xf32, #tpu.memory_space<hbm>>
      tpu.wait_indirect_dma semaphore(%arg10 : memref<!tpu.dma_semaphore, #tpu.memory_space<semaphore_mem>>) src(%dma_wait3A_394 : memref<8192x16xf32, #tpu.memory_space<hbm>>) dst(%dma_wait3A_389 : memref<128x16xf32, #tpu.memory_space<vmem>>)
      "tpu.region"() ({
        %run_scoped3A = tpu.sem_alloc : memref<!tpu.dma_semaphore, #tpu.memory_space<semaphore_mem>>
        %dma_start3A_395 = arith.constant 0 : i32
        %dma_start3A_396 = arith.constant 0 : i32
        %dma_start3A_397 = tpu.memref_slice %arg8[%dma_start3A_395, %dma_start3A_396] : memref<512x16xf32, #tpu.memory_space<vmem>> -> memref<128x16xf32, #tpu.memory_space<vmem>>
        %dma_start3A_398 = arith.constant 0 : i32
        %dma_start3A_399 = arith.constant 0 : i32
        %dma_start3A_400 = tpu.memref_slice %arg5[%add3A_102, %dma_start3A_398, %dma_start3A_399] : memref<256x512x16xf32, #tpu.memory_space<hbm>> -> memref<1x128x16xf32, #tpu.memory_space<hbm>>
        %dma_start3A_401 = tpu.memref_squeeze %dma_start3A_400 : memref<1x128x16xf32, #tpu.memory_space<hbm>> -> memref<128x16xf32, #tpu.memory_space<hbm>>
        %dma_start3A_402 = arith.constant 0 : i32
        %dma_start3A_403 = arith.constant 0 : i32
        %dma_start3A_404 = tpu.memref_slice %arg5[%add3A_102, %dma_start3A_402, %dma_start3A_403] : memref<256x512x16xf32, #tpu.memory_space<hbm>> -> memref<1x128x16xf32, #tpu.memory_space<hbm>>
        %dma_start3A_405 = tpu.memref_squeeze %dma_start3A_404 : memref<1x128x16xf32, #tpu.memory_space<hbm>> -> memref<128x16xf32, #tpu.memory_space<hbm>>
        %dma_start3A_406 = arith.constant 0 : i32
        %dma_start3A_407 = arith.constant 0 : i32
        %dma_start3A_408 = tpu.memref_slice %arg8[%dma_start3A_406, %dma_start3A_407] : memref<512x16xf32, #tpu.memory_space<vmem>> -> memref<128x16xf32, #tpu.memory_space<vmem>>
        tpu.enqueue_dma source(%dma_start3A_408 : memref<128x16xf32, #tpu.memory_space<vmem>>) target(%dma_start3A_405 : memref<128x16xf32, #tpu.memory_space<hbm>>) target_semaphore(%run_scoped3A : memref<!tpu.dma_semaphore, #tpu.memory_space<semaphore_mem>>)
        %dma_wait3A_409 = arith.constant 0 : i32
        %dma_wait3A_410 = arith.constant 0 : i32
        %dma_wait3A_411 = tpu.memref_slice %arg8[%dma_wait3A_409, %dma_wait3A_410] : memref<512x16xf32, #tpu.memory_space<vmem>> -> memref<128x16xf32, #tpu.memory_space<vmem>>
        %dma_wait3A_412 = arith.constant 0 : i32
        %dma_wait3A_413 = arith.constant 0 : i32
        %dma_wait3A_414 = tpu.memref_slice %arg5[%add3A_102, %dma_wait3A_412, %dma_wait3A_413] : memref<256x512x16xf32, #tpu.memory_space<hbm>> -> memref<1x128x16xf32, #tpu.memory_space<hbm>>
        %dma_wait3A_415 = tpu.memref_squeeze %dma_wait3A_414 : memref<1x128x16xf32, #tpu.memory_space<hbm>> -> memref<128x16xf32, #tpu.memory_space<hbm>>
        %dma_wait3A_416 = arith.constant 0 : i32
        %dma_wait3A_417 = arith.constant 0 : i32
        %dma_wait3A_418 = tpu.memref_slice %arg5[%add3A_102, %dma_wait3A_416, %dma_wait3A_417] : memref<256x512x16xf32, #tpu.memory_space<hbm>> -> memref<1x128x16xf32, #tpu.memory_space<hbm>>
        %dma_wait3A_419 = tpu.memref_squeeze %dma_wait3A_418 : memref<1x128x16xf32, #tpu.memory_space<hbm>> -> memref<128x16xf32, #tpu.memory_space<hbm>>
        %dma_wait3A_420 = arith.constant 0 : i32
        %dma_wait3A_421 = arith.constant 0 : i32
        %dma_wait3A_422 = tpu.memref_slice %arg8[%dma_wait3A_420, %dma_wait3A_421] : memref<512x16xf32, #tpu.memory_space<vmem>> -> memref<128x16xf32, #tpu.memory_space<vmem>>
        tpu.wait_dma2 semaphore(%run_scoped3A : memref<!tpu.dma_semaphore, #tpu.memory_space<semaphore_mem>>) src(%dma_wait3A_422 : memref<128x16xf32, #tpu.memory_space<vmem>>) dst(%dma_wait3A_419 : memref<128x16xf32, #tpu.memory_space<hbm>>)
        tpu.yield
      }) : () -> ()
    } else {
    }
    %gt3A_124 = arith.constant 128 : i32
    %gt3A_125 = arith.cmpi sgt, %scan3A_112, %gt3A_124 : i32
    %convert_element_type3A_126 = arith.extui %gt3A_125 : i1 to i32
    %cond3A_127 = arith.constant 0 : i32
    %cond3A_128 = arith.cmpi ne, %convert_element_type3A_126, %cond3A_127 : i32
    scf.if %cond3A_128 {
      %dma_start3A = arith.constant 128 : i32
      %dma_start3A_381 = arith.constant 0 : i32
      %dma_start3A_382 = tpu.memref_slice %arg8[%dma_start3A, %dma_start3A_381] : memref<512x16xf32, #tpu.memory_space<vmem>> -> memref<128x16xf32, #tpu.memory_space<vmem>>
      %dma_start3A_383 = arith.constant 128 : i32
      %dma_start3A_384 = tpu.memref_slice %arg7[%dma_start3A_383] : memref<528xi32, #tpu.memory_space<vmem>> -> memref<128xi32, #tpu.memory_space<vmem>>
      %dma_start3A_385 = arith.constant 0 : i32
      %dma_start3A_386 = arith.constant 0 : i32
      %dma_start3A_387 = tpu.memref_slice %arg3[%dma_start3A_385, %dma_start3A_386] : memref<8192x16xf32, #tpu.memory_space<hbm>> -> memref<8192x16xf32, #tpu.memory_space<hbm>>
      tpu.enqueue_indirect_dma source(%dma_start3A_387 : memref<8192x16xf32, #tpu.memory_space<hbm>>) target(%dma_start3A_382 : memref<128x16xf32, #tpu.memory_space<vmem>>) offsets(%dma_start3A_384 : memref<128xi32, #tpu.memory_space<vmem>>) semaphore(%arg10 : memref<!tpu.dma_semaphore, #tpu.memory_space<semaphore_mem>>)
      %dma_wait3A = arith.constant 128 : i32
      %dma_wait3A_388 = arith.constant 0 : i32
      %dma_wait3A_389 = tpu.memref_slice %arg8[%dma_wait3A, %dma_wait3A_388] : memref<512x16xf32, #tpu.memory_space<vmem>> -> memref<128x16xf32, #tpu.memory_space<vmem>>
      %dma_wait3A_390 = arith.constant 128 : i32
      %dma_wait3A_391 = tpu.memref_slice %arg7[%dma_wait3A_390] : memref<528xi32, #tpu.memory_space<vmem>> -> memref<128xi32, #tpu.memory_space<vmem>>
      %dma_wait3A_392 = arith.constant 0 : i32
      %dma_wait3A_393 = arith.constant 0 : i32
      %dma_wait3A_394 = tpu.memref_slice %arg3[%dma_wait3A_392, %dma_wait3A_393] : memref<8192x16xf32, #tpu.memory_space<hbm>> -> memref<8192x16xf32, #tpu.memory_space<hbm>>
      tpu.wait_indirect_dma semaphore(%arg10 : memref<!tpu.dma_semaphore, #tpu.memory_space<semaphore_mem>>) src(%dma_wait3A_394 : memref<8192x16xf32, #tpu.memory_space<hbm>>) dst(%dma_wait3A_389 : memref<128x16xf32, #tpu.memory_space<vmem>>)
      "tpu.region"() ({
        %run_scoped3A = tpu.sem_alloc : memref<!tpu.dma_semaphore, #tpu.memory_space<semaphore_mem>>
        %dma_start3A_395 = arith.constant 128 : i32
        %dma_start3A_396 = arith.constant 0 : i32
        %dma_start3A_397 = tpu.memref_slice %arg8[%dma_start3A_395, %dma_start3A_396] : memref<512x16xf32, #tpu.memory_space<vmem>> -> memref<128x16xf32, #tpu.memory_space<vmem>>
        %dma_start3A_398 = arith.constant 128 : i32
        %dma_start3A_399 = arith.constant 0 : i32
        %dma_start3A_400 = tpu.memref_slice %arg5[%add3A_102, %dma_start3A_398, %dma_start3A_399] : memref<256x512x16xf32, #tpu.memory_space<hbm>> -> memref<1x128x16xf32, #tpu.memory_space<hbm>>
        %dma_start3A_401 = tpu.memref_squeeze %dma_start3A_400 : memref<1x128x16xf32, #tpu.memory_space<hbm>> -> memref<128x16xf32, #tpu.memory_space<hbm>>
        %dma_start3A_402 = arith.constant 128 : i32
        %dma_start3A_403 = arith.constant 0 : i32
        %dma_start3A_404 = tpu.memref_slice %arg5[%add3A_102, %dma_start3A_402, %dma_start3A_403] : memref<256x512x16xf32, #tpu.memory_space<hbm>> -> memref<1x128x16xf32, #tpu.memory_space<hbm>>
        %dma_start3A_405 = tpu.memref_squeeze %dma_start3A_404 : memref<1x128x16xf32, #tpu.memory_space<hbm>> -> memref<128x16xf32, #tpu.memory_space<hbm>>
        %dma_start3A_406 = arith.constant 128 : i32
        %dma_start3A_407 = arith.constant 0 : i32
        %dma_start3A_408 = tpu.memref_slice %arg8[%dma_start3A_406, %dma_start3A_407] : memref<512x16xf32, #tpu.memory_space<vmem>> -> memref<128x16xf32, #tpu.memory_space<vmem>>
        tpu.enqueue_dma source(%dma_start3A_408 : memref<128x16xf32, #tpu.memory_space<vmem>>) target(%dma_start3A_405 : memref<128x16xf32, #tpu.memory_space<hbm>>) target_semaphore(%run_scoped3A : memref<!tpu.dma_semaphore, #tpu.memory_space<semaphore_mem>>)
        %dma_wait3A_409 = arith.constant 128 : i32
        %dma_wait3A_410 = arith.constant 0 : i32
        %dma_wait3A_411 = tpu.memref_slice %arg8[%dma_wait3A_409, %dma_wait3A_410] : memref<512x16xf32, #tpu.memory_space<vmem>> -> memref<128x16xf32, #tpu.memory_space<vmem>>
        %dma_wait3A_412 = arith.constant 128 : i32
        %dma_wait3A_413 = arith.constant 0 : i32
        %dma_wait3A_414 = tpu.memref_slice %arg5[%add3A_102, %dma_wait3A_412, %dma_wait3A_413] : memref<256x512x16xf32, #tpu.memory_space<hbm>> -> memref<1x128x16xf32, #tpu.memory_space<hbm>>
        %dma_wait3A_415 = tpu.memref_squeeze %dma_wait3A_414 : memref<1x128x16xf32, #tpu.memory_space<hbm>> -> memref<128x16xf32, #tpu.memory_space<hbm>>
        %dma_wait3A_416 = arith.constant 128 : i32
        %dma_wait3A_417 = arith.constant 0 : i32
        %dma_wait3A_418 = tpu.memref_slice %arg5[%add3A_102, %dma_wait3A_416, %dma_wait3A_417] : memref<256x512x16xf32, #tpu.memory_space<hbm>> -> memref<1x128x16xf32, #tpu.memory_space<hbm>>
        %dma_wait3A_419 = tpu.memref_squeeze %dma_wait3A_418 : memref<1x128x16xf32, #tpu.memory_space<hbm>> -> memref<128x16xf32, #tpu.memory_space<hbm>>
        %dma_wait3A_420 = arith.constant 128 : i32
        %dma_wait3A_421 = arith.constant 0 : i32
        %dma_wait3A_422 = tpu.memref_slice %arg8[%dma_wait3A_420, %dma_wait3A_421] : memref<512x16xf32, #tpu.memory_space<vmem>> -> memref<128x16xf32, #tpu.memory_space<vmem>>
        tpu.wait_dma2 semaphore(%run_scoped3A : memref<!tpu.dma_semaphore, #tpu.memory_space<semaphore_mem>>) src(%dma_wait3A_422 : memref<128x16xf32, #tpu.memory_space<vmem>>) dst(%dma_wait3A_419 : memref<128x16xf32, #tpu.memory_space<hbm>>)
        tpu.yield
      }) : () -> ()
    } else {
    }
    %gt3A_129 = arith.constant 256 : i32
    %gt3A_130 = arith.cmpi sgt, %scan3A_112, %gt3A_129 : i32
    %convert_element_type3A_131 = arith.extui %gt3A_130 : i1 to i32
    %cond3A_132 = arith.constant 0 : i32
    %cond3A_133 = arith.cmpi ne, %convert_element_type3A_131, %cond3A_132 : i32
    scf.if %cond3A_133 {
      %dma_start3A = arith.constant 256 : i32
      %dma_start3A_381 = arith.constant 0 : i32
      %dma_start3A_382 = tpu.memref_slice %arg8[%dma_start3A, %dma_start3A_381] : memref<512x16xf32, #tpu.memory_space<vmem>> -> memref<128x16xf32, #tpu.memory_space<vmem>>
      %dma_start3A_383 = arith.constant 256 : i32
      %dma_start3A_384 = tpu.memref_slice %arg7[%dma_start3A_383] : memref<528xi32, #tpu.memory_space<vmem>> -> memref<128xi32, #tpu.memory_space<vmem>>
      %dma_start3A_385 = arith.constant 0 : i32
      %dma_start3A_386 = arith.constant 0 : i32
      %dma_start3A_387 = tpu.memref_slice %arg3[%dma_start3A_385, %dma_start3A_386] : memref<8192x16xf32, #tpu.memory_space<hbm>> -> memref<8192x16xf32, #tpu.memory_space<hbm>>
      tpu.enqueue_indirect_dma source(%dma_start3A_387 : memref<8192x16xf32, #tpu.memory_space<hbm>>) target(%dma_start3A_382 : memref<128x16xf32, #tpu.memory_space<vmem>>) offsets(%dma_start3A_384 : memref<128xi32, #tpu.memory_space<vmem>>) semaphore(%arg10 : memref<!tpu.dma_semaphore, #tpu.memory_space<semaphore_mem>>)
      %dma_wait3A = arith.constant 256 : i32
      %dma_wait3A_388 = arith.constant 0 : i32
      %dma_wait3A_389 = tpu.memref_slice %arg8[%dma_wait3A, %dma_wait3A_388] : memref<512x16xf32, #tpu.memory_space<vmem>> -> memref<128x16xf32, #tpu.memory_space<vmem>>
      %dma_wait3A_390 = arith.constant 256 : i32
      %dma_wait3A_391 = tpu.memref_slice %arg7[%dma_wait3A_390] : memref<528xi32, #tpu.memory_space<vmem>> -> memref<128xi32, #tpu.memory_space<vmem>>
      %dma_wait3A_392 = arith.constant 0 : i32
      %dma_wait3A_393 = arith.constant 0 : i32
      %dma_wait3A_394 = tpu.memref_slice %arg3[%dma_wait3A_392, %dma_wait3A_393] : memref<8192x16xf32, #tpu.memory_space<hbm>> -> memref<8192x16xf32, #tpu.memory_space<hbm>>
      tpu.wait_indirect_dma semaphore(%arg10 : memref<!tpu.dma_semaphore, #tpu.memory_space<semaphore_mem>>) src(%dma_wait3A_394 : memref<8192x16xf32, #tpu.memory_space<hbm>>) dst(%dma_wait3A_389 : memref<128x16xf32, #tpu.memory_space<vmem>>)
      "tpu.region"() ({
        %run_scoped3A = tpu.sem_alloc : memref<!tpu.dma_semaphore, #tpu.memory_space<semaphore_mem>>
        %dma_start3A_395 = arith.constant 256 : i32
        %dma_start3A_396 = arith.constant 0 : i32
        %dma_start3A_397 = tpu.memref_slice %arg8[%dma_start3A_395, %dma_start3A_396] : memref<512x16xf32, #tpu.memory_space<vmem>> -> memref<128x16xf32, #tpu.memory_space<vmem>>
        %dma_start3A_398 = arith.constant 256 : i32
        %dma_start3A_399 = arith.constant 0 : i32
        %dma_start3A_400 = tpu.memref_slice %arg5[%add3A_102, %dma_start3A_398, %dma_start3A_399] : memref<256x512x16xf32, #tpu.memory_space<hbm>> -> memref<1x128x16xf32, #tpu.memory_space<hbm>>
        %dma_start3A_401 = tpu.memref_squeeze %dma_start3A_400 : memref<1x128x16xf32, #tpu.memory_space<hbm>> -> memref<128x16xf32, #tpu.memory_space<hbm>>
        %dma_start3A_402 = arith.constant 256 : i32
        %dma_start3A_403 = arith.constant 0 : i32
        %dma_start3A_404 = tpu.memref_slice %arg5[%add3A_102, %dma_start3A_402, %dma_start3A_403] : memref<256x512x16xf32, #tpu.memory_space<hbm>> -> memref<1x128x16xf32, #tpu.memory_space<hbm>>
        %dma_start3A_405 = tpu.memref_squeeze %dma_start3A_404 : memref<1x128x16xf32, #tpu.memory_space<hbm>> -> memref<128x16xf32, #tpu.memory_space<hbm>>
        %dma_start3A_406 = arith.constant 256 : i32
        %dma_start3A_407 = arith.constant 0 : i32
        %dma_start3A_408 = tpu.memref_slice %arg8[%dma_start3A_406, %dma_start3A_407] : memref<512x16xf32, #tpu.memory_space<vmem>> -> memref<128x16xf32, #tpu.memory_space<vmem>>
        tpu.enqueue_dma source(%dma_start3A_408 : memref<128x16xf32, #tpu.memory_space<vmem>>) target(%dma_start3A_405 : memref<128x16xf32, #tpu.memory_space<hbm>>) target_semaphore(%run_scoped3A : memref<!tpu.dma_semaphore, #tpu.memory_space<semaphore_mem>>)
        %dma_wait3A_409 = arith.constant 256 : i32
        %dma_wait3A_410 = arith.constant 0 : i32
        %dma_wait3A_411 = tpu.memref_slice %arg8[%dma_wait3A_409, %dma_wait3A_410] : memref<512x16xf32, #tpu.memory_space<vmem>> -> memref<128x16xf32, #tpu.memory_space<vmem>>
        %dma_wait3A_412 = arith.constant 256 : i32
        %dma_wait3A_413 = arith.constant 0 : i32
        %dma_wait3A_414 = tpu.memref_slice %arg5[%add3A_102, %dma_wait3A_412, %dma_wait3A_413] : memref<256x512x16xf32, #tpu.memory_space<hbm>> -> memref<1x128x16xf32, #tpu.memory_space<hbm>>
        %dma_wait3A_415 = tpu.memref_squeeze %dma_wait3A_414 : memref<1x128x16xf32, #tpu.memory_space<hbm>> -> memref<128x16xf32, #tpu.memory_space<hbm>>
        %dma_wait3A_416 = arith.constant 256 : i32
        %dma_wait3A_417 = arith.constant 0 : i32
        %dma_wait3A_418 = tpu.memref_slice %arg5[%add3A_102, %dma_wait3A_416, %dma_wait3A_417] : memref<256x512x16xf32, #tpu.memory_space<hbm>> -> memref<1x128x16xf32, #tpu.memory_space<hbm>>
        %dma_wait3A_419 = tpu.memref_squeeze %dma_wait3A_418 : memref<1x128x16xf32, #tpu.memory_space<hbm>> -> memref<128x16xf32, #tpu.memory_space<hbm>>
        %dma_wait3A_420 = arith.constant 256 : i32
        %dma_wait3A_421 = arith.constant 0 : i32
        %dma_wait3A_422 = tpu.memref_slice %arg8[%dma_wait3A_420, %dma_wait3A_421] : memref<512x16xf32, #tpu.memory_space<vmem>> -> memref<128x16xf32, #tpu.memory_space<vmem>>
        tpu.wait_dma2 semaphore(%run_scoped3A : memref<!tpu.dma_semaphore, #tpu.memory_space<semaphore_mem>>) src(%dma_wait3A_422 : memref<128x16xf32, #tpu.memory_space<vmem>>) dst(%dma_wait3A_419 : memref<128x16xf32, #tpu.memory_space<hbm>>)
        tpu.yield
      }) : () -> ()
    } else {
    }
    %gt3A_134 = arith.constant 384 : i32
    %gt3A_135 = arith.cmpi sgt, %scan3A_112, %gt3A_134 : i32
    %convert_element_type3A_136 = arith.extui %gt3A_135 : i1 to i32
    %cond3A_137 = arith.constant 0 : i32
    %cond3A_138 = arith.cmpi ne, %convert_element_type3A_136, %cond3A_137 : i32
    scf.if %cond3A_138 {
      %dma_start3A = arith.constant 384 : i32
      %dma_start3A_381 = arith.constant 0 : i32
      %dma_start3A_382 = tpu.memref_slice %arg8[%dma_start3A, %dma_start3A_381] : memref<512x16xf32, #tpu.memory_space<vmem>> -> memref<128x16xf32, #tpu.memory_space<vmem>>
      %dma_start3A_383 = arith.constant 384 : i32
      %dma_start3A_384 = tpu.memref_slice %arg7[%dma_start3A_383] : memref<528xi32, #tpu.memory_space<vmem>> -> memref<128xi32, #tpu.memory_space<vmem>>
      %dma_start3A_385 = arith.constant 0 : i32
      %dma_start3A_386 = arith.constant 0 : i32
      %dma_start3A_387 = tpu.memref_slice %arg3[%dma_start3A_385, %dma_start3A_386] : memref<8192x16xf32, #tpu.memory_space<hbm>> -> memref<8192x16xf32, #tpu.memory_space<hbm>>
      tpu.enqueue_indirect_dma source(%dma_start3A_387 : memref<8192x16xf32, #tpu.memory_space<hbm>>) target(%dma_start3A_382 : memref<128x16xf32, #tpu.memory_space<vmem>>) offsets(%dma_start3A_384 : memref<128xi32, #tpu.memory_space<vmem>>) semaphore(%arg10 : memref<!tpu.dma_semaphore, #tpu.memory_space<semaphore_mem>>)
      %dma_wait3A = arith.constant 384 : i32
      %dma_wait3A_388 = arith.constant 0 : i32
      %dma_wait3A_389 = tpu.memref_slice %arg8[%dma_wait3A, %dma_wait3A_388] : memref<512x16xf32, #tpu.memory_space<vmem>> -> memref<128x16xf32, #tpu.memory_space<vmem>>
      %dma_wait3A_390 = arith.constant 384 : i32
      %dma_wait3A_391 = tpu.memref_slice %arg7[%dma_wait3A_390] : memref<528xi32, #tpu.memory_space<vmem>> -> memref<128xi32, #tpu.memory_space<vmem>>
      %dma_wait3A_392 = arith.constant 0 : i32
      %dma_wait3A_393 = arith.constant 0 : i32
      %dma_wait3A_394 = tpu.memref_slice %arg3[%dma_wait3A_392, %dma_wait3A_393] : memref<8192x16xf32, #tpu.memory_space<hbm>> -> memref<8192x16xf32, #tpu.memory_space<hbm>>
      tpu.wait_indirect_dma semaphore(%arg10 : memref<!tpu.dma_semaphore, #tpu.memory_space<semaphore_mem>>) src(%dma_wait3A_394 : memref<8192x16xf32, #tpu.memory_space<hbm>>) dst(%dma_wait3A_389 : memref<128x16xf32, #tpu.memory_space<vmem>>)
      "tpu.region"() ({
        %run_scoped3A = tpu.sem_alloc : memref<!tpu.dma_semaphore, #tpu.memory_space<semaphore_mem>>
        %dma_start3A_395 = arith.constant 384 : i32
        %dma_start3A_396 = arith.constant 0 : i32
        %dma_start3A_397 = tpu.memref_slice %arg8[%dma_start3A_395, %dma_start3A_396] : memref<512x16xf32, #tpu.memory_space<vmem>> -> memref<128x16xf32, #tpu.memory_space<vmem>>
        %dma_start3A_398 = arith.constant 384 : i32
        %dma_start3A_399 = arith.constant 0 : i32
        %dma_start3A_400 = tpu.memref_slice %arg5[%add3A_102, %dma_start3A_398, %dma_start3A_399] : memref<256x512x16xf32, #tpu.memory_space<hbm>> -> memref<1x128x16xf32, #tpu.memory_space<hbm>>
        %dma_start3A_401 = tpu.memref_squeeze %dma_start3A_400 : memref<1x128x16xf32, #tpu.memory_space<hbm>> -> memref<128x16xf32, #tpu.memory_space<hbm>>
        %dma_start3A_402 = arith.constant 384 : i32
        %dma_start3A_403 = arith.constant 0 : i32
        %dma_start3A_404 = tpu.memref_slice %arg5[%add3A_102, %dma_start3A_402, %dma_start3A_403] : memref<256x512x16xf32, #tpu.memory_space<hbm>> -> memref<1x128x16xf32, #tpu.memory_space<hbm>>
        %dma_start3A_405 = tpu.memref_squeeze %dma_start3A_404 : memref<1x128x16xf32, #tpu.memory_space<hbm>> -> memref<128x16xf32, #tpu.memory_space<hbm>>
        %dma_start3A_406 = arith.constant 384 : i32
        %dma_start3A_407 = arith.constant 0 : i32
        %dma_start3A_408 = tpu.memref_slice %arg8[%dma_start3A_406, %dma_start3A_407] : memref<512x16xf32, #tpu.memory_space<vmem>> -> memref<128x16xf32, #tpu.memory_space<vmem>>
        tpu.enqueue_dma source(%dma_start3A_408 : memref<128x16xf32, #tpu.memory_space<vmem>>) target(%dma_start3A_405 : memref<128x16xf32, #tpu.memory_space<hbm>>) target_semaphore(%run_scoped3A : memref<!tpu.dma_semaphore, #tpu.memory_space<semaphore_mem>>)
        %dma_wait3A_409 = arith.constant 384 : i32
        %dma_wait3A_410 = arith.constant 0 : i32
        %dma_wait3A_411 = tpu.memref_slice %arg8[%dma_wait3A_409, %dma_wait3A_410] : memref<512x16xf32, #tpu.memory_space<vmem>> -> memref<128x16xf32, #tpu.memory_space<vmem>>
        %dma_wait3A_412 = arith.constant 384 : i32
        %dma_wait3A_413 = arith.constant 0 : i32
        %dma_wait3A_414 = tpu.memref_slice %arg5[%add3A_102, %dma_wait3A_412, %dma_wait3A_413] : memref<256x512x16xf32, #tpu.memory_space<hbm>> -> memref<1x128x16xf32, #tpu.memory_space<hbm>>
        %dma_wait3A_415 = tpu.memref_squeeze %dma_wait3A_414 : memref<1x128x16xf32, #tpu.memory_space<hbm>> -> memref<128x16xf32, #tpu.memory_space<hbm>>
        %dma_wait3A_416 = arith.constant 384 : i32
        %dma_wait3A_417 = arith.constant 0 : i32
        %dma_wait3A_418 = tpu.memref_slice %arg5[%add3A_102, %dma_wait3A_416, %dma_wait3A_417] : memref<256x512x16xf32, #tpu.memory_space<hbm>> -> memref<1x128x16xf32, #tpu.memory_space<hbm>>
        %dma_wait3A_419 = tpu.memref_squeeze %dma_wait3A_418 : memref<1x128x16xf32, #tpu.memory_space<hbm>> -> memref<128x16xf32, #tpu.memory_space<hbm>>
        %dma_wait3A_420 = arith.constant 384 : i32
        %dma_wait3A_421 = arith.constant 0 : i32
        %dma_wait3A_422 = tpu.memref_slice %arg8[%dma_wait3A_420, %dma_wait3A_421] : memref<512x16xf32, #tpu.memory_space<vmem>> -> memref<128x16xf32, #tpu.memory_space<vmem>>
        tpu.wait_dma2 semaphore(%run_scoped3A : memref<!tpu.dma_semaphore, #tpu.memory_space<semaphore_mem>>) src(%dma_wait3A_422 : memref<128x16xf32, #tpu.memory_space<vmem>>) dst(%dma_wait3A_419 : memref<128x16xf32, #tpu.memory_space<hbm>>)
        tpu.yield
      }) : () -> ()
    } else {
    }
    %mul3A_139 = arith.constant 8 : i32
    %mul3A_140 = arith.muli %add3A, %mul3A_139 : i32
    %add3A_141 = arith.constant 2 : i32
    %add3A_142 = arith.addi %mul3A_140, %add3A_141 : i32
    %rem3A_143 = arith.constant 16 : i32
    %rem3A_144 = arith.remsi %add3A_142, %rem3A_143 : i32
    %div3A_145 = arith.constant 16 : i32
    %div3A_146 = arith.divsi %add3A_142, %div3A_145 : i32
    %scan3A_147 = arith.constant 0 : i32
    %scan3A_148 = arith.constant 0 : i32
    %scan3A_149 = arith.constant 512 : i32
    %scan3A_150 = arith.addi %scan3A_148, %scan3A_149 : i32
    %scan3A_151 = arith.constant 1 : i32
    %scan3A_152 = scf.for %scan3A_381 = %scan3A_148 to %scan3A_150 step %scan3A_151 iter_args(%scan3A_382 = %scan3A_147) -> (i32)  : i32 {
      %mul3A_383 = arith.constant 16 : i32
      %mul3A_384 = arith.muli %scan3A_381, %mul3A_383 : i32
      %get3A = arith.constant 0 : i32
      %get3A_385 = arith.index_cast %get3A : i32 to index
      %get3A_386 = arith.index_cast %mul3A_384 : i32 to index
      %get3A_387 = tpu.vector_load %arg6[%get3A_385, %get3A_386] {strides = array<i32>} : memref<4x8192xi32, #tpu.memory_space<vmem>>, vector<16xi32>,
      %mul3A_388 = arith.constant 16 : i32
      %mul3A_389 = arith.muli %scan3A_381, %mul3A_388 : i32
      %get3A_390 = arith.constant 1 : i32
      %get3A_391 = arith.index_cast %get3A_390 : i32 to index
      %get3A_392 = arith.index_cast %mul3A_389 : i32 to index
      %get3A_393 = tpu.vector_load %arg6[%get3A_391, %get3A_392] {strides = array<i32>} : memref<4x8192xi32, #tpu.memory_space<vmem>>, vector<16xi32>,
      %mul3A_394 = arith.constant 16 : i32
      %mul3A_395 = arith.muli %scan3A_381, %mul3A_394 : i32
      %get3A_396 = arith.constant 2 : i32
      %get3A_397 = arith.index_cast %get3A_396 : i32 to index
      %get3A_398 = arith.index_cast %mul3A_395 : i32 to index
      %get3A_399 = tpu.vector_load %arg6[%get3A_397, %get3A_398] {strides = array<i32>} : memref<4x8192xi32, #tpu.memory_space<vmem>>, vector<16xi32>,
      %mul3A_400 = arith.constant 16 : i32
      %mul3A_401 = arith.muli %scan3A_381, %mul3A_400 : i32
      %get3A_402 = arith.constant 3 : i32
      %get3A_403 = arith.index_cast %get3A_402 : i32 to index
      %get3A_404 = arith.index_cast %mul3A_401 : i32 to index
      %get3A_405 = tpu.vector_load %arg6[%get3A_403, %get3A_404] {strides = array<i32>} : memref<4x8192xi32, #tpu.memory_space<vmem>>, vector<16xi32>,
      %le3A = vector.broadcast %rem3A_144 : i32 to vector<16xi32>
      %le3A_406 = arith.cmpi sle, %get3A_387, %le3A : vector<16xi32>
      %le3A_407 = vector.broadcast %rem3A_144 : i32 to vector<16xi32>
      %le3A_408 = arith.cmpi sle, %le3A_407, %get3A_393 : vector<16xi32>
      %and3A = arith.andi %le3A_406, %le3A_408 : vector<16xi1>
      %le3A_409 = vector.broadcast %div3A_146 : i32 to vector<16xi32>
      %le3A_410 = arith.cmpi sle, %get3A_399, %le3A_409 : vector<16xi32>
      %and3A_411 = arith.andi %and3A, %le3A_410 : vector<16xi1>
      %le3A_412 = vector.broadcast %div3A_146 : i32 to vector<16xi32>
      %le3A_413 = arith.cmpi sle, %le3A_412, %get3A_405 : vector<16xi32>
      %and3A_414 = arith.andi %and3A_411, %le3A_413 : vector<16xi1>
      %all_reduce_population_count3A = tpu.all_reduce %and3A_414 {dim = 0 : i64, kind = #tpu.reduction_kind<sum>} : vector<16xi1> -> vector<16xi32>
      %reduce_max3A = arith.constant true
      %reduce_max3A_415 = vector.broadcast %reduce_max3A : i1 to vector<16xi1>
      %reduce_max3A_416 = arith.constant -2147483648 : i32
      %reduce_max3A_417 = vector.broadcast %reduce_max3A_416 : i32 to vector<16xi32>
      %reduce_max3A_418 = arith.xori %all_reduce_population_count3A, %reduce_max3A_417 : vector<16xi32>
      %reduce_max3A_419 = tpu.scan <max>, %reduce_max3A_418 masked %reduce_max3A_415 : vector<16xi32>, vector<16xi1> -> vector<16xi32>
      %reduce_max3A_420 = arith.xori %reduce_max3A_419, %reduce_max3A_417 : vector<16xi32>
      %reduce_max3A_421 = vector.extract %reduce_max3A_420[15] : i32 from vector<16xi32>
      %gt3A_422 = arith.constant 0 : i32
      %gt3A_423 = arith.cmpi sgt, %reduce_max3A_421, %gt3A_422 : i32
      %convert_element_type3A_424 = arith.extui %gt3A_423 : i1 to i32
      %cond3A_425 = arith.constant 0 : i32
      %cond3A_426 = arith.cmpi ne, %convert_element_type3A_424, %cond3A_425 : i32
      %cond3A_427 = scf.if %cond3A_426 -> (i32) {
        %convert_element_type3A_428 = arith.extui %and3A_414 : vector<16xi1> to vector<16xi32>
        %broadcast_in_dim3A_429 = arith.constant true
        %broadcast_in_dim3A_430 = vector.broadcast %broadcast_in_dim3A_429 : i1 to vector<16xi1>
        %masked_cumsum3A = tpu.scan <sum>, %convert_element_type3A_428 masked %broadcast_in_dim3A_430 : vector<16xi32>, vector<16xi1> -> vector<16xi32>
        %min3A = arith.constant 512 : i32
        %min3A_431 = arith.minsi %scan3A_382, %min3A : i32
        %add3A_432 = vector.broadcast %min3A_431 : i32 to vector<16xi32>
        %add3A_433 = arith.addi %add3A_432, %masked_cumsum3A : vector<16xi32>
        %sub3A = arith.constant 1 : i32
        %sub3A_434 = vector.broadcast %sub3A : i32 to vector<16xi32>
        %sub3A_435 = arith.subi %add3A_433, %sub3A_434 : vector<16xi32>
        %mul3A_436 = arith.constant 16 : i32
        %mul3A_437 = arith.muli %scan3A_381, %mul3A_436 : i32
        %add3A_438 = vector.broadcast %mul3A_437 : i32 to vector<16xi32>
        %add3A_439 = arith.addi %add3A_438, %iota3A : vector<16xi32>
        tpu.vector_store_idx %arg7[%sub3A_435], %add3A_439 masked %and3A_414 : memref<528xi32, #tpu.memory_space<vmem>>[vector<16xi32>], vector<16xi32>, vector<16xi1>
        %add3A_440 = arith.addi %scan3A_382, %reduce_max3A_421 : i32
        scf.yield %add3A_440 : i32
      } else {
        scf.yield %scan3A_382 : i32
      }
      scf.yield %cond3A_427 : i32
    }
    %scan3A_153 = arith.constant 512 : i32
    %eq3A_154 = arith.constant 2 : i32
    %eq3A_155 = vector.broadcast %eq3A_154 : i32 to vector<16xi32>
    %eq3A_156 = arith.cmpi eq, %iota3A, %eq3A_155 : vector<16xi32>
    %broadcast_in_dim3A_157 = vector.broadcast %scan3A_152 : i32 to vector<16xi32>
    %select_n3A_158 = arith.select %eq3A_156, %broadcast_in_dim3A_157, %select_n3A_118 : vector<16xi1>, vector<16xi32>
    %gt3A_159 = arith.constant 0 : i32
    %gt3A_160 = arith.cmpi sgt, %scan3A_152, %gt3A_159 : i32
    %convert_element_type3A_161 = arith.extui %gt3A_160 : i1 to i32
    %cond3A_162 = arith.constant 0 : i32
    %cond3A_163 = arith.cmpi ne, %convert_element_type3A_161, %cond3A_162 : i32
    scf.if %cond3A_163 {
      %dma_start3A = arith.constant 0 : i32
      %dma_start3A_381 = arith.constant 0 : i32
      %dma_start3A_382 = tpu.memref_slice %arg8[%dma_start3A, %dma_start3A_381] : memref<512x16xf32, #tpu.memory_space<vmem>> -> memref<128x16xf32, #tpu.memory_space<vmem>>
      %dma_start3A_383 = arith.constant 0 : i32
      %dma_start3A_384 = tpu.memref_slice %arg7[%dma_start3A_383] : memref<528xi32, #tpu.memory_space<vmem>> -> memref<128xi32, #tpu.memory_space<vmem>>
      %dma_start3A_385 = arith.constant 0 : i32
      %dma_start3A_386 = arith.constant 0 : i32
      %dma_start3A_387 = tpu.memref_slice %arg3[%dma_start3A_385, %dma_start3A_386] : memref<8192x16xf32, #tpu.memory_space<hbm>> -> memref<8192x16xf32, #tpu.memory_space<hbm>>
      tpu.enqueue_indirect_dma source(%dma_start3A_387 : memref<8192x16xf32, #tpu.memory_space<hbm>>) target(%dma_start3A_382 : memref<128x16xf32, #tpu.memory_space<vmem>>) offsets(%dma_start3A_384 : memref<128xi32, #tpu.memory_space<vmem>>) semaphore(%arg10 : memref<!tpu.dma_semaphore, #tpu.memory_space<semaphore_mem>>)
      %dma_wait3A = arith.constant 0 : i32
      %dma_wait3A_388 = arith.constant 0 : i32
      %dma_wait3A_389 = tpu.memref_slice %arg8[%dma_wait3A, %dma_wait3A_388] : memref<512x16xf32, #tpu.memory_space<vmem>> -> memref<128x16xf32, #tpu.memory_space<vmem>>
      %dma_wait3A_390 = arith.constant 0 : i32
      %dma_wait3A_391 = tpu.memref_slice %arg7[%dma_wait3A_390] : memref<528xi32, #tpu.memory_space<vmem>> -> memref<128xi32, #tpu.memory_space<vmem>>
      %dma_wait3A_392 = arith.constant 0 : i32
      %dma_wait3A_393 = arith.constant 0 : i32
      %dma_wait3A_394 = tpu.memref_slice %arg3[%dma_wait3A_392, %dma_wait3A_393] : memref<8192x16xf32, #tpu.memory_space<hbm>> -> memref<8192x16xf32, #tpu.memory_space<hbm>>
      tpu.wait_indirect_dma semaphore(%arg10 : memref<!tpu.dma_semaphore, #tpu.memory_space<semaphore_mem>>) src(%dma_wait3A_394 : memref<8192x16xf32, #tpu.memory_space<hbm>>) dst(%dma_wait3A_389 : memref<128x16xf32, #tpu.memory_space<vmem>>)
      "tpu.region"() ({
        %run_scoped3A = tpu.sem_alloc : memref<!tpu.dma_semaphore, #tpu.memory_space<semaphore_mem>>
        %dma_start3A_395 = arith.constant 0 : i32
        %dma_start3A_396 = arith.constant 0 : i32
        %dma_start3A_397 = tpu.memref_slice %arg8[%dma_start3A_395, %dma_start3A_396] : memref<512x16xf32, #tpu.memory_space<vmem>> -> memref<128x16xf32, #tpu.memory_space<vmem>>
        %dma_start3A_398 = arith.constant 0 : i32
        %dma_start3A_399 = arith.constant 0 : i32
        %dma_start3A_400 = tpu.memref_slice %arg5[%add3A_142, %dma_start3A_398, %dma_start3A_399] : memref<256x512x16xf32, #tpu.memory_space<hbm>> -> memref<1x128x16xf32, #tpu.memory_space<hbm>>
        %dma_start3A_401 = tpu.memref_squeeze %dma_start3A_400 : memref<1x128x16xf32, #tpu.memory_space<hbm>> -> memref<128x16xf32, #tpu.memory_space<hbm>>
        %dma_start3A_402 = arith.constant 0 : i32
        %dma_start3A_403 = arith.constant 0 : i32
        %dma_start3A_404 = tpu.memref_slice %arg5[%add3A_142, %dma_start3A_402, %dma_start3A_403] : memref<256x512x16xf32, #tpu.memory_space<hbm>> -> memref<1x128x16xf32, #tpu.memory_space<hbm>>
        %dma_start3A_405 = tpu.memref_squeeze %dma_start3A_404 : memref<1x128x16xf32, #tpu.memory_space<hbm>> -> memref<128x16xf32, #tpu.memory_space<hbm>>
        %dma_start3A_406 = arith.constant 0 : i32
        %dma_start3A_407 = arith.constant 0 : i32
        %dma_start3A_408 = tpu.memref_slice %arg8[%dma_start3A_406, %dma_start3A_407] : memref<512x16xf32, #tpu.memory_space<vmem>> -> memref<128x16xf32, #tpu.memory_space<vmem>>
        tpu.enqueue_dma source(%dma_start3A_408 : memref<128x16xf32, #tpu.memory_space<vmem>>) target(%dma_start3A_405 : memref<128x16xf32, #tpu.memory_space<hbm>>) target_semaphore(%run_scoped3A : memref<!tpu.dma_semaphore, #tpu.memory_space<semaphore_mem>>)
        %dma_wait3A_409 = arith.constant 0 : i32
        %dma_wait3A_410 = arith.constant 0 : i32
        %dma_wait3A_411 = tpu.memref_slice %arg8[%dma_wait3A_409, %dma_wait3A_410] : memref<512x16xf32, #tpu.memory_space<vmem>> -> memref<128x16xf32, #tpu.memory_space<vmem>>
        %dma_wait3A_412 = arith.constant 0 : i32
        %dma_wait3A_413 = arith.constant 0 : i32
        %dma_wait3A_414 = tpu.memref_slice %arg5[%add3A_142, %dma_wait3A_412, %dma_wait3A_413] : memref<256x512x16xf32, #tpu.memory_space<hbm>> -> memref<1x128x16xf32, #tpu.memory_space<hbm>>
        %dma_wait3A_415 = tpu.memref_squeeze %dma_wait3A_414 : memref<1x128x16xf32, #tpu.memory_space<hbm>> -> memref<128x16xf32, #tpu.memory_space<hbm>>
        %dma_wait3A_416 = arith.constant 0 : i32
        %dma_wait3A_417 = arith.constant 0 : i32
        %dma_wait3A_418 = tpu.memref_slice %arg5[%add3A_142, %dma_wait3A_416, %dma_wait3A_417] : memref<256x512x16xf32, #tpu.memory_space<hbm>> -> memref<1x128x16xf32, #tpu.memory_space<hbm>>
        %dma_wait3A_419 = tpu.memref_squeeze %dma_wait3A_418 : memref<1x128x16xf32, #tpu.memory_space<hbm>> -> memref<128x16xf32, #tpu.memory_space<hbm>>
        %dma_wait3A_420 = arith.constant 0 : i32
        %dma_wait3A_421 = arith.constant 0 : i32
        %dma_wait3A_422 = tpu.memref_slice %arg8[%dma_wait3A_420, %dma_wait3A_421] : memref<512x16xf32, #tpu.memory_space<vmem>> -> memref<128x16xf32, #tpu.memory_space<vmem>>
        tpu.wait_dma2 semaphore(%run_scoped3A : memref<!tpu.dma_semaphore, #tpu.memory_space<semaphore_mem>>) src(%dma_wait3A_422 : memref<128x16xf32, #tpu.memory_space<vmem>>) dst(%dma_wait3A_419 : memref<128x16xf32, #tpu.memory_space<hbm>>)
        tpu.yield
      }) : () -> ()
    } else {
    }
    %gt3A_164 = arith.constant 128 : i32
    %gt3A_165 = arith.cmpi sgt, %scan3A_152, %gt3A_164 : i32
    %convert_element_type3A_166 = arith.extui %gt3A_165 : i1 to i32
    %cond3A_167 = arith.constant 0 : i32
    %cond3A_168 = arith.cmpi ne, %convert_element_type3A_166, %cond3A_167 : i32
    scf.if %cond3A_168 {
      %dma_start3A = arith.constant 128 : i32
      %dma_start3A_381 = arith.constant 0 : i32
      %dma_start3A_382 = tpu.memref_slice %arg8[%dma_start3A, %dma_start3A_381] : memref<512x16xf32, #tpu.memory_space<vmem>> -> memref<128x16xf32, #tpu.memory_space<vmem>>
      %dma_start3A_383 = arith.constant 128 : i32
      %dma_start3A_384 = tpu.memref_slice %arg7[%dma_start3A_383] : memref<528xi32, #tpu.memory_space<vmem>> -> memref<128xi32, #tpu.memory_space<vmem>>
      %dma_start3A_385 = arith.constant 0 : i32
      %dma_start3A_386 = arith.constant 0 : i32
      %dma_start3A_387 = tpu.memref_slice %arg3[%dma_start3A_385, %dma_start3A_386] : memref<8192x16xf32, #tpu.memory_space<hbm>> -> memref<8192x16xf32, #tpu.memory_space<hbm>>
      tpu.enqueue_indirect_dma source(%dma_start3A_387 : memref<8192x16xf32, #tpu.memory_space<hbm>>) target(%dma_start3A_382 : memref<128x16xf32, #tpu.memory_space<vmem>>) offsets(%dma_start3A_384 : memref<128xi32, #tpu.memory_space<vmem>>) semaphore(%arg10 : memref<!tpu.dma_semaphore, #tpu.memory_space<semaphore_mem>>)
      %dma_wait3A = arith.constant 128 : i32
      %dma_wait3A_388 = arith.constant 0 : i32
      %dma_wait3A_389 = tpu.memref_slice %arg8[%dma_wait3A, %dma_wait3A_388] : memref<512x16xf32, #tpu.memory_space<vmem>> -> memref<128x16xf32, #tpu.memory_space<vmem>>
      %dma_wait3A_390 = arith.constant 128 : i32
      %dma_wait3A_391 = tpu.memref_slice %arg7[%dma_wait3A_390] : memref<528xi32, #tpu.memory_space<vmem>> -> memref<128xi32, #tpu.memory_space<vmem>>
      %dma_wait3A_392 = arith.constant 0 : i32
      %dma_wait3A_393 = arith.constant 0 : i32
      %dma_wait3A_394 = tpu.memref_slice %arg3[%dma_wait3A_392, %dma_wait3A_393] : memref<8192x16xf32, #tpu.memory_space<hbm>> -> memref<8192x16xf32, #tpu.memory_space<hbm>>
      tpu.wait_indirect_dma semaphore(%arg10 : memref<!tpu.dma_semaphore, #tpu.memory_space<semaphore_mem>>) src(%dma_wait3A_394 : memref<8192x16xf32, #tpu.memory_space<hbm>>) dst(%dma_wait3A_389 : memref<128x16xf32, #tpu.memory_space<vmem>>)
      "tpu.region"() ({
        %run_scoped3A = tpu.sem_alloc : memref<!tpu.dma_semaphore, #tpu.memory_space<semaphore_mem>>
        %dma_start3A_395 = arith.constant 128 : i32
        %dma_start3A_396 = arith.constant 0 : i32
        %dma_start3A_397 = tpu.memref_slice %arg8[%dma_start3A_395, %dma_start3A_396] : memref<512x16xf32, #tpu.memory_space<vmem>> -> memref<128x16xf32, #tpu.memory_space<vmem>>
        %dma_start3A_398 = arith.constant 128 : i32
        %dma_start3A_399 = arith.constant 0 : i32
        %dma_start3A_400 = tpu.memref_slice %arg5[%add3A_142, %dma_start3A_398, %dma_start3A_399] : memref<256x512x16xf32, #tpu.memory_space<hbm>> -> memref<1x128x16xf32, #tpu.memory_space<hbm>>
        %dma_start3A_401 = tpu.memref_squeeze %dma_start3A_400 : memref<1x128x16xf32, #tpu.memory_space<hbm>> -> memref<128x16xf32, #tpu.memory_space<hbm>>
        %dma_start3A_402 = arith.constant 128 : i32
        %dma_start3A_403 = arith.constant 0 : i32
        %dma_start3A_404 = tpu.memref_slice %arg5[%add3A_142, %dma_start3A_402, %dma_start3A_403] : memref<256x512x16xf32, #tpu.memory_space<hbm>> -> memref<1x128x16xf32, #tpu.memory_space<hbm>>
        %dma_start3A_405 = tpu.memref_squeeze %dma_start3A_404 : memref<1x128x16xf32, #tpu.memory_space<hbm>> -> memref<128x16xf32, #tpu.memory_space<hbm>>
        %dma_start3A_406 = arith.constant 128 : i32
        %dma_start3A_407 = arith.constant 0 : i32
        %dma_start3A_408 = tpu.memref_slice %arg8[%dma_start3A_406, %dma_start3A_407] : memref<512x16xf32, #tpu.memory_space<vmem>> -> memref<128x16xf32, #tpu.memory_space<vmem>>
        tpu.enqueue_dma source(%dma_start3A_408 : memref<128x16xf32, #tpu.memory_space<vmem>>) target(%dma_start3A_405 : memref<128x16xf32, #tpu.memory_space<hbm>>) target_semaphore(%run_scoped3A : memref<!tpu.dma_semaphore, #tpu.memory_space<semaphore_mem>>)
        %dma_wait3A_409 = arith.constant 128 : i32
        %dma_wait3A_410 = arith.constant 0 : i32
        %dma_wait3A_411 = tpu.memref_slice %arg8[%dma_wait3A_409, %dma_wait3A_410] : memref<512x16xf32, #tpu.memory_space<vmem>> -> memref<128x16xf32, #tpu.memory_space<vmem>>
        %dma_wait3A_412 = arith.constant 128 : i32
        %dma_wait3A_413 = arith.constant 0 : i32
        %dma_wait3A_414 = tpu.memref_slice %arg5[%add3A_142, %dma_wait3A_412, %dma_wait3A_413] : memref<256x512x16xf32, #tpu.memory_space<hbm>> -> memref<1x128x16xf32, #tpu.memory_space<hbm>>
        %dma_wait3A_415 = tpu.memref_squeeze %dma_wait3A_414 : memref<1x128x16xf32, #tpu.memory_space<hbm>> -> memref<128x16xf32, #tpu.memory_space<hbm>>
        %dma_wait3A_416 = arith.constant 128 : i32
        %dma_wait3A_417 = arith.constant 0 : i32
        %dma_wait3A_418 = tpu.memref_slice %arg5[%add3A_142, %dma_wait3A_416, %dma_wait3A_417] : memref<256x512x16xf32, #tpu.memory_space<hbm>> -> memref<1x128x16xf32, #tpu.memory_space<hbm>>
        %dma_wait3A_419 = tpu.memref_squeeze %dma_wait3A_418 : memref<1x128x16xf32, #tpu.memory_space<hbm>> -> memref<128x16xf32, #tpu.memory_space<hbm>>
        %dma_wait3A_420 = arith.constant 128 : i32
        %dma_wait3A_421 = arith.constant 0 : i32
        %dma_wait3A_422 = tpu.memref_slice %arg8[%dma_wait3A_420, %dma_wait3A_421] : memref<512x16xf32, #tpu.memory_space<vmem>> -> memref<128x16xf32, #tpu.memory_space<vmem>>
        tpu.wait_dma2 semaphore(%run_scoped3A : memref<!tpu.dma_semaphore, #tpu.memory_space<semaphore_mem>>) src(%dma_wait3A_422 : memref<128x16xf32, #tpu.memory_space<vmem>>) dst(%dma_wait3A_419 : memref<128x16xf32, #tpu.memory_space<hbm>>)
        tpu.yield
      }) : () -> ()
    } else {
    }
    %gt3A_169 = arith.constant 256 : i32
    %gt3A_170 = arith.cmpi sgt, %scan3A_152, %gt3A_169 : i32
    %convert_element_type3A_171 = arith.extui %gt3A_170 : i1 to i32
    %cond3A_172 = arith.constant 0 : i32
    %cond3A_173 = arith.cmpi ne, %convert_element_type3A_171, %cond3A_172 : i32
    scf.if %cond3A_173 {
      %dma_start3A = arith.constant 256 : i32
      %dma_start3A_381 = arith.constant 0 : i32
      %dma_start3A_382 = tpu.memref_slice %arg8[%dma_start3A, %dma_start3A_381] : memref<512x16xf32, #tpu.memory_space<vmem>> -> memref<128x16xf32, #tpu.memory_space<vmem>>
      %dma_start3A_383 = arith.constant 256 : i32
      %dma_start3A_384 = tpu.memref_slice %arg7[%dma_start3A_383] : memref<528xi32, #tpu.memory_space<vmem>> -> memref<128xi32, #tpu.memory_space<vmem>>
      %dma_start3A_385 = arith.constant 0 : i32
      %dma_start3A_386 = arith.constant 0 : i32
      %dma_start3A_387 = tpu.memref_slice %arg3[%dma_start3A_385, %dma_start3A_386] : memref<8192x16xf32, #tpu.memory_space<hbm>> -> memref<8192x16xf32, #tpu.memory_space<hbm>>
      tpu.enqueue_indirect_dma source(%dma_start3A_387 : memref<8192x16xf32, #tpu.memory_space<hbm>>) target(%dma_start3A_382 : memref<128x16xf32, #tpu.memory_space<vmem>>) offsets(%dma_start3A_384 : memref<128xi32, #tpu.memory_space<vmem>>) semaphore(%arg10 : memref<!tpu.dma_semaphore, #tpu.memory_space<semaphore_mem>>)
      %dma_wait3A = arith.constant 256 : i32
      %dma_wait3A_388 = arith.constant 0 : i32
      %dma_wait3A_389 = tpu.memref_slice %arg8[%dma_wait3A, %dma_wait3A_388] : memref<512x16xf32, #tpu.memory_space<vmem>> -> memref<128x16xf32, #tpu.memory_space<vmem>>
      %dma_wait3A_390 = arith.constant 256 : i32
      %dma_wait3A_391 = tpu.memref_slice %arg7[%dma_wait3A_390] : memref<528xi32, #tpu.memory_space<vmem>> -> memref<128xi32, #tpu.memory_space<vmem>>
      %dma_wait3A_392 = arith.constant 0 : i32
      %dma_wait3A_393 = arith.constant 0 : i32
      %dma_wait3A_394 = tpu.memref_slice %arg3[%dma_wait3A_392, %dma_wait3A_393] : memref<8192x16xf32, #tpu.memory_space<hbm>> -> memref<8192x16xf32, #tpu.memory_space<hbm>>
      tpu.wait_indirect_dma semaphore(%arg10 : memref<!tpu.dma_semaphore, #tpu.memory_space<semaphore_mem>>) src(%dma_wait3A_394 : memref<8192x16xf32, #tpu.memory_space<hbm>>) dst(%dma_wait3A_389 : memref<128x16xf32, #tpu.memory_space<vmem>>)
      "tpu.region"() ({
        %run_scoped3A = tpu.sem_alloc : memref<!tpu.dma_semaphore, #tpu.memory_space<semaphore_mem>>
        %dma_start3A_395 = arith.constant 256 : i32
        %dma_start3A_396 = arith.constant 0 : i32
        %dma_start3A_397 = tpu.memref_slice %arg8[%dma_start3A_395, %dma_start3A_396] : memref<512x16xf32, #tpu.memory_space<vmem>> -> memref<128x16xf32, #tpu.memory_space<vmem>>
        %dma_start3A_398 = arith.constant 256 : i32
        %dma_start3A_399 = arith.constant 0 : i32
        %dma_start3A_400 = tpu.memref_slice %arg5[%add3A_142, %dma_start3A_398, %dma_start3A_399] : memref<256x512x16xf32, #tpu.memory_space<hbm>> -> memref<1x128x16xf32, #tpu.memory_space<hbm>>
        %dma_start3A_401 = tpu.memref_squeeze %dma_start3A_400 : memref<1x128x16xf32, #tpu.memory_space<hbm>> -> memref<128x16xf32, #tpu.memory_space<hbm>>
        %dma_start3A_402 = arith.constant 256 : i32
        %dma_start3A_403 = arith.constant 0 : i32
        %dma_start3A_404 = tpu.memref_slice %arg5[%add3A_142, %dma_start3A_402, %dma_start3A_403] : memref<256x512x16xf32, #tpu.memory_space<hbm>> -> memref<1x128x16xf32, #tpu.memory_space<hbm>>
        %dma_start3A_405 = tpu.memref_squeeze %dma_start3A_404 : memref<1x128x16xf32, #tpu.memory_space<hbm>> -> memref<128x16xf32, #tpu.memory_space<hbm>>
        %dma_start3A_406 = arith.constant 256 : i32
        %dma_start3A_407 = arith.constant 0 : i32
        %dma_start3A_408 = tpu.memref_slice %arg8[%dma_start3A_406, %dma_start3A_407] : memref<512x16xf32, #tpu.memory_space<vmem>> -> memref<128x16xf32, #tpu.memory_space<vmem>>
        tpu.enqueue_dma source(%dma_start3A_408 : memref<128x16xf32, #tpu.memory_space<vmem>>) target(%dma_start3A_405 : memref<128x16xf32, #tpu.memory_space<hbm>>) target_semaphore(%run_scoped3A : memref<!tpu.dma_semaphore, #tpu.memory_space<semaphore_mem>>)
        %dma_wait3A_409 = arith.constant 256 : i32
        %dma_wait3A_410 = arith.constant 0 : i32
        %dma_wait3A_411 = tpu.memref_slice %arg8[%dma_wait3A_409, %dma_wait3A_410] : memref<512x16xf32, #tpu.memory_space<vmem>> -> memref<128x16xf32, #tpu.memory_space<vmem>>
        %dma_wait3A_412 = arith.constant 256 : i32
        %dma_wait3A_413 = arith.constant 0 : i32
        %dma_wait3A_414 = tpu.memref_slice %arg5[%add3A_142, %dma_wait3A_412, %dma_wait3A_413] : memref<256x512x16xf32, #tpu.memory_space<hbm>> -> memref<1x128x16xf32, #tpu.memory_space<hbm>>
        %dma_wait3A_415 = tpu.memref_squeeze %dma_wait3A_414 : memref<1x128x16xf32, #tpu.memory_space<hbm>> -> memref<128x16xf32, #tpu.memory_space<hbm>>
        %dma_wait3A_416 = arith.constant 256 : i32
        %dma_wait3A_417 = arith.constant 0 : i32
        %dma_wait3A_418 = tpu.memref_slice %arg5[%add3A_142, %dma_wait3A_416, %dma_wait3A_417] : memref<256x512x16xf32, #tpu.memory_space<hbm>> -> memref<1x128x16xf32, #tpu.memory_space<hbm>>
        %dma_wait3A_419 = tpu.memref_squeeze %dma_wait3A_418 : memref<1x128x16xf32, #tpu.memory_space<hbm>> -> memref<128x16xf32, #tpu.memory_space<hbm>>
        %dma_wait3A_420 = arith.constant 256 : i32
        %dma_wait3A_421 = arith.constant 0 : i32
        %dma_wait3A_422 = tpu.memref_slice %arg8[%dma_wait3A_420, %dma_wait3A_421] : memref<512x16xf32, #tpu.memory_space<vmem>> -> memref<128x16xf32, #tpu.memory_space<vmem>>
        tpu.wait_dma2 semaphore(%run_scoped3A : memref<!tpu.dma_semaphore, #tpu.memory_space<semaphore_mem>>) src(%dma_wait3A_422 : memref<128x16xf32, #tpu.memory_space<vmem>>) dst(%dma_wait3A_419 : memref<128x16xf32, #tpu.memory_space<hbm>>)
        tpu.yield
      }) : () -> ()
    } else {
    }
    %gt3A_174 = arith.constant 384 : i32
    %gt3A_175 = arith.cmpi sgt, %scan3A_152, %gt3A_174 : i32
    %convert_element_type3A_176 = arith.extui %gt3A_175 : i1 to i32
    %cond3A_177 = arith.constant 0 : i32
    %cond3A_178 = arith.cmpi ne, %convert_element_type3A_176, %cond3A_177 : i32
    scf.if %cond3A_178 {
      %dma_start3A = arith.constant 384 : i32
      %dma_start3A_381 = arith.constant 0 : i32
      %dma_start3A_382 = tpu.memref_slice %arg8[%dma_start3A, %dma_start3A_381] : memref<512x16xf32, #tpu.memory_space<vmem>> -> memref<128x16xf32, #tpu.memory_space<vmem>>
      %dma_start3A_383 = arith.constant 384 : i32
      %dma_start3A_384 = tpu.memref_slice %arg7[%dma_start3A_383] : memref<528xi32, #tpu.memory_space<vmem>> -> memref<128xi32, #tpu.memory_space<vmem>>
      %dma_start3A_385 = arith.constant 0 : i32
      %dma_start3A_386 = arith.constant 0 : i32
      %dma_start3A_387 = tpu.memref_slice %arg3[%dma_start3A_385, %dma_start3A_386] : memref<8192x16xf32, #tpu.memory_space<hbm>> -> memref<8192x16xf32, #tpu.memory_space<hbm>>
      tpu.enqueue_indirect_dma source(%dma_start3A_387 : memref<8192x16xf32, #tpu.memory_space<hbm>>) target(%dma_start3A_382 : memref<128x16xf32, #tpu.memory_space<vmem>>) offsets(%dma_start3A_384 : memref<128xi32, #tpu.memory_space<vmem>>) semaphore(%arg10 : memref<!tpu.dma_semaphore, #tpu.memory_space<semaphore_mem>>)
      %dma_wait3A = arith.constant 384 : i32
      %dma_wait3A_388 = arith.constant 0 : i32
      %dma_wait3A_389 = tpu.memref_slice %arg8[%dma_wait3A, %dma_wait3A_388] : memref<512x16xf32, #tpu.memory_space<vmem>> -> memref<128x16xf32, #tpu.memory_space<vmem>>
      %dma_wait3A_390 = arith.constant 384 : i32
      %dma_wait3A_391 = tpu.memref_slice %arg7[%dma_wait3A_390] : memref<528xi32, #tpu.memory_space<vmem>> -> memref<128xi32, #tpu.memory_space<vmem>>
      %dma_wait3A_392 = arith.constant 0 : i32
      %dma_wait3A_393 = arith.constant 0 : i32
      %dma_wait3A_394 = tpu.memref_slice %arg3[%dma_wait3A_392, %dma_wait3A_393] : memref<8192x16xf32, #tpu.memory_space<hbm>> -> memref<8192x16xf32, #tpu.memory_space<hbm>>
      tpu.wait_indirect_dma semaphore(%arg10 : memref<!tpu.dma_semaphore, #tpu.memory_space<semaphore_mem>>) src(%dma_wait3A_394 : memref<8192x16xf32, #tpu.memory_space<hbm>>) dst(%dma_wait3A_389 : memref<128x16xf32, #tpu.memory_space<vmem>>)
      "tpu.region"() ({
        %run_scoped3A = tpu.sem_alloc : memref<!tpu.dma_semaphore, #tpu.memory_space<semaphore_mem>>
        %dma_start3A_395 = arith.constant 384 : i32
        %dma_start3A_396 = arith.constant 0 : i32
        %dma_start3A_397 = tpu.memref_slice %arg8[%dma_start3A_395, %dma_start3A_396] : memref<512x16xf32, #tpu.memory_space<vmem>> -> memref<128x16xf32, #tpu.memory_space<vmem>>
        %dma_start3A_398 = arith.constant 384 : i32
        %dma_start3A_399 = arith.constant 0 : i32
        %dma_start3A_400 = tpu.memref_slice %arg5[%add3A_142, %dma_start3A_398, %dma_start3A_399] : memref<256x512x16xf32, #tpu.memory_space<hbm>> -> memref<1x128x16xf32, #tpu.memory_space<hbm>>
        %dma_start3A_401 = tpu.memref_squeeze %dma_start3A_400 : memref<1x128x16xf32, #tpu.memory_space<hbm>> -> memref<128x16xf32, #tpu.memory_space<hbm>>
        %dma_start3A_402 = arith.constant 384 : i32
        %dma_start3A_403 = arith.constant 0 : i32
        %dma_start3A_404 = tpu.memref_slice %arg5[%add3A_142, %dma_start3A_402, %dma_start3A_403] : memref<256x512x16xf32, #tpu.memory_space<hbm>> -> memref<1x128x16xf32, #tpu.memory_space<hbm>>
        %dma_start3A_405 = tpu.memref_squeeze %dma_start3A_404 : memref<1x128x16xf32, #tpu.memory_space<hbm>> -> memref<128x16xf32, #tpu.memory_space<hbm>>
        %dma_start3A_406 = arith.constant 384 : i32
        %dma_start3A_407 = arith.constant 0 : i32
        %dma_start3A_408 = tpu.memref_slice %arg8[%dma_start3A_406, %dma_start3A_407] : memref<512x16xf32, #tpu.memory_space<vmem>> -> memref<128x16xf32, #tpu.memory_space<vmem>>
        tpu.enqueue_dma source(%dma_start3A_408 : memref<128x16xf32, #tpu.memory_space<vmem>>) target(%dma_start3A_405 : memref<128x16xf32, #tpu.memory_space<hbm>>) target_semaphore(%run_scoped3A : memref<!tpu.dma_semaphore, #tpu.memory_space<semaphore_mem>>)
        %dma_wait3A_409 = arith.constant 384 : i32
        %dma_wait3A_410 = arith.constant 0 : i32
        %dma_wait3A_411 = tpu.memref_slice %arg8[%dma_wait3A_409, %dma_wait3A_410] : memref<512x16xf32, #tpu.memory_space<vmem>> -> memref<128x16xf32, #tpu.memory_space<vmem>>
        %dma_wait3A_412 = arith.constant 384 : i32
        %dma_wait3A_413 = arith.constant 0 : i32
        %dma_wait3A_414 = tpu.memref_slice %arg5[%add3A_142, %dma_wait3A_412, %dma_wait3A_413] : memref<256x512x16xf32, #tpu.memory_space<hbm>> -> memref<1x128x16xf32, #tpu.memory_space<hbm>>
        %dma_wait3A_415 = tpu.memref_squeeze %dma_wait3A_414 : memref<1x128x16xf32, #tpu.memory_space<hbm>> -> memref<128x16xf32, #tpu.memory_space<hbm>>
        %dma_wait3A_416 = arith.constant 384 : i32
        %dma_wait3A_417 = arith.constant 0 : i32
        %dma_wait3A_418 = tpu.memref_slice %arg5[%add3A_142, %dma_wait3A_416, %dma_wait3A_417] : memref<256x512x16xf32, #tpu.memory_space<hbm>> -> memref<1x128x16xf32, #tpu.memory_space<hbm>>
        %dma_wait3A_419 = tpu.memref_squeeze %dma_wait3A_418 : memref<1x128x16xf32, #tpu.memory_space<hbm>> -> memref<128x16xf32, #tpu.memory_space<hbm>>
        %dma_wait3A_420 = arith.constant 384 : i32
        %dma_wait3A_421 = arith.constant 0 : i32
        %dma_wait3A_422 = tpu.memref_slice %arg8[%dma_wait3A_420, %dma_wait3A_421] : memref<512x16xf32, #tpu.memory_space<vmem>> -> memref<128x16xf32, #tpu.memory_space<vmem>>
        tpu.wait_dma2 semaphore(%run_scoped3A : memref<!tpu.dma_semaphore, #tpu.memory_space<semaphore_mem>>) src(%dma_wait3A_422 : memref<128x16xf32, #tpu.memory_space<vmem>>) dst(%dma_wait3A_419 : memref<128x16xf32, #tpu.memory_space<hbm>>)
        tpu.yield
      }) : () -> ()
    } else {
    }
    %mul3A_179 = arith.constant 8 : i32
    %mul3A_180 = arith.muli %add3A, %mul3A_179 : i32
    %add3A_181 = arith.constant 3 : i32
    %add3A_182 = arith.addi %mul3A_180, %add3A_181 : i32
    %rem3A_183 = arith.constant 16 : i32
    %rem3A_184 = arith.remsi %add3A_182, %rem3A_183 : i32
    %div3A_185 = arith.constant 16 : i32
    %div3A_186 = arith.divsi %add3A_182, %div3A_185 : i32
    %scan3A_187 = arith.constant 0 : i32
    %scan3A_188 = arith.constant 0 : i32
    %scan3A_189 = arith.constant 512 : i32
    %scan3A_190 = arith.addi %scan3A_188, %scan3A_189 : i32
    %scan3A_191 = arith.constant 1 : i32
    %scan3A_192 = scf.for %scan3A_381 = %scan3A_188 to %scan3A_190 step %scan3A_191 iter_args(%scan3A_382 = %scan3A_187) -> (i32)  : i32 {
      %mul3A_383 = arith.constant 16 : i32
      %mul3A_384 = arith.muli %scan3A_381, %mul3A_383 : i32
      %get3A = arith.constant 0 : i32
      %get3A_385 = arith.index_cast %get3A : i32 to index
      %get3A_386 = arith.index_cast %mul3A_384 : i32 to index
      %get3A_387 = tpu.vector_load %arg6[%get3A_385, %get3A_386] {strides = array<i32>} : memref<4x8192xi32, #tpu.memory_space<vmem>>, vector<16xi32>,
      %mul3A_388 = arith.constant 16 : i32
      %mul3A_389 = arith.muli %scan3A_381, %mul3A_388 : i32
      %get3A_390 = arith.constant 1 : i32
      %get3A_391 = arith.index_cast %get3A_390 : i32 to index
      %get3A_392 = arith.index_cast %mul3A_389 : i32 to index
      %get3A_393 = tpu.vector_load %arg6[%get3A_391, %get3A_392] {strides = array<i32>} : memref<4x8192xi32, #tpu.memory_space<vmem>>, vector<16xi32>,
      %mul3A_394 = arith.constant 16 : i32
      %mul3A_395 = arith.muli %scan3A_381, %mul3A_394 : i32
      %get3A_396 = arith.constant 2 : i32
      %get3A_397 = arith.index_cast %get3A_396 : i32 to index
      %get3A_398 = arith.index_cast %mul3A_395 : i32 to index
      %get3A_399 = tpu.vector_load %arg6[%get3A_397, %get3A_398] {strides = array<i32>} : memref<4x8192xi32, #tpu.memory_space<vmem>>, vector<16xi32>,
      %mul3A_400 = arith.constant 16 : i32
      %mul3A_401 = arith.muli %scan3A_381, %mul3A_400 : i32
      %get3A_402 = arith.constant 3 : i32
      %get3A_403 = arith.index_cast %get3A_402 : i32 to index
      %get3A_404 = arith.index_cast %mul3A_401 : i32 to index
      %get3A_405 = tpu.vector_load %arg6[%get3A_403, %get3A_404] {strides = array<i32>} : memref<4x8192xi32, #tpu.memory_space<vmem>>, vector<16xi32>,
      %le3A = vector.broadcast %rem3A_184 : i32 to vector<16xi32>
      %le3A_406 = arith.cmpi sle, %get3A_387, %le3A : vector<16xi32>
      %le3A_407 = vector.broadcast %rem3A_184 : i32 to vector<16xi32>
      %le3A_408 = arith.cmpi sle, %le3A_407, %get3A_393 : vector<16xi32>
      %and3A = arith.andi %le3A_406, %le3A_408 : vector<16xi1>
      %le3A_409 = vector.broadcast %div3A_186 : i32 to vector<16xi32>
      %le3A_410 = arith.cmpi sle, %get3A_399, %le3A_409 : vector<16xi32>
      %and3A_411 = arith.andi %and3A, %le3A_410 : vector<16xi1>
      %le3A_412 = vector.broadcast %div3A_186 : i32 to vector<16xi32>
      %le3A_413 = arith.cmpi sle, %le3A_412, %get3A_405 : vector<16xi32>
      %and3A_414 = arith.andi %and3A_411, %le3A_413 : vector<16xi1>
      %all_reduce_population_count3A = tpu.all_reduce %and3A_414 {dim = 0 : i64, kind = #tpu.reduction_kind<sum>} : vector<16xi1> -> vector<16xi32>
      %reduce_max3A = arith.constant true
      %reduce_max3A_415 = vector.broadcast %reduce_max3A : i1 to vector<16xi1>
      %reduce_max3A_416 = arith.constant -2147483648 : i32
      %reduce_max3A_417 = vector.broadcast %reduce_max3A_416 : i32 to vector<16xi32>
      %reduce_max3A_418 = arith.xori %all_reduce_population_count3A, %reduce_max3A_417 : vector<16xi32>
      %reduce_max3A_419 = tpu.scan <max>, %reduce_max3A_418 masked %reduce_max3A_415 : vector<16xi32>, vector<16xi1> -> vector<16xi32>
      %reduce_max3A_420 = arith.xori %reduce_max3A_419, %reduce_max3A_417 : vector<16xi32>
      %reduce_max3A_421 = vector.extract %reduce_max3A_420[15] : i32 from vector<16xi32>
      %gt3A_422 = arith.constant 0 : i32
      %gt3A_423 = arith.cmpi sgt, %reduce_max3A_421, %gt3A_422 : i32
      %convert_element_type3A_424 = arith.extui %gt3A_423 : i1 to i32
      %cond3A_425 = arith.constant 0 : i32
      %cond3A_426 = arith.cmpi ne, %convert_element_type3A_424, %cond3A_425 : i32
      %cond3A_427 = scf.if %cond3A_426 -> (i32) {
        %convert_element_type3A_428 = arith.extui %and3A_414 : vector<16xi1> to vector<16xi32>
        %broadcast_in_dim3A_429 = arith.constant true
        %broadcast_in_dim3A_430 = vector.broadcast %broadcast_in_dim3A_429 : i1 to vector<16xi1>
        %masked_cumsum3A = tpu.scan <sum>, %convert_element_type3A_428 masked %broadcast_in_dim3A_430 : vector<16xi32>, vector<16xi1> -> vector<16xi32>
        %min3A = arith.constant 512 : i32
        %min3A_431 = arith.minsi %scan3A_382, %min3A : i32
        %add3A_432 = vector.broadcast %min3A_431 : i32 to vector<16xi32>
        %add3A_433 = arith.addi %add3A_432, %masked_cumsum3A : vector<16xi32>
        %sub3A = arith.constant 1 : i32
        %sub3A_434 = vector.broadcast %sub3A : i32 to vector<16xi32>
        %sub3A_435 = arith.subi %add3A_433, %sub3A_434 : vector<16xi32>
        %mul3A_436 = arith.constant 16 : i32
        %mul3A_437 = arith.muli %scan3A_381, %mul3A_436 : i32
        %add3A_438 = vector.broadcast %mul3A_437 : i32 to vector<16xi32>
        %add3A_439 = arith.addi %add3A_438, %iota3A : vector<16xi32>
        tpu.vector_store_idx %arg7[%sub3A_435], %add3A_439 masked %and3A_414 : memref<528xi32, #tpu.memory_space<vmem>>[vector<16xi32>], vector<16xi32>, vector<16xi1>
        %add3A_440 = arith.addi %scan3A_382, %reduce_max3A_421 : i32
        scf.yield %add3A_440 : i32
      } else {
        scf.yield %scan3A_382 : i32
      }
      scf.yield %cond3A_427 : i32
    }
    %scan3A_193 = arith.constant 512 : i32
    %eq3A_194 = arith.constant 3 : i32
    %eq3A_195 = vector.broadcast %eq3A_194 : i32 to vector<16xi32>
    %eq3A_196 = arith.cmpi eq, %iota3A, %eq3A_195 : vector<16xi32>
    %broadcast_in_dim3A_197 = vector.broadcast %scan3A_192 : i32 to vector<16xi32>
    %select_n3A_198 = arith.select %eq3A_196, %broadcast_in_dim3A_197, %select_n3A_158 : vector<16xi1>, vector<16xi32>
    %gt3A_199 = arith.constant 0 : i32
    %gt3A_200 = arith.cmpi sgt, %scan3A_192, %gt3A_199 : i32
    %convert_element_type3A_201 = arith.extui %gt3A_200 : i1 to i32
    %cond3A_202 = arith.constant 0 : i32
    %cond3A_203 = arith.cmpi ne, %convert_element_type3A_201, %cond3A_202 : i32
    scf.if %cond3A_203 {
      %dma_start3A = arith.constant 0 : i32
      %dma_start3A_381 = arith.constant 0 : i32
      %dma_start3A_382 = tpu.memref_slice %arg8[%dma_start3A, %dma_start3A_381] : memref<512x16xf32, #tpu.memory_space<vmem>> -> memref<128x16xf32, #tpu.memory_space<vmem>>
      %dma_start3A_383 = arith.constant 0 : i32
      %dma_start3A_384 = tpu.memref_slice %arg7[%dma_start3A_383] : memref<528xi32, #tpu.memory_space<vmem>> -> memref<128xi32, #tpu.memory_space<vmem>>
      %dma_start3A_385 = arith.constant 0 : i32
      %dma_start3A_386 = arith.constant 0 : i32
      %dma_start3A_387 = tpu.memref_slice %arg3[%dma_start3A_385, %dma_start3A_386] : memref<8192x16xf32, #tpu.memory_space<hbm>> -> memref<8192x16xf32, #tpu.memory_space<hbm>>
      tpu.enqueue_indirect_dma source(%dma_start3A_387 : memref<8192x16xf32, #tpu.memory_space<hbm>>) target(%dma_start3A_382 : memref<128x16xf32, #tpu.memory_space<vmem>>) offsets(%dma_start3A_384 : memref<128xi32, #tpu.memory_space<vmem>>) semaphore(%arg10 : memref<!tpu.dma_semaphore, #tpu.memory_space<semaphore_mem>>)
      %dma_wait3A = arith.constant 0 : i32
      %dma_wait3A_388 = arith.constant 0 : i32
      %dma_wait3A_389 = tpu.memref_slice %arg8[%dma_wait3A, %dma_wait3A_388] : memref<512x16xf32, #tpu.memory_space<vmem>> -> memref<128x16xf32, #tpu.memory_space<vmem>>
      %dma_wait3A_390 = arith.constant 0 : i32
      %dma_wait3A_391 = tpu.memref_slice %arg7[%dma_wait3A_390] : memref<528xi32, #tpu.memory_space<vmem>> -> memref<128xi32, #tpu.memory_space<vmem>>
      %dma_wait3A_392 = arith.constant 0 : i32
      %dma_wait3A_393 = arith.constant 0 : i32
      %dma_wait3A_394 = tpu.memref_slice %arg3[%dma_wait3A_392, %dma_wait3A_393] : memref<8192x16xf32, #tpu.memory_space<hbm>> -> memref<8192x16xf32, #tpu.memory_space<hbm>>
      tpu.wait_indirect_dma semaphore(%arg10 : memref<!tpu.dma_semaphore, #tpu.memory_space<semaphore_mem>>) src(%dma_wait3A_394 : memref<8192x16xf32, #tpu.memory_space<hbm>>) dst(%dma_wait3A_389 : memref<128x16xf32, #tpu.memory_space<vmem>>)
      "tpu.region"() ({
        %run_scoped3A = tpu.sem_alloc : memref<!tpu.dma_semaphore, #tpu.memory_space<semaphore_mem>>
        %dma_start3A_395 = arith.constant 0 : i32
        %dma_start3A_396 = arith.constant 0 : i32
        %dma_start3A_397 = tpu.memref_slice %arg8[%dma_start3A_395, %dma_start3A_396] : memref<512x16xf32, #tpu.memory_space<vmem>> -> memref<128x16xf32, #tpu.memory_space<vmem>>
        %dma_start3A_398 = arith.constant 0 : i32
        %dma_start3A_399 = arith.constant 0 : i32
        %dma_start3A_400 = tpu.memref_slice %arg5[%add3A_182, %dma_start3A_398, %dma_start3A_399] : memref<256x512x16xf32, #tpu.memory_space<hbm>> -> memref<1x128x16xf32, #tpu.memory_space<hbm>>
        %dma_start3A_401 = tpu.memref_squeeze %dma_start3A_400 : memref<1x128x16xf32, #tpu.memory_space<hbm>> -> memref<128x16xf32, #tpu.memory_space<hbm>>
        %dma_start3A_402 = arith.constant 0 : i32
        %dma_start3A_403 = arith.constant 0 : i32
        %dma_start3A_404 = tpu.memref_slice %arg5[%add3A_182, %dma_start3A_402, %dma_start3A_403] : memref<256x512x16xf32, #tpu.memory_space<hbm>> -> memref<1x128x16xf32, #tpu.memory_space<hbm>>
        %dma_start3A_405 = tpu.memref_squeeze %dma_start3A_404 : memref<1x128x16xf32, #tpu.memory_space<hbm>> -> memref<128x16xf32, #tpu.memory_space<hbm>>
        %dma_start3A_406 = arith.constant 0 : i32
        %dma_start3A_407 = arith.constant 0 : i32
        %dma_start3A_408 = tpu.memref_slice %arg8[%dma_start3A_406, %dma_start3A_407] : memref<512x16xf32, #tpu.memory_space<vmem>> -> memref<128x16xf32, #tpu.memory_space<vmem>>
        tpu.enqueue_dma source(%dma_start3A_408 : memref<128x16xf32, #tpu.memory_space<vmem>>) target(%dma_start3A_405 : memref<128x16xf32, #tpu.memory_space<hbm>>) target_semaphore(%run_scoped3A : memref<!tpu.dma_semaphore, #tpu.memory_space<semaphore_mem>>)
        %dma_wait3A_409 = arith.constant 0 : i32
        %dma_wait3A_410 = arith.constant 0 : i32
        %dma_wait3A_411 = tpu.memref_slice %arg8[%dma_wait3A_409, %dma_wait3A_410] : memref<512x16xf32, #tpu.memory_space<vmem>> -> memref<128x16xf32, #tpu.memory_space<vmem>>
        %dma_wait3A_412 = arith.constant 0 : i32
        %dma_wait3A_413 = arith.constant 0 : i32
        %dma_wait3A_414 = tpu.memref_slice %arg5[%add3A_182, %dma_wait3A_412, %dma_wait3A_413] : memref<256x512x16xf32, #tpu.memory_space<hbm>> -> memref<1x128x16xf32, #tpu.memory_space<hbm>>
        %dma_wait3A_415 = tpu.memref_squeeze %dma_wait3A_414 : memref<1x128x16xf32, #tpu.memory_space<hbm>> -> memref<128x16xf32, #tpu.memory_space<hbm>>
        %dma_wait3A_416 = arith.constant 0 : i32
        %dma_wait3A_417 = arith.constant 0 : i32
        %dma_wait3A_418 = tpu.memref_slice %arg5[%add3A_182, %dma_wait3A_416, %dma_wait3A_417] : memref<256x512x16xf32, #tpu.memory_space<hbm>> -> memref<1x128x16xf32, #tpu.memory_space<hbm>>
        %dma_wait3A_419 = tpu.memref_squeeze %dma_wait3A_418 : memref<1x128x16xf32, #tpu.memory_space<hbm>> -> memref<128x16xf32, #tpu.memory_space<hbm>>
        %dma_wait3A_420 = arith.constant 0 : i32
        %dma_wait3A_421 = arith.constant 0 : i32
        %dma_wait3A_422 = tpu.memref_slice %arg8[%dma_wait3A_420, %dma_wait3A_421] : memref<512x16xf32, #tpu.memory_space<vmem>> -> memref<128x16xf32, #tpu.memory_space<vmem>>
        tpu.wait_dma2 semaphore(%run_scoped3A : memref<!tpu.dma_semaphore, #tpu.memory_space<semaphore_mem>>) src(%dma_wait3A_422 : memref<128x16xf32, #tpu.memory_space<vmem>>) dst(%dma_wait3A_419 : memref<128x16xf32, #tpu.memory_space<hbm>>)
        tpu.yield
      }) : () -> ()
    } else {
    }
    %gt3A_204 = arith.constant 128 : i32
    %gt3A_205 = arith.cmpi sgt, %scan3A_192, %gt3A_204 : i32
    %convert_element_type3A_206 = arith.extui %gt3A_205 : i1 to i32
    %cond3A_207 = arith.constant 0 : i32
    %cond3A_208 = arith.cmpi ne, %convert_element_type3A_206, %cond3A_207 : i32
    scf.if %cond3A_208 {
      %dma_start3A = arith.constant 128 : i32
      %dma_start3A_381 = arith.constant 0 : i32
      %dma_start3A_382 = tpu.memref_slice %arg8[%dma_start3A, %dma_start3A_381] : memref<512x16xf32, #tpu.memory_space<vmem>> -> memref<128x16xf32, #tpu.memory_space<vmem>>
      %dma_start3A_383 = arith.constant 128 : i32
      %dma_start3A_384 = tpu.memref_slice %arg7[%dma_start3A_383] : memref<528xi32, #tpu.memory_space<vmem>> -> memref<128xi32, #tpu.memory_space<vmem>>
      %dma_start3A_385 = arith.constant 0 : i32
      %dma_start3A_386 = arith.constant 0 : i32
      %dma_start3A_387 = tpu.memref_slice %arg3[%dma_start3A_385, %dma_start3A_386] : memref<8192x16xf32, #tpu.memory_space<hbm>> -> memref<8192x16xf32, #tpu.memory_space<hbm>>
      tpu.enqueue_indirect_dma source(%dma_start3A_387 : memref<8192x16xf32, #tpu.memory_space<hbm>>) target(%dma_start3A_382 : memref<128x16xf32, #tpu.memory_space<vmem>>) offsets(%dma_start3A_384 : memref<128xi32, #tpu.memory_space<vmem>>) semaphore(%arg10 : memref<!tpu.dma_semaphore, #tpu.memory_space<semaphore_mem>>)
      %dma_wait3A = arith.constant 128 : i32
      %dma_wait3A_388 = arith.constant 0 : i32
      %dma_wait3A_389 = tpu.memref_slice %arg8[%dma_wait3A, %dma_wait3A_388] : memref<512x16xf32, #tpu.memory_space<vmem>> -> memref<128x16xf32, #tpu.memory_space<vmem>>
      %dma_wait3A_390 = arith.constant 128 : i32
      %dma_wait3A_391 = tpu.memref_slice %arg7[%dma_wait3A_390] : memref<528xi32, #tpu.memory_space<vmem>> -> memref<128xi32, #tpu.memory_space<vmem>>
      %dma_wait3A_392 = arith.constant 0 : i32
      %dma_wait3A_393 = arith.constant 0 : i32
      %dma_wait3A_394 = tpu.memref_slice %arg3[%dma_wait3A_392, %dma_wait3A_393] : memref<8192x16xf32, #tpu.memory_space<hbm>> -> memref<8192x16xf32, #tpu.memory_space<hbm>>
      tpu.wait_indirect_dma semaphore(%arg10 : memref<!tpu.dma_semaphore, #tpu.memory_space<semaphore_mem>>) src(%dma_wait3A_394 : memref<8192x16xf32, #tpu.memory_space<hbm>>) dst(%dma_wait3A_389 : memref<128x16xf32, #tpu.memory_space<vmem>>)
      "tpu.region"() ({
        %run_scoped3A = tpu.sem_alloc : memref<!tpu.dma_semaphore, #tpu.memory_space<semaphore_mem>>
        %dma_start3A_395 = arith.constant 128 : i32
        %dma_start3A_396 = arith.constant 0 : i32
        %dma_start3A_397 = tpu.memref_slice %arg8[%dma_start3A_395, %dma_start3A_396] : memref<512x16xf32, #tpu.memory_space<vmem>> -> memref<128x16xf32, #tpu.memory_space<vmem>>
        %dma_start3A_398 = arith.constant 128 : i32
        %dma_start3A_399 = arith.constant 0 : i32
        %dma_start3A_400 = tpu.memref_slice %arg5[%add3A_182, %dma_start3A_398, %dma_start3A_399] : memref<256x512x16xf32, #tpu.memory_space<hbm>> -> memref<1x128x16xf32, #tpu.memory_space<hbm>>
        %dma_start3A_401 = tpu.memref_squeeze %dma_start3A_400 : memref<1x128x16xf32, #tpu.memory_space<hbm>> -> memref<128x16xf32, #tpu.memory_space<hbm>>
        %dma_start3A_402 = arith.constant 128 : i32
        %dma_start3A_403 = arith.constant 0 : i32
        %dma_start3A_404 = tpu.memref_slice %arg5[%add3A_182, %dma_start3A_402, %dma_start3A_403] : memref<256x512x16xf32, #tpu.memory_space<hbm>> -> memref<1x128x16xf32, #tpu.memory_space<hbm>>
        %dma_start3A_405 = tpu.memref_squeeze %dma_start3A_404 : memref<1x128x16xf32, #tpu.memory_space<hbm>> -> memref<128x16xf32, #tpu.memory_space<hbm>>
        %dma_start3A_406 = arith.constant 128 : i32
        %dma_start3A_407 = arith.constant 0 : i32
        %dma_start3A_408 = tpu.memref_slice %arg8[%dma_start3A_406, %dma_start3A_407] : memref<512x16xf32, #tpu.memory_space<vmem>> -> memref<128x16xf32, #tpu.memory_space<vmem>>
        tpu.enqueue_dma source(%dma_start3A_408 : memref<128x16xf32, #tpu.memory_space<vmem>>) target(%dma_start3A_405 : memref<128x16xf32, #tpu.memory_space<hbm>>) target_semaphore(%run_scoped3A : memref<!tpu.dma_semaphore, #tpu.memory_space<semaphore_mem>>)
        %dma_wait3A_409 = arith.constant 128 : i32
        %dma_wait3A_410 = arith.constant 0 : i32
        %dma_wait3A_411 = tpu.memref_slice %arg8[%dma_wait3A_409, %dma_wait3A_410] : memref<512x16xf32, #tpu.memory_space<vmem>> -> memref<128x16xf32, #tpu.memory_space<vmem>>
        %dma_wait3A_412 = arith.constant 128 : i32
        %dma_wait3A_413 = arith.constant 0 : i32
        %dma_wait3A_414 = tpu.memref_slice %arg5[%add3A_182, %dma_wait3A_412, %dma_wait3A_413] : memref<256x512x16xf32, #tpu.memory_space<hbm>> -> memref<1x128x16xf32, #tpu.memory_space<hbm>>
        %dma_wait3A_415 = tpu.memref_squeeze %dma_wait3A_414 : memref<1x128x16xf32, #tpu.memory_space<hbm>> -> memref<128x16xf32, #tpu.memory_space<hbm>>
        %dma_wait3A_416 = arith.constant 128 : i32
        %dma_wait3A_417 = arith.constant 0 : i32
        %dma_wait3A_418 = tpu.memref_slice %arg5[%add3A_182, %dma_wait3A_416, %dma_wait3A_417] : memref<256x512x16xf32, #tpu.memory_space<hbm>> -> memref<1x128x16xf32, #tpu.memory_space<hbm>>
        %dma_wait3A_419 = tpu.memref_squeeze %dma_wait3A_418 : memref<1x128x16xf32, #tpu.memory_space<hbm>> -> memref<128x16xf32, #tpu.memory_space<hbm>>
        %dma_wait3A_420 = arith.constant 128 : i32
        %dma_wait3A_421 = arith.constant 0 : i32
        %dma_wait3A_422 = tpu.memref_slice %arg8[%dma_wait3A_420, %dma_wait3A_421] : memref<512x16xf32, #tpu.memory_space<vmem>> -> memref<128x16xf32, #tpu.memory_space<vmem>>
        tpu.wait_dma2 semaphore(%run_scoped3A : memref<!tpu.dma_semaphore, #tpu.memory_space<semaphore_mem>>) src(%dma_wait3A_422 : memref<128x16xf32, #tpu.memory_space<vmem>>) dst(%dma_wait3A_419 : memref<128x16xf32, #tpu.memory_space<hbm>>)
        tpu.yield
      }) : () -> ()
    } else {
    }
    %gt3A_209 = arith.constant 256 : i32
    %gt3A_210 = arith.cmpi sgt, %scan3A_192, %gt3A_209 : i32
    %convert_element_type3A_211 = arith.extui %gt3A_210 : i1 to i32
    %cond3A_212 = arith.constant 0 : i32
    %cond3A_213 = arith.cmpi ne, %convert_element_type3A_211, %cond3A_212 : i32
    scf.if %cond3A_213 {
      %dma_start3A = arith.constant 256 : i32
      %dma_start3A_381 = arith.constant 0 : i32
      %dma_start3A_382 = tpu.memref_slice %arg8[%dma_start3A, %dma_start3A_381] : memref<512x16xf32, #tpu.memory_space<vmem>> -> memref<128x16xf32, #tpu.memory_space<vmem>>
      %dma_start3A_383 = arith.constant 256 : i32
      %dma_start3A_384 = tpu.memref_slice %arg7[%dma_start3A_383] : memref<528xi32, #tpu.memory_space<vmem>> -> memref<128xi32, #tpu.memory_space<vmem>>
      %dma_start3A_385 = arith.constant 0 : i32
      %dma_start3A_386 = arith.constant 0 : i32
      %dma_start3A_387 = tpu.memref_slice %arg3[%dma_start3A_385, %dma_start3A_386] : memref<8192x16xf32, #tpu.memory_space<hbm>> -> memref<8192x16xf32, #tpu.memory_space<hbm>>
      tpu.enqueue_indirect_dma source(%dma_start3A_387 : memref<8192x16xf32, #tpu.memory_space<hbm>>) target(%dma_start3A_382 : memref<128x16xf32, #tpu.memory_space<vmem>>) offsets(%dma_start3A_384 : memref<128xi32, #tpu.memory_space<vmem>>) semaphore(%arg10 : memref<!tpu.dma_semaphore, #tpu.memory_space<semaphore_mem>>)
      %dma_wait3A = arith.constant 256 : i32
      %dma_wait3A_388 = arith.constant 0 : i32
      %dma_wait3A_389 = tpu.memref_slice %arg8[%dma_wait3A, %dma_wait3A_388] : memref<512x16xf32, #tpu.memory_space<vmem>> -> memref<128x16xf32, #tpu.memory_space<vmem>>
      %dma_wait3A_390 = arith.constant 256 : i32
      %dma_wait3A_391 = tpu.memref_slice %arg7[%dma_wait3A_390] : memref<528xi32, #tpu.memory_space<vmem>> -> memref<128xi32, #tpu.memory_space<vmem>>
      %dma_wait3A_392 = arith.constant 0 : i32
      %dma_wait3A_393 = arith.constant 0 : i32
      %dma_wait3A_394 = tpu.memref_slice %arg3[%dma_wait3A_392, %dma_wait3A_393] : memref<8192x16xf32, #tpu.memory_space<hbm>> -> memref<8192x16xf32, #tpu.memory_space<hbm>>
      tpu.wait_indirect_dma semaphore(%arg10 : memref<!tpu.dma_semaphore, #tpu.memory_space<semaphore_mem>>) src(%dma_wait3A_394 : memref<8192x16xf32, #tpu.memory_space<hbm>>) dst(%dma_wait3A_389 : memref<128x16xf32, #tpu.memory_space<vmem>>)
      "tpu.region"() ({
        %run_scoped3A = tpu.sem_alloc : memref<!tpu.dma_semaphore, #tpu.memory_space<semaphore_mem>>
        %dma_start3A_395 = arith.constant 256 : i32
        %dma_start3A_396 = arith.constant 0 : i32
        %dma_start3A_397 = tpu.memref_slice %arg8[%dma_start3A_395, %dma_start3A_396] : memref<512x16xf32, #tpu.memory_space<vmem>> -> memref<128x16xf32, #tpu.memory_space<vmem>>
        %dma_start3A_398 = arith.constant 256 : i32
        %dma_start3A_399 = arith.constant 0 : i32
        %dma_start3A_400 = tpu.memref_slice %arg5[%add3A_182, %dma_start3A_398, %dma_start3A_399] : memref<256x512x16xf32, #tpu.memory_space<hbm>> -> memref<1x128x16xf32, #tpu.memory_space<hbm>>
        %dma_start3A_401 = tpu.memref_squeeze %dma_start3A_400 : memref<1x128x16xf32, #tpu.memory_space<hbm>> -> memref<128x16xf32, #tpu.memory_space<hbm>>
        %dma_start3A_402 = arith.constant 256 : i32
        %dma_start3A_403 = arith.constant 0 : i32
        %dma_start3A_404 = tpu.memref_slice %arg5[%add3A_182, %dma_start3A_402, %dma_start3A_403] : memref<256x512x16xf32, #tpu.memory_space<hbm>> -> memref<1x128x16xf32, #tpu.memory_space<hbm>>
        %dma_start3A_405 = tpu.memref_squeeze %dma_start3A_404 : memref<1x128x16xf32, #tpu.memory_space<hbm>> -> memref<128x16xf32, #tpu.memory_space<hbm>>
        %dma_start3A_406 = arith.constant 256 : i32
        %dma_start3A_407 = arith.constant 0 : i32
        %dma_start3A_408 = tpu.memref_slice %arg8[%dma_start3A_406, %dma_start3A_407] : memref<512x16xf32, #tpu.memory_space<vmem>> -> memref<128x16xf32, #tpu.memory_space<vmem>>
        tpu.enqueue_dma source(%dma_start3A_408 : memref<128x16xf32, #tpu.memory_space<vmem>>) target(%dma_start3A_405 : memref<128x16xf32, #tpu.memory_space<hbm>>) target_semaphore(%run_scoped3A : memref<!tpu.dma_semaphore, #tpu.memory_space<semaphore_mem>>)
        %dma_wait3A_409 = arith.constant 256 : i32
        %dma_wait3A_410 = arith.constant 0 : i32
        %dma_wait3A_411 = tpu.memref_slice %arg8[%dma_wait3A_409, %dma_wait3A_410] : memref<512x16xf32, #tpu.memory_space<vmem>> -> memref<128x16xf32, #tpu.memory_space<vmem>>
        %dma_wait3A_412 = arith.constant 256 : i32
        %dma_wait3A_413 = arith.constant 0 : i32
        %dma_wait3A_414 = tpu.memref_slice %arg5[%add3A_182, %dma_wait3A_412, %dma_wait3A_413] : memref<256x512x16xf32, #tpu.memory_space<hbm>> -> memref<1x128x16xf32, #tpu.memory_space<hbm>>
        %dma_wait3A_415 = tpu.memref_squeeze %dma_wait3A_414 : memref<1x128x16xf32, #tpu.memory_space<hbm>> -> memref<128x16xf32, #tpu.memory_space<hbm>>
        %dma_wait3A_416 = arith.constant 256 : i32
        %dma_wait3A_417 = arith.constant 0 : i32
        %dma_wait3A_418 = tpu.memref_slice %arg5[%add3A_182, %dma_wait3A_416, %dma_wait3A_417] : memref<256x512x16xf32, #tpu.memory_space<hbm>> -> memref<1x128x16xf32, #tpu.memory_space<hbm>>
        %dma_wait3A_419 = tpu.memref_squeeze %dma_wait3A_418 : memref<1x128x16xf32, #tpu.memory_space<hbm>> -> memref<128x16xf32, #tpu.memory_space<hbm>>
        %dma_wait3A_420 = arith.constant 256 : i32
        %dma_wait3A_421 = arith.constant 0 : i32
        %dma_wait3A_422 = tpu.memref_slice %arg8[%dma_wait3A_420, %dma_wait3A_421] : memref<512x16xf32, #tpu.memory_space<vmem>> -> memref<128x16xf32, #tpu.memory_space<vmem>>
        tpu.wait_dma2 semaphore(%run_scoped3A : memref<!tpu.dma_semaphore, #tpu.memory_space<semaphore_mem>>) src(%dma_wait3A_422 : memref<128x16xf32, #tpu.memory_space<vmem>>) dst(%dma_wait3A_419 : memref<128x16xf32, #tpu.memory_space<hbm>>)
        tpu.yield
      }) : () -> ()
    } else {
    }
    %gt3A_214 = arith.constant 384 : i32
    %gt3A_215 = arith.cmpi sgt, %scan3A_192, %gt3A_214 : i32
    %convert_element_type3A_216 = arith.extui %gt3A_215 : i1 to i32
    %cond3A_217 = arith.constant 0 : i32
    %cond3A_218 = arith.cmpi ne, %convert_element_type3A_216, %cond3A_217 : i32
    scf.if %cond3A_218 {
      %dma_start3A = arith.constant 384 : i32
      %dma_start3A_381 = arith.constant 0 : i32
      %dma_start3A_382 = tpu.memref_slice %arg8[%dma_start3A, %dma_start3A_381] : memref<512x16xf32, #tpu.memory_space<vmem>> -> memref<128x16xf32, #tpu.memory_space<vmem>>
      %dma_start3A_383 = arith.constant 384 : i32
      %dma_start3A_384 = tpu.memref_slice %arg7[%dma_start3A_383] : memref<528xi32, #tpu.memory_space<vmem>> -> memref<128xi32, #tpu.memory_space<vmem>>
      %dma_start3A_385 = arith.constant 0 : i32
      %dma_start3A_386 = arith.constant 0 : i32
      %dma_start3A_387 = tpu.memref_slice %arg3[%dma_start3A_385, %dma_start3A_386] : memref<8192x16xf32, #tpu.memory_space<hbm>> -> memref<8192x16xf32, #tpu.memory_space<hbm>>
      tpu.enqueue_indirect_dma source(%dma_start3A_387 : memref<8192x16xf32, #tpu.memory_space<hbm>>) target(%dma_start3A_382 : memref<128x16xf32, #tpu.memory_space<vmem>>) offsets(%dma_start3A_384 : memref<128xi32, #tpu.memory_space<vmem>>) semaphore(%arg10 : memref<!tpu.dma_semaphore, #tpu.memory_space<semaphore_mem>>)
      %dma_wait3A = arith.constant 384 : i32
      %dma_wait3A_388 = arith.constant 0 : i32
      %dma_wait3A_389 = tpu.memref_slice %arg8[%dma_wait3A, %dma_wait3A_388] : memref<512x16xf32, #tpu.memory_space<vmem>> -> memref<128x16xf32, #tpu.memory_space<vmem>>
      %dma_wait3A_390 = arith.constant 384 : i32
      %dma_wait3A_391 = tpu.memref_slice %arg7[%dma_wait3A_390] : memref<528xi32, #tpu.memory_space<vmem>> -> memref<128xi32, #tpu.memory_space<vmem>>
      %dma_wait3A_392 = arith.constant 0 : i32
      %dma_wait3A_393 = arith.constant 0 : i32
      %dma_wait3A_394 = tpu.memref_slice %arg3[%dma_wait3A_392, %dma_wait3A_393] : memref<8192x16xf32, #tpu.memory_space<hbm>> -> memref<8192x16xf32, #tpu.memory_space<hbm>>
      tpu.wait_indirect_dma semaphore(%arg10 : memref<!tpu.dma_semaphore, #tpu.memory_space<semaphore_mem>>) src(%dma_wait3A_394 : memref<8192x16xf32, #tpu.memory_space<hbm>>) dst(%dma_wait3A_389 : memref<128x16xf32, #tpu.memory_space<vmem>>)
      "tpu.region"() ({
        %run_scoped3A = tpu.sem_alloc : memref<!tpu.dma_semaphore, #tpu.memory_space<semaphore_mem>>
        %dma_start3A_395 = arith.constant 384 : i32
        %dma_start3A_396 = arith.constant 0 : i32
        %dma_start3A_397 = tpu.memref_slice %arg8[%dma_start3A_395, %dma_start3A_396] : memref<512x16xf32, #tpu.memory_space<vmem>> -> memref<128x16xf32, #tpu.memory_space<vmem>>
        %dma_start3A_398 = arith.constant 384 : i32
        %dma_start3A_399 = arith.constant 0 : i32
        %dma_start3A_400 = tpu.memref_slice %arg5[%add3A_182, %dma_start3A_398, %dma_start3A_399] : memref<256x512x16xf32, #tpu.memory_space<hbm>> -> memref<1x128x16xf32, #tpu.memory_space<hbm>>
        %dma_start3A_401 = tpu.memref_squeeze %dma_start3A_400 : memref<1x128x16xf32, #tpu.memory_space<hbm>> -> memref<128x16xf32, #tpu.memory_space<hbm>>
        %dma_start3A_402 = arith.constant 384 : i32
        %dma_start3A_403 = arith.constant 0 : i32
        %dma_start3A_404 = tpu.memref_slice %arg5[%add3A_182, %dma_start3A_402, %dma_start3A_403] : memref<256x512x16xf32, #tpu.memory_space<hbm>> -> memref<1x128x16xf32, #tpu.memory_space<hbm>>
        %dma_start3A_405 = tpu.memref_squeeze %dma_start3A_404 : memref<1x128x16xf32, #tpu.memory_space<hbm>> -> memref<128x16xf32, #tpu.memory_space<hbm>>
        %dma_start3A_406 = arith.constant 384 : i32
        %dma_start3A_407 = arith.constant 0 : i32
        %dma_start3A_408 = tpu.memref_slice %arg8[%dma_start3A_406, %dma_start3A_407] : memref<512x16xf32, #tpu.memory_space<vmem>> -> memref<128x16xf32, #tpu.memory_space<vmem>>
        tpu.enqueue_dma source(%dma_start3A_408 : memref<128x16xf32, #tpu.memory_space<vmem>>) target(%dma_start3A_405 : memref<128x16xf32, #tpu.memory_space<hbm>>) target_semaphore(%run_scoped3A : memref<!tpu.dma_semaphore, #tpu.memory_space<semaphore_mem>>)
        %dma_wait3A_409 = arith.constant 384 : i32
        %dma_wait3A_410 = arith.constant 0 : i32
        %dma_wait3A_411 = tpu.memref_slice %arg8[%dma_wait3A_409, %dma_wait3A_410] : memref<512x16xf32, #tpu.memory_space<vmem>> -> memref<128x16xf32, #tpu.memory_space<vmem>>
        %dma_wait3A_412 = arith.constant 384 : i32
        %dma_wait3A_413 = arith.constant 0 : i32
        %dma_wait3A_414 = tpu.memref_slice %arg5[%add3A_182, %dma_wait3A_412, %dma_wait3A_413] : memref<256x512x16xf32, #tpu.memory_space<hbm>> -> memref<1x128x16xf32, #tpu.memory_space<hbm>>
        %dma_wait3A_415 = tpu.memref_squeeze %dma_wait3A_414 : memref<1x128x16xf32, #tpu.memory_space<hbm>> -> memref<128x16xf32, #tpu.memory_space<hbm>>
        %dma_wait3A_416 = arith.constant 384 : i32
        %dma_wait3A_417 = arith.constant 0 : i32
        %dma_wait3A_418 = tpu.memref_slice %arg5[%add3A_182, %dma_wait3A_416, %dma_wait3A_417] : memref<256x512x16xf32, #tpu.memory_space<hbm>> -> memref<1x128x16xf32, #tpu.memory_space<hbm>>
        %dma_wait3A_419 = tpu.memref_squeeze %dma_wait3A_418 : memref<1x128x16xf32, #tpu.memory_space<hbm>> -> memref<128x16xf32, #tpu.memory_space<hbm>>
        %dma_wait3A_420 = arith.constant 384 : i32
        %dma_wait3A_421 = arith.constant 0 : i32
        %dma_wait3A_422 = tpu.memref_slice %arg8[%dma_wait3A_420, %dma_wait3A_421] : memref<512x16xf32, #tpu.memory_space<vmem>> -> memref<128x16xf32, #tpu.memory_space<vmem>>
        tpu.wait_dma2 semaphore(%run_scoped3A : memref<!tpu.dma_semaphore, #tpu.memory_space<semaphore_mem>>) src(%dma_wait3A_422 : memref<128x16xf32, #tpu.memory_space<vmem>>) dst(%dma_wait3A_419 : memref<128x16xf32, #tpu.memory_space<hbm>>)
        tpu.yield
      }) : () -> ()
    } else {
    }
    %mul3A_219 = arith.constant 8 : i32
    %mul3A_220 = arith.muli %add3A, %mul3A_219 : i32
    %add3A_221 = arith.constant 4 : i32
    %add3A_222 = arith.addi %mul3A_220, %add3A_221 : i32
    %rem3A_223 = arith.constant 16 : i32
    %rem3A_224 = arith.remsi %add3A_222, %rem3A_223 : i32
    %div3A_225 = arith.constant 16 : i32
    %div3A_226 = arith.divsi %add3A_222, %div3A_225 : i32
    %scan3A_227 = arith.constant 0 : i32
    %scan3A_228 = arith.constant 0 : i32
    %scan3A_229 = arith.constant 512 : i32
    %scan3A_230 = arith.addi %scan3A_228, %scan3A_229 : i32
    %scan3A_231 = arith.constant 1 : i32
    %scan3A_232 = scf.for %scan3A_381 = %scan3A_228 to %scan3A_230 step %scan3A_231 iter_args(%scan3A_382 = %scan3A_227) -> (i32)  : i32 {
      %mul3A_383 = arith.constant 16 : i32
      %mul3A_384 = arith.muli %scan3A_381, %mul3A_383 : i32
      %get3A = arith.constant 0 : i32
      %get3A_385 = arith.index_cast %get3A : i32 to index
      %get3A_386 = arith.index_cast %mul3A_384 : i32 to index
      %get3A_387 = tpu.vector_load %arg6[%get3A_385, %get3A_386] {strides = array<i32>} : memref<4x8192xi32, #tpu.memory_space<vmem>>, vector<16xi32>,
      %mul3A_388 = arith.constant 16 : i32
      %mul3A_389 = arith.muli %scan3A_381, %mul3A_388 : i32
      %get3A_390 = arith.constant 1 : i32
      %get3A_391 = arith.index_cast %get3A_390 : i32 to index
      %get3A_392 = arith.index_cast %mul3A_389 : i32 to index
      %get3A_393 = tpu.vector_load %arg6[%get3A_391, %get3A_392] {strides = array<i32>} : memref<4x8192xi32, #tpu.memory_space<vmem>>, vector<16xi32>,
      %mul3A_394 = arith.constant 16 : i32
      %mul3A_395 = arith.muli %scan3A_381, %mul3A_394 : i32
      %get3A_396 = arith.constant 2 : i32
      %get3A_397 = arith.index_cast %get3A_396 : i32 to index
      %get3A_398 = arith.index_cast %mul3A_395 : i32 to index
      %get3A_399 = tpu.vector_load %arg6[%get3A_397, %get3A_398] {strides = array<i32>} : memref<4x8192xi32, #tpu.memory_space<vmem>>, vector<16xi32>,
      %mul3A_400 = arith.constant 16 : i32
      %mul3A_401 = arith.muli %scan3A_381, %mul3A_400 : i32
      %get3A_402 = arith.constant 3 : i32
      %get3A_403 = arith.index_cast %get3A_402 : i32 to index
      %get3A_404 = arith.index_cast %mul3A_401 : i32 to index
      %get3A_405 = tpu.vector_load %arg6[%get3A_403, %get3A_404] {strides = array<i32>} : memref<4x8192xi32, #tpu.memory_space<vmem>>, vector<16xi32>,
      %le3A = vector.broadcast %rem3A_224 : i32 to vector<16xi32>
      %le3A_406 = arith.cmpi sle, %get3A_387, %le3A : vector<16xi32>
      %le3A_407 = vector.broadcast %rem3A_224 : i32 to vector<16xi32>
      %le3A_408 = arith.cmpi sle, %le3A_407, %get3A_393 : vector<16xi32>
      %and3A = arith.andi %le3A_406, %le3A_408 : vector<16xi1>
      %le3A_409 = vector.broadcast %div3A_226 : i32 to vector<16xi32>
      %le3A_410 = arith.cmpi sle, %get3A_399, %le3A_409 : vector<16xi32>
      %and3A_411 = arith.andi %and3A, %le3A_410 : vector<16xi1>
      %le3A_412 = vector.broadcast %div3A_226 : i32 to vector<16xi32>
      %le3A_413 = arith.cmpi sle, %le3A_412, %get3A_405 : vector<16xi32>
      %and3A_414 = arith.andi %and3A_411, %le3A_413 : vector<16xi1>
      %all_reduce_population_count3A = tpu.all_reduce %and3A_414 {dim = 0 : i64, kind = #tpu.reduction_kind<sum>} : vector<16xi1> -> vector<16xi32>
      %reduce_max3A = arith.constant true
      %reduce_max3A_415 = vector.broadcast %reduce_max3A : i1 to vector<16xi1>
      %reduce_max3A_416 = arith.constant -2147483648 : i32
      %reduce_max3A_417 = vector.broadcast %reduce_max3A_416 : i32 to vector<16xi32>
      %reduce_max3A_418 = arith.xori %all_reduce_population_count3A, %reduce_max3A_417 : vector<16xi32>
      %reduce_max3A_419 = tpu.scan <max>, %reduce_max3A_418 masked %reduce_max3A_415 : vector<16xi32>, vector<16xi1> -> vector<16xi32>
      %reduce_max3A_420 = arith.xori %reduce_max3A_419, %reduce_max3A_417 : vector<16xi32>
      %reduce_max3A_421 = vector.extract %reduce_max3A_420[15] : i32 from vector<16xi32>
      %gt3A_422 = arith.constant 0 : i32
      %gt3A_423 = arith.cmpi sgt, %reduce_max3A_421, %gt3A_422 : i32
      %convert_element_type3A_424 = arith.extui %gt3A_423 : i1 to i32
      %cond3A_425 = arith.constant 0 : i32
      %cond3A_426 = arith.cmpi ne, %convert_element_type3A_424, %cond3A_425 : i32
      %cond3A_427 = scf.if %cond3A_426 -> (i32) {
        %convert_element_type3A_428 = arith.extui %and3A_414 : vector<16xi1> to vector<16xi32>
        %broadcast_in_dim3A_429 = arith.constant true
        %broadcast_in_dim3A_430 = vector.broadcast %broadcast_in_dim3A_429 : i1 to vector<16xi1>
        %masked_cumsum3A = tpu.scan <sum>, %convert_element_type3A_428 masked %broadcast_in_dim3A_430 : vector<16xi32>, vector<16xi1> -> vector<16xi32>
        %min3A = arith.constant 512 : i32
        %min3A_431 = arith.minsi %scan3A_382, %min3A : i32
        %add3A_432 = vector.broadcast %min3A_431 : i32 to vector<16xi32>
        %add3A_433 = arith.addi %add3A_432, %masked_cumsum3A : vector<16xi32>
        %sub3A = arith.constant 1 : i32
        %sub3A_434 = vector.broadcast %sub3A : i32 to vector<16xi32>
        %sub3A_435 = arith.subi %add3A_433, %sub3A_434 : vector<16xi32>
        %mul3A_436 = arith.constant 16 : i32
        %mul3A_437 = arith.muli %scan3A_381, %mul3A_436 : i32
        %add3A_438 = vector.broadcast %mul3A_437 : i32 to vector<16xi32>
        %add3A_439 = arith.addi %add3A_438, %iota3A : vector<16xi32>
        tpu.vector_store_idx %arg7[%sub3A_435], %add3A_439 masked %and3A_414 : memref<528xi32, #tpu.memory_space<vmem>>[vector<16xi32>], vector<16xi32>, vector<16xi1>
        %add3A_440 = arith.addi %scan3A_382, %reduce_max3A_421 : i32
        scf.yield %add3A_440 : i32
      } else {
        scf.yield %scan3A_382 : i32
      }
      scf.yield %cond3A_427 : i32
    }
    %scan3A_233 = arith.constant 512 : i32
    %eq3A_234 = arith.constant 4 : i32
    %eq3A_235 = vector.broadcast %eq3A_234 : i32 to vector<16xi32>
    %eq3A_236 = arith.cmpi eq, %iota3A, %eq3A_235 : vector<16xi32>
    %broadcast_in_dim3A_237 = vector.broadcast %scan3A_232 : i32 to vector<16xi32>
    %select_n3A_238 = arith.select %eq3A_236, %broadcast_in_dim3A_237, %select_n3A_198 : vector<16xi1>, vector<16xi32>
    %gt3A_239 = arith.constant 0 : i32
    %gt3A_240 = arith.cmpi sgt, %scan3A_232, %gt3A_239 : i32
    %convert_element_type3A_241 = arith.extui %gt3A_240 : i1 to i32
    %cond3A_242 = arith.constant 0 : i32
    %cond3A_243 = arith.cmpi ne, %convert_element_type3A_241, %cond3A_242 : i32
    scf.if %cond3A_243 {
      %dma_start3A = arith.constant 0 : i32
      %dma_start3A_381 = arith.constant 0 : i32
      %dma_start3A_382 = tpu.memref_slice %arg8[%dma_start3A, %dma_start3A_381] : memref<512x16xf32, #tpu.memory_space<vmem>> -> memref<128x16xf32, #tpu.memory_space<vmem>>
      %dma_start3A_383 = arith.constant 0 : i32
      %dma_start3A_384 = tpu.memref_slice %arg7[%dma_start3A_383] : memref<528xi32, #tpu.memory_space<vmem>> -> memref<128xi32, #tpu.memory_space<vmem>>
      %dma_start3A_385 = arith.constant 0 : i32
      %dma_start3A_386 = arith.constant 0 : i32
      %dma_start3A_387 = tpu.memref_slice %arg3[%dma_start3A_385, %dma_start3A_386] : memref<8192x16xf32, #tpu.memory_space<hbm>> -> memref<8192x16xf32, #tpu.memory_space<hbm>>
      tpu.enqueue_indirect_dma source(%dma_start3A_387 : memref<8192x16xf32, #tpu.memory_space<hbm>>) target(%dma_start3A_382 : memref<128x16xf32, #tpu.memory_space<vmem>>) offsets(%dma_start3A_384 : memref<128xi32, #tpu.memory_space<vmem>>) semaphore(%arg10 : memref<!tpu.dma_semaphore, #tpu.memory_space<semaphore_mem>>)
      %dma_wait3A = arith.constant 0 : i32
      %dma_wait3A_388 = arith.constant 0 : i32
      %dma_wait3A_389 = tpu.memref_slice %arg8[%dma_wait3A, %dma_wait3A_388] : memref<512x16xf32, #tpu.memory_space<vmem>> -> memref<128x16xf32, #tpu.memory_space<vmem>>
      %dma_wait3A_390 = arith.constant 0 : i32
      %dma_wait3A_391 = tpu.memref_slice %arg7[%dma_wait3A_390] : memref<528xi32, #tpu.memory_space<vmem>> -> memref<128xi32, #tpu.memory_space<vmem>>
      %dma_wait3A_392 = arith.constant 0 : i32
      %dma_wait3A_393 = arith.constant 0 : i32
      %dma_wait3A_394 = tpu.memref_slice %arg3[%dma_wait3A_392, %dma_wait3A_393] : memref<8192x16xf32, #tpu.memory_space<hbm>> -> memref<8192x16xf32, #tpu.memory_space<hbm>>
      tpu.wait_indirect_dma semaphore(%arg10 : memref<!tpu.dma_semaphore, #tpu.memory_space<semaphore_mem>>) src(%dma_wait3A_394 : memref<8192x16xf32, #tpu.memory_space<hbm>>) dst(%dma_wait3A_389 : memref<128x16xf32, #tpu.memory_space<vmem>>)
      "tpu.region"() ({
        %run_scoped3A = tpu.sem_alloc : memref<!tpu.dma_semaphore, #tpu.memory_space<semaphore_mem>>
        %dma_start3A_395 = arith.constant 0 : i32
        %dma_start3A_396 = arith.constant 0 : i32
        %dma_start3A_397 = tpu.memref_slice %arg8[%dma_start3A_395, %dma_start3A_396] : memref<512x16xf32, #tpu.memory_space<vmem>> -> memref<128x16xf32, #tpu.memory_space<vmem>>
        %dma_start3A_398 = arith.constant 0 : i32
        %dma_start3A_399 = arith.constant 0 : i32
        %dma_start3A_400 = tpu.memref_slice %arg5[%add3A_222, %dma_start3A_398, %dma_start3A_399] : memref<256x512x16xf32, #tpu.memory_space<hbm>> -> memref<1x128x16xf32, #tpu.memory_space<hbm>>
        %dma_start3A_401 = tpu.memref_squeeze %dma_start3A_400 : memref<1x128x16xf32, #tpu.memory_space<hbm>> -> memref<128x16xf32, #tpu.memory_space<hbm>>
        %dma_start3A_402 = arith.constant 0 : i32
        %dma_start3A_403 = arith.constant 0 : i32
        %dma_start3A_404 = tpu.memref_slice %arg5[%add3A_222, %dma_start3A_402, %dma_start3A_403] : memref<256x512x16xf32, #tpu.memory_space<hbm>> -> memref<1x128x16xf32, #tpu.memory_space<hbm>>
        %dma_start3A_405 = tpu.memref_squeeze %dma_start3A_404 : memref<1x128x16xf32, #tpu.memory_space<hbm>> -> memref<128x16xf32, #tpu.memory_space<hbm>>
        %dma_start3A_406 = arith.constant 0 : i32
        %dma_start3A_407 = arith.constant 0 : i32
        %dma_start3A_408 = tpu.memref_slice %arg8[%dma_start3A_406, %dma_start3A_407] : memref<512x16xf32, #tpu.memory_space<vmem>> -> memref<128x16xf32, #tpu.memory_space<vmem>>
        tpu.enqueue_dma source(%dma_start3A_408 : memref<128x16xf32, #tpu.memory_space<vmem>>) target(%dma_start3A_405 : memref<128x16xf32, #tpu.memory_space<hbm>>) target_semaphore(%run_scoped3A : memref<!tpu.dma_semaphore, #tpu.memory_space<semaphore_mem>>)
        %dma_wait3A_409 = arith.constant 0 : i32
        %dma_wait3A_410 = arith.constant 0 : i32
        %dma_wait3A_411 = tpu.memref_slice %arg8[%dma_wait3A_409, %dma_wait3A_410] : memref<512x16xf32, #tpu.memory_space<vmem>> -> memref<128x16xf32, #tpu.memory_space<vmem>>
        %dma_wait3A_412 = arith.constant 0 : i32
        %dma_wait3A_413 = arith.constant 0 : i32
        %dma_wait3A_414 = tpu.memref_slice %arg5[%add3A_222, %dma_wait3A_412, %dma_wait3A_413] : memref<256x512x16xf32, #tpu.memory_space<hbm>> -> memref<1x128x16xf32, #tpu.memory_space<hbm>>
        %dma_wait3A_415 = tpu.memref_squeeze %dma_wait3A_414 : memref<1x128x16xf32, #tpu.memory_space<hbm>> -> memref<128x16xf32, #tpu.memory_space<hbm>>
        %dma_wait3A_416 = arith.constant 0 : i32
        %dma_wait3A_417 = arith.constant 0 : i32
        %dma_wait3A_418 = tpu.memref_slice %arg5[%add3A_222, %dma_wait3A_416, %dma_wait3A_417] : memref<256x512x16xf32, #tpu.memory_space<hbm>> -> memref<1x128x16xf32, #tpu.memory_space<hbm>>
        %dma_wait3A_419 = tpu.memref_squeeze %dma_wait3A_418 : memref<1x128x16xf32, #tpu.memory_space<hbm>> -> memref<128x16xf32, #tpu.memory_space<hbm>>
        %dma_wait3A_420 = arith.constant 0 : i32
        %dma_wait3A_421 = arith.constant 0 : i32
        %dma_wait3A_422 = tpu.memref_slice %arg8[%dma_wait3A_420, %dma_wait3A_421] : memref<512x16xf32, #tpu.memory_space<vmem>> -> memref<128x16xf32, #tpu.memory_space<vmem>>
        tpu.wait_dma2 semaphore(%run_scoped3A : memref<!tpu.dma_semaphore, #tpu.memory_space<semaphore_mem>>) src(%dma_wait3A_422 : memref<128x16xf32, #tpu.memory_space<vmem>>) dst(%dma_wait3A_419 : memref<128x16xf32, #tpu.memory_space<hbm>>)
        tpu.yield
      }) : () -> ()
    } else {
    }
    %gt3A_244 = arith.constant 128 : i32
    %gt3A_245 = arith.cmpi sgt, %scan3A_232, %gt3A_244 : i32
    %convert_element_type3A_246 = arith.extui %gt3A_245 : i1 to i32
    %cond3A_247 = arith.constant 0 : i32
    %cond3A_248 = arith.cmpi ne, %convert_element_type3A_246, %cond3A_247 : i32
    scf.if %cond3A_248 {
      %dma_start3A = arith.constant 128 : i32
      %dma_start3A_381 = arith.constant 0 : i32
      %dma_start3A_382 = tpu.memref_slice %arg8[%dma_start3A, %dma_start3A_381] : memref<512x16xf32, #tpu.memory_space<vmem>> -> memref<128x16xf32, #tpu.memory_space<vmem>>
      %dma_start3A_383 = arith.constant 128 : i32
      %dma_start3A_384 = tpu.memref_slice %arg7[%dma_start3A_383] : memref<528xi32, #tpu.memory_space<vmem>> -> memref<128xi32, #tpu.memory_space<vmem>>
      %dma_start3A_385 = arith.constant 0 : i32
      %dma_start3A_386 = arith.constant 0 : i32
      %dma_start3A_387 = tpu.memref_slice %arg3[%dma_start3A_385, %dma_start3A_386] : memref<8192x16xf32, #tpu.memory_space<hbm>> -> memref<8192x16xf32, #tpu.memory_space<hbm>>
      tpu.enqueue_indirect_dma source(%dma_start3A_387 : memref<8192x16xf32, #tpu.memory_space<hbm>>) target(%dma_start3A_382 : memref<128x16xf32, #tpu.memory_space<vmem>>) offsets(%dma_start3A_384 : memref<128xi32, #tpu.memory_space<vmem>>) semaphore(%arg10 : memref<!tpu.dma_semaphore, #tpu.memory_space<semaphore_mem>>)
      %dma_wait3A = arith.constant 128 : i32
      %dma_wait3A_388 = arith.constant 0 : i32
      %dma_wait3A_389 = tpu.memref_slice %arg8[%dma_wait3A, %dma_wait3A_388] : memref<512x16xf32, #tpu.memory_space<vmem>> -> memref<128x16xf32, #tpu.memory_space<vmem>>
      %dma_wait3A_390 = arith.constant 128 : i32
      %dma_wait3A_391 = tpu.memref_slice %arg7[%dma_wait3A_390] : memref<528xi32, #tpu.memory_space<vmem>> -> memref<128xi32, #tpu.memory_space<vmem>>
      %dma_wait3A_392 = arith.constant 0 : i32
      %dma_wait3A_393 = arith.constant 0 : i32
      %dma_wait3A_394 = tpu.memref_slice %arg3[%dma_wait3A_392, %dma_wait3A_393] : memref<8192x16xf32, #tpu.memory_space<hbm>> -> memref<8192x16xf32, #tpu.memory_space<hbm>>
      tpu.wait_indirect_dma semaphore(%arg10 : memref<!tpu.dma_semaphore, #tpu.memory_space<semaphore_mem>>) src(%dma_wait3A_394 : memref<8192x16xf32, #tpu.memory_space<hbm>>) dst(%dma_wait3A_389 : memref<128x16xf32, #tpu.memory_space<vmem>>)
      "tpu.region"() ({
        %run_scoped3A = tpu.sem_alloc : memref<!tpu.dma_semaphore, #tpu.memory_space<semaphore_mem>>
        %dma_start3A_395 = arith.constant 128 : i32
        %dma_start3A_396 = arith.constant 0 : i32
        %dma_start3A_397 = tpu.memref_slice %arg8[%dma_start3A_395, %dma_start3A_396] : memref<512x16xf32, #tpu.memory_space<vmem>> -> memref<128x16xf32, #tpu.memory_space<vmem>>
        %dma_start3A_398 = arith.constant 128 : i32
        %dma_start3A_399 = arith.constant 0 : i32
        %dma_start3A_400 = tpu.memref_slice %arg5[%add3A_222, %dma_start3A_398, %dma_start3A_399] : memref<256x512x16xf32, #tpu.memory_space<hbm>> -> memref<1x128x16xf32, #tpu.memory_space<hbm>>
        %dma_start3A_401 = tpu.memref_squeeze %dma_start3A_400 : memref<1x128x16xf32, #tpu.memory_space<hbm>> -> memref<128x16xf32, #tpu.memory_space<hbm>>
        %dma_start3A_402 = arith.constant 128 : i32
        %dma_start3A_403 = arith.constant 0 : i32
        %dma_start3A_404 = tpu.memref_slice %arg5[%add3A_222, %dma_start3A_402, %dma_start3A_403] : memref<256x512x16xf32, #tpu.memory_space<hbm>> -> memref<1x128x16xf32, #tpu.memory_space<hbm>>
        %dma_start3A_405 = tpu.memref_squeeze %dma_start3A_404 : memref<1x128x16xf32, #tpu.memory_space<hbm>> -> memref<128x16xf32, #tpu.memory_space<hbm>>
        %dma_start3A_406 = arith.constant 128 : i32
        %dma_start3A_407 = arith.constant 0 : i32
        %dma_start3A_408 = tpu.memref_slice %arg8[%dma_start3A_406, %dma_start3A_407] : memref<512x16xf32, #tpu.memory_space<vmem>> -> memref<128x16xf32, #tpu.memory_space<vmem>>
        tpu.enqueue_dma source(%dma_start3A_408 : memref<128x16xf32, #tpu.memory_space<vmem>>) target(%dma_start3A_405 : memref<128x16xf32, #tpu.memory_space<hbm>>) target_semaphore(%run_scoped3A : memref<!tpu.dma_semaphore, #tpu.memory_space<semaphore_mem>>)
        %dma_wait3A_409 = arith.constant 128 : i32
        %dma_wait3A_410 = arith.constant 0 : i32
        %dma_wait3A_411 = tpu.memref_slice %arg8[%dma_wait3A_409, %dma_wait3A_410] : memref<512x16xf32, #tpu.memory_space<vmem>> -> memref<128x16xf32, #tpu.memory_space<vmem>>
        %dma_wait3A_412 = arith.constant 128 : i32
        %dma_wait3A_413 = arith.constant 0 : i32
        %dma_wait3A_414 = tpu.memref_slice %arg5[%add3A_222, %dma_wait3A_412, %dma_wait3A_413] : memref<256x512x16xf32, #tpu.memory_space<hbm>> -> memref<1x128x16xf32, #tpu.memory_space<hbm>>
        %dma_wait3A_415 = tpu.memref_squeeze %dma_wait3A_414 : memref<1x128x16xf32, #tpu.memory_space<hbm>> -> memref<128x16xf32, #tpu.memory_space<hbm>>
        %dma_wait3A_416 = arith.constant 128 : i32
        %dma_wait3A_417 = arith.constant 0 : i32
        %dma_wait3A_418 = tpu.memref_slice %arg5[%add3A_222, %dma_wait3A_416, %dma_wait3A_417] : memref<256x512x16xf32, #tpu.memory_space<hbm>> -> memref<1x128x16xf32, #tpu.memory_space<hbm>>
        %dma_wait3A_419 = tpu.memref_squeeze %dma_wait3A_418 : memref<1x128x16xf32, #tpu.memory_space<hbm>> -> memref<128x16xf32, #tpu.memory_space<hbm>>
        %dma_wait3A_420 = arith.constant 128 : i32
        %dma_wait3A_421 = arith.constant 0 : i32
        %dma_wait3A_422 = tpu.memref_slice %arg8[%dma_wait3A_420, %dma_wait3A_421] : memref<512x16xf32, #tpu.memory_space<vmem>> -> memref<128x16xf32, #tpu.memory_space<vmem>>
        tpu.wait_dma2 semaphore(%run_scoped3A : memref<!tpu.dma_semaphore, #tpu.memory_space<semaphore_mem>>) src(%dma_wait3A_422 : memref<128x16xf32, #tpu.memory_space<vmem>>) dst(%dma_wait3A_419 : memref<128x16xf32, #tpu.memory_space<hbm>>)
        tpu.yield
      }) : () -> ()
    } else {
    }
    %gt3A_249 = arith.constant 256 : i32
    %gt3A_250 = arith.cmpi sgt, %scan3A_232, %gt3A_249 : i32
    %convert_element_type3A_251 = arith.extui %gt3A_250 : i1 to i32
    %cond3A_252 = arith.constant 0 : i32
    %cond3A_253 = arith.cmpi ne, %convert_element_type3A_251, %cond3A_252 : i32
    scf.if %cond3A_253 {
      %dma_start3A = arith.constant 256 : i32
      %dma_start3A_381 = arith.constant 0 : i32
      %dma_start3A_382 = tpu.memref_slice %arg8[%dma_start3A, %dma_start3A_381] : memref<512x16xf32, #tpu.memory_space<vmem>> -> memref<128x16xf32, #tpu.memory_space<vmem>>
      %dma_start3A_383 = arith.constant 256 : i32
      %dma_start3A_384 = tpu.memref_slice %arg7[%dma_start3A_383] : memref<528xi32, #tpu.memory_space<vmem>> -> memref<128xi32, #tpu.memory_space<vmem>>
      %dma_start3A_385 = arith.constant 0 : i32
      %dma_start3A_386 = arith.constant 0 : i32
      %dma_start3A_387 = tpu.memref_slice %arg3[%dma_start3A_385, %dma_start3A_386] : memref<8192x16xf32, #tpu.memory_space<hbm>> -> memref<8192x16xf32, #tpu.memory_space<hbm>>
      tpu.enqueue_indirect_dma source(%dma_start3A_387 : memref<8192x16xf32, #tpu.memory_space<hbm>>) target(%dma_start3A_382 : memref<128x16xf32, #tpu.memory_space<vmem>>) offsets(%dma_start3A_384 : memref<128xi32, #tpu.memory_space<vmem>>) semaphore(%arg10 : memref<!tpu.dma_semaphore, #tpu.memory_space<semaphore_mem>>)
      %dma_wait3A = arith.constant 256 : i32
      %dma_wait3A_388 = arith.constant 0 : i32
      %dma_wait3A_389 = tpu.memref_slice %arg8[%dma_wait3A, %dma_wait3A_388] : memref<512x16xf32, #tpu.memory_space<vmem>> -> memref<128x16xf32, #tpu.memory_space<vmem>>
      %dma_wait3A_390 = arith.constant 256 : i32
      %dma_wait3A_391 = tpu.memref_slice %arg7[%dma_wait3A_390] : memref<528xi32, #tpu.memory_space<vmem>> -> memref<128xi32, #tpu.memory_space<vmem>>
      %dma_wait3A_392 = arith.constant 0 : i32
      %dma_wait3A_393 = arith.constant 0 : i32
      %dma_wait3A_394 = tpu.memref_slice %arg3[%dma_wait3A_392, %dma_wait3A_393] : memref<8192x16xf32, #tpu.memory_space<hbm>> -> memref<8192x16xf32, #tpu.memory_space<hbm>>
      tpu.wait_indirect_dma semaphore(%arg10 : memref<!tpu.dma_semaphore, #tpu.memory_space<semaphore_mem>>) src(%dma_wait3A_394 : memref<8192x16xf32, #tpu.memory_space<hbm>>) dst(%dma_wait3A_389 : memref<128x16xf32, #tpu.memory_space<vmem>>)
      "tpu.region"() ({
        %run_scoped3A = tpu.sem_alloc : memref<!tpu.dma_semaphore, #tpu.memory_space<semaphore_mem>>
        %dma_start3A_395 = arith.constant 256 : i32
        %dma_start3A_396 = arith.constant 0 : i32
        %dma_start3A_397 = tpu.memref_slice %arg8[%dma_start3A_395, %dma_start3A_396] : memref<512x16xf32, #tpu.memory_space<vmem>> -> memref<128x16xf32, #tpu.memory_space<vmem>>
        %dma_start3A_398 = arith.constant 256 : i32
        %dma_start3A_399 = arith.constant 0 : i32
        %dma_start3A_400 = tpu.memref_slice %arg5[%add3A_222, %dma_start3A_398, %dma_start3A_399] : memref<256x512x16xf32, #tpu.memory_space<hbm>> -> memref<1x128x16xf32, #tpu.memory_space<hbm>>
        %dma_start3A_401 = tpu.memref_squeeze %dma_start3A_400 : memref<1x128x16xf32, #tpu.memory_space<hbm>> -> memref<128x16xf32, #tpu.memory_space<hbm>>
        %dma_start3A_402 = arith.constant 256 : i32
        %dma_start3A_403 = arith.constant 0 : i32
        %dma_start3A_404 = tpu.memref_slice %arg5[%add3A_222, %dma_start3A_402, %dma_start3A_403] : memref<256x512x16xf32, #tpu.memory_space<hbm>> -> memref<1x128x16xf32, #tpu.memory_space<hbm>>
        %dma_start3A_405 = tpu.memref_squeeze %dma_start3A_404 : memref<1x128x16xf32, #tpu.memory_space<hbm>> -> memref<128x16xf32, #tpu.memory_space<hbm>>
        %dma_start3A_406 = arith.constant 256 : i32
        %dma_start3A_407 = arith.constant 0 : i32
        %dma_start3A_408 = tpu.memref_slice %arg8[%dma_start3A_406, %dma_start3A_407] : memref<512x16xf32, #tpu.memory_space<vmem>> -> memref<128x16xf32, #tpu.memory_space<vmem>>
        tpu.enqueue_dma source(%dma_start3A_408 : memref<128x16xf32, #tpu.memory_space<vmem>>) target(%dma_start3A_405 : memref<128x16xf32, #tpu.memory_space<hbm>>) target_semaphore(%run_scoped3A : memref<!tpu.dma_semaphore, #tpu.memory_space<semaphore_mem>>)
        %dma_wait3A_409 = arith.constant 256 : i32
        %dma_wait3A_410 = arith.constant 0 : i32
        %dma_wait3A_411 = tpu.memref_slice %arg8[%dma_wait3A_409, %dma_wait3A_410] : memref<512x16xf32, #tpu.memory_space<vmem>> -> memref<128x16xf32, #tpu.memory_space<vmem>>
        %dma_wait3A_412 = arith.constant 256 : i32
        %dma_wait3A_413 = arith.constant 0 : i32
        %dma_wait3A_414 = tpu.memref_slice %arg5[%add3A_222, %dma_wait3A_412, %dma_wait3A_413] : memref<256x512x16xf32, #tpu.memory_space<hbm>> -> memref<1x128x16xf32, #tpu.memory_space<hbm>>
        %dma_wait3A_415 = tpu.memref_squeeze %dma_wait3A_414 : memref<1x128x16xf32, #tpu.memory_space<hbm>> -> memref<128x16xf32, #tpu.memory_space<hbm>>
        %dma_wait3A_416 = arith.constant 256 : i32
        %dma_wait3A_417 = arith.constant 0 : i32
        %dma_wait3A_418 = tpu.memref_slice %arg5[%add3A_222, %dma_wait3A_416, %dma_wait3A_417] : memref<256x512x16xf32, #tpu.memory_space<hbm>> -> memref<1x128x16xf32, #tpu.memory_space<hbm>>
        %dma_wait3A_419 = tpu.memref_squeeze %dma_wait3A_418 : memref<1x128x16xf32, #tpu.memory_space<hbm>> -> memref<128x16xf32, #tpu.memory_space<hbm>>
        %dma_wait3A_420 = arith.constant 256 : i32
        %dma_wait3A_421 = arith.constant 0 : i32
        %dma_wait3A_422 = tpu.memref_slice %arg8[%dma_wait3A_420, %dma_wait3A_421] : memref<512x16xf32, #tpu.memory_space<vmem>> -> memref<128x16xf32, #tpu.memory_space<vmem>>
        tpu.wait_dma2 semaphore(%run_scoped3A : memref<!tpu.dma_semaphore, #tpu.memory_space<semaphore_mem>>) src(%dma_wait3A_422 : memref<128x16xf32, #tpu.memory_space<vmem>>) dst(%dma_wait3A_419 : memref<128x16xf32, #tpu.memory_space<hbm>>)
        tpu.yield
      }) : () -> ()
    } else {
    }
    %gt3A_254 = arith.constant 384 : i32
    %gt3A_255 = arith.cmpi sgt, %scan3A_232, %gt3A_254 : i32
    %convert_element_type3A_256 = arith.extui %gt3A_255 : i1 to i32
    %cond3A_257 = arith.constant 0 : i32
    %cond3A_258 = arith.cmpi ne, %convert_element_type3A_256, %cond3A_257 : i32
    scf.if %cond3A_258 {
      %dma_start3A = arith.constant 384 : i32
      %dma_start3A_381 = arith.constant 0 : i32
      %dma_start3A_382 = tpu.memref_slice %arg8[%dma_start3A, %dma_start3A_381] : memref<512x16xf32, #tpu.memory_space<vmem>> -> memref<128x16xf32, #tpu.memory_space<vmem>>
      %dma_start3A_383 = arith.constant 384 : i32
      %dma_start3A_384 = tpu.memref_slice %arg7[%dma_start3A_383] : memref<528xi32, #tpu.memory_space<vmem>> -> memref<128xi32, #tpu.memory_space<vmem>>
      %dma_start3A_385 = arith.constant 0 : i32
      %dma_start3A_386 = arith.constant 0 : i32
      %dma_start3A_387 = tpu.memref_slice %arg3[%dma_start3A_385, %dma_start3A_386] : memref<8192x16xf32, #tpu.memory_space<hbm>> -> memref<8192x16xf32, #tpu.memory_space<hbm>>
      tpu.enqueue_indirect_dma source(%dma_start3A_387 : memref<8192x16xf32, #tpu.memory_space<hbm>>) target(%dma_start3A_382 : memref<128x16xf32, #tpu.memory_space<vmem>>) offsets(%dma_start3A_384 : memref<128xi32, #tpu.memory_space<vmem>>) semaphore(%arg10 : memref<!tpu.dma_semaphore, #tpu.memory_space<semaphore_mem>>)
      %dma_wait3A = arith.constant 384 : i32
      %dma_wait3A_388 = arith.constant 0 : i32
      %dma_wait3A_389 = tpu.memref_slice %arg8[%dma_wait3A, %dma_wait3A_388] : memref<512x16xf32, #tpu.memory_space<vmem>> -> memref<128x16xf32, #tpu.memory_space<vmem>>
      %dma_wait3A_390 = arith.constant 384 : i32
      %dma_wait3A_391 = tpu.memref_slice %arg7[%dma_wait3A_390] : memref<528xi32, #tpu.memory_space<vmem>> -> memref<128xi32, #tpu.memory_space<vmem>>
      %dma_wait3A_392 = arith.constant 0 : i32
      %dma_wait3A_393 = arith.constant 0 : i32
      %dma_wait3A_394 = tpu.memref_slice %arg3[%dma_wait3A_392, %dma_wait3A_393] : memref<8192x16xf32, #tpu.memory_space<hbm>> -> memref<8192x16xf32, #tpu.memory_space<hbm>>
      tpu.wait_indirect_dma semaphore(%arg10 : memref<!tpu.dma_semaphore, #tpu.memory_space<semaphore_mem>>) src(%dma_wait3A_394 : memref<8192x16xf32, #tpu.memory_space<hbm>>) dst(%dma_wait3A_389 : memref<128x16xf32, #tpu.memory_space<vmem>>)
      "tpu.region"() ({
        %run_scoped3A = tpu.sem_alloc : memref<!tpu.dma_semaphore, #tpu.memory_space<semaphore_mem>>
        %dma_start3A_395 = arith.constant 384 : i32
        %dma_start3A_396 = arith.constant 0 : i32
        %dma_start3A_397 = tpu.memref_slice %arg8[%dma_start3A_395, %dma_start3A_396] : memref<512x16xf32, #tpu.memory_space<vmem>> -> memref<128x16xf32, #tpu.memory_space<vmem>>
        %dma_start3A_398 = arith.constant 384 : i32
        %dma_start3A_399 = arith.constant 0 : i32
        %dma_start3A_400 = tpu.memref_slice %arg5[%add3A_222, %dma_start3A_398, %dma_start3A_399] : memref<256x512x16xf32, #tpu.memory_space<hbm>> -> memref<1x128x16xf32, #tpu.memory_space<hbm>>
        %dma_start3A_401 = tpu.memref_squeeze %dma_start3A_400 : memref<1x128x16xf32, #tpu.memory_space<hbm>> -> memref<128x16xf32, #tpu.memory_space<hbm>>
        %dma_start3A_402 = arith.constant 384 : i32
        %dma_start3A_403 = arith.constant 0 : i32
        %dma_start3A_404 = tpu.memref_slice %arg5[%add3A_222, %dma_start3A_402, %dma_start3A_403] : memref<256x512x16xf32, #tpu.memory_space<hbm>> -> memref<1x128x16xf32, #tpu.memory_space<hbm>>
        %dma_start3A_405 = tpu.memref_squeeze %dma_start3A_404 : memref<1x128x16xf32, #tpu.memory_space<hbm>> -> memref<128x16xf32, #tpu.memory_space<hbm>>
        %dma_start3A_406 = arith.constant 384 : i32
        %dma_start3A_407 = arith.constant 0 : i32
        %dma_start3A_408 = tpu.memref_slice %arg8[%dma_start3A_406, %dma_start3A_407] : memref<512x16xf32, #tpu.memory_space<vmem>> -> memref<128x16xf32, #tpu.memory_space<vmem>>
        tpu.enqueue_dma source(%dma_start3A_408 : memref<128x16xf32, #tpu.memory_space<vmem>>) target(%dma_start3A_405 : memref<128x16xf32, #tpu.memory_space<hbm>>) target_semaphore(%run_scoped3A : memref<!tpu.dma_semaphore, #tpu.memory_space<semaphore_mem>>)
        %dma_wait3A_409 = arith.constant 384 : i32
        %dma_wait3A_410 = arith.constant 0 : i32
        %dma_wait3A_411 = tpu.memref_slice %arg8[%dma_wait3A_409, %dma_wait3A_410] : memref<512x16xf32, #tpu.memory_space<vmem>> -> memref<128x16xf32, #tpu.memory_space<vmem>>
        %dma_wait3A_412 = arith.constant 384 : i32
        %dma_wait3A_413 = arith.constant 0 : i32
        %dma_wait3A_414 = tpu.memref_slice %arg5[%add3A_222, %dma_wait3A_412, %dma_wait3A_413] : memref<256x512x16xf32, #tpu.memory_space<hbm>> -> memref<1x128x16xf32, #tpu.memory_space<hbm>>
        %dma_wait3A_415 = tpu.memref_squeeze %dma_wait3A_414 : memref<1x128x16xf32, #tpu.memory_space<hbm>> -> memref<128x16xf32, #tpu.memory_space<hbm>>
        %dma_wait3A_416 = arith.constant 384 : i32
        %dma_wait3A_417 = arith.constant 0 : i32
        %dma_wait3A_418 = tpu.memref_slice %arg5[%add3A_222, %dma_wait3A_416, %dma_wait3A_417] : memref<256x512x16xf32, #tpu.memory_space<hbm>> -> memref<1x128x16xf32, #tpu.memory_space<hbm>>
        %dma_wait3A_419 = tpu.memref_squeeze %dma_wait3A_418 : memref<1x128x16xf32, #tpu.memory_space<hbm>> -> memref<128x16xf32, #tpu.memory_space<hbm>>
        %dma_wait3A_420 = arith.constant 384 : i32
        %dma_wait3A_421 = arith.constant 0 : i32
        %dma_wait3A_422 = tpu.memref_slice %arg8[%dma_wait3A_420, %dma_wait3A_421] : memref<512x16xf32, #tpu.memory_space<vmem>> -> memref<128x16xf32, #tpu.memory_space<vmem>>
        tpu.wait_dma2 semaphore(%run_scoped3A : memref<!tpu.dma_semaphore, #tpu.memory_space<semaphore_mem>>) src(%dma_wait3A_422 : memref<128x16xf32, #tpu.memory_space<vmem>>) dst(%dma_wait3A_419 : memref<128x16xf32, #tpu.memory_space<hbm>>)
        tpu.yield
      }) : () -> ()
    } else {
    }
    %mul3A_259 = arith.constant 8 : i32
    %mul3A_260 = arith.muli %add3A, %mul3A_259 : i32
    %add3A_261 = arith.constant 5 : i32
    %add3A_262 = arith.addi %mul3A_260, %add3A_261 : i32
    %rem3A_263 = arith.constant 16 : i32
    %rem3A_264 = arith.remsi %add3A_262, %rem3A_263 : i32
    %div3A_265 = arith.constant 16 : i32
    %div3A_266 = arith.divsi %add3A_262, %div3A_265 : i32
    %scan3A_267 = arith.constant 0 : i32
    %scan3A_268 = arith.constant 0 : i32
    %scan3A_269 = arith.constant 512 : i32
    %scan3A_270 = arith.addi %scan3A_268, %scan3A_269 : i32
    %scan3A_271 = arith.constant 1 : i32
    %scan3A_272 = scf.for %scan3A_381 = %scan3A_268 to %scan3A_270 step %scan3A_271 iter_args(%scan3A_382 = %scan3A_267) -> (i32)  : i32 {
      %mul3A_383 = arith.constant 16 : i32
      %mul3A_384 = arith.muli %scan3A_381, %mul3A_383 : i32
      %get3A = arith.constant 0 : i32
      %get3A_385 = arith.index_cast %get3A : i32 to index
      %get3A_386 = arith.index_cast %mul3A_384 : i32 to index
      %get3A_387 = tpu.vector_load %arg6[%get3A_385, %get3A_386] {strides = array<i32>} : memref<4x8192xi32, #tpu.memory_space<vmem>>, vector<16xi32>,
      %mul3A_388 = arith.constant 16 : i32
      %mul3A_389 = arith.muli %scan3A_381, %mul3A_388 : i32
      %get3A_390 = arith.constant 1 : i32
      %get3A_391 = arith.index_cast %get3A_390 : i32 to index
      %get3A_392 = arith.index_cast %mul3A_389 : i32 to index
      %get3A_393 = tpu.vector_load %arg6[%get3A_391, %get3A_392] {strides = array<i32>} : memref<4x8192xi32, #tpu.memory_space<vmem>>, vector<16xi32>,
      %mul3A_394 = arith.constant 16 : i32
      %mul3A_395 = arith.muli %scan3A_381, %mul3A_394 : i32
      %get3A_396 = arith.constant 2 : i32
      %get3A_397 = arith.index_cast %get3A_396 : i32 to index
      %get3A_398 = arith.index_cast %mul3A_395 : i32 to index
      %get3A_399 = tpu.vector_load %arg6[%get3A_397, %get3A_398] {strides = array<i32>} : memref<4x8192xi32, #tpu.memory_space<vmem>>, vector<16xi32>,
      %mul3A_400 = arith.constant 16 : i32
      %mul3A_401 = arith.muli %scan3A_381, %mul3A_400 : i32
      %get3A_402 = arith.constant 3 : i32
      %get3A_403 = arith.index_cast %get3A_402 : i32 to index
      %get3A_404 = arith.index_cast %mul3A_401 : i32 to index
      %get3A_405 = tpu.vector_load %arg6[%get3A_403, %get3A_404] {strides = array<i32>} : memref<4x8192xi32, #tpu.memory_space<vmem>>, vector<16xi32>,
      %le3A = vector.broadcast %rem3A_264 : i32 to vector<16xi32>
      %le3A_406 = arith.cmpi sle, %get3A_387, %le3A : vector<16xi32>
      %le3A_407 = vector.broadcast %rem3A_264 : i32 to vector<16xi32>
      %le3A_408 = arith.cmpi sle, %le3A_407, %get3A_393 : vector<16xi32>
      %and3A = arith.andi %le3A_406, %le3A_408 : vector<16xi1>
      %le3A_409 = vector.broadcast %div3A_266 : i32 to vector<16xi32>
      %le3A_410 = arith.cmpi sle, %get3A_399, %le3A_409 : vector<16xi32>
      %and3A_411 = arith.andi %and3A, %le3A_410 : vector<16xi1>
      %le3A_412 = vector.broadcast %div3A_266 : i32 to vector<16xi32>
      %le3A_413 = arith.cmpi sle, %le3A_412, %get3A_405 : vector<16xi32>
      %and3A_414 = arith.andi %and3A_411, %le3A_413 : vector<16xi1>
      %all_reduce_population_count3A = tpu.all_reduce %and3A_414 {dim = 0 : i64, kind = #tpu.reduction_kind<sum>} : vector<16xi1> -> vector<16xi32>
      %reduce_max3A = arith.constant true
      %reduce_max3A_415 = vector.broadcast %reduce_max3A : i1 to vector<16xi1>
      %reduce_max3A_416 = arith.constant -2147483648 : i32
      %reduce_max3A_417 = vector.broadcast %reduce_max3A_416 : i32 to vector<16xi32>
      %reduce_max3A_418 = arith.xori %all_reduce_population_count3A, %reduce_max3A_417 : vector<16xi32>
      %reduce_max3A_419 = tpu.scan <max>, %reduce_max3A_418 masked %reduce_max3A_415 : vector<16xi32>, vector<16xi1> -> vector<16xi32>
      %reduce_max3A_420 = arith.xori %reduce_max3A_419, %reduce_max3A_417 : vector<16xi32>
      %reduce_max3A_421 = vector.extract %reduce_max3A_420[15] : i32 from vector<16xi32>
      %gt3A_422 = arith.constant 0 : i32
      %gt3A_423 = arith.cmpi sgt, %reduce_max3A_421, %gt3A_422 : i32
      %convert_element_type3A_424 = arith.extui %gt3A_423 : i1 to i32
      %cond3A_425 = arith.constant 0 : i32
      %cond3A_426 = arith.cmpi ne, %convert_element_type3A_424, %cond3A_425 : i32
      %cond3A_427 = scf.if %cond3A_426 -> (i32) {
        %convert_element_type3A_428 = arith.extui %and3A_414 : vector<16xi1> to vector<16xi32>
        %broadcast_in_dim3A_429 = arith.constant true
        %broadcast_in_dim3A_430 = vector.broadcast %broadcast_in_dim3A_429 : i1 to vector<16xi1>
        %masked_cumsum3A = tpu.scan <sum>, %convert_element_type3A_428 masked %broadcast_in_dim3A_430 : vector<16xi32>, vector<16xi1> -> vector<16xi32>
        %min3A = arith.constant 512 : i32
        %min3A_431 = arith.minsi %scan3A_382, %min3A : i32
        %add3A_432 = vector.broadcast %min3A_431 : i32 to vector<16xi32>
        %add3A_433 = arith.addi %add3A_432, %masked_cumsum3A : vector<16xi32>
        %sub3A = arith.constant 1 : i32
        %sub3A_434 = vector.broadcast %sub3A : i32 to vector<16xi32>
        %sub3A_435 = arith.subi %add3A_433, %sub3A_434 : vector<16xi32>
        %mul3A_436 = arith.constant 16 : i32
        %mul3A_437 = arith.muli %scan3A_381, %mul3A_436 : i32
        %add3A_438 = vector.broadcast %mul3A_437 : i32 to vector<16xi32>
        %add3A_439 = arith.addi %add3A_438, %iota3A : vector<16xi32>
        tpu.vector_store_idx %arg7[%sub3A_435], %add3A_439 masked %and3A_414 : memref<528xi32, #tpu.memory_space<vmem>>[vector<16xi32>], vector<16xi32>, vector<16xi1>
        %add3A_440 = arith.addi %scan3A_382, %reduce_max3A_421 : i32
        scf.yield %add3A_440 : i32
      } else {
        scf.yield %scan3A_382 : i32
      }
      scf.yield %cond3A_427 : i32
    }
    %scan3A_273 = arith.constant 512 : i32
    %eq3A_274 = arith.constant 5 : i32
    %eq3A_275 = vector.broadcast %eq3A_274 : i32 to vector<16xi32>
    %eq3A_276 = arith.cmpi eq, %iota3A, %eq3A_275 : vector<16xi32>
    %broadcast_in_dim3A_277 = vector.broadcast %scan3A_272 : i32 to vector<16xi32>
    %select_n3A_278 = arith.select %eq3A_276, %broadcast_in_dim3A_277, %select_n3A_238 : vector<16xi1>, vector<16xi32>
    %gt3A_279 = arith.constant 0 : i32
    %gt3A_280 = arith.cmpi sgt, %scan3A_272, %gt3A_279 : i32
    %convert_element_type3A_281 = arith.extui %gt3A_280 : i1 to i32
    %cond3A_282 = arith.constant 0 : i32
    %cond3A_283 = arith.cmpi ne, %convert_element_type3A_281, %cond3A_282 : i32
    scf.if %cond3A_283 {
      %dma_start3A = arith.constant 0 : i32
      %dma_start3A_381 = arith.constant 0 : i32
      %dma_start3A_382 = tpu.memref_slice %arg8[%dma_start3A, %dma_start3A_381] : memref<512x16xf32, #tpu.memory_space<vmem>> -> memref<128x16xf32, #tpu.memory_space<vmem>>
      %dma_start3A_383 = arith.constant 0 : i32
      %dma_start3A_384 = tpu.memref_slice %arg7[%dma_start3A_383] : memref<528xi32, #tpu.memory_space<vmem>> -> memref<128xi32, #tpu.memory_space<vmem>>
      %dma_start3A_385 = arith.constant 0 : i32
      %dma_start3A_386 = arith.constant 0 : i32
      %dma_start3A_387 = tpu.memref_slice %arg3[%dma_start3A_385, %dma_start3A_386] : memref<8192x16xf32, #tpu.memory_space<hbm>> -> memref<8192x16xf32, #tpu.memory_space<hbm>>
      tpu.enqueue_indirect_dma source(%dma_start3A_387 : memref<8192x16xf32, #tpu.memory_space<hbm>>) target(%dma_start3A_382 : memref<128x16xf32, #tpu.memory_space<vmem>>) offsets(%dma_start3A_384 : memref<128xi32, #tpu.memory_space<vmem>>) semaphore(%arg10 : memref<!tpu.dma_semaphore, #tpu.memory_space<semaphore_mem>>)
      %dma_wait3A = arith.constant 0 : i32
      %dma_wait3A_388 = arith.constant 0 : i32
      %dma_wait3A_389 = tpu.memref_slice %arg8[%dma_wait3A, %dma_wait3A_388] : memref<512x16xf32, #tpu.memory_space<vmem>> -> memref<128x16xf32, #tpu.memory_space<vmem>>
      %dma_wait3A_390 = arith.constant 0 : i32
      %dma_wait3A_391 = tpu.memref_slice %arg7[%dma_wait3A_390] : memref<528xi32, #tpu.memory_space<vmem>> -> memref<128xi32, #tpu.memory_space<vmem>>
      %dma_wait3A_392 = arith.constant 0 : i32
      %dma_wait3A_393 = arith.constant 0 : i32
      %dma_wait3A_394 = tpu.memref_slice %arg3[%dma_wait3A_392, %dma_wait3A_393] : memref<8192x16xf32, #tpu.memory_space<hbm>> -> memref<8192x16xf32, #tpu.memory_space<hbm>>
      tpu.wait_indirect_dma semaphore(%arg10 : memref<!tpu.dma_semaphore, #tpu.memory_space<semaphore_mem>>) src(%dma_wait3A_394 : memref<8192x16xf32, #tpu.memory_space<hbm>>) dst(%dma_wait3A_389 : memref<128x16xf32, #tpu.memory_space<vmem>>)
      "tpu.region"() ({
        %run_scoped3A = tpu.sem_alloc : memref<!tpu.dma_semaphore, #tpu.memory_space<semaphore_mem>>
        %dma_start3A_395 = arith.constant 0 : i32
        %dma_start3A_396 = arith.constant 0 : i32
        %dma_start3A_397 = tpu.memref_slice %arg8[%dma_start3A_395, %dma_start3A_396] : memref<512x16xf32, #tpu.memory_space<vmem>> -> memref<128x16xf32, #tpu.memory_space<vmem>>
        %dma_start3A_398 = arith.constant 0 : i32
        %dma_start3A_399 = arith.constant 0 : i32
        %dma_start3A_400 = tpu.memref_slice %arg5[%add3A_262, %dma_start3A_398, %dma_start3A_399] : memref<256x512x16xf32, #tpu.memory_space<hbm>> -> memref<1x128x16xf32, #tpu.memory_space<hbm>>
        %dma_start3A_401 = tpu.memref_squeeze %dma_start3A_400 : memref<1x128x16xf32, #tpu.memory_space<hbm>> -> memref<128x16xf32, #tpu.memory_space<hbm>>
        %dma_start3A_402 = arith.constant 0 : i32
        %dma_start3A_403 = arith.constant 0 : i32
        %dma_start3A_404 = tpu.memref_slice %arg5[%add3A_262, %dma_start3A_402, %dma_start3A_403] : memref<256x512x16xf32, #tpu.memory_space<hbm>> -> memref<1x128x16xf32, #tpu.memory_space<hbm>>
        %dma_start3A_405 = tpu.memref_squeeze %dma_start3A_404 : memref<1x128x16xf32, #tpu.memory_space<hbm>> -> memref<128x16xf32, #tpu.memory_space<hbm>>
        %dma_start3A_406 = arith.constant 0 : i32
        %dma_start3A_407 = arith.constant 0 : i32
        %dma_start3A_408 = tpu.memref_slice %arg8[%dma_start3A_406, %dma_start3A_407] : memref<512x16xf32, #tpu.memory_space<vmem>> -> memref<128x16xf32, #tpu.memory_space<vmem>>
        tpu.enqueue_dma source(%dma_start3A_408 : memref<128x16xf32, #tpu.memory_space<vmem>>) target(%dma_start3A_405 : memref<128x16xf32, #tpu.memory_space<hbm>>) target_semaphore(%run_scoped3A : memref<!tpu.dma_semaphore, #tpu.memory_space<semaphore_mem>>)
        %dma_wait3A_409 = arith.constant 0 : i32
        %dma_wait3A_410 = arith.constant 0 : i32
        %dma_wait3A_411 = tpu.memref_slice %arg8[%dma_wait3A_409, %dma_wait3A_410] : memref<512x16xf32, #tpu.memory_space<vmem>> -> memref<128x16xf32, #tpu.memory_space<vmem>>
        %dma_wait3A_412 = arith.constant 0 : i32
        %dma_wait3A_413 = arith.constant 0 : i32
        %dma_wait3A_414 = tpu.memref_slice %arg5[%add3A_262, %dma_wait3A_412, %dma_wait3A_413] : memref<256x512x16xf32, #tpu.memory_space<hbm>> -> memref<1x128x16xf32, #tpu.memory_space<hbm>>
        %dma_wait3A_415 = tpu.memref_squeeze %dma_wait3A_414 : memref<1x128x16xf32, #tpu.memory_space<hbm>> -> memref<128x16xf32, #tpu.memory_space<hbm>>
        %dma_wait3A_416 = arith.constant 0 : i32
        %dma_wait3A_417 = arith.constant 0 : i32
        %dma_wait3A_418 = tpu.memref_slice %arg5[%add3A_262, %dma_wait3A_416, %dma_wait3A_417] : memref<256x512x16xf32, #tpu.memory_space<hbm>> -> memref<1x128x16xf32, #tpu.memory_space<hbm>>
        %dma_wait3A_419 = tpu.memref_squeeze %dma_wait3A_418 : memref<1x128x16xf32, #tpu.memory_space<hbm>> -> memref<128x16xf32, #tpu.memory_space<hbm>>
        %dma_wait3A_420 = arith.constant 0 : i32
        %dma_wait3A_421 = arith.constant 0 : i32
        %dma_wait3A_422 = tpu.memref_slice %arg8[%dma_wait3A_420, %dma_wait3A_421] : memref<512x16xf32, #tpu.memory_space<vmem>> -> memref<128x16xf32, #tpu.memory_space<vmem>>
        tpu.wait_dma2 semaphore(%run_scoped3A : memref<!tpu.dma_semaphore, #tpu.memory_space<semaphore_mem>>) src(%dma_wait3A_422 : memref<128x16xf32, #tpu.memory_space<vmem>>) dst(%dma_wait3A_419 : memref<128x16xf32, #tpu.memory_space<hbm>>)
        tpu.yield
      }) : () -> ()
    } else {
    }
    %gt3A_284 = arith.constant 128 : i32
    %gt3A_285 = arith.cmpi sgt, %scan3A_272, %gt3A_284 : i32
    %convert_element_type3A_286 = arith.extui %gt3A_285 : i1 to i32
    %cond3A_287 = arith.constant 0 : i32
    %cond3A_288 = arith.cmpi ne, %convert_element_type3A_286, %cond3A_287 : i32
    scf.if %cond3A_288 {
      %dma_start3A = arith.constant 128 : i32
      %dma_start3A_381 = arith.constant 0 : i32
      %dma_start3A_382 = tpu.memref_slice %arg8[%dma_start3A, %dma_start3A_381] : memref<512x16xf32, #tpu.memory_space<vmem>> -> memref<128x16xf32, #tpu.memory_space<vmem>>
      %dma_start3A_383 = arith.constant 128 : i32
      %dma_start3A_384 = tpu.memref_slice %arg7[%dma_start3A_383] : memref<528xi32, #tpu.memory_space<vmem>> -> memref<128xi32, #tpu.memory_space<vmem>>
      %dma_start3A_385 = arith.constant 0 : i32
      %dma_start3A_386 = arith.constant 0 : i32
      %dma_start3A_387 = tpu.memref_slice %arg3[%dma_start3A_385, %dma_start3A_386] : memref<8192x16xf32, #tpu.memory_space<hbm>> -> memref<8192x16xf32, #tpu.memory_space<hbm>>
      tpu.enqueue_indirect_dma source(%dma_start3A_387 : memref<8192x16xf32, #tpu.memory_space<hbm>>) target(%dma_start3A_382 : memref<128x16xf32, #tpu.memory_space<vmem>>) offsets(%dma_start3A_384 : memref<128xi32, #tpu.memory_space<vmem>>) semaphore(%arg10 : memref<!tpu.dma_semaphore, #tpu.memory_space<semaphore_mem>>)
      %dma_wait3A = arith.constant 128 : i32
      %dma_wait3A_388 = arith.constant 0 : i32
      %dma_wait3A_389 = tpu.memref_slice %arg8[%dma_wait3A, %dma_wait3A_388] : memref<512x16xf32, #tpu.memory_space<vmem>> -> memref<128x16xf32, #tpu.memory_space<vmem>>
      %dma_wait3A_390 = arith.constant 128 : i32
      %dma_wait3A_391 = tpu.memref_slice %arg7[%dma_wait3A_390] : memref<528xi32, #tpu.memory_space<vmem>> -> memref<128xi32, #tpu.memory_space<vmem>>
      %dma_wait3A_392 = arith.constant 0 : i32
      %dma_wait3A_393 = arith.constant 0 : i32
      %dma_wait3A_394 = tpu.memref_slice %arg3[%dma_wait3A_392, %dma_wait3A_393] : memref<8192x16xf32, #tpu.memory_space<hbm>> -> memref<8192x16xf32, #tpu.memory_space<hbm>>
      tpu.wait_indirect_dma semaphore(%arg10 : memref<!tpu.dma_semaphore, #tpu.memory_space<semaphore_mem>>) src(%dma_wait3A_394 : memref<8192x16xf32, #tpu.memory_space<hbm>>) dst(%dma_wait3A_389 : memref<128x16xf32, #tpu.memory_space<vmem>>)
      "tpu.region"() ({
        %run_scoped3A = tpu.sem_alloc : memref<!tpu.dma_semaphore, #tpu.memory_space<semaphore_mem>>
        %dma_start3A_395 = arith.constant 128 : i32
        %dma_start3A_396 = arith.constant 0 : i32
        %dma_start3A_397 = tpu.memref_slice %arg8[%dma_start3A_395, %dma_start3A_396] : memref<512x16xf32, #tpu.memory_space<vmem>> -> memref<128x16xf32, #tpu.memory_space<vmem>>
        %dma_start3A_398 = arith.constant 128 : i32
        %dma_start3A_399 = arith.constant 0 : i32
        %dma_start3A_400 = tpu.memref_slice %arg5[%add3A_262, %dma_start3A_398, %dma_start3A_399] : memref<256x512x16xf32, #tpu.memory_space<hbm>> -> memref<1x128x16xf32, #tpu.memory_space<hbm>>
        %dma_start3A_401 = tpu.memref_squeeze %dma_start3A_400 : memref<1x128x16xf32, #tpu.memory_space<hbm>> -> memref<128x16xf32, #tpu.memory_space<hbm>>
        %dma_start3A_402 = arith.constant 128 : i32
        %dma_start3A_403 = arith.constant 0 : i32
        %dma_start3A_404 = tpu.memref_slice %arg5[%add3A_262, %dma_start3A_402, %dma_start3A_403] : memref<256x512x16xf32, #tpu.memory_space<hbm>> -> memref<1x128x16xf32, #tpu.memory_space<hbm>>
        %dma_start3A_405 = tpu.memref_squeeze %dma_start3A_404 : memref<1x128x16xf32, #tpu.memory_space<hbm>> -> memref<128x16xf32, #tpu.memory_space<hbm>>
        %dma_start3A_406 = arith.constant 128 : i32
        %dma_start3A_407 = arith.constant 0 : i32
        %dma_start3A_408 = tpu.memref_slice %arg8[%dma_start3A_406, %dma_start3A_407] : memref<512x16xf32, #tpu.memory_space<vmem>> -> memref<128x16xf32, #tpu.memory_space<vmem>>
        tpu.enqueue_dma source(%dma_start3A_408 : memref<128x16xf32, #tpu.memory_space<vmem>>) target(%dma_start3A_405 : memref<128x16xf32, #tpu.memory_space<hbm>>) target_semaphore(%run_scoped3A : memref<!tpu.dma_semaphore, #tpu.memory_space<semaphore_mem>>)
        %dma_wait3A_409 = arith.constant 128 : i32
        %dma_wait3A_410 = arith.constant 0 : i32
        %dma_wait3A_411 = tpu.memref_slice %arg8[%dma_wait3A_409, %dma_wait3A_410] : memref<512x16xf32, #tpu.memory_space<vmem>> -> memref<128x16xf32, #tpu.memory_space<vmem>>
        %dma_wait3A_412 = arith.constant 128 : i32
        %dma_wait3A_413 = arith.constant 0 : i32
        %dma_wait3A_414 = tpu.memref_slice %arg5[%add3A_262, %dma_wait3A_412, %dma_wait3A_413] : memref<256x512x16xf32, #tpu.memory_space<hbm>> -> memref<1x128x16xf32, #tpu.memory_space<hbm>>
        %dma_wait3A_415 = tpu.memref_squeeze %dma_wait3A_414 : memref<1x128x16xf32, #tpu.memory_space<hbm>> -> memref<128x16xf32, #tpu.memory_space<hbm>>
        %dma_wait3A_416 = arith.constant 128 : i32
        %dma_wait3A_417 = arith.constant 0 : i32
        %dma_wait3A_418 = tpu.memref_slice %arg5[%add3A_262, %dma_wait3A_416, %dma_wait3A_417] : memref<256x512x16xf32, #tpu.memory_space<hbm>> -> memref<1x128x16xf32, #tpu.memory_space<hbm>>
        %dma_wait3A_419 = tpu.memref_squeeze %dma_wait3A_418 : memref<1x128x16xf32, #tpu.memory_space<hbm>> -> memref<128x16xf32, #tpu.memory_space<hbm>>
        %dma_wait3A_420 = arith.constant 128 : i32
        %dma_wait3A_421 = arith.constant 0 : i32
        %dma_wait3A_422 = tpu.memref_slice %arg8[%dma_wait3A_420, %dma_wait3A_421] : memref<512x16xf32, #tpu.memory_space<vmem>> -> memref<128x16xf32, #tpu.memory_space<vmem>>
        tpu.wait_dma2 semaphore(%run_scoped3A : memref<!tpu.dma_semaphore, #tpu.memory_space<semaphore_mem>>) src(%dma_wait3A_422 : memref<128x16xf32, #tpu.memory_space<vmem>>) dst(%dma_wait3A_419 : memref<128x16xf32, #tpu.memory_space<hbm>>)
        tpu.yield
      }) : () -> ()
    } else {
    }
    %gt3A_289 = arith.constant 256 : i32
    %gt3A_290 = arith.cmpi sgt, %scan3A_272, %gt3A_289 : i32
    %convert_element_type3A_291 = arith.extui %gt3A_290 : i1 to i32
    %cond3A_292 = arith.constant 0 : i32
    %cond3A_293 = arith.cmpi ne, %convert_element_type3A_291, %cond3A_292 : i32
    scf.if %cond3A_293 {
      %dma_start3A = arith.constant 256 : i32
      %dma_start3A_381 = arith.constant 0 : i32
      %dma_start3A_382 = tpu.memref_slice %arg8[%dma_start3A, %dma_start3A_381] : memref<512x16xf32, #tpu.memory_space<vmem>> -> memref<128x16xf32, #tpu.memory_space<vmem>>
      %dma_start3A_383 = arith.constant 256 : i32
      %dma_start3A_384 = tpu.memref_slice %arg7[%dma_start3A_383] : memref<528xi32, #tpu.memory_space<vmem>> -> memref<128xi32, #tpu.memory_space<vmem>>
      %dma_start3A_385 = arith.constant 0 : i32
      %dma_start3A_386 = arith.constant 0 : i32
      %dma_start3A_387 = tpu.memref_slice %arg3[%dma_start3A_385, %dma_start3A_386] : memref<8192x16xf32, #tpu.memory_space<hbm>> -> memref<8192x16xf32, #tpu.memory_space<hbm>>
      tpu.enqueue_indirect_dma source(%dma_start3A_387 : memref<8192x16xf32, #tpu.memory_space<hbm>>) target(%dma_start3A_382 : memref<128x16xf32, #tpu.memory_space<vmem>>) offsets(%dma_start3A_384 : memref<128xi32, #tpu.memory_space<vmem>>) semaphore(%arg10 : memref<!tpu.dma_semaphore, #tpu.memory_space<semaphore_mem>>)
      %dma_wait3A = arith.constant 256 : i32
      %dma_wait3A_388 = arith.constant 0 : i32
      %dma_wait3A_389 = tpu.memref_slice %arg8[%dma_wait3A, %dma_wait3A_388] : memref<512x16xf32, #tpu.memory_space<vmem>> -> memref<128x16xf32, #tpu.memory_space<vmem>>
      %dma_wait3A_390 = arith.constant 256 : i32
      %dma_wait3A_391 = tpu.memref_slice %arg7[%dma_wait3A_390] : memref<528xi32, #tpu.memory_space<vmem>> -> memref<128xi32, #tpu.memory_space<vmem>>
      %dma_wait3A_392 = arith.constant 0 : i32
      %dma_wait3A_393 = arith.constant 0 : i32
      %dma_wait3A_394 = tpu.memref_slice %arg3[%dma_wait3A_392, %dma_wait3A_393] : memref<8192x16xf32, #tpu.memory_space<hbm>> -> memref<8192x16xf32, #tpu.memory_space<hbm>>
      tpu.wait_indirect_dma semaphore(%arg10 : memref<!tpu.dma_semaphore, #tpu.memory_space<semaphore_mem>>) src(%dma_wait3A_394 : memref<8192x16xf32, #tpu.memory_space<hbm>>) dst(%dma_wait3A_389 : memref<128x16xf32, #tpu.memory_space<vmem>>)
      "tpu.region"() ({
        %run_scoped3A = tpu.sem_alloc : memref<!tpu.dma_semaphore, #tpu.memory_space<semaphore_mem>>
        %dma_start3A_395 = arith.constant 256 : i32
        %dma_start3A_396 = arith.constant 0 : i32
        %dma_start3A_397 = tpu.memref_slice %arg8[%dma_start3A_395, %dma_start3A_396] : memref<512x16xf32, #tpu.memory_space<vmem>> -> memref<128x16xf32, #tpu.memory_space<vmem>>
        %dma_start3A_398 = arith.constant 256 : i32
        %dma_start3A_399 = arith.constant 0 : i32
        %dma_start3A_400 = tpu.memref_slice %arg5[%add3A_262, %dma_start3A_398, %dma_start3A_399] : memref<256x512x16xf32, #tpu.memory_space<hbm>> -> memref<1x128x16xf32, #tpu.memory_space<hbm>>
        %dma_start3A_401 = tpu.memref_squeeze %dma_start3A_400 : memref<1x128x16xf32, #tpu.memory_space<hbm>> -> memref<128x16xf32, #tpu.memory_space<hbm>>
        %dma_start3A_402 = arith.constant 256 : i32
        %dma_start3A_403 = arith.constant 0 : i32
        %dma_start3A_404 = tpu.memref_slice %arg5[%add3A_262, %dma_start3A_402, %dma_start3A_403] : memref<256x512x16xf32, #tpu.memory_space<hbm>> -> memref<1x128x16xf32, #tpu.memory_space<hbm>>
        %dma_start3A_405 = tpu.memref_squeeze %dma_start3A_404 : memref<1x128x16xf32, #tpu.memory_space<hbm>> -> memref<128x16xf32, #tpu.memory_space<hbm>>
        %dma_start3A_406 = arith.constant 256 : i32
        %dma_start3A_407 = arith.constant 0 : i32
        %dma_start3A_408 = tpu.memref_slice %arg8[%dma_start3A_406, %dma_start3A_407] : memref<512x16xf32, #tpu.memory_space<vmem>> -> memref<128x16xf32, #tpu.memory_space<vmem>>
        tpu.enqueue_dma source(%dma_start3A_408 : memref<128x16xf32, #tpu.memory_space<vmem>>) target(%dma_start3A_405 : memref<128x16xf32, #tpu.memory_space<hbm>>) target_semaphore(%run_scoped3A : memref<!tpu.dma_semaphore, #tpu.memory_space<semaphore_mem>>)
        %dma_wait3A_409 = arith.constant 256 : i32
        %dma_wait3A_410 = arith.constant 0 : i32
        %dma_wait3A_411 = tpu.memref_slice %arg8[%dma_wait3A_409, %dma_wait3A_410] : memref<512x16xf32, #tpu.memory_space<vmem>> -> memref<128x16xf32, #tpu.memory_space<vmem>>
        %dma_wait3A_412 = arith.constant 256 : i32
        %dma_wait3A_413 = arith.constant 0 : i32
        %dma_wait3A_414 = tpu.memref_slice %arg5[%add3A_262, %dma_wait3A_412, %dma_wait3A_413] : memref<256x512x16xf32, #tpu.memory_space<hbm>> -> memref<1x128x16xf32, #tpu.memory_space<hbm>>
        %dma_wait3A_415 = tpu.memref_squeeze %dma_wait3A_414 : memref<1x128x16xf32, #tpu.memory_space<hbm>> -> memref<128x16xf32, #tpu.memory_space<hbm>>
        %dma_wait3A_416 = arith.constant 256 : i32
        %dma_wait3A_417 = arith.constant 0 : i32
        %dma_wait3A_418 = tpu.memref_slice %arg5[%add3A_262, %dma_wait3A_416, %dma_wait3A_417] : memref<256x512x16xf32, #tpu.memory_space<hbm>> -> memref<1x128x16xf32, #tpu.memory_space<hbm>>
        %dma_wait3A_419 = tpu.memref_squeeze %dma_wait3A_418 : memref<1x128x16xf32, #tpu.memory_space<hbm>> -> memref<128x16xf32, #tpu.memory_space<hbm>>
        %dma_wait3A_420 = arith.constant 256 : i32
        %dma_wait3A_421 = arith.constant 0 : i32
        %dma_wait3A_422 = tpu.memref_slice %arg8[%dma_wait3A_420, %dma_wait3A_421] : memref<512x16xf32, #tpu.memory_space<vmem>> -> memref<128x16xf32, #tpu.memory_space<vmem>>
        tpu.wait_dma2 semaphore(%run_scoped3A : memref<!tpu.dma_semaphore, #tpu.memory_space<semaphore_mem>>) src(%dma_wait3A_422 : memref<128x16xf32, #tpu.memory_space<vmem>>) dst(%dma_wait3A_419 : memref<128x16xf32, #tpu.memory_space<hbm>>)
        tpu.yield
      }) : () -> ()
    } else {
    }
    %gt3A_294 = arith.constant 384 : i32
    %gt3A_295 = arith.cmpi sgt, %scan3A_272, %gt3A_294 : i32
    %convert_element_type3A_296 = arith.extui %gt3A_295 : i1 to i32
    %cond3A_297 = arith.constant 0 : i32
    %cond3A_298 = arith.cmpi ne, %convert_element_type3A_296, %cond3A_297 : i32
    scf.if %cond3A_298 {
      %dma_start3A = arith.constant 384 : i32
      %dma_start3A_381 = arith.constant 0 : i32
      %dma_start3A_382 = tpu.memref_slice %arg8[%dma_start3A, %dma_start3A_381] : memref<512x16xf32, #tpu.memory_space<vmem>> -> memref<128x16xf32, #tpu.memory_space<vmem>>
      %dma_start3A_383 = arith.constant 384 : i32
      %dma_start3A_384 = tpu.memref_slice %arg7[%dma_start3A_383] : memref<528xi32, #tpu.memory_space<vmem>> -> memref<128xi32, #tpu.memory_space<vmem>>
      %dma_start3A_385 = arith.constant 0 : i32
      %dma_start3A_386 = arith.constant 0 : i32
      %dma_start3A_387 = tpu.memref_slice %arg3[%dma_start3A_385, %dma_start3A_386] : memref<8192x16xf32, #tpu.memory_space<hbm>> -> memref<8192x16xf32, #tpu.memory_space<hbm>>
      tpu.enqueue_indirect_dma source(%dma_start3A_387 : memref<8192x16xf32, #tpu.memory_space<hbm>>) target(%dma_start3A_382 : memref<128x16xf32, #tpu.memory_space<vmem>>) offsets(%dma_start3A_384 : memref<128xi32, #tpu.memory_space<vmem>>) semaphore(%arg10 : memref<!tpu.dma_semaphore, #tpu.memory_space<semaphore_mem>>)
      %dma_wait3A = arith.constant 384 : i32
      %dma_wait3A_388 = arith.constant 0 : i32
      %dma_wait3A_389 = tpu.memref_slice %arg8[%dma_wait3A, %dma_wait3A_388] : memref<512x16xf32, #tpu.memory_space<vmem>> -> memref<128x16xf32, #tpu.memory_space<vmem>>
      %dma_wait3A_390 = arith.constant 384 : i32
      %dma_wait3A_391 = tpu.memref_slice %arg7[%dma_wait3A_390] : memref<528xi32, #tpu.memory_space<vmem>> -> memref<128xi32, #tpu.memory_space<vmem>>
      %dma_wait3A_392 = arith.constant 0 : i32
      %dma_wait3A_393 = arith.constant 0 : i32
      %dma_wait3A_394 = tpu.memref_slice %arg3[%dma_wait3A_392, %dma_wait3A_393] : memref<8192x16xf32, #tpu.memory_space<hbm>> -> memref<8192x16xf32, #tpu.memory_space<hbm>>
      tpu.wait_indirect_dma semaphore(%arg10 : memref<!tpu.dma_semaphore, #tpu.memory_space<semaphore_mem>>) src(%dma_wait3A_394 : memref<8192x16xf32, #tpu.memory_space<hbm>>) dst(%dma_wait3A_389 : memref<128x16xf32, #tpu.memory_space<vmem>>)
      "tpu.region"() ({
        %run_scoped3A = tpu.sem_alloc : memref<!tpu.dma_semaphore, #tpu.memory_space<semaphore_mem>>
        %dma_start3A_395 = arith.constant 384 : i32
        %dma_start3A_396 = arith.constant 0 : i32
        %dma_start3A_397 = tpu.memref_slice %arg8[%dma_start3A_395, %dma_start3A_396] : memref<512x16xf32, #tpu.memory_space<vmem>> -> memref<128x16xf32, #tpu.memory_space<vmem>>
        %dma_start3A_398 = arith.constant 384 : i32
        %dma_start3A_399 = arith.constant 0 : i32
        %dma_start3A_400 = tpu.memref_slice %arg5[%add3A_262, %dma_start3A_398, %dma_start3A_399] : memref<256x512x16xf32, #tpu.memory_space<hbm>> -> memref<1x128x16xf32, #tpu.memory_space<hbm>>
        %dma_start3A_401 = tpu.memref_squeeze %dma_start3A_400 : memref<1x128x16xf32, #tpu.memory_space<hbm>> -> memref<128x16xf32, #tpu.memory_space<hbm>>
        %dma_start3A_402 = arith.constant 384 : i32
        %dma_start3A_403 = arith.constant 0 : i32
        %dma_start3A_404 = tpu.memref_slice %arg5[%add3A_262, %dma_start3A_402, %dma_start3A_403] : memref<256x512x16xf32, #tpu.memory_space<hbm>> -> memref<1x128x16xf32, #tpu.memory_space<hbm>>
        %dma_start3A_405 = tpu.memref_squeeze %dma_start3A_404 : memref<1x128x16xf32, #tpu.memory_space<hbm>> -> memref<128x16xf32, #tpu.memory_space<hbm>>
        %dma_start3A_406 = arith.constant 384 : i32
        %dma_start3A_407 = arith.constant 0 : i32
        %dma_start3A_408 = tpu.memref_slice %arg8[%dma_start3A_406, %dma_start3A_407] : memref<512x16xf32, #tpu.memory_space<vmem>> -> memref<128x16xf32, #tpu.memory_space<vmem>>
        tpu.enqueue_dma source(%dma_start3A_408 : memref<128x16xf32, #tpu.memory_space<vmem>>) target(%dma_start3A_405 : memref<128x16xf32, #tpu.memory_space<hbm>>) target_semaphore(%run_scoped3A : memref<!tpu.dma_semaphore, #tpu.memory_space<semaphore_mem>>)
        %dma_wait3A_409 = arith.constant 384 : i32
        %dma_wait3A_410 = arith.constant 0 : i32
        %dma_wait3A_411 = tpu.memref_slice %arg8[%dma_wait3A_409, %dma_wait3A_410] : memref<512x16xf32, #tpu.memory_space<vmem>> -> memref<128x16xf32, #tpu.memory_space<vmem>>
        %dma_wait3A_412 = arith.constant 384 : i32
        %dma_wait3A_413 = arith.constant 0 : i32
        %dma_wait3A_414 = tpu.memref_slice %arg5[%add3A_262, %dma_wait3A_412, %dma_wait3A_413] : memref<256x512x16xf32, #tpu.memory_space<hbm>> -> memref<1x128x16xf32, #tpu.memory_space<hbm>>
        %dma_wait3A_415 = tpu.memref_squeeze %dma_wait3A_414 : memref<1x128x16xf32, #tpu.memory_space<hbm>> -> memref<128x16xf32, #tpu.memory_space<hbm>>
        %dma_wait3A_416 = arith.constant 384 : i32
        %dma_wait3A_417 = arith.constant 0 : i32
        %dma_wait3A_418 = tpu.memref_slice %arg5[%add3A_262, %dma_wait3A_416, %dma_wait3A_417] : memref<256x512x16xf32, #tpu.memory_space<hbm>> -> memref<1x128x16xf32, #tpu.memory_space<hbm>>
        %dma_wait3A_419 = tpu.memref_squeeze %dma_wait3A_418 : memref<1x128x16xf32, #tpu.memory_space<hbm>> -> memref<128x16xf32, #tpu.memory_space<hbm>>
        %dma_wait3A_420 = arith.constant 384 : i32
        %dma_wait3A_421 = arith.constant 0 : i32
        %dma_wait3A_422 = tpu.memref_slice %arg8[%dma_wait3A_420, %dma_wait3A_421] : memref<512x16xf32, #tpu.memory_space<vmem>> -> memref<128x16xf32, #tpu.memory_space<vmem>>
        tpu.wait_dma2 semaphore(%run_scoped3A : memref<!tpu.dma_semaphore, #tpu.memory_space<semaphore_mem>>) src(%dma_wait3A_422 : memref<128x16xf32, #tpu.memory_space<vmem>>) dst(%dma_wait3A_419 : memref<128x16xf32, #tpu.memory_space<hbm>>)
        tpu.yield
      }) : () -> ()
    } else {
    }
    %mul3A_299 = arith.constant 8 : i32
    %mul3A_300 = arith.muli %add3A, %mul3A_299 : i32
    %add3A_301 = arith.constant 6 : i32
    %add3A_302 = arith.addi %mul3A_300, %add3A_301 : i32
    %rem3A_303 = arith.constant 16 : i32
    %rem3A_304 = arith.remsi %add3A_302, %rem3A_303 : i32
    %div3A_305 = arith.constant 16 : i32
    %div3A_306 = arith.divsi %add3A_302, %div3A_305 : i32
    %scan3A_307 = arith.constant 0 : i32
    %scan3A_308 = arith.constant 0 : i32
    %scan3A_309 = arith.constant 512 : i32
    %scan3A_310 = arith.addi %scan3A_308, %scan3A_309 : i32
    %scan3A_311 = arith.constant 1 : i32
    %scan3A_312 = scf.for %scan3A_381 = %scan3A_308 to %scan3A_310 step %scan3A_311 iter_args(%scan3A_382 = %scan3A_307) -> (i32)  : i32 {
      %mul3A_383 = arith.constant 16 : i32
      %mul3A_384 = arith.muli %scan3A_381, %mul3A_383 : i32
      %get3A = arith.constant 0 : i32
      %get3A_385 = arith.index_cast %get3A : i32 to index
      %get3A_386 = arith.index_cast %mul3A_384 : i32 to index
      %get3A_387 = tpu.vector_load %arg6[%get3A_385, %get3A_386] {strides = array<i32>} : memref<4x8192xi32, #tpu.memory_space<vmem>>, vector<16xi32>,
      %mul3A_388 = arith.constant 16 : i32
      %mul3A_389 = arith.muli %scan3A_381, %mul3A_388 : i32
      %get3A_390 = arith.constant 1 : i32
      %get3A_391 = arith.index_cast %get3A_390 : i32 to index
      %get3A_392 = arith.index_cast %mul3A_389 : i32 to index
      %get3A_393 = tpu.vector_load %arg6[%get3A_391, %get3A_392] {strides = array<i32>} : memref<4x8192xi32, #tpu.memory_space<vmem>>, vector<16xi32>,
      %mul3A_394 = arith.constant 16 : i32
      %mul3A_395 = arith.muli %scan3A_381, %mul3A_394 : i32
      %get3A_396 = arith.constant 2 : i32
      %get3A_397 = arith.index_cast %get3A_396 : i32 to index
      %get3A_398 = arith.index_cast %mul3A_395 : i32 to index
      %get3A_399 = tpu.vector_load %arg6[%get3A_397, %get3A_398] {strides = array<i32>} : memref<4x8192xi32, #tpu.memory_space<vmem>>, vector<16xi32>,
      %mul3A_400 = arith.constant 16 : i32
      %mul3A_401 = arith.muli %scan3A_381, %mul3A_400 : i32
      %get3A_402 = arith.constant 3 : i32
      %get3A_403 = arith.index_cast %get3A_402 : i32 to index
      %get3A_404 = arith.index_cast %mul3A_401 : i32 to index
      %get3A_405 = tpu.vector_load %arg6[%get3A_403, %get3A_404] {strides = array<i32>} : memref<4x8192xi32, #tpu.memory_space<vmem>>, vector<16xi32>,
      %le3A = vector.broadcast %rem3A_304 : i32 to vector<16xi32>
      %le3A_406 = arith.cmpi sle, %get3A_387, %le3A : vector<16xi32>
      %le3A_407 = vector.broadcast %rem3A_304 : i32 to vector<16xi32>
      %le3A_408 = arith.cmpi sle, %le3A_407, %get3A_393 : vector<16xi32>
      %and3A = arith.andi %le3A_406, %le3A_408 : vector<16xi1>
      %le3A_409 = vector.broadcast %div3A_306 : i32 to vector<16xi32>
      %le3A_410 = arith.cmpi sle, %get3A_399, %le3A_409 : vector<16xi32>
      %and3A_411 = arith.andi %and3A, %le3A_410 : vector<16xi1>
      %le3A_412 = vector.broadcast %div3A_306 : i32 to vector<16xi32>
      %le3A_413 = arith.cmpi sle, %le3A_412, %get3A_405 : vector<16xi32>
      %and3A_414 = arith.andi %and3A_411, %le3A_413 : vector<16xi1>
      %all_reduce_population_count3A = tpu.all_reduce %and3A_414 {dim = 0 : i64, kind = #tpu.reduction_kind<sum>} : vector<16xi1> -> vector<16xi32>
      %reduce_max3A = arith.constant true
      %reduce_max3A_415 = vector.broadcast %reduce_max3A : i1 to vector<16xi1>
      %reduce_max3A_416 = arith.constant -2147483648 : i32
      %reduce_max3A_417 = vector.broadcast %reduce_max3A_416 : i32 to vector<16xi32>
      %reduce_max3A_418 = arith.xori %all_reduce_population_count3A, %reduce_max3A_417 : vector<16xi32>
      %reduce_max3A_419 = tpu.scan <max>, %reduce_max3A_418 masked %reduce_max3A_415 : vector<16xi32>, vector<16xi1> -> vector<16xi32>
      %reduce_max3A_420 = arith.xori %reduce_max3A_419, %reduce_max3A_417 : vector<16xi32>
      %reduce_max3A_421 = vector.extract %reduce_max3A_420[15] : i32 from vector<16xi32>
      %gt3A_422 = arith.constant 0 : i32
      %gt3A_423 = arith.cmpi sgt, %reduce_max3A_421, %gt3A_422 : i32
      %convert_element_type3A_424 = arith.extui %gt3A_423 : i1 to i32
      %cond3A_425 = arith.constant 0 : i32
      %cond3A_426 = arith.cmpi ne, %convert_element_type3A_424, %cond3A_425 : i32
      %cond3A_427 = scf.if %cond3A_426 -> (i32) {
        %convert_element_type3A_428 = arith.extui %and3A_414 : vector<16xi1> to vector<16xi32>
        %broadcast_in_dim3A_429 = arith.constant true
        %broadcast_in_dim3A_430 = vector.broadcast %broadcast_in_dim3A_429 : i1 to vector<16xi1>
        %masked_cumsum3A = tpu.scan <sum>, %convert_element_type3A_428 masked %broadcast_in_dim3A_430 : vector<16xi32>, vector<16xi1> -> vector<16xi32>
        %min3A = arith.constant 512 : i32
        %min3A_431 = arith.minsi %scan3A_382, %min3A : i32
        %add3A_432 = vector.broadcast %min3A_431 : i32 to vector<16xi32>
        %add3A_433 = arith.addi %add3A_432, %masked_cumsum3A : vector<16xi32>
        %sub3A = arith.constant 1 : i32
        %sub3A_434 = vector.broadcast %sub3A : i32 to vector<16xi32>
        %sub3A_435 = arith.subi %add3A_433, %sub3A_434 : vector<16xi32>
        %mul3A_436 = arith.constant 16 : i32
        %mul3A_437 = arith.muli %scan3A_381, %mul3A_436 : i32
        %add3A_438 = vector.broadcast %mul3A_437 : i32 to vector<16xi32>
        %add3A_439 = arith.addi %add3A_438, %iota3A : vector<16xi32>
        tpu.vector_store_idx %arg7[%sub3A_435], %add3A_439 masked %and3A_414 : memref<528xi32, #tpu.memory_space<vmem>>[vector<16xi32>], vector<16xi32>, vector<16xi1>
        %add3A_440 = arith.addi %scan3A_382, %reduce_max3A_421 : i32
        scf.yield %add3A_440 : i32
      } else {
        scf.yield %scan3A_382 : i32
      }
      scf.yield %cond3A_427 : i32
    }
    %scan3A_313 = arith.constant 512 : i32
    %eq3A_314 = arith.constant 6 : i32
    %eq3A_315 = vector.broadcast %eq3A_314 : i32 to vector<16xi32>
    %eq3A_316 = arith.cmpi eq, %iota3A, %eq3A_315 : vector<16xi32>
    %broadcast_in_dim3A_317 = vector.broadcast %scan3A_312 : i32 to vector<16xi32>
    %select_n3A_318 = arith.select %eq3A_316, %broadcast_in_dim3A_317, %select_n3A_278 : vector<16xi1>, vector<16xi32>
    %gt3A_319 = arith.constant 0 : i32
    %gt3A_320 = arith.cmpi sgt, %scan3A_312, %gt3A_319 : i32
    %convert_element_type3A_321 = arith.extui %gt3A_320 : i1 to i32
    %cond3A_322 = arith.constant 0 : i32
    %cond3A_323 = arith.cmpi ne, %convert_element_type3A_321, %cond3A_322 : i32
    scf.if %cond3A_323 {
      %dma_start3A = arith.constant 0 : i32
      %dma_start3A_381 = arith.constant 0 : i32
      %dma_start3A_382 = tpu.memref_slice %arg8[%dma_start3A, %dma_start3A_381] : memref<512x16xf32, #tpu.memory_space<vmem>> -> memref<128x16xf32, #tpu.memory_space<vmem>>
      %dma_start3A_383 = arith.constant 0 : i32
      %dma_start3A_384 = tpu.memref_slice %arg7[%dma_start3A_383] : memref<528xi32, #tpu.memory_space<vmem>> -> memref<128xi32, #tpu.memory_space<vmem>>
      %dma_start3A_385 = arith.constant 0 : i32
      %dma_start3A_386 = arith.constant 0 : i32
      %dma_start3A_387 = tpu.memref_slice %arg3[%dma_start3A_385, %dma_start3A_386] : memref<8192x16xf32, #tpu.memory_space<hbm>> -> memref<8192x16xf32, #tpu.memory_space<hbm>>
      tpu.enqueue_indirect_dma source(%dma_start3A_387 : memref<8192x16xf32, #tpu.memory_space<hbm>>) target(%dma_start3A_382 : memref<128x16xf32, #tpu.memory_space<vmem>>) offsets(%dma_start3A_384 : memref<128xi32, #tpu.memory_space<vmem>>) semaphore(%arg10 : memref<!tpu.dma_semaphore, #tpu.memory_space<semaphore_mem>>)
      %dma_wait3A = arith.constant 0 : i32
      %dma_wait3A_388 = arith.constant 0 : i32
      %dma_wait3A_389 = tpu.memref_slice %arg8[%dma_wait3A, %dma_wait3A_388] : memref<512x16xf32, #tpu.memory_space<vmem>> -> memref<128x16xf32, #tpu.memory_space<vmem>>
      %dma_wait3A_390 = arith.constant 0 : i32
      %dma_wait3A_391 = tpu.memref_slice %arg7[%dma_wait3A_390] : memref<528xi32, #tpu.memory_space<vmem>> -> memref<128xi32, #tpu.memory_space<vmem>>
      %dma_wait3A_392 = arith.constant 0 : i32
      %dma_wait3A_393 = arith.constant 0 : i32
      %dma_wait3A_394 = tpu.memref_slice %arg3[%dma_wait3A_392, %dma_wait3A_393] : memref<8192x16xf32, #tpu.memory_space<hbm>> -> memref<8192x16xf32, #tpu.memory_space<hbm>>
      tpu.wait_indirect_dma semaphore(%arg10 : memref<!tpu.dma_semaphore, #tpu.memory_space<semaphore_mem>>) src(%dma_wait3A_394 : memref<8192x16xf32, #tpu.memory_space<hbm>>) dst(%dma_wait3A_389 : memref<128x16xf32, #tpu.memory_space<vmem>>)
      "tpu.region"() ({
        %run_scoped3A = tpu.sem_alloc : memref<!tpu.dma_semaphore, #tpu.memory_space<semaphore_mem>>
        %dma_start3A_395 = arith.constant 0 : i32
        %dma_start3A_396 = arith.constant 0 : i32
        %dma_start3A_397 = tpu.memref_slice %arg8[%dma_start3A_395, %dma_start3A_396] : memref<512x16xf32, #tpu.memory_space<vmem>> -> memref<128x16xf32, #tpu.memory_space<vmem>>
        %dma_start3A_398 = arith.constant 0 : i32
        %dma_start3A_399 = arith.constant 0 : i32
        %dma_start3A_400 = tpu.memref_slice %arg5[%add3A_302, %dma_start3A_398, %dma_start3A_399] : memref<256x512x16xf32, #tpu.memory_space<hbm>> -> memref<1x128x16xf32, #tpu.memory_space<hbm>>
        %dma_start3A_401 = tpu.memref_squeeze %dma_start3A_400 : memref<1x128x16xf32, #tpu.memory_space<hbm>> -> memref<128x16xf32, #tpu.memory_space<hbm>>
        %dma_start3A_402 = arith.constant 0 : i32
        %dma_start3A_403 = arith.constant 0 : i32
        %dma_start3A_404 = tpu.memref_slice %arg5[%add3A_302, %dma_start3A_402, %dma_start3A_403] : memref<256x512x16xf32, #tpu.memory_space<hbm>> -> memref<1x128x16xf32, #tpu.memory_space<hbm>>
        %dma_start3A_405 = tpu.memref_squeeze %dma_start3A_404 : memref<1x128x16xf32, #tpu.memory_space<hbm>> -> memref<128x16xf32, #tpu.memory_space<hbm>>
        %dma_start3A_406 = arith.constant 0 : i32
        %dma_start3A_407 = arith.constant 0 : i32
        %dma_start3A_408 = tpu.memref_slice %arg8[%dma_start3A_406, %dma_start3A_407] : memref<512x16xf32, #tpu.memory_space<vmem>> -> memref<128x16xf32, #tpu.memory_space<vmem>>
        tpu.enqueue_dma source(%dma_start3A_408 : memref<128x16xf32, #tpu.memory_space<vmem>>) target(%dma_start3A_405 : memref<128x16xf32, #tpu.memory_space<hbm>>) target_semaphore(%run_scoped3A : memref<!tpu.dma_semaphore, #tpu.memory_space<semaphore_mem>>)
        %dma_wait3A_409 = arith.constant 0 : i32
        %dma_wait3A_410 = arith.constant 0 : i32
        %dma_wait3A_411 = tpu.memref_slice %arg8[%dma_wait3A_409, %dma_wait3A_410] : memref<512x16xf32, #tpu.memory_space<vmem>> -> memref<128x16xf32, #tpu.memory_space<vmem>>
        %dma_wait3A_412 = arith.constant 0 : i32
        %dma_wait3A_413 = arith.constant 0 : i32
        %dma_wait3A_414 = tpu.memref_slice %arg5[%add3A_302, %dma_wait3A_412, %dma_wait3A_413] : memref<256x512x16xf32, #tpu.memory_space<hbm>> -> memref<1x128x16xf32, #tpu.memory_space<hbm>>
        %dma_wait3A_415 = tpu.memref_squeeze %dma_wait3A_414 : memref<1x128x16xf32, #tpu.memory_space<hbm>> -> memref<128x16xf32, #tpu.memory_space<hbm>>
        %dma_wait3A_416 = arith.constant 0 : i32
        %dma_wait3A_417 = arith.constant 0 : i32
        %dma_wait3A_418 = tpu.memref_slice %arg5[%add3A_302, %dma_wait3A_416, %dma_wait3A_417] : memref<256x512x16xf32, #tpu.memory_space<hbm>> -> memref<1x128x16xf32, #tpu.memory_space<hbm>>
        %dma_wait3A_419 = tpu.memref_squeeze %dma_wait3A_418 : memref<1x128x16xf32, #tpu.memory_space<hbm>> -> memref<128x16xf32, #tpu.memory_space<hbm>>
        %dma_wait3A_420 = arith.constant 0 : i32
        %dma_wait3A_421 = arith.constant 0 : i32
        %dma_wait3A_422 = tpu.memref_slice %arg8[%dma_wait3A_420, %dma_wait3A_421] : memref<512x16xf32, #tpu.memory_space<vmem>> -> memref<128x16xf32, #tpu.memory_space<vmem>>
        tpu.wait_dma2 semaphore(%run_scoped3A : memref<!tpu.dma_semaphore, #tpu.memory_space<semaphore_mem>>) src(%dma_wait3A_422 : memref<128x16xf32, #tpu.memory_space<vmem>>) dst(%dma_wait3A_419 : memref<128x16xf32, #tpu.memory_space<hbm>>)
        tpu.yield
      }) : () -> ()
    } else {
    }
    %gt3A_324 = arith.constant 128 : i32
    %gt3A_325 = arith.cmpi sgt, %scan3A_312, %gt3A_324 : i32
    %convert_element_type3A_326 = arith.extui %gt3A_325 : i1 to i32
    %cond3A_327 = arith.constant 0 : i32
    %cond3A_328 = arith.cmpi ne, %convert_element_type3A_326, %cond3A_327 : i32
    scf.if %cond3A_328 {
      %dma_start3A = arith.constant 128 : i32
      %dma_start3A_381 = arith.constant 0 : i32
      %dma_start3A_382 = tpu.memref_slice %arg8[%dma_start3A, %dma_start3A_381] : memref<512x16xf32, #tpu.memory_space<vmem>> -> memref<128x16xf32, #tpu.memory_space<vmem>>
      %dma_start3A_383 = arith.constant 128 : i32
      %dma_start3A_384 = tpu.memref_slice %arg7[%dma_start3A_383] : memref<528xi32, #tpu.memory_space<vmem>> -> memref<128xi32, #tpu.memory_space<vmem>>
      %dma_start3A_385 = arith.constant 0 : i32
      %dma_start3A_386 = arith.constant 0 : i32
      %dma_start3A_387 = tpu.memref_slice %arg3[%dma_start3A_385, %dma_start3A_386] : memref<8192x16xf32, #tpu.memory_space<hbm>> -> memref<8192x16xf32, #tpu.memory_space<hbm>>
      tpu.enqueue_indirect_dma source(%dma_start3A_387 : memref<8192x16xf32, #tpu.memory_space<hbm>>) target(%dma_start3A_382 : memref<128x16xf32, #tpu.memory_space<vmem>>) offsets(%dma_start3A_384 : memref<128xi32, #tpu.memory_space<vmem>>) semaphore(%arg10 : memref<!tpu.dma_semaphore, #tpu.memory_space<semaphore_mem>>)
      %dma_wait3A = arith.constant 128 : i32
      %dma_wait3A_388 = arith.constant 0 : i32
      %dma_wait3A_389 = tpu.memref_slice %arg8[%dma_wait3A, %dma_wait3A_388] : memref<512x16xf32, #tpu.memory_space<vmem>> -> memref<128x16xf32, #tpu.memory_space<vmem>>
      %dma_wait3A_390 = arith.constant 128 : i32
      %dma_wait3A_391 = tpu.memref_slice %arg7[%dma_wait3A_390] : memref<528xi32, #tpu.memory_space<vmem>> -> memref<128xi32, #tpu.memory_space<vmem>>
      %dma_wait3A_392 = arith.constant 0 : i32
      %dma_wait3A_393 = arith.constant 0 : i32
      %dma_wait3A_394 = tpu.memref_slice %arg3[%dma_wait3A_392, %dma_wait3A_393] : memref<8192x16xf32, #tpu.memory_space<hbm>> -> memref<8192x16xf32, #tpu.memory_space<hbm>>
      tpu.wait_indirect_dma semaphore(%arg10 : memref<!tpu.dma_semaphore, #tpu.memory_space<semaphore_mem>>) src(%dma_wait3A_394 : memref<8192x16xf32, #tpu.memory_space<hbm>>) dst(%dma_wait3A_389 : memref<128x16xf32, #tpu.memory_space<vmem>>)
      "tpu.region"() ({
        %run_scoped3A = tpu.sem_alloc : memref<!tpu.dma_semaphore, #tpu.memory_space<semaphore_mem>>
        %dma_start3A_395 = arith.constant 128 : i32
        %dma_start3A_396 = arith.constant 0 : i32
        %dma_start3A_397 = tpu.memref_slice %arg8[%dma_start3A_395, %dma_start3A_396] : memref<512x16xf32, #tpu.memory_space<vmem>> -> memref<128x16xf32, #tpu.memory_space<vmem>>
        %dma_start3A_398 = arith.constant 128 : i32
        %dma_start3A_399 = arith.constant 0 : i32
        %dma_start3A_400 = tpu.memref_slice %arg5[%add3A_302, %dma_start3A_398, %dma_start3A_399] : memref<256x512x16xf32, #tpu.memory_space<hbm>> -> memref<1x128x16xf32, #tpu.memory_space<hbm>>
        %dma_start3A_401 = tpu.memref_squeeze %dma_start3A_400 : memref<1x128x16xf32, #tpu.memory_space<hbm>> -> memref<128x16xf32, #tpu.memory_space<hbm>>
        %dma_start3A_402 = arith.constant 128 : i32
        %dma_start3A_403 = arith.constant 0 : i32
        %dma_start3A_404 = tpu.memref_slice %arg5[%add3A_302, %dma_start3A_402, %dma_start3A_403] : memref<256x512x16xf32, #tpu.memory_space<hbm>> -> memref<1x128x16xf32, #tpu.memory_space<hbm>>
        %dma_start3A_405 = tpu.memref_squeeze %dma_start3A_404 : memref<1x128x16xf32, #tpu.memory_space<hbm>> -> memref<128x16xf32, #tpu.memory_space<hbm>>
        %dma_start3A_406 = arith.constant 128 : i32
        %dma_start3A_407 = arith.constant 0 : i32
        %dma_start3A_408 = tpu.memref_slice %arg8[%dma_start3A_406, %dma_start3A_407] : memref<512x16xf32, #tpu.memory_space<vmem>> -> memref<128x16xf32, #tpu.memory_space<vmem>>
        tpu.enqueue_dma source(%dma_start3A_408 : memref<128x16xf32, #tpu.memory_space<vmem>>) target(%dma_start3A_405 : memref<128x16xf32, #tpu.memory_space<hbm>>) target_semaphore(%run_scoped3A : memref<!tpu.dma_semaphore, #tpu.memory_space<semaphore_mem>>)
        %dma_wait3A_409 = arith.constant 128 : i32
        %dma_wait3A_410 = arith.constant 0 : i32
        %dma_wait3A_411 = tpu.memref_slice %arg8[%dma_wait3A_409, %dma_wait3A_410] : memref<512x16xf32, #tpu.memory_space<vmem>> -> memref<128x16xf32, #tpu.memory_space<vmem>>
        %dma_wait3A_412 = arith.constant 128 : i32
        %dma_wait3A_413 = arith.constant 0 : i32
        %dma_wait3A_414 = tpu.memref_slice %arg5[%add3A_302, %dma_wait3A_412, %dma_wait3A_413] : memref<256x512x16xf32, #tpu.memory_space<hbm>> -> memref<1x128x16xf32, #tpu.memory_space<hbm>>
        %dma_wait3A_415 = tpu.memref_squeeze %dma_wait3A_414 : memref<1x128x16xf32, #tpu.memory_space<hbm>> -> memref<128x16xf32, #tpu.memory_space<hbm>>
        %dma_wait3A_416 = arith.constant 128 : i32
        %dma_wait3A_417 = arith.constant 0 : i32
        %dma_wait3A_418 = tpu.memref_slice %arg5[%add3A_302, %dma_wait3A_416, %dma_wait3A_417] : memref<256x512x16xf32, #tpu.memory_space<hbm>> -> memref<1x128x16xf32, #tpu.memory_space<hbm>>
        %dma_wait3A_419 = tpu.memref_squeeze %dma_wait3A_418 : memref<1x128x16xf32, #tpu.memory_space<hbm>> -> memref<128x16xf32, #tpu.memory_space<hbm>>
        %dma_wait3A_420 = arith.constant 128 : i32
        %dma_wait3A_421 = arith.constant 0 : i32
        %dma_wait3A_422 = tpu.memref_slice %arg8[%dma_wait3A_420, %dma_wait3A_421] : memref<512x16xf32, #tpu.memory_space<vmem>> -> memref<128x16xf32, #tpu.memory_space<vmem>>
        tpu.wait_dma2 semaphore(%run_scoped3A : memref<!tpu.dma_semaphore, #tpu.memory_space<semaphore_mem>>) src(%dma_wait3A_422 : memref<128x16xf32, #tpu.memory_space<vmem>>) dst(%dma_wait3A_419 : memref<128x16xf32, #tpu.memory_space<hbm>>)
        tpu.yield
      }) : () -> ()
    } else {
    }
    %gt3A_329 = arith.constant 256 : i32
    %gt3A_330 = arith.cmpi sgt, %scan3A_312, %gt3A_329 : i32
    %convert_element_type3A_331 = arith.extui %gt3A_330 : i1 to i32
    %cond3A_332 = arith.constant 0 : i32
    %cond3A_333 = arith.cmpi ne, %convert_element_type3A_331, %cond3A_332 : i32
    scf.if %cond3A_333 {
      %dma_start3A = arith.constant 256 : i32
      %dma_start3A_381 = arith.constant 0 : i32
      %dma_start3A_382 = tpu.memref_slice %arg8[%dma_start3A, %dma_start3A_381] : memref<512x16xf32, #tpu.memory_space<vmem>> -> memref<128x16xf32, #tpu.memory_space<vmem>>
      %dma_start3A_383 = arith.constant 256 : i32
      %dma_start3A_384 = tpu.memref_slice %arg7[%dma_start3A_383] : memref<528xi32, #tpu.memory_space<vmem>> -> memref<128xi32, #tpu.memory_space<vmem>>
      %dma_start3A_385 = arith.constant 0 : i32
      %dma_start3A_386 = arith.constant 0 : i32
      %dma_start3A_387 = tpu.memref_slice %arg3[%dma_start3A_385, %dma_start3A_386] : memref<8192x16xf32, #tpu.memory_space<hbm>> -> memref<8192x16xf32, #tpu.memory_space<hbm>>
      tpu.enqueue_indirect_dma source(%dma_start3A_387 : memref<8192x16xf32, #tpu.memory_space<hbm>>) target(%dma_start3A_382 : memref<128x16xf32, #tpu.memory_space<vmem>>) offsets(%dma_start3A_384 : memref<128xi32, #tpu.memory_space<vmem>>) semaphore(%arg10 : memref<!tpu.dma_semaphore, #tpu.memory_space<semaphore_mem>>)
      %dma_wait3A = arith.constant 256 : i32
      %dma_wait3A_388 = arith.constant 0 : i32
      %dma_wait3A_389 = tpu.memref_slice %arg8[%dma_wait3A, %dma_wait3A_388] : memref<512x16xf32, #tpu.memory_space<vmem>> -> memref<128x16xf32, #tpu.memory_space<vmem>>
      %dma_wait3A_390 = arith.constant 256 : i32
      %dma_wait3A_391 = tpu.memref_slice %arg7[%dma_wait3A_390] : memref<528xi32, #tpu.memory_space<vmem>> -> memref<128xi32, #tpu.memory_space<vmem>>
      %dma_wait3A_392 = arith.constant 0 : i32
      %dma_wait3A_393 = arith.constant 0 : i32
      %dma_wait3A_394 = tpu.memref_slice %arg3[%dma_wait3A_392, %dma_wait3A_393] : memref<8192x16xf32, #tpu.memory_space<hbm>> -> memref<8192x16xf32, #tpu.memory_space<hbm>>
      tpu.wait_indirect_dma semaphore(%arg10 : memref<!tpu.dma_semaphore, #tpu.memory_space<semaphore_mem>>) src(%dma_wait3A_394 : memref<8192x16xf32, #tpu.memory_space<hbm>>) dst(%dma_wait3A_389 : memref<128x16xf32, #tpu.memory_space<vmem>>)
      "tpu.region"() ({
        %run_scoped3A = tpu.sem_alloc : memref<!tpu.dma_semaphore, #tpu.memory_space<semaphore_mem>>
        %dma_start3A_395 = arith.constant 256 : i32
        %dma_start3A_396 = arith.constant 0 : i32
        %dma_start3A_397 = tpu.memref_slice %arg8[%dma_start3A_395, %dma_start3A_396] : memref<512x16xf32, #tpu.memory_space<vmem>> -> memref<128x16xf32, #tpu.memory_space<vmem>>
        %dma_start3A_398 = arith.constant 256 : i32
        %dma_start3A_399 = arith.constant 0 : i32
        %dma_start3A_400 = tpu.memref_slice %arg5[%add3A_302, %dma_start3A_398, %dma_start3A_399] : memref<256x512x16xf32, #tpu.memory_space<hbm>> -> memref<1x128x16xf32, #tpu.memory_space<hbm>>
        %dma_start3A_401 = tpu.memref_squeeze %dma_start3A_400 : memref<1x128x16xf32, #tpu.memory_space<hbm>> -> memref<128x16xf32, #tpu.memory_space<hbm>>
        %dma_start3A_402 = arith.constant 256 : i32
        %dma_start3A_403 = arith.constant 0 : i32
        %dma_start3A_404 = tpu.memref_slice %arg5[%add3A_302, %dma_start3A_402, %dma_start3A_403] : memref<256x512x16xf32, #tpu.memory_space<hbm>> -> memref<1x128x16xf32, #tpu.memory_space<hbm>>
        %dma_start3A_405 = tpu.memref_squeeze %dma_start3A_404 : memref<1x128x16xf32, #tpu.memory_space<hbm>> -> memref<128x16xf32, #tpu.memory_space<hbm>>
        %dma_start3A_406 = arith.constant 256 : i32
        %dma_start3A_407 = arith.constant 0 : i32
        %dma_start3A_408 = tpu.memref_slice %arg8[%dma_start3A_406, %dma_start3A_407] : memref<512x16xf32, #tpu.memory_space<vmem>> -> memref<128x16xf32, #tpu.memory_space<vmem>>
        tpu.enqueue_dma source(%dma_start3A_408 : memref<128x16xf32, #tpu.memory_space<vmem>>) target(%dma_start3A_405 : memref<128x16xf32, #tpu.memory_space<hbm>>) target_semaphore(%run_scoped3A : memref<!tpu.dma_semaphore, #tpu.memory_space<semaphore_mem>>)
        %dma_wait3A_409 = arith.constant 256 : i32
        %dma_wait3A_410 = arith.constant 0 : i32
        %dma_wait3A_411 = tpu.memref_slice %arg8[%dma_wait3A_409, %dma_wait3A_410] : memref<512x16xf32, #tpu.memory_space<vmem>> -> memref<128x16xf32, #tpu.memory_space<vmem>>
        %dma_wait3A_412 = arith.constant 256 : i32
        %dma_wait3A_413 = arith.constant 0 : i32
        %dma_wait3A_414 = tpu.memref_slice %arg5[%add3A_302, %dma_wait3A_412, %dma_wait3A_413] : memref<256x512x16xf32, #tpu.memory_space<hbm>> -> memref<1x128x16xf32, #tpu.memory_space<hbm>>
        %dma_wait3A_415 = tpu.memref_squeeze %dma_wait3A_414 : memref<1x128x16xf32, #tpu.memory_space<hbm>> -> memref<128x16xf32, #tpu.memory_space<hbm>>
        %dma_wait3A_416 = arith.constant 256 : i32
        %dma_wait3A_417 = arith.constant 0 : i32
        %dma_wait3A_418 = tpu.memref_slice %arg5[%add3A_302, %dma_wait3A_416, %dma_wait3A_417] : memref<256x512x16xf32, #tpu.memory_space<hbm>> -> memref<1x128x16xf32, #tpu.memory_space<hbm>>
        %dma_wait3A_419 = tpu.memref_squeeze %dma_wait3A_418 : memref<1x128x16xf32, #tpu.memory_space<hbm>> -> memref<128x16xf32, #tpu.memory_space<hbm>>
        %dma_wait3A_420 = arith.constant 256 : i32
        %dma_wait3A_421 = arith.constant 0 : i32
        %dma_wait3A_422 = tpu.memref_slice %arg8[%dma_wait3A_420, %dma_wait3A_421] : memref<512x16xf32, #tpu.memory_space<vmem>> -> memref<128x16xf32, #tpu.memory_space<vmem>>
        tpu.wait_dma2 semaphore(%run_scoped3A : memref<!tpu.dma_semaphore, #tpu.memory_space<semaphore_mem>>) src(%dma_wait3A_422 : memref<128x16xf32, #tpu.memory_space<vmem>>) dst(%dma_wait3A_419 : memref<128x16xf32, #tpu.memory_space<hbm>>)
        tpu.yield
      }) : () -> ()
    } else {
    }
    %gt3A_334 = arith.constant 384 : i32
    %gt3A_335 = arith.cmpi sgt, %scan3A_312, %gt3A_334 : i32
    %convert_element_type3A_336 = arith.extui %gt3A_335 : i1 to i32
    %cond3A_337 = arith.constant 0 : i32
    %cond3A_338 = arith.cmpi ne, %convert_element_type3A_336, %cond3A_337 : i32
    scf.if %cond3A_338 {
      %dma_start3A = arith.constant 384 : i32
      %dma_start3A_381 = arith.constant 0 : i32
      %dma_start3A_382 = tpu.memref_slice %arg8[%dma_start3A, %dma_start3A_381] : memref<512x16xf32, #tpu.memory_space<vmem>> -> memref<128x16xf32, #tpu.memory_space<vmem>>
      %dma_start3A_383 = arith.constant 384 : i32
      %dma_start3A_384 = tpu.memref_slice %arg7[%dma_start3A_383] : memref<528xi32, #tpu.memory_space<vmem>> -> memref<128xi32, #tpu.memory_space<vmem>>
      %dma_start3A_385 = arith.constant 0 : i32
      %dma_start3A_386 = arith.constant 0 : i32
      %dma_start3A_387 = tpu.memref_slice %arg3[%dma_start3A_385, %dma_start3A_386] : memref<8192x16xf32, #tpu.memory_space<hbm>> -> memref<8192x16xf32, #tpu.memory_space<hbm>>
      tpu.enqueue_indirect_dma source(%dma_start3A_387 : memref<8192x16xf32, #tpu.memory_space<hbm>>) target(%dma_start3A_382 : memref<128x16xf32, #tpu.memory_space<vmem>>) offsets(%dma_start3A_384 : memref<128xi32, #tpu.memory_space<vmem>>) semaphore(%arg10 : memref<!tpu.dma_semaphore, #tpu.memory_space<semaphore_mem>>)
      %dma_wait3A = arith.constant 384 : i32
      %dma_wait3A_388 = arith.constant 0 : i32
      %dma_wait3A_389 = tpu.memref_slice %arg8[%dma_wait3A, %dma_wait3A_388] : memref<512x16xf32, #tpu.memory_space<vmem>> -> memref<128x16xf32, #tpu.memory_space<vmem>>
      %dma_wait3A_390 = arith.constant 384 : i32
      %dma_wait3A_391 = tpu.memref_slice %arg7[%dma_wait3A_390] : memref<528xi32, #tpu.memory_space<vmem>> -> memref<128xi32, #tpu.memory_space<vmem>>
      %dma_wait3A_392 = arith.constant 0 : i32
      %dma_wait3A_393 = arith.constant 0 : i32
      %dma_wait3A_394 = tpu.memref_slice %arg3[%dma_wait3A_392, %dma_wait3A_393] : memref<8192x16xf32, #tpu.memory_space<hbm>> -> memref<8192x16xf32, #tpu.memory_space<hbm>>
      tpu.wait_indirect_dma semaphore(%arg10 : memref<!tpu.dma_semaphore, #tpu.memory_space<semaphore_mem>>) src(%dma_wait3A_394 : memref<8192x16xf32, #tpu.memory_space<hbm>>) dst(%dma_wait3A_389 : memref<128x16xf32, #tpu.memory_space<vmem>>)
      "tpu.region"() ({
        %run_scoped3A = tpu.sem_alloc : memref<!tpu.dma_semaphore, #tpu.memory_space<semaphore_mem>>
        %dma_start3A_395 = arith.constant 384 : i32
        %dma_start3A_396 = arith.constant 0 : i32
        %dma_start3A_397 = tpu.memref_slice %arg8[%dma_start3A_395, %dma_start3A_396] : memref<512x16xf32, #tpu.memory_space<vmem>> -> memref<128x16xf32, #tpu.memory_space<vmem>>
        %dma_start3A_398 = arith.constant 384 : i32
        %dma_start3A_399 = arith.constant 0 : i32
        %dma_start3A_400 = tpu.memref_slice %arg5[%add3A_302, %dma_start3A_398, %dma_start3A_399] : memref<256x512x16xf32, #tpu.memory_space<hbm>> -> memref<1x128x16xf32, #tpu.memory_space<hbm>>
        %dma_start3A_401 = tpu.memref_squeeze %dma_start3A_400 : memref<1x128x16xf32, #tpu.memory_space<hbm>> -> memref<128x16xf32, #tpu.memory_space<hbm>>
        %dma_start3A_402 = arith.constant 384 : i32
        %dma_start3A_403 = arith.constant 0 : i32
        %dma_start3A_404 = tpu.memref_slice %arg5[%add3A_302, %dma_start3A_402, %dma_start3A_403] : memref<256x512x16xf32, #tpu.memory_space<hbm>> -> memref<1x128x16xf32, #tpu.memory_space<hbm>>
        %dma_start3A_405 = tpu.memref_squeeze %dma_start3A_404 : memref<1x128x16xf32, #tpu.memory_space<hbm>> -> memref<128x16xf32, #tpu.memory_space<hbm>>
        %dma_start3A_406 = arith.constant 384 : i32
        %dma_start3A_407 = arith.constant 0 : i32
        %dma_start3A_408 = tpu.memref_slice %arg8[%dma_start3A_406, %dma_start3A_407] : memref<512x16xf32, #tpu.memory_space<vmem>> -> memref<128x16xf32, #tpu.memory_space<vmem>>
        tpu.enqueue_dma source(%dma_start3A_408 : memref<128x16xf32, #tpu.memory_space<vmem>>) target(%dma_start3A_405 : memref<128x16xf32, #tpu.memory_space<hbm>>) target_semaphore(%run_scoped3A : memref<!tpu.dma_semaphore, #tpu.memory_space<semaphore_mem>>)
        %dma_wait3A_409 = arith.constant 384 : i32
        %dma_wait3A_410 = arith.constant 0 : i32
        %dma_wait3A_411 = tpu.memref_slice %arg8[%dma_wait3A_409, %dma_wait3A_410] : memref<512x16xf32, #tpu.memory_space<vmem>> -> memref<128x16xf32, #tpu.memory_space<vmem>>
        %dma_wait3A_412 = arith.constant 384 : i32
        %dma_wait3A_413 = arith.constant 0 : i32
        %dma_wait3A_414 = tpu.memref_slice %arg5[%add3A_302, %dma_wait3A_412, %dma_wait3A_413] : memref<256x512x16xf32, #tpu.memory_space<hbm>> -> memref<1x128x16xf32, #tpu.memory_space<hbm>>
        %dma_wait3A_415 = tpu.memref_squeeze %dma_wait3A_414 : memref<1x128x16xf32, #tpu.memory_space<hbm>> -> memref<128x16xf32, #tpu.memory_space<hbm>>
        %dma_wait3A_416 = arith.constant 384 : i32
        %dma_wait3A_417 = arith.constant 0 : i32
        %dma_wait3A_418 = tpu.memref_slice %arg5[%add3A_302, %dma_wait3A_416, %dma_wait3A_417] : memref<256x512x16xf32, #tpu.memory_space<hbm>> -> memref<1x128x16xf32, #tpu.memory_space<hbm>>
        %dma_wait3A_419 = tpu.memref_squeeze %dma_wait3A_418 : memref<1x128x16xf32, #tpu.memory_space<hbm>> -> memref<128x16xf32, #tpu.memory_space<hbm>>
        %dma_wait3A_420 = arith.constant 384 : i32
        %dma_wait3A_421 = arith.constant 0 : i32
        %dma_wait3A_422 = tpu.memref_slice %arg8[%dma_wait3A_420, %dma_wait3A_421] : memref<512x16xf32, #tpu.memory_space<vmem>> -> memref<128x16xf32, #tpu.memory_space<vmem>>
        tpu.wait_dma2 semaphore(%run_scoped3A : memref<!tpu.dma_semaphore, #tpu.memory_space<semaphore_mem>>) src(%dma_wait3A_422 : memref<128x16xf32, #tpu.memory_space<vmem>>) dst(%dma_wait3A_419 : memref<128x16xf32, #tpu.memory_space<hbm>>)
        tpu.yield
      }) : () -> ()
    } else {
    }
    %mul3A_339 = arith.constant 8 : i32
    %mul3A_340 = arith.muli %add3A, %mul3A_339 : i32
    %add3A_341 = arith.constant 7 : i32
    %add3A_342 = arith.addi %mul3A_340, %add3A_341 : i32
    %rem3A_343 = arith.constant 16 : i32
    %rem3A_344 = arith.remsi %add3A_342, %rem3A_343 : i32
    %div3A_345 = arith.constant 16 : i32
    %div3A_346 = arith.divsi %add3A_342, %div3A_345 : i32
    %scan3A_347 = arith.constant 0 : i32
    %scan3A_348 = arith.constant 0 : i32
    %scan3A_349 = arith.constant 512 : i32
    %scan3A_350 = arith.addi %scan3A_348, %scan3A_349 : i32
    %scan3A_351 = arith.constant 1 : i32
    %scan3A_352 = scf.for %scan3A_381 = %scan3A_348 to %scan3A_350 step %scan3A_351 iter_args(%scan3A_382 = %scan3A_347) -> (i32)  : i32 {
      %mul3A_383 = arith.constant 16 : i32
      %mul3A_384 = arith.muli %scan3A_381, %mul3A_383 : i32
      %get3A = arith.constant 0 : i32
      %get3A_385 = arith.index_cast %get3A : i32 to index
      %get3A_386 = arith.index_cast %mul3A_384 : i32 to index
      %get3A_387 = tpu.vector_load %arg6[%get3A_385, %get3A_386] {strides = array<i32>} : memref<4x8192xi32, #tpu.memory_space<vmem>>, vector<16xi32>,
      %mul3A_388 = arith.constant 16 : i32
      %mul3A_389 = arith.muli %scan3A_381, %mul3A_388 : i32
      %get3A_390 = arith.constant 1 : i32
      %get3A_391 = arith.index_cast %get3A_390 : i32 to index
      %get3A_392 = arith.index_cast %mul3A_389 : i32 to index
      %get3A_393 = tpu.vector_load %arg6[%get3A_391, %get3A_392] {strides = array<i32>} : memref<4x8192xi32, #tpu.memory_space<vmem>>, vector<16xi32>,
      %mul3A_394 = arith.constant 16 : i32
      %mul3A_395 = arith.muli %scan3A_381, %mul3A_394 : i32
      %get3A_396 = arith.constant 2 : i32
      %get3A_397 = arith.index_cast %get3A_396 : i32 to index
      %get3A_398 = arith.index_cast %mul3A_395 : i32 to index
      %get3A_399 = tpu.vector_load %arg6[%get3A_397, %get3A_398] {strides = array<i32>} : memref<4x8192xi32, #tpu.memory_space<vmem>>, vector<16xi32>,
      %mul3A_400 = arith.constant 16 : i32
      %mul3A_401 = arith.muli %scan3A_381, %mul3A_400 : i32
      %get3A_402 = arith.constant 3 : i32
      %get3A_403 = arith.index_cast %get3A_402 : i32 to index
      %get3A_404 = arith.index_cast %mul3A_401 : i32 to index
      %get3A_405 = tpu.vector_load %arg6[%get3A_403, %get3A_404] {strides = array<i32>} : memref<4x8192xi32, #tpu.memory_space<vmem>>, vector<16xi32>,
      %le3A = vector.broadcast %rem3A_344 : i32 to vector<16xi32>
      %le3A_406 = arith.cmpi sle, %get3A_387, %le3A : vector<16xi32>
      %le3A_407 = vector.broadcast %rem3A_344 : i32 to vector<16xi32>
      %le3A_408 = arith.cmpi sle, %le3A_407, %get3A_393 : vector<16xi32>
      %and3A = arith.andi %le3A_406, %le3A_408 : vector<16xi1>
      %le3A_409 = vector.broadcast %div3A_346 : i32 to vector<16xi32>
      %le3A_410 = arith.cmpi sle, %get3A_399, %le3A_409 : vector<16xi32>
      %and3A_411 = arith.andi %and3A, %le3A_410 : vector<16xi1>
      %le3A_412 = vector.broadcast %div3A_346 : i32 to vector<16xi32>
      %le3A_413 = arith.cmpi sle, %le3A_412, %get3A_405 : vector<16xi32>
      %and3A_414 = arith.andi %and3A_411, %le3A_413 : vector<16xi1>
      %all_reduce_population_count3A = tpu.all_reduce %and3A_414 {dim = 0 : i64, kind = #tpu.reduction_kind<sum>} : vector<16xi1> -> vector<16xi32>
      %reduce_max3A = arith.constant true
      %reduce_max3A_415 = vector.broadcast %reduce_max3A : i1 to vector<16xi1>
      %reduce_max3A_416 = arith.constant -2147483648 : i32
      %reduce_max3A_417 = vector.broadcast %reduce_max3A_416 : i32 to vector<16xi32>
      %reduce_max3A_418 = arith.xori %all_reduce_population_count3A, %reduce_max3A_417 : vector<16xi32>
      %reduce_max3A_419 = tpu.scan <max>, %reduce_max3A_418 masked %reduce_max3A_415 : vector<16xi32>, vector<16xi1> -> vector<16xi32>
      %reduce_max3A_420 = arith.xori %reduce_max3A_419, %reduce_max3A_417 : vector<16xi32>
      %reduce_max3A_421 = vector.extract %reduce_max3A_420[15] : i32 from vector<16xi32>
      %gt3A_422 = arith.constant 0 : i32
      %gt3A_423 = arith.cmpi sgt, %reduce_max3A_421, %gt3A_422 : i32
      %convert_element_type3A_424 = arith.extui %gt3A_423 : i1 to i32
      %cond3A_425 = arith.constant 0 : i32
      %cond3A_426 = arith.cmpi ne, %convert_element_type3A_424, %cond3A_425 : i32
      %cond3A_427 = scf.if %cond3A_426 -> (i32) {
        %convert_element_type3A_428 = arith.extui %and3A_414 : vector<16xi1> to vector<16xi32>
        %broadcast_in_dim3A_429 = arith.constant true
        %broadcast_in_dim3A_430 = vector.broadcast %broadcast_in_dim3A_429 : i1 to vector<16xi1>
        %masked_cumsum3A = tpu.scan <sum>, %convert_element_type3A_428 masked %broadcast_in_dim3A_430 : vector<16xi32>, vector<16xi1> -> vector<16xi32>
        %min3A = arith.constant 512 : i32
        %min3A_431 = arith.minsi %scan3A_382, %min3A : i32
        %add3A_432 = vector.broadcast %min3A_431 : i32 to vector<16xi32>
        %add3A_433 = arith.addi %add3A_432, %masked_cumsum3A : vector<16xi32>
        %sub3A = arith.constant 1 : i32
        %sub3A_434 = vector.broadcast %sub3A : i32 to vector<16xi32>
        %sub3A_435 = arith.subi %add3A_433, %sub3A_434 : vector<16xi32>
        %mul3A_436 = arith.constant 16 : i32
        %mul3A_437 = arith.muli %scan3A_381, %mul3A_436 : i32
        %add3A_438 = vector.broadcast %mul3A_437 : i32 to vector<16xi32>
        %add3A_439 = arith.addi %add3A_438, %iota3A : vector<16xi32>
        tpu.vector_store_idx %arg7[%sub3A_435], %add3A_439 masked %and3A_414 : memref<528xi32, #tpu.memory_space<vmem>>[vector<16xi32>], vector<16xi32>, vector<16xi1>
        %add3A_440 = arith.addi %scan3A_382, %reduce_max3A_421 : i32
        scf.yield %add3A_440 : i32
      } else {
        scf.yield %scan3A_382 : i32
      }
      scf.yield %cond3A_427 : i32
    }
    %scan3A_353 = arith.constant 512 : i32
    %eq3A_354 = arith.constant 7 : i32
    %eq3A_355 = vector.broadcast %eq3A_354 : i32 to vector<16xi32>
    %eq3A_356 = arith.cmpi eq, %iota3A, %eq3A_355 : vector<16xi32>
    %broadcast_in_dim3A_357 = vector.broadcast %scan3A_352 : i32 to vector<16xi32>
    %select_n3A_358 = arith.select %eq3A_356, %broadcast_in_dim3A_357, %select_n3A_318 : vector<16xi1>, vector<16xi32>
    %gt3A_359 = arith.constant 0 : i32
    %gt3A_360 = arith.cmpi sgt, %scan3A_352, %gt3A_359 : i32
    %convert_element_type3A_361 = arith.extui %gt3A_360 : i1 to i32
    %cond3A_362 = arith.constant 0 : i32
    %cond3A_363 = arith.cmpi ne, %convert_element_type3A_361, %cond3A_362 : i32
    scf.if %cond3A_363 {
      %dma_start3A = arith.constant 0 : i32
      %dma_start3A_381 = arith.constant 0 : i32
      %dma_start3A_382 = tpu.memref_slice %arg8[%dma_start3A, %dma_start3A_381] : memref<512x16xf32, #tpu.memory_space<vmem>> -> memref<128x16xf32, #tpu.memory_space<vmem>>
      %dma_start3A_383 = arith.constant 0 : i32
      %dma_start3A_384 = tpu.memref_slice %arg7[%dma_start3A_383] : memref<528xi32, #tpu.memory_space<vmem>> -> memref<128xi32, #tpu.memory_space<vmem>>
      %dma_start3A_385 = arith.constant 0 : i32
      %dma_start3A_386 = arith.constant 0 : i32
      %dma_start3A_387 = tpu.memref_slice %arg3[%dma_start3A_385, %dma_start3A_386] : memref<8192x16xf32, #tpu.memory_space<hbm>> -> memref<8192x16xf32, #tpu.memory_space<hbm>>
      tpu.enqueue_indirect_dma source(%dma_start3A_387 : memref<8192x16xf32, #tpu.memory_space<hbm>>) target(%dma_start3A_382 : memref<128x16xf32, #tpu.memory_space<vmem>>) offsets(%dma_start3A_384 : memref<128xi32, #tpu.memory_space<vmem>>) semaphore(%arg10 : memref<!tpu.dma_semaphore, #tpu.memory_space<semaphore_mem>>)
      %dma_wait3A = arith.constant 0 : i32
      %dma_wait3A_388 = arith.constant 0 : i32
      %dma_wait3A_389 = tpu.memref_slice %arg8[%dma_wait3A, %dma_wait3A_388] : memref<512x16xf32, #tpu.memory_space<vmem>> -> memref<128x16xf32, #tpu.memory_space<vmem>>
      %dma_wait3A_390 = arith.constant 0 : i32
      %dma_wait3A_391 = tpu.memref_slice %arg7[%dma_wait3A_390] : memref<528xi32, #tpu.memory_space<vmem>> -> memref<128xi32, #tpu.memory_space<vmem>>
      %dma_wait3A_392 = arith.constant 0 : i32
      %dma_wait3A_393 = arith.constant 0 : i32
      %dma_wait3A_394 = tpu.memref_slice %arg3[%dma_wait3A_392, %dma_wait3A_393] : memref<8192x16xf32, #tpu.memory_space<hbm>> -> memref<8192x16xf32, #tpu.memory_space<hbm>>
      tpu.wait_indirect_dma semaphore(%arg10 : memref<!tpu.dma_semaphore, #tpu.memory_space<semaphore_mem>>) src(%dma_wait3A_394 : memref<8192x16xf32, #tpu.memory_space<hbm>>) dst(%dma_wait3A_389 : memref<128x16xf32, #tpu.memory_space<vmem>>)
      "tpu.region"() ({
        %run_scoped3A = tpu.sem_alloc : memref<!tpu.dma_semaphore, #tpu.memory_space<semaphore_mem>>
        %dma_start3A_395 = arith.constant 0 : i32
        %dma_start3A_396 = arith.constant 0 : i32
        %dma_start3A_397 = tpu.memref_slice %arg8[%dma_start3A_395, %dma_start3A_396] : memref<512x16xf32, #tpu.memory_space<vmem>> -> memref<128x16xf32, #tpu.memory_space<vmem>>
        %dma_start3A_398 = arith.constant 0 : i32
        %dma_start3A_399 = arith.constant 0 : i32
        %dma_start3A_400 = tpu.memref_slice %arg5[%add3A_342, %dma_start3A_398, %dma_start3A_399] : memref<256x512x16xf32, #tpu.memory_space<hbm>> -> memref<1x128x16xf32, #tpu.memory_space<hbm>>
        %dma_start3A_401 = tpu.memref_squeeze %dma_start3A_400 : memref<1x128x16xf32, #tpu.memory_space<hbm>> -> memref<128x16xf32, #tpu.memory_space<hbm>>
        %dma_start3A_402 = arith.constant 0 : i32
        %dma_start3A_403 = arith.constant 0 : i32
        %dma_start3A_404 = tpu.memref_slice %arg5[%add3A_342, %dma_start3A_402, %dma_start3A_403] : memref<256x512x16xf32, #tpu.memory_space<hbm>> -> memref<1x128x16xf32, #tpu.memory_space<hbm>>
        %dma_start3A_405 = tpu.memref_squeeze %dma_start3A_404 : memref<1x128x16xf32, #tpu.memory_space<hbm>> -> memref<128x16xf32, #tpu.memory_space<hbm>>
        %dma_start3A_406 = arith.constant 0 : i32
        %dma_start3A_407 = arith.constant 0 : i32
        %dma_start3A_408 = tpu.memref_slice %arg8[%dma_start3A_406, %dma_start3A_407] : memref<512x16xf32, #tpu.memory_space<vmem>> -> memref<128x16xf32, #tpu.memory_space<vmem>>
        tpu.enqueue_dma source(%dma_start3A_408 : memref<128x16xf32, #tpu.memory_space<vmem>>) target(%dma_start3A_405 : memref<128x16xf32, #tpu.memory_space<hbm>>) target_semaphore(%run_scoped3A : memref<!tpu.dma_semaphore, #tpu.memory_space<semaphore_mem>>)
        %dma_wait3A_409 = arith.constant 0 : i32
        %dma_wait3A_410 = arith.constant 0 : i32
        %dma_wait3A_411 = tpu.memref_slice %arg8[%dma_wait3A_409, %dma_wait3A_410] : memref<512x16xf32, #tpu.memory_space<vmem>> -> memref<128x16xf32, #tpu.memory_space<vmem>>
        %dma_wait3A_412 = arith.constant 0 : i32
        %dma_wait3A_413 = arith.constant 0 : i32
        %dma_wait3A_414 = tpu.memref_slice %arg5[%add3A_342, %dma_wait3A_412, %dma_wait3A_413] : memref<256x512x16xf32, #tpu.memory_space<hbm>> -> memref<1x128x16xf32, #tpu.memory_space<hbm>>
        %dma_wait3A_415 = tpu.memref_squeeze %dma_wait3A_414 : memref<1x128x16xf32, #tpu.memory_space<hbm>> -> memref<128x16xf32, #tpu.memory_space<hbm>>
        %dma_wait3A_416 = arith.constant 0 : i32
        %dma_wait3A_417 = arith.constant 0 : i32
        %dma_wait3A_418 = tpu.memref_slice %arg5[%add3A_342, %dma_wait3A_416, %dma_wait3A_417] : memref<256x512x16xf32, #tpu.memory_space<hbm>> -> memref<1x128x16xf32, #tpu.memory_space<hbm>>
        %dma_wait3A_419 = tpu.memref_squeeze %dma_wait3A_418 : memref<1x128x16xf32, #tpu.memory_space<hbm>> -> memref<128x16xf32, #tpu.memory_space<hbm>>
        %dma_wait3A_420 = arith.constant 0 : i32
        %dma_wait3A_421 = arith.constant 0 : i32
        %dma_wait3A_422 = tpu.memref_slice %arg8[%dma_wait3A_420, %dma_wait3A_421] : memref<512x16xf32, #tpu.memory_space<vmem>> -> memref<128x16xf32, #tpu.memory_space<vmem>>
        tpu.wait_dma2 semaphore(%run_scoped3A : memref<!tpu.dma_semaphore, #tpu.memory_space<semaphore_mem>>) src(%dma_wait3A_422 : memref<128x16xf32, #tpu.memory_space<vmem>>) dst(%dma_wait3A_419 : memref<128x16xf32, #tpu.memory_space<hbm>>)
        tpu.yield
      }) : () -> ()
    } else {
    }
    %gt3A_364 = arith.constant 128 : i32
    %gt3A_365 = arith.cmpi sgt, %scan3A_352, %gt3A_364 : i32
    %convert_element_type3A_366 = arith.extui %gt3A_365 : i1 to i32
    %cond3A_367 = arith.constant 0 : i32
    %cond3A_368 = arith.cmpi ne, %convert_element_type3A_366, %cond3A_367 : i32
    scf.if %cond3A_368 {
      %dma_start3A = arith.constant 128 : i32
      %dma_start3A_381 = arith.constant 0 : i32
      %dma_start3A_382 = tpu.memref_slice %arg8[%dma_start3A, %dma_start3A_381] : memref<512x16xf32, #tpu.memory_space<vmem>> -> memref<128x16xf32, #tpu.memory_space<vmem>>
      %dma_start3A_383 = arith.constant 128 : i32
      %dma_start3A_384 = tpu.memref_slice %arg7[%dma_start3A_383] : memref<528xi32, #tpu.memory_space<vmem>> -> memref<128xi32, #tpu.memory_space<vmem>>
      %dma_start3A_385 = arith.constant 0 : i32
      %dma_start3A_386 = arith.constant 0 : i32
      %dma_start3A_387 = tpu.memref_slice %arg3[%dma_start3A_385, %dma_start3A_386] : memref<8192x16xf32, #tpu.memory_space<hbm>> -> memref<8192x16xf32, #tpu.memory_space<hbm>>
      tpu.enqueue_indirect_dma source(%dma_start3A_387 : memref<8192x16xf32, #tpu.memory_space<hbm>>) target(%dma_start3A_382 : memref<128x16xf32, #tpu.memory_space<vmem>>) offsets(%dma_start3A_384 : memref<128xi32, #tpu.memory_space<vmem>>) semaphore(%arg10 : memref<!tpu.dma_semaphore, #tpu.memory_space<semaphore_mem>>)
      %dma_wait3A = arith.constant 128 : i32
      %dma_wait3A_388 = arith.constant 0 : i32
      %dma_wait3A_389 = tpu.memref_slice %arg8[%dma_wait3A, %dma_wait3A_388] : memref<512x16xf32, #tpu.memory_space<vmem>> -> memref<128x16xf32, #tpu.memory_space<vmem>>
      %dma_wait3A_390 = arith.constant 128 : i32
      %dma_wait3A_391 = tpu.memref_slice %arg7[%dma_wait3A_390] : memref<528xi32, #tpu.memory_space<vmem>> -> memref<128xi32, #tpu.memory_space<vmem>>
      %dma_wait3A_392 = arith.constant 0 : i32
      %dma_wait3A_393 = arith.constant 0 : i32
      %dma_wait3A_394 = tpu.memref_slice %arg3[%dma_wait3A_392, %dma_wait3A_393] : memref<8192x16xf32, #tpu.memory_space<hbm>> -> memref<8192x16xf32, #tpu.memory_space<hbm>>
      tpu.wait_indirect_dma semaphore(%arg10 : memref<!tpu.dma_semaphore, #tpu.memory_space<semaphore_mem>>) src(%dma_wait3A_394 : memref<8192x16xf32, #tpu.memory_space<hbm>>) dst(%dma_wait3A_389 : memref<128x16xf32, #tpu.memory_space<vmem>>)
      "tpu.region"() ({
        %run_scoped3A = tpu.sem_alloc : memref<!tpu.dma_semaphore, #tpu.memory_space<semaphore_mem>>
        %dma_start3A_395 = arith.constant 128 : i32
        %dma_start3A_396 = arith.constant 0 : i32
        %dma_start3A_397 = tpu.memref_slice %arg8[%dma_start3A_395, %dma_start3A_396] : memref<512x16xf32, #tpu.memory_space<vmem>> -> memref<128x16xf32, #tpu.memory_space<vmem>>
        %dma_start3A_398 = arith.constant 128 : i32
        %dma_start3A_399 = arith.constant 0 : i32
        %dma_start3A_400 = tpu.memref_slice %arg5[%add3A_342, %dma_start3A_398, %dma_start3A_399] : memref<256x512x16xf32, #tpu.memory_space<hbm>> -> memref<1x128x16xf32, #tpu.memory_space<hbm>>
        %dma_start3A_401 = tpu.memref_squeeze %dma_start3A_400 : memref<1x128x16xf32, #tpu.memory_space<hbm>> -> memref<128x16xf32, #tpu.memory_space<hbm>>
        %dma_start3A_402 = arith.constant 128 : i32
        %dma_start3A_403 = arith.constant 0 : i32
        %dma_start3A_404 = tpu.memref_slice %arg5[%add3A_342, %dma_start3A_402, %dma_start3A_403] : memref<256x512x16xf32, #tpu.memory_space<hbm>> -> memref<1x128x16xf32, #tpu.memory_space<hbm>>
        %dma_start3A_405 = tpu.memref_squeeze %dma_start3A_404 : memref<1x128x16xf32, #tpu.memory_space<hbm>> -> memref<128x16xf32, #tpu.memory_space<hbm>>
        %dma_start3A_406 = arith.constant 128 : i32
        %dma_start3A_407 = arith.constant 0 : i32
        %dma_start3A_408 = tpu.memref_slice %arg8[%dma_start3A_406, %dma_start3A_407] : memref<512x16xf32, #tpu.memory_space<vmem>> -> memref<128x16xf32, #tpu.memory_space<vmem>>
        tpu.enqueue_dma source(%dma_start3A_408 : memref<128x16xf32, #tpu.memory_space<vmem>>) target(%dma_start3A_405 : memref<128x16xf32, #tpu.memory_space<hbm>>) target_semaphore(%run_scoped3A : memref<!tpu.dma_semaphore, #tpu.memory_space<semaphore_mem>>)
        %dma_wait3A_409 = arith.constant 128 : i32
        %dma_wait3A_410 = arith.constant 0 : i32
        %dma_wait3A_411 = tpu.memref_slice %arg8[%dma_wait3A_409, %dma_wait3A_410] : memref<512x16xf32, #tpu.memory_space<vmem>> -> memref<128x16xf32, #tpu.memory_space<vmem>>
        %dma_wait3A_412 = arith.constant 128 : i32
        %dma_wait3A_413 = arith.constant 0 : i32
        %dma_wait3A_414 = tpu.memref_slice %arg5[%add3A_342, %dma_wait3A_412, %dma_wait3A_413] : memref<256x512x16xf32, #tpu.memory_space<hbm>> -> memref<1x128x16xf32, #tpu.memory_space<hbm>>
        %dma_wait3A_415 = tpu.memref_squeeze %dma_wait3A_414 : memref<1x128x16xf32, #tpu.memory_space<hbm>> -> memref<128x16xf32, #tpu.memory_space<hbm>>
        %dma_wait3A_416 = arith.constant 128 : i32
        %dma_wait3A_417 = arith.constant 0 : i32
        %dma_wait3A_418 = tpu.memref_slice %arg5[%add3A_342, %dma_wait3A_416, %dma_wait3A_417] : memref<256x512x16xf32, #tpu.memory_space<hbm>> -> memref<1x128x16xf32, #tpu.memory_space<hbm>>
        %dma_wait3A_419 = tpu.memref_squeeze %dma_wait3A_418 : memref<1x128x16xf32, #tpu.memory_space<hbm>> -> memref<128x16xf32, #tpu.memory_space<hbm>>
        %dma_wait3A_420 = arith.constant 128 : i32
        %dma_wait3A_421 = arith.constant 0 : i32
        %dma_wait3A_422 = tpu.memref_slice %arg8[%dma_wait3A_420, %dma_wait3A_421] : memref<512x16xf32, #tpu.memory_space<vmem>> -> memref<128x16xf32, #tpu.memory_space<vmem>>
        tpu.wait_dma2 semaphore(%run_scoped3A : memref<!tpu.dma_semaphore, #tpu.memory_space<semaphore_mem>>) src(%dma_wait3A_422 : memref<128x16xf32, #tpu.memory_space<vmem>>) dst(%dma_wait3A_419 : memref<128x16xf32, #tpu.memory_space<hbm>>)
        tpu.yield
      }) : () -> ()
    } else {
    }
    %gt3A_369 = arith.constant 256 : i32
    %gt3A_370 = arith.cmpi sgt, %scan3A_352, %gt3A_369 : i32
    %convert_element_type3A_371 = arith.extui %gt3A_370 : i1 to i32
    %cond3A_372 = arith.constant 0 : i32
    %cond3A_373 = arith.cmpi ne, %convert_element_type3A_371, %cond3A_372 : i32
    scf.if %cond3A_373 {
      %dma_start3A = arith.constant 256 : i32
      %dma_start3A_381 = arith.constant 0 : i32
      %dma_start3A_382 = tpu.memref_slice %arg8[%dma_start3A, %dma_start3A_381] : memref<512x16xf32, #tpu.memory_space<vmem>> -> memref<128x16xf32, #tpu.memory_space<vmem>>
      %dma_start3A_383 = arith.constant 256 : i32
      %dma_start3A_384 = tpu.memref_slice %arg7[%dma_start3A_383] : memref<528xi32, #tpu.memory_space<vmem>> -> memref<128xi32, #tpu.memory_space<vmem>>
      %dma_start3A_385 = arith.constant 0 : i32
      %dma_start3A_386 = arith.constant 0 : i32
      %dma_start3A_387 = tpu.memref_slice %arg3[%dma_start3A_385, %dma_start3A_386] : memref<8192x16xf32, #tpu.memory_space<hbm>> -> memref<8192x16xf32, #tpu.memory_space<hbm>>
      tpu.enqueue_indirect_dma source(%dma_start3A_387 : memref<8192x16xf32, #tpu.memory_space<hbm>>) target(%dma_start3A_382 : memref<128x16xf32, #tpu.memory_space<vmem>>) offsets(%dma_start3A_384 : memref<128xi32, #tpu.memory_space<vmem>>) semaphore(%arg10 : memref<!tpu.dma_semaphore, #tpu.memory_space<semaphore_mem>>)
      %dma_wait3A = arith.constant 256 : i32
      %dma_wait3A_388 = arith.constant 0 : i32
      %dma_wait3A_389 = tpu.memref_slice %arg8[%dma_wait3A, %dma_wait3A_388] : memref<512x16xf32, #tpu.memory_space<vmem>> -> memref<128x16xf32, #tpu.memory_space<vmem>>
      %dma_wait3A_390 = arith.constant 256 : i32
      %dma_wait3A_391 = tpu.memref_slice %arg7[%dma_wait3A_390] : memref<528xi32, #tpu.memory_space<vmem>> -> memref<128xi32, #tpu.memory_space<vmem>>
      %dma_wait3A_392 = arith.constant 0 : i32
      %dma_wait3A_393 = arith.constant 0 : i32
      %dma_wait3A_394 = tpu.memref_slice %arg3[%dma_wait3A_392, %dma_wait3A_393] : memref<8192x16xf32, #tpu.memory_space<hbm>> -> memref<8192x16xf32, #tpu.memory_space<hbm>>
      tpu.wait_indirect_dma semaphore(%arg10 : memref<!tpu.dma_semaphore, #tpu.memory_space<semaphore_mem>>) src(%dma_wait3A_394 : memref<8192x16xf32, #tpu.memory_space<hbm>>) dst(%dma_wait3A_389 : memref<128x16xf32, #tpu.memory_space<vmem>>)
      "tpu.region"() ({
        %run_scoped3A = tpu.sem_alloc : memref<!tpu.dma_semaphore, #tpu.memory_space<semaphore_mem>>
        %dma_start3A_395 = arith.constant 256 : i32
        %dma_start3A_396 = arith.constant 0 : i32
        %dma_start3A_397 = tpu.memref_slice %arg8[%dma_start3A_395, %dma_start3A_396] : memref<512x16xf32, #tpu.memory_space<vmem>> -> memref<128x16xf32, #tpu.memory_space<vmem>>
        %dma_start3A_398 = arith.constant 256 : i32
        %dma_start3A_399 = arith.constant 0 : i32
        %dma_start3A_400 = tpu.memref_slice %arg5[%add3A_342, %dma_start3A_398, %dma_start3A_399] : memref<256x512x16xf32, #tpu.memory_space<hbm>> -> memref<1x128x16xf32, #tpu.memory_space<hbm>>
        %dma_start3A_401 = tpu.memref_squeeze %dma_start3A_400 : memref<1x128x16xf32, #tpu.memory_space<hbm>> -> memref<128x16xf32, #tpu.memory_space<hbm>>
        %dma_start3A_402 = arith.constant 256 : i32
        %dma_start3A_403 = arith.constant 0 : i32
        %dma_start3A_404 = tpu.memref_slice %arg5[%add3A_342, %dma_start3A_402, %dma_start3A_403] : memref<256x512x16xf32, #tpu.memory_space<hbm>> -> memref<1x128x16xf32, #tpu.memory_space<hbm>>
        %dma_start3A_405 = tpu.memref_squeeze %dma_start3A_404 : memref<1x128x16xf32, #tpu.memory_space<hbm>> -> memref<128x16xf32, #tpu.memory_space<hbm>>
        %dma_start3A_406 = arith.constant 256 : i32
        %dma_start3A_407 = arith.constant 0 : i32
        %dma_start3A_408 = tpu.memref_slice %arg8[%dma_start3A_406, %dma_start3A_407] : memref<512x16xf32, #tpu.memory_space<vmem>> -> memref<128x16xf32, #tpu.memory_space<vmem>>
        tpu.enqueue_dma source(%dma_start3A_408 : memref<128x16xf32, #tpu.memory_space<vmem>>) target(%dma_start3A_405 : memref<128x16xf32, #tpu.memory_space<hbm>>) target_semaphore(%run_scoped3A : memref<!tpu.dma_semaphore, #tpu.memory_space<semaphore_mem>>)
        %dma_wait3A_409 = arith.constant 256 : i32
        %dma_wait3A_410 = arith.constant 0 : i32
        %dma_wait3A_411 = tpu.memref_slice %arg8[%dma_wait3A_409, %dma_wait3A_410] : memref<512x16xf32, #tpu.memory_space<vmem>> -> memref<128x16xf32, #tpu.memory_space<vmem>>
        %dma_wait3A_412 = arith.constant 256 : i32
        %dma_wait3A_413 = arith.constant 0 : i32
        %dma_wait3A_414 = tpu.memref_slice %arg5[%add3A_342, %dma_wait3A_412, %dma_wait3A_413] : memref<256x512x16xf32, #tpu.memory_space<hbm>> -> memref<1x128x16xf32, #tpu.memory_space<hbm>>
        %dma_wait3A_415 = tpu.memref_squeeze %dma_wait3A_414 : memref<1x128x16xf32, #tpu.memory_space<hbm>> -> memref<128x16xf32, #tpu.memory_space<hbm>>
        %dma_wait3A_416 = arith.constant 256 : i32
        %dma_wait3A_417 = arith.constant 0 : i32
        %dma_wait3A_418 = tpu.memref_slice %arg5[%add3A_342, %dma_wait3A_416, %dma_wait3A_417] : memref<256x512x16xf32, #tpu.memory_space<hbm>> -> memref<1x128x16xf32, #tpu.memory_space<hbm>>
        %dma_wait3A_419 = tpu.memref_squeeze %dma_wait3A_418 : memref<1x128x16xf32, #tpu.memory_space<hbm>> -> memref<128x16xf32, #tpu.memory_space<hbm>>
        %dma_wait3A_420 = arith.constant 256 : i32
        %dma_wait3A_421 = arith.constant 0 : i32
        %dma_wait3A_422 = tpu.memref_slice %arg8[%dma_wait3A_420, %dma_wait3A_421] : memref<512x16xf32, #tpu.memory_space<vmem>> -> memref<128x16xf32, #tpu.memory_space<vmem>>
        tpu.wait_dma2 semaphore(%run_scoped3A : memref<!tpu.dma_semaphore, #tpu.memory_space<semaphore_mem>>) src(%dma_wait3A_422 : memref<128x16xf32, #tpu.memory_space<vmem>>) dst(%dma_wait3A_419 : memref<128x16xf32, #tpu.memory_space<hbm>>)
        tpu.yield
      }) : () -> ()
    } else {
    }
    %gt3A_374 = arith.constant 384 : i32
    %gt3A_375 = arith.cmpi sgt, %scan3A_352, %gt3A_374 : i32
    %convert_element_type3A_376 = arith.extui %gt3A_375 : i1 to i32
    %cond3A_377 = arith.constant 0 : i32
    %cond3A_378 = arith.cmpi ne, %convert_element_type3A_376, %cond3A_377 : i32
    scf.if %cond3A_378 {
      %dma_start3A = arith.constant 384 : i32
      %dma_start3A_381 = arith.constant 0 : i32
      %dma_start3A_382 = tpu.memref_slice %arg8[%dma_start3A, %dma_start3A_381] : memref<512x16xf32, #tpu.memory_space<vmem>> -> memref<128x16xf32, #tpu.memory_space<vmem>>
      %dma_start3A_383 = arith.constant 384 : i32
      %dma_start3A_384 = tpu.memref_slice %arg7[%dma_start3A_383] : memref<528xi32, #tpu.memory_space<vmem>> -> memref<128xi32, #tpu.memory_space<vmem>>
      %dma_start3A_385 = arith.constant 0 : i32
      %dma_start3A_386 = arith.constant 0 : i32
      %dma_start3A_387 = tpu.memref_slice %arg3[%dma_start3A_385, %dma_start3A_386] : memref<8192x16xf32, #tpu.memory_space<hbm>> -> memref<8192x16xf32, #tpu.memory_space<hbm>>
      tpu.enqueue_indirect_dma source(%dma_start3A_387 : memref<8192x16xf32, #tpu.memory_space<hbm>>) target(%dma_start3A_382 : memref<128x16xf32, #tpu.memory_space<vmem>>) offsets(%dma_start3A_384 : memref<128xi32, #tpu.memory_space<vmem>>) semaphore(%arg10 : memref<!tpu.dma_semaphore, #tpu.memory_space<semaphore_mem>>)
      %dma_wait3A = arith.constant 384 : i32
      %dma_wait3A_388 = arith.constant 0 : i32
      %dma_wait3A_389 = tpu.memref_slice %arg8[%dma_wait3A, %dma_wait3A_388] : memref<512x16xf32, #tpu.memory_space<vmem>> -> memref<128x16xf32, #tpu.memory_space<vmem>>
      %dma_wait3A_390 = arith.constant 384 : i32
      %dma_wait3A_391 = tpu.memref_slice %arg7[%dma_wait3A_390] : memref<528xi32, #tpu.memory_space<vmem>> -> memref<128xi32, #tpu.memory_space<vmem>>
      %dma_wait3A_392 = arith.constant 0 : i32
      %dma_wait3A_393 = arith.constant 0 : i32
      %dma_wait3A_394 = tpu.memref_slice %arg3[%dma_wait3A_392, %dma_wait3A_393] : memref<8192x16xf32, #tpu.memory_space<hbm>> -> memref<8192x16xf32, #tpu.memory_space<hbm>>
      tpu.wait_indirect_dma semaphore(%arg10 : memref<!tpu.dma_semaphore, #tpu.memory_space<semaphore_mem>>) src(%dma_wait3A_394 : memref<8192x16xf32, #tpu.memory_space<hbm>>) dst(%dma_wait3A_389 : memref<128x16xf32, #tpu.memory_space<vmem>>)
      "tpu.region"() ({
        %run_scoped3A = tpu.sem_alloc : memref<!tpu.dma_semaphore, #tpu.memory_space<semaphore_mem>>
        %dma_start3A_395 = arith.constant 384 : i32
        %dma_start3A_396 = arith.constant 0 : i32
        %dma_start3A_397 = tpu.memref_slice %arg8[%dma_start3A_395, %dma_start3A_396] : memref<512x16xf32, #tpu.memory_space<vmem>> -> memref<128x16xf32, #tpu.memory_space<vmem>>
        %dma_start3A_398 = arith.constant 384 : i32
        %dma_start3A_399 = arith.constant 0 : i32
        %dma_start3A_400 = tpu.memref_slice %arg5[%add3A_342, %dma_start3A_398, %dma_start3A_399] : memref<256x512x16xf32, #tpu.memory_space<hbm>> -> memref<1x128x16xf32, #tpu.memory_space<hbm>>
        %dma_start3A_401 = tpu.memref_squeeze %dma_start3A_400 : memref<1x128x16xf32, #tpu.memory_space<hbm>> -> memref<128x16xf32, #tpu.memory_space<hbm>>
        %dma_start3A_402 = arith.constant 384 : i32
        %dma_start3A_403 = arith.constant 0 : i32
        %dma_start3A_404 = tpu.memref_slice %arg5[%add3A_342, %dma_start3A_402, %dma_start3A_403] : memref<256x512x16xf32, #tpu.memory_space<hbm>> -> memref<1x128x16xf32, #tpu.memory_space<hbm>>
        %dma_start3A_405 = tpu.memref_squeeze %dma_start3A_404 : memref<1x128x16xf32, #tpu.memory_space<hbm>> -> memref<128x16xf32, #tpu.memory_space<hbm>>
        %dma_start3A_406 = arith.constant 384 : i32
        %dma_start3A_407 = arith.constant 0 : i32
        %dma_start3A_408 = tpu.memref_slice %arg8[%dma_start3A_406, %dma_start3A_407] : memref<512x16xf32, #tpu.memory_space<vmem>> -> memref<128x16xf32, #tpu.memory_space<vmem>>
        tpu.enqueue_dma source(%dma_start3A_408 : memref<128x16xf32, #tpu.memory_space<vmem>>) target(%dma_start3A_405 : memref<128x16xf32, #tpu.memory_space<hbm>>) target_semaphore(%run_scoped3A : memref<!tpu.dma_semaphore, #tpu.memory_space<semaphore_mem>>)
        %dma_wait3A_409 = arith.constant 384 : i32
        %dma_wait3A_410 = arith.constant 0 : i32
        %dma_wait3A_411 = tpu.memref_slice %arg8[%dma_wait3A_409, %dma_wait3A_410] : memref<512x16xf32, #tpu.memory_space<vmem>> -> memref<128x16xf32, #tpu.memory_space<vmem>>
        %dma_wait3A_412 = arith.constant 384 : i32
        %dma_wait3A_413 = arith.constant 0 : i32
        %dma_wait3A_414 = tpu.memref_slice %arg5[%add3A_342, %dma_wait3A_412, %dma_wait3A_413] : memref<256x512x16xf32, #tpu.memory_space<hbm>> -> memref<1x128x16xf32, #tpu.memory_space<hbm>>
        %dma_wait3A_415 = tpu.memref_squeeze %dma_wait3A_414 : memref<1x128x16xf32, #tpu.memory_space<hbm>> -> memref<128x16xf32, #tpu.memory_space<hbm>>
        %dma_wait3A_416 = arith.constant 384 : i32
        %dma_wait3A_417 = arith.constant 0 : i32
        %dma_wait3A_418 = tpu.memref_slice %arg5[%add3A_342, %dma_wait3A_416, %dma_wait3A_417] : memref<256x512x16xf32, #tpu.memory_space<hbm>> -> memref<1x128x16xf32, #tpu.memory_space<hbm>>
        %dma_wait3A_419 = tpu.memref_squeeze %dma_wait3A_418 : memref<1x128x16xf32, #tpu.memory_space<hbm>> -> memref<128x16xf32, #tpu.memory_space<hbm>>
        %dma_wait3A_420 = arith.constant 384 : i32
        %dma_wait3A_421 = arith.constant 0 : i32
        %dma_wait3A_422 = tpu.memref_slice %arg8[%dma_wait3A_420, %dma_wait3A_421] : memref<512x16xf32, #tpu.memory_space<vmem>> -> memref<128x16xf32, #tpu.memory_space<vmem>>
        tpu.wait_dma2 semaphore(%run_scoped3A : memref<!tpu.dma_semaphore, #tpu.memory_space<semaphore_mem>>) src(%dma_wait3A_422 : memref<128x16xf32, #tpu.memory_space<vmem>>) dst(%dma_wait3A_419 : memref<128x16xf32, #tpu.memory_space<hbm>>)
        tpu.yield
      }) : () -> ()
    } else {
    }
    %swap3A_379 = arith.constant 0 : index
    %swap3A_380 = tpu.vector_load %arg9[%swap3A_379] {strides = array<i32>} : memref<16xi32, #tpu.memory_space<vmem>>, vector<16xi32>,
    tpu.vector_store %arg9[%swap3A_379], %select_n3A_358 {strides = array<i32>} : memref<16xi32, #tpu.memory_space<vmem>>, vector<16xi32>,
    "tpu.region"() ({
      %run_scoped3A = tpu.sem_alloc : memref<!tpu.dma_semaphore, #tpu.memory_space<semaphore_mem>>
      %dma_start3A = arith.constant 0 : i32
      %dma_start3A_381 = tpu.memref_slice %arg4[%add3A, %dma_start3A] : memref<32x16xi32, #tpu.memory_space<hbm>> -> memref<1x16xi32, #tpu.memory_space<hbm>>
      %dma_start3A_382 = tpu.memref_squeeze %dma_start3A_381 : memref<1x16xi32, #tpu.memory_space<hbm>> -> memref<16xi32, #tpu.memory_space<hbm>>
      %dma_start3A_383 = arith.constant 0 : i32
      %dma_start3A_384 = tpu.memref_slice %arg4[%add3A, %dma_start3A_383] : memref<32x16xi32, #tpu.memory_space<hbm>> -> memref<1x16xi32, #tpu.memory_space<hbm>>
      %dma_start3A_385 = tpu.memref_squeeze %dma_start3A_384 : memref<1x16xi32, #tpu.memory_space<hbm>> -> memref<16xi32, #tpu.memory_space<hbm>>
      tpu.enqueue_dma source(%arg9 : memref<16xi32, #tpu.memory_space<vmem>>) target(%dma_start3A_385 : memref<16xi32, #tpu.memory_space<hbm>>) target_semaphore(%run_scoped3A : memref<!tpu.dma_semaphore, #tpu.memory_space<semaphore_mem>>)
      %dma_wait3A = arith.constant 0 : i32
      %dma_wait3A_386 = tpu.memref_slice %arg4[%add3A, %dma_wait3A] : memref<32x16xi32, #tpu.memory_space<hbm>> -> memref<1x16xi32, #tpu.memory_space<hbm>>
      %dma_wait3A_387 = tpu.memref_squeeze %dma_wait3A_386 : memref<1x16xi32, #tpu.memory_space<hbm>> -> memref<16xi32, #tpu.memory_space<hbm>>
      %dma_wait3A_388 = arith.constant 0 : i32
      %dma_wait3A_389 = tpu.memref_slice %arg4[%add3A, %dma_wait3A_388] : memref<32x16xi32, #tpu.memory_space<hbm>> -> memref<1x16xi32, #tpu.memory_space<hbm>>
      %dma_wait3A_390 = tpu.memref_squeeze %dma_wait3A_389 : memref<1x16xi32, #tpu.memory_space<hbm>> -> memref<16xi32, #tpu.memory_space<hbm>>
      tpu.wait_dma2 semaphore(%run_scoped3A : memref<!tpu.dma_semaphore, #tpu.memory_space<semaphore_mem>>) src(%arg9 : memref<16xi32, #tpu.memory_space<vmem>>) dst(%dma_wait3A_390 : memref<16xi32, #tpu.memory_space<hbm>>)
      tpu.yield
    }) : () -> ()
    return
  }
}

module attributes {stable_mosaic.version = 14 : i64} {
  func.func @_tile_kernel(%arg0: i32, %arg1: memref<256xi32, #tpu.memory_space<smem>>, %arg2: memref<1x512x16xf32, #tpu.memory_space<vmem>>, %arg3: memref<8192x16xf32, #tpu.memory_space<vmem>>, %arg4: memref<1x3x256xf32, #tpu.memory_space<vmem>>) attributes {dimension_semantics = [#tpu.dimension_semantics<parallel>], iteration_bounds = array<i64: 256>, scalar_prefetch = 0 : i64, scratch_operands = 0 : i64, tpu.core_type = #tpu.core_type<tc>, window_params = [{transform_indices = @transform_0, window_bounds = array<i64: 256>}, {transform_indices = @transform_1, window_bounds = array<i64: 1, 512, 16>}, {pipeline_mode = #tpu.pipeline_mode<synchronous>, transform_indices = @transform_2, window_bounds = array<i64: 8192, 16>}, {transform_indices = @transform_3, window_bounds = array<i64: 1, 3, 256>}]} {
    %get3A = arith.index_cast %arg0 : i32 to index
    %get3A_0 = memref.load %arg1[%get3A] : memref<256xi32, #tpu.memory_space<smem>>
    %jit3A = arith.constant 16 : i32
    %eq3A = arith.constant 0 : i32
    %eq3A_1 = arith.cmpi eq, %jit3A, %eq3A : i32
    %jit3A_2 = arith.constant 1 : i32
    %select_n3A = arith.select %eq3A_1, %jit3A_2, %jit3A : i32
    %rem3A = arith.remsi %arg0, %select_n3A : i32
    %ne3A = arith.constant 0 : i32
    %ne3A_3 = arith.cmpi ne, %rem3A, %ne3A : i32
    %lt3A = arith.constant 0 : i32
    %lt3A_4 = arith.cmpi slt, %rem3A, %lt3A : i32
    %lt3A_5 = arith.constant 0 : i32
    %lt3A_6 = arith.cmpi slt, %select_n3A, %lt3A_5 : i32
    %ne3A_7 = arith.xori %lt3A_4, %lt3A_6 : i1
    %and3A = arith.andi %ne3A_7, %ne3A_3 : i1
    %add3A = arith.addi %rem3A, %select_n3A : i32
    %select_n3A_8 = arith.select %and3A, %add3A, %rem3A : i32
    %mul3A = arith.constant 16 : i32
    %mul3A_9 = arith.muli %select_n3A_8, %mul3A : i32
    %convert_element_type3A = arith.sitofp %mul3A_9 : i32 to f32
    %jit3A_10 = arith.constant 16 : i32
    %div3A = arith.divsi %arg0, %jit3A_10 : i32
    %sign3A = arith.constant 0 : i32
    %sign3A_11 = arith.cmpi sgt, %arg0, %sign3A : i32
    %sign3A_12 = arith.extui %sign3A_11 : i1 to i32
    %sign3A_13 = arith.constant 0 : i32
    %sign3A_14 = arith.cmpi slt, %arg0, %sign3A_13 : i32
    %sign3A_15 = arith.extui %sign3A_14 : i1 to i32
    %sign3A_16 = arith.subi %sign3A_12, %sign3A_15 : i32
    %sign3A_17 = arith.constant 0 : i32
    %sign3A_18 = arith.cmpi sgt, %jit3A_10, %sign3A_17 : i32
    %sign3A_19 = arith.extui %sign3A_18 : i1 to i32
    %sign3A_20 = arith.constant 0 : i32
    %sign3A_21 = arith.cmpi slt, %jit3A_10, %sign3A_20 : i32
    %sign3A_22 = arith.extui %sign3A_21 : i1 to i32
    %sign3A_23 = arith.subi %sign3A_19, %sign3A_22 : i32
    %ne3A_24 = arith.cmpi ne, %sign3A_16, %sign3A_23 : i32
    %rem3A_25 = arith.remsi %arg0, %jit3A_10 : i32
    %ne3A_26 = arith.constant 0 : i32
    %ne3A_27 = arith.cmpi ne, %rem3A_25, %ne3A_26 : i32
    %and3A_28 = arith.andi %ne3A_24, %ne3A_27 : i1
    %sub3A = arith.constant 1 : i32
    %sub3A_29 = arith.subi %div3A, %sub3A : i32
    %select_n3A_30 = arith.select %and3A_28, %sub3A_29, %div3A : i32
    %mul3A_31 = arith.constant 16 : i32
    %mul3A_32 = arith.muli %select_n3A_30, %mul3A_31 : i32
    %convert_element_type3A_33 = arith.sitofp %mul3A_32 : i32 to f32
    %iota3A = tpu.iota {dimensions = array<i32: 1>} : vector<1x256xi32>
    %jit3A_34 = arith.constant 16 : i32
    %eq3A_35 = arith.constant 0 : i32
    %eq3A_36 = arith.cmpi eq, %jit3A_34, %eq3A_35 : i32
    %jit3A_37 = arith.constant 1 : i32
    %select_n3A_38 = arith.select %eq3A_36, %jit3A_37, %jit3A_34 : i32
    %rem3A_39 = vector.broadcast %select_n3A_38 : i32 to vector<1x256xi32>
    %rem3A_40 = arith.remsi %iota3A, %rem3A_39 : vector<1x256xi32>
    %ne3A_41 = arith.constant 0 : i32
    %ne3A_42 = vector.broadcast %ne3A_41 : i32 to vector<1x256xi32>
    %ne3A_43 = arith.cmpi ne, %rem3A_40, %ne3A_42 : vector<1x256xi32>
    %lt3A_44 = arith.constant 0 : i32
    %lt3A_45 = vector.broadcast %lt3A_44 : i32 to vector<1x256xi32>
    %lt3A_46 = arith.cmpi slt, %rem3A_40, %lt3A_45 : vector<1x256xi32>
    %lt3A_47 = arith.constant 0 : i32
    %lt3A_48 = arith.cmpi slt, %select_n3A_38, %lt3A_47 : i32
    %ne3A_49 = vector.broadcast %lt3A_48 : i1 to vector<1x256xi1>
    %ne3A_50 = vector.broadcast %ne3A_49 : vector<1x256xi1> to vector<1x256xi1>
    %ne3A_51 = arith.xori %lt3A_46, %ne3A_50 : vector<1x256xi1>
    %and3A_52 = arith.andi %ne3A_51, %ne3A_43 : vector<1x256xi1>
    %add3A_53 = vector.broadcast %select_n3A_38 : i32 to vector<1x256xi32>
    %add3A_54 = arith.addi %rem3A_40, %add3A_53 : vector<1x256xi32>
    %select_n3A_55 = arith.select %and3A_52, %add3A_54, %rem3A_40 : vector<1x256xi1>, vector<1x256xi32>
    %convert_element_type3A_56 = arith.sitofp %select_n3A_55 : vector<1x256xi32> to vector<1x256xf32>
    %add3A_57 = vector.broadcast %convert_element_type3A : f32 to vector<1x256xf32>
    %add3A_58 = arith.addf %add3A_57, %convert_element_type3A_56 : vector<1x256xf32>
    %add3A_59 = arith.constant 5.000000e-01 : f32
    %add3A_60 = vector.broadcast %add3A_59 : f32 to vector<1x256xf32>
    %add3A_61 = arith.addf %add3A_58, %add3A_60 : vector<1x256xf32>
    %jit3A_62 = arith.constant 16 : i32
    %div3A_63 = vector.broadcast %jit3A_62 : i32 to vector<1x256xi32>
    %div3A_64 = arith.divsi %iota3A, %div3A_63 : vector<1x256xi32>
    %sign3A_65 = arith.constant 0 : i32
    %sign3A_66 = vector.broadcast %sign3A_65 : i32 to vector<1x256xi32>
    %sign3A_67 = arith.cmpi sgt, %iota3A, %sign3A_66 : vector<1x256xi32>
    %sign3A_68 = arith.extui %sign3A_67 : vector<1x256xi1> to vector<1x256xi32>
    %sign3A_69 = arith.constant 0 : i32
    %sign3A_70 = vector.broadcast %sign3A_69 : i32 to vector<1x256xi32>
    %sign3A_71 = arith.cmpi slt, %iota3A, %sign3A_70 : vector<1x256xi32>
    %sign3A_72 = arith.extui %sign3A_71 : vector<1x256xi1> to vector<1x256xi32>
    %sign3A_73 = arith.subi %sign3A_68, %sign3A_72 : vector<1x256xi32>
    %sign3A_74 = arith.constant 0 : i32
    %sign3A_75 = arith.cmpi sgt, %jit3A_62, %sign3A_74 : i32
    %sign3A_76 = arith.extui %sign3A_75 : i1 to i32
    %sign3A_77 = arith.constant 0 : i32
    %sign3A_78 = arith.cmpi slt, %jit3A_62, %sign3A_77 : i32
    %sign3A_79 = arith.extui %sign3A_78 : i1 to i32
    %sign3A_80 = arith.subi %sign3A_76, %sign3A_79 : i32
    %ne3A_81 = vector.broadcast %sign3A_80 : i32 to vector<1x256xi32>
    %ne3A_82 = arith.cmpi ne, %sign3A_73, %ne3A_81 : vector<1x256xi32>
    %rem3A_83 = vector.broadcast %jit3A_62 : i32 to vector<1x256xi32>
    %rem3A_84 = arith.remsi %iota3A, %rem3A_83 : vector<1x256xi32>
    %ne3A_85 = arith.constant 0 : i32
    %ne3A_86 = vector.broadcast %ne3A_85 : i32 to vector<1x256xi32>
    %ne3A_87 = arith.cmpi ne, %rem3A_84, %ne3A_86 : vector<1x256xi32>
    %and3A_88 = arith.andi %ne3A_82, %ne3A_87 : vector<1x256xi1>
    %sub3A_89 = arith.constant 1 : i32
    %sub3A_90 = vector.broadcast %sub3A_89 : i32 to vector<1x256xi32>
    %sub3A_91 = arith.subi %div3A_64, %sub3A_90 : vector<1x256xi32>
    %select_n3A_92 = arith.select %and3A_88, %sub3A_91, %div3A_64 : vector<1x256xi1>, vector<1x256xi32>
    %convert_element_type3A_93 = arith.sitofp %select_n3A_92 : vector<1x256xi32> to vector<1x256xf32>
    %add3A_94 = vector.broadcast %convert_element_type3A_33 : f32 to vector<1x256xf32>
    %add3A_95 = arith.addf %add3A_94, %convert_element_type3A_93 : vector<1x256xf32>
    %add3A_96 = arith.constant 5.000000e-01 : f32
    %add3A_97 = vector.broadcast %add3A_96 : f32 to vector<1x256xf32>
    %add3A_98 = arith.addf %add3A_95, %add3A_97 : vector<1x256xf32>
    %broadcast_in_dim3A = arith.constant 1.000000e+00 : f32
    %broadcast_in_dim3A_99 = vector.broadcast %broadcast_in_dim3A : f32 to vector<1x256xf32>
    %broadcast_in_dim3A_100 = arith.constant 0.000000e+00 : f32
    %broadcast_in_dim3A_101 = vector.broadcast %broadcast_in_dim3A_100 : f32 to vector<1x256xf32>
    %le3A = arith.constant 512 : i32
    %le3A_102 = arith.cmpi sle, %get3A_0, %le3A : i32
    %convert_element_type3A_103 = arith.extui %le3A_102 : i1 to i32
    %cond3A = arith.constant 0 : i32
    %cond3A_104 = arith.cmpi ne, %convert_element_type3A_103, %cond3A : i32
    %cond3A_105:3 = scf.if %cond3A_104 -> (vector<1x256xf32>, vector<1x256xf32>, vector<1x256xf32>) {
      %add3A_111 = arith.constant 255 : i32
      %add3A_112 = arith.addi %get3A_0, %add3A_111 : i32
      %jit3A_113 = arith.constant 256 : i32
      %div3A_114 = arith.divsi %add3A_112, %jit3A_113 : i32
      %sign3A_115 = arith.constant 0 : i32
      %sign3A_116 = arith.cmpi sgt, %add3A_112, %sign3A_115 : i32
      %sign3A_117 = arith.extui %sign3A_116 : i1 to i32
      %sign3A_118 = arith.constant 0 : i32
      %sign3A_119 = arith.cmpi slt, %add3A_112, %sign3A_118 : i32
      %sign3A_120 = arith.extui %sign3A_119 : i1 to i32
      %sign3A_121 = arith.subi %sign3A_117, %sign3A_120 : i32
      %sign3A_122 = arith.constant 0 : i32
      %sign3A_123 = arith.cmpi sgt, %jit3A_113, %sign3A_122 : i32
      %sign3A_124 = arith.extui %sign3A_123 : i1 to i32
      %sign3A_125 = arith.constant 0 : i32
      %sign3A_126 = arith.cmpi slt, %jit3A_113, %sign3A_125 : i32
      %sign3A_127 = arith.extui %sign3A_126 : i1 to i32
      %sign3A_128 = arith.subi %sign3A_124, %sign3A_127 : i32
      %ne3A_129 = arith.cmpi ne, %sign3A_121, %sign3A_128 : i32
      %rem3A_130 = arith.remsi %add3A_112, %jit3A_113 : i32
      %ne3A_131 = arith.constant 0 : i32
      %ne3A_132 = arith.cmpi ne, %rem3A_130, %ne3A_131 : i32
      %and3A_133 = arith.andi %ne3A_129, %ne3A_132 : i1
      %sub3A_134 = arith.constant 1 : i32
      %sub3A_135 = arith.subi %div3A_114, %sub3A_134 : i32
      %select_n3A_136 = arith.select %and3A_133, %sub3A_135, %div3A_114 : i32
      %iota3A_137 = tpu.iota {dimensions = array<i32: 0>} : vector<256x1xi32>
      %while3A = arith.constant 0 : i32
      %while3A_138 = arith.subi %select_n3A_136, %while3A : i32
      %while3A_139 = arith.addi %while3A, %while3A_138 : i32
      %while3A_140 = arith.constant 1 : i32
      %while3A_141 = arith.divsi %while3A_138, %while3A_140 : i32
      %while3A_142 = arith.muli %while3A_141, %while3A_140 : i32
      %while3A_143 = arith.addi %while3A, %while3A_142 : i32
      %while3A_144 = arith.constant 1 : i32
      %while3A_145:4 = scf.for %while3A_148 = %while3A to %while3A_143 step %while3A_144 iter_args(%while3A_149 = %broadcast_in_dim3A_99, %while3A_150 = %broadcast_in_dim3A_101, %while3A_151 = %broadcast_in_dim3A_101, %while3A_152 = %broadcast_in_dim3A_101) -> (vector<1x256xf32>, vector<1x256xf32>, vector<1x256xf32>, vector<1x256xf32>)  : i32 {
        %gt3A = arith.constant 9.99999974E-5 : f32
        %gt3A_153 = vector.broadcast %gt3A : f32 to vector<1x256xf32>
        %gt3A_154 = arith.cmpf ogt, %while3A_149, %gt3A_153 : vector<1x256xf32>
        %reduce_or3A = arith.constant 1.000000e+00 : f32
        %reduce_or3A_155 = arith.constant 0.000000e+00 : f32
        %reduce_or3A_156 = vector.broadcast %reduce_or3A : f32 to vector<1x256xf32>
        %reduce_or3A_157 = vector.broadcast %reduce_or3A_155 : f32 to vector<1x256xf32>
        %reduce_or3A_158 = arith.select %gt3A_154, %reduce_or3A_156, %reduce_or3A_157 : vector<1x256xi1>, vector<1x256xf32>
        %reduce_or3A_159 = vector.shape_cast %reduce_or3A_158 : vector<1x256xf32> to vector<1x1x256xf32>
        %reduce_or3A_160 = arith.constant dense<0xFF800000> : vector<1xf32>
        %reduce_or3A_161 = vector.multi_reduction <maximumf>, %reduce_or3A_159, %reduce_or3A_160 [1, 2] : vector<1x1x256xf32> to vector<1xf32>
        %reduce_or3A_162 = vector.shape_cast %reduce_or3A_161 : vector<1xf32> to vector<1x1x1xf32>
        %reduce_or3A_163 = vector.extract %reduce_or3A_162[0, 0, 0] : f32 from vector<1x1x1xf32>
        %reduce_or3A_164 = arith.constant 0.000000e+00 : f32
        %reduce_or3A_165 = arith.cmpf ogt, %reduce_or3A_163, %reduce_or3A_164 : f32
        %convert_element_type3A_166 = arith.extui %reduce_or3A_165 : i1 to i32
        %cond3A_167 = arith.constant 0 : i32
        %cond3A_168 = arith.cmpi ne, %convert_element_type3A_166, %cond3A_167 : i32
        %cond3A_169:4 = scf.if %cond3A_168 -> (vector<1x256xf32>, vector<1x256xf32>, vector<1x256xf32>, vector<1x256xf32>) {
          %mul3A_170 = arith.constant 256 : i32
          %mul3A_171 = arith.muli %while3A_148, %mul3A_170 : i32
          %get3A_172 = arith.constant 0 : index
          %get3A_173 = arith.index_cast %mul3A_171 : i32 to index
          %get3A_174 = arith.constant 0 : index
          %get3A_175 = vector.load %arg2[%get3A_172, %get3A_173, %get3A_174] : memref<1x512x16xf32, #tpu.memory_space<vmem>>, vector<1x256x16xf32>
          %get3A_176 = vector.shape_cast %get3A_175 : vector<1x256x16xf32> to vector<256x16xf32>
          %mul3A_177 = arith.constant 256 : i32
          %mul3A_178 = arith.muli %while3A_148, %mul3A_177 : i32
          %add3A_179 = vector.broadcast %mul3A_178 : i32 to vector<256x1xi32>
          %add3A_180 = arith.addi %add3A_179, %iota3A_137 : vector<256x1xi32>
          %lt3A_181 = vector.broadcast %get3A_0 : i32 to vector<256x1xi32>
          %lt3A_182 = arith.cmpi slt, %add3A_180, %lt3A_181 : vector<256x1xi32>
          %slice3A = vector.extract_strided_slice %get3A_176 {offsets = [0, 0], sizes = [256, 1], strides = [1, 1]} : vector<256x16xf32> to vector<256x1xf32>
          %slice3A_183 = vector.extract_strided_slice %get3A_176 {offsets = [0, 1], sizes = [256, 1], strides = [1, 1]} : vector<256x16xf32> to vector<256x1xf32>
          %slice3A_184 = vector.extract_strided_slice %get3A_176 {offsets = [0, 2], sizes = [256, 1], strides = [1, 1]} : vector<256x16xf32> to vector<256x1xf32>
          %slice3A_185 = vector.extract_strided_slice %get3A_176 {offsets = [0, 3], sizes = [256, 1], strides = [1, 1]} : vector<256x16xf32> to vector<256x1xf32>
          %slice3A_186 = vector.extract_strided_slice %get3A_176 {offsets = [0, 4], sizes = [256, 1], strides = [1, 1]} : vector<256x16xf32> to vector<256x1xf32>
          %slice3A_187 = vector.extract_strided_slice %get3A_176 {offsets = [0, 5], sizes = [256, 1], strides = [1, 1]} : vector<256x16xf32> to vector<256x1xf32>
          %slice3A_188 = vector.extract_strided_slice %get3A_176 {offsets = [0, 6], sizes = [256, 1], strides = [1, 1]} : vector<256x16xf32> to vector<256x1xf32>
          %slice3A_189 = vector.extract_strided_slice %get3A_176 {offsets = [0, 7], sizes = [256, 1], strides = [1, 1]} : vector<256x16xf32> to vector<256x1xf32>
          %slice3A_190 = vector.extract_strided_slice %get3A_176 {offsets = [0, 8], sizes = [256, 1], strides = [1, 1]} : vector<256x16xf32> to vector<256x1xf32>
          %sub3A_191 = vector.broadcast %add3A_61 : vector<1x256xf32> to vector<256x256xf32>
          %sub3A_192 = vector.broadcast %slice3A : vector<256x1xf32> to vector<256x256xf32>
          %sub3A_193 = arith.subf %sub3A_191, %sub3A_192 : vector<256x256xf32>
          %sub3A_194 = vector.broadcast %add3A_98 : vector<1x256xf32> to vector<256x256xf32>
          %sub3A_195 = vector.broadcast %slice3A_183 : vector<256x1xf32> to vector<256x256xf32>
          %sub3A_196 = arith.subf %sub3A_194, %sub3A_195 : vector<256x256xf32>
          %mul3A_197 = vector.broadcast %slice3A_184 : vector<256x1xf32> to vector<256x256xf32>
          %mul3A_198 = arith.mulf %mul3A_197, %sub3A_193 : vector<256x256xf32>
          %mul3A_199 = arith.mulf %mul3A_198, %sub3A_193 : vector<256x256xf32>
          %mul3A_200 = vector.broadcast %slice3A_186 : vector<256x1xf32> to vector<256x256xf32>
          %mul3A_201 = arith.mulf %mul3A_200, %sub3A_196 : vector<256x256xf32>
          %mul3A_202 = arith.mulf %mul3A_201, %sub3A_196 : vector<256x256xf32>
          %add3A_203 = arith.addf %mul3A_199, %mul3A_202 : vector<256x256xf32>
          %mul3A_204 = arith.constant 5.000000e-01 : f32
          %mul3A_205 = vector.broadcast %mul3A_204 : f32 to vector<256x256xf32>
          %mul3A_206 = arith.mulf %mul3A_205, %add3A_203 : vector<256x256xf32>
          %mul3A_207 = vector.broadcast %slice3A_185 : vector<256x1xf32> to vector<256x256xf32>
          %mul3A_208 = arith.mulf %mul3A_207, %sub3A_193 : vector<256x256xf32>
          %mul3A_209 = arith.mulf %mul3A_208, %sub3A_196 : vector<256x256xf32>
          %add3A_210 = arith.addf %mul3A_206, %mul3A_209 : vector<256x256xf32>
          %neg3A = arith.constant 0.000000e+00 : f32
          %neg3A_211 = vector.broadcast %neg3A : f32 to vector<256x256xf32>
          %neg3A_212 = arith.subf %neg3A_211, %add3A_210 : vector<256x256xf32>
          %exp3A = math.exp %neg3A_212 : vector<256x256xf32>
          %mul3A_213 = vector.broadcast %slice3A_190 : vector<256x1xf32> to vector<256x256xf32>
          %mul3A_214 = arith.mulf %mul3A_213, %exp3A : vector<256x256xf32>
          %min3A = arith.constant 9.900000e-01 : f32
          %min3A_215 = vector.broadcast %min3A : f32 to vector<256x256xf32>
          %min3A_216 = arith.minimumf %min3A_215, %mul3A_214 : vector<256x256xf32>
          %ge3A = arith.constant 0.000000e+00 : f32
          %ge3A_217 = vector.broadcast %ge3A : f32 to vector<256x256xf32>
          %ge3A_218 = arith.cmpf oge, %add3A_210, %ge3A_217 : vector<256x256xf32>
          %ge3A_219 = arith.constant 0.00392156886 : f32
          %ge3A_220 = vector.broadcast %ge3A_219 : f32 to vector<256x256xf32>
          %ge3A_221 = arith.cmpf oge, %min3A_216, %ge3A_220 : vector<256x256xf32>
          %and3A_222 = arith.andi %ge3A_218, %ge3A_221 : vector<256x256xi1>
          %and3A_223 = vector.broadcast %lt3A_182 : vector<256x1xi1> to vector<256x256xi1>
          %and3A_224 = arith.andi %and3A_222, %and3A_223 : vector<256x256xi1>
          %jit3A_225 = arith.constant 0.000000e+00 : f32
          %broadcast_in_dim3A_226 = vector.broadcast %jit3A_225 : f32 to vector<256x256xf32>
          %select_n3A_227 = arith.select %and3A_224, %min3A_216, %broadcast_in_dim3A_226 : vector<256x256xi1>, vector<256x256xf32>
          %sub3A_228 = arith.constant 1.000000e+00 : f32
          %sub3A_229 = vector.broadcast %sub3A_228 : f32 to vector<256x256xf32>
          %sub3A_230 = arith.subf %sub3A_229, %select_n3A_227 : vector<256x256xf32>
          %broadcast_in_dim3A_231 = arith.constant 1.000000e+00 : f32
          %broadcast_in_dim3A_232 = vector.broadcast %broadcast_in_dim3A_231 : f32 to vector<1x256xf32>
          %slice3A_233 = vector.extract_strided_slice %sub3A_230 {offsets = [0, 0], sizes = [255, 256], strides = [1, 1]} : vector<256x256xf32> to vector<255x256xf32>
          %concatenate3A_234 = tpu.concatenate %broadcast_in_dim3A_232, %slice3A_233 in 0 : vector<1x256xf32>, vector<255x256xf32> -> vector<256x256xf32>
          %mul3A_235 = arith.mulf %sub3A_230, %concatenate3A_234 : vector<256x256xf32>
          %broadcast_in_dim3A_236 = arith.constant 1.000000e+00 : f32
          %broadcast_in_dim3A_237 = vector.broadcast %broadcast_in_dim3A_236 : f32 to vector<2x256xf32>
          %slice3A_238 = vector.extract_strided_slice %mul3A_235 {offsets = [0, 0], sizes = [254, 256], strides = [1, 1]} : vector<256x256xf32> to vector<254x256xf32>
          %concatenate3A_239 = tpu.concatenate %broadcast_in_dim3A_237, %slice3A_238 in 0 : vector<2x256xf32>, vector<254x256xf32> -> vector<256x256xf32>
          %mul3A_240 = arith.mulf %mul3A_235, %concatenate3A_239 : vector<256x256xf32>
          %broadcast_in_dim3A_241 = arith.constant 1.000000e+00 : f32
          %broadcast_in_dim3A_242 = vector.broadcast %broadcast_in_dim3A_241 : f32 to vector<4x256xf32>
          %slice3A_243 = vector.extract_strided_slice %mul3A_240 {offsets = [0, 0], sizes = [252, 256], strides = [1, 1]} : vector<256x256xf32> to vector<252x256xf32>
          %concatenate3A_244 = tpu.concatenate %broadcast_in_dim3A_242, %slice3A_243 in 0 : vector<4x256xf32>, vector<252x256xf32> -> vector<256x256xf32>
          %mul3A_245 = arith.mulf %mul3A_240, %concatenate3A_244 : vector<256x256xf32>
          %broadcast_in_dim3A_246 = arith.constant 1.000000e+00 : f32
          %broadcast_in_dim3A_247 = vector.broadcast %broadcast_in_dim3A_246 : f32 to vector<8x256xf32>
          %slice3A_248 = vector.extract_strided_slice %mul3A_245 {offsets = [0, 0], sizes = [248, 256], strides = [1, 1]} : vector<256x256xf32> to vector<248x256xf32>
          %concatenate3A_249 = tpu.concatenate %broadcast_in_dim3A_247, %slice3A_248 in 0 : vector<8x256xf32>, vector<248x256xf32> -> vector<256x256xf32>
          %mul3A_250 = arith.mulf %mul3A_245, %concatenate3A_249 : vector<256x256xf32>
          %broadcast_in_dim3A_251 = arith.constant 1.000000e+00 : f32
          %broadcast_in_dim3A_252 = vector.broadcast %broadcast_in_dim3A_251 : f32 to vector<16x256xf32>
          %slice3A_253 = vector.extract_strided_slice %mul3A_250 {offsets = [0, 0], sizes = [240, 256], strides = [1, 1]} : vector<256x256xf32> to vector<240x256xf32>
          %concatenate3A_254 = tpu.concatenate %broadcast_in_dim3A_252, %slice3A_253 in 0 : vector<16x256xf32>, vector<240x256xf32> -> vector<256x256xf32>
          %mul3A_255 = arith.mulf %mul3A_250, %concatenate3A_254 : vector<256x256xf32>
          %broadcast_in_dim3A_256 = arith.constant 1.000000e+00 : f32
          %broadcast_in_dim3A_257 = vector.broadcast %broadcast_in_dim3A_256 : f32 to vector<32x256xf32>
          %slice3A_258 = vector.extract_strided_slice %mul3A_255 {offsets = [0, 0], sizes = [224, 256], strides = [1, 1]} : vector<256x256xf32> to vector<224x256xf32>
          %concatenate3A_259 = tpu.concatenate %broadcast_in_dim3A_257, %slice3A_258 in 0 : vector<32x256xf32>, vector<224x256xf32> -> vector<256x256xf32>
          %mul3A_260 = arith.mulf %mul3A_255, %concatenate3A_259 : vector<256x256xf32>
          %broadcast_in_dim3A_261 = arith.constant 1.000000e+00 : f32
          %broadcast_in_dim3A_262 = vector.broadcast %broadcast_in_dim3A_261 : f32 to vector<64x256xf32>
          %slice3A_263 = vector.extract_strided_slice %mul3A_260 {offsets = [0, 0], sizes = [192, 256], strides = [1, 1]} : vector<256x256xf32> to vector<192x256xf32>
          %concatenate3A_264 = tpu.concatenate %broadcast_in_dim3A_262, %slice3A_263 in 0 : vector<64x256xf32>, vector<192x256xf32> -> vector<256x256xf32>
          %mul3A_265 = arith.mulf %mul3A_260, %concatenate3A_264 : vector<256x256xf32>
          %broadcast_in_dim3A_266 = arith.constant 1.000000e+00 : f32
          %broadcast_in_dim3A_267 = vector.broadcast %broadcast_in_dim3A_266 : f32 to vector<128x256xf32>
          %slice3A_268 = vector.extract_strided_slice %mul3A_265 {offsets = [0, 0], sizes = [128, 256], strides = [1, 1]} : vector<256x256xf32> to vector<128x256xf32>
          %concatenate3A_269 = tpu.concatenate %broadcast_in_dim3A_267, %slice3A_268 in 0 : vector<128x256xf32>, vector<128x256xf32> -> vector<256x256xf32>
          %mul3A_270 = arith.mulf %mul3A_265, %concatenate3A_269 : vector<256x256xf32>
          %broadcast_in_dim3A_271 = arith.constant 1.000000e+00 : f32
          %broadcast_in_dim3A_272 = vector.broadcast %broadcast_in_dim3A_271 : f32 to vector<1x256xf32>
          %slice3A_273 = vector.extract_strided_slice %mul3A_270 {offsets = [0, 0], sizes = [255, 256], strides = [1, 1]} : vector<256x256xf32> to vector<255x256xf32>
          %concatenate3A_274 = tpu.concatenate %broadcast_in_dim3A_272, %slice3A_273 in 0 : vector<1x256xf32>, vector<255x256xf32> -> vector<256x256xf32>
          %mul3A_275 = vector.broadcast %while3A_149 : vector<1x256xf32> to vector<256x256xf32>
          %mul3A_276 = arith.mulf %mul3A_275, %concatenate3A_274 : vector<256x256xf32>
          %gt3A_277 = arith.constant 9.99999974E-5 : f32
          %gt3A_278 = vector.broadcast %gt3A_277 : f32 to vector<256x256xf32>
          %gt3A_279 = arith.cmpf ogt, %mul3A_276, %gt3A_278 : vector<256x256xf32>
          %mul3A_280 = arith.mulf %select_n3A_227, %mul3A_276 : vector<256x256xf32>
          %jit3A_281 = arith.constant 0.000000e+00 : f32
          %broadcast_in_dim3A_282 = vector.broadcast %jit3A_281 : f32 to vector<256x256xf32>
          %select_n3A_283 = arith.select %gt3A_279, %mul3A_280, %broadcast_in_dim3A_282 : vector<256x256xi1>, vector<256x256xf32>
          %mul3A_284 = vector.broadcast %slice3A_187 : vector<256x1xf32> to vector<256x256xf32>
          %mul3A_285 = arith.mulf %select_n3A_283, %mul3A_284 : vector<256x256xf32>
          %reduce_sum3A = arith.constant dense<0.000000e+00> : vector<256xf32>
          %reduce_sum3A_286 = vector.multi_reduction <add>, %mul3A_285, %reduce_sum3A [0] : vector<256x256xf32> to vector<256xf32>
          %broadcast_in_dim3A_287 = vector.shape_cast %reduce_sum3A_286 : vector<256xf32> to vector<1x256xf32>
          %add3A_288 = arith.addf %while3A_150, %broadcast_in_dim3A_287 : vector<1x256xf32>
          %mul3A_289 = vector.broadcast %slice3A_188 : vector<256x1xf32> to vector<256x256xf32>
          %mul3A_290 = arith.mulf %select_n3A_283, %mul3A_289 : vector<256x256xf32>
          %reduce_sum3A_291 = arith.constant dense<0.000000e+00> : vector<256xf32>
          %reduce_sum3A_292 = vector.multi_reduction <add>, %mul3A_290, %reduce_sum3A_291 [0] : vector<256x256xf32> to vector<256xf32>
          %broadcast_in_dim3A_293 = vector.shape_cast %reduce_sum3A_292 : vector<256xf32> to vector<1x256xf32>
          %add3A_294 = arith.addf %while3A_151, %broadcast_in_dim3A_293 : vector<1x256xf32>
          %mul3A_295 = vector.broadcast %slice3A_189 : vector<256x1xf32> to vector<256x256xf32>
          %mul3A_296 = arith.mulf %select_n3A_283, %mul3A_295 : vector<256x256xf32>
          %reduce_sum3A_297 = arith.constant dense<0.000000e+00> : vector<256xf32>
          %reduce_sum3A_298 = vector.multi_reduction <add>, %mul3A_296, %reduce_sum3A_297 [0] : vector<256x256xf32> to vector<256xf32>
          %broadcast_in_dim3A_299 = vector.shape_cast %reduce_sum3A_298 : vector<256xf32> to vector<1x256xf32>
          %add3A_300 = arith.addf %while3A_152, %broadcast_in_dim3A_299 : vector<1x256xf32>
          %slice3A_301 = vector.extract_strided_slice %mul3A_270 {offsets = [255, 0], sizes = [1, 256], strides = [1, 1]} : vector<256x256xf32> to vector<1x256xf32>
          %mul3A_302 = arith.mulf %while3A_149, %slice3A_301 : vector<1x256xf32>
          scf.yield %mul3A_302, %add3A_288, %add3A_294, %add3A_300 : vector<1x256xf32>, vector<1x256xf32>, vector<1x256xf32>, vector<1x256xf32>
        } else {
          scf.yield %while3A_149, %while3A_150, %while3A_151, %while3A_152 : vector<1x256xf32>, vector<1x256xf32>, vector<1x256xf32>, vector<1x256xf32>
        }
        scf.yield %cond3A_169#0, %cond3A_169#1, %cond3A_169#2, %cond3A_169#3 : vector<1x256xf32>, vector<1x256xf32>, vector<1x256xf32>, vector<1x256xf32>
      }
      %while3A_146 = arith.constant 1 : i32
      %while3A_147:4 = scf.for %while3A_148 = %while3A_143 to %while3A_139 step %while3A_146 iter_args(%while3A_149 = %while3A_145#0, %while3A_150 = %while3A_145#1, %while3A_151 = %while3A_145#2, %while3A_152 = %while3A_145#3) -> (vector<1x256xf32>, vector<1x256xf32>, vector<1x256xf32>, vector<1x256xf32>)  : i32 {
        %gt3A = arith.constant 9.99999974E-5 : f32
        %gt3A_153 = vector.broadcast %gt3A : f32 to vector<1x256xf32>
        %gt3A_154 = arith.cmpf ogt, %while3A_149, %gt3A_153 : vector<1x256xf32>
        %reduce_or3A = arith.constant 1.000000e+00 : f32
        %reduce_or3A_155 = arith.constant 0.000000e+00 : f32
        %reduce_or3A_156 = vector.broadcast %reduce_or3A : f32 to vector<1x256xf32>
        %reduce_or3A_157 = vector.broadcast %reduce_or3A_155 : f32 to vector<1x256xf32>
        %reduce_or3A_158 = arith.select %gt3A_154, %reduce_or3A_156, %reduce_or3A_157 : vector<1x256xi1>, vector<1x256xf32>
        %reduce_or3A_159 = vector.shape_cast %reduce_or3A_158 : vector<1x256xf32> to vector<1x1x256xf32>
        %reduce_or3A_160 = arith.constant dense<0xFF800000> : vector<1xf32>
        %reduce_or3A_161 = vector.multi_reduction <maximumf>, %reduce_or3A_159, %reduce_or3A_160 [1, 2] : vector<1x1x256xf32> to vector<1xf32>
        %reduce_or3A_162 = vector.shape_cast %reduce_or3A_161 : vector<1xf32> to vector<1x1x1xf32>
        %reduce_or3A_163 = vector.extract %reduce_or3A_162[0, 0, 0] : f32 from vector<1x1x1xf32>
        %reduce_or3A_164 = arith.constant 0.000000e+00 : f32
        %reduce_or3A_165 = arith.cmpf ogt, %reduce_or3A_163, %reduce_or3A_164 : f32
        %convert_element_type3A_166 = arith.extui %reduce_or3A_165 : i1 to i32
        %cond3A_167 = arith.constant 0 : i32
        %cond3A_168 = arith.cmpi ne, %convert_element_type3A_166, %cond3A_167 : i32
        %cond3A_169:4 = scf.if %cond3A_168 -> (vector<1x256xf32>, vector<1x256xf32>, vector<1x256xf32>, vector<1x256xf32>) {
          %mul3A_170 = arith.constant 256 : i32
          %mul3A_171 = arith.muli %while3A_148, %mul3A_170 : i32
          %get3A_172 = arith.constant 0 : index
          %get3A_173 = arith.index_cast %mul3A_171 : i32 to index
          %get3A_174 = arith.constant 0 : index
          %get3A_175 = vector.load %arg2[%get3A_172, %get3A_173, %get3A_174] : memref<1x512x16xf32, #tpu.memory_space<vmem>>, vector<1x256x16xf32>
          %get3A_176 = vector.shape_cast %get3A_175 : vector<1x256x16xf32> to vector<256x16xf32>
          %mul3A_177 = arith.constant 256 : i32
          %mul3A_178 = arith.muli %while3A_148, %mul3A_177 : i32
          %add3A_179 = vector.broadcast %mul3A_178 : i32 to vector<256x1xi32>
          %add3A_180 = arith.addi %add3A_179, %iota3A_137 : vector<256x1xi32>
          %lt3A_181 = vector.broadcast %get3A_0 : i32 to vector<256x1xi32>
          %lt3A_182 = arith.cmpi slt, %add3A_180, %lt3A_181 : vector<256x1xi32>
          %slice3A = vector.extract_strided_slice %get3A_176 {offsets = [0, 0], sizes = [256, 1], strides = [1, 1]} : vector<256x16xf32> to vector<256x1xf32>
          %slice3A_183 = vector.extract_strided_slice %get3A_176 {offsets = [0, 1], sizes = [256, 1], strides = [1, 1]} : vector<256x16xf32> to vector<256x1xf32>
          %slice3A_184 = vector.extract_strided_slice %get3A_176 {offsets = [0, 2], sizes = [256, 1], strides = [1, 1]} : vector<256x16xf32> to vector<256x1xf32>
          %slice3A_185 = vector.extract_strided_slice %get3A_176 {offsets = [0, 3], sizes = [256, 1], strides = [1, 1]} : vector<256x16xf32> to vector<256x1xf32>
          %slice3A_186 = vector.extract_strided_slice %get3A_176 {offsets = [0, 4], sizes = [256, 1], strides = [1, 1]} : vector<256x16xf32> to vector<256x1xf32>
          %slice3A_187 = vector.extract_strided_slice %get3A_176 {offsets = [0, 5], sizes = [256, 1], strides = [1, 1]} : vector<256x16xf32> to vector<256x1xf32>
          %slice3A_188 = vector.extract_strided_slice %get3A_176 {offsets = [0, 6], sizes = [256, 1], strides = [1, 1]} : vector<256x16xf32> to vector<256x1xf32>
          %slice3A_189 = vector.extract_strided_slice %get3A_176 {offsets = [0, 7], sizes = [256, 1], strides = [1, 1]} : vector<256x16xf32> to vector<256x1xf32>
          %slice3A_190 = vector.extract_strided_slice %get3A_176 {offsets = [0, 8], sizes = [256, 1], strides = [1, 1]} : vector<256x16xf32> to vector<256x1xf32>
          %sub3A_191 = vector.broadcast %add3A_61 : vector<1x256xf32> to vector<256x256xf32>
          %sub3A_192 = vector.broadcast %slice3A : vector<256x1xf32> to vector<256x256xf32>
          %sub3A_193 = arith.subf %sub3A_191, %sub3A_192 : vector<256x256xf32>
          %sub3A_194 = vector.broadcast %add3A_98 : vector<1x256xf32> to vector<256x256xf32>
          %sub3A_195 = vector.broadcast %slice3A_183 : vector<256x1xf32> to vector<256x256xf32>
          %sub3A_196 = arith.subf %sub3A_194, %sub3A_195 : vector<256x256xf32>
          %mul3A_197 = vector.broadcast %slice3A_184 : vector<256x1xf32> to vector<256x256xf32>
          %mul3A_198 = arith.mulf %mul3A_197, %sub3A_193 : vector<256x256xf32>
          %mul3A_199 = arith.mulf %mul3A_198, %sub3A_193 : vector<256x256xf32>
          %mul3A_200 = vector.broadcast %slice3A_186 : vector<256x1xf32> to vector<256x256xf32>
          %mul3A_201 = arith.mulf %mul3A_200, %sub3A_196 : vector<256x256xf32>
          %mul3A_202 = arith.mulf %mul3A_201, %sub3A_196 : vector<256x256xf32>
          %add3A_203 = arith.addf %mul3A_199, %mul3A_202 : vector<256x256xf32>
          %mul3A_204 = arith.constant 5.000000e-01 : f32
          %mul3A_205 = vector.broadcast %mul3A_204 : f32 to vector<256x256xf32>
          %mul3A_206 = arith.mulf %mul3A_205, %add3A_203 : vector<256x256xf32>
          %mul3A_207 = vector.broadcast %slice3A_185 : vector<256x1xf32> to vector<256x256xf32>
          %mul3A_208 = arith.mulf %mul3A_207, %sub3A_193 : vector<256x256xf32>
          %mul3A_209 = arith.mulf %mul3A_208, %sub3A_196 : vector<256x256xf32>
          %add3A_210 = arith.addf %mul3A_206, %mul3A_209 : vector<256x256xf32>
          %neg3A = arith.constant 0.000000e+00 : f32
          %neg3A_211 = vector.broadcast %neg3A : f32 to vector<256x256xf32>
          %neg3A_212 = arith.subf %neg3A_211, %add3A_210 : vector<256x256xf32>
          %exp3A = math.exp %neg3A_212 : vector<256x256xf32>
          %mul3A_213 = vector.broadcast %slice3A_190 : vector<256x1xf32> to vector<256x256xf32>
          %mul3A_214 = arith.mulf %mul3A_213, %exp3A : vector<256x256xf32>
          %min3A = arith.constant 9.900000e-01 : f32
          %min3A_215 = vector.broadcast %min3A : f32 to vector<256x256xf32>
          %min3A_216 = arith.minimumf %min3A_215, %mul3A_214 : vector<256x256xf32>
          %ge3A = arith.constant 0.000000e+00 : f32
          %ge3A_217 = vector.broadcast %ge3A : f32 to vector<256x256xf32>
          %ge3A_218 = arith.cmpf oge, %add3A_210, %ge3A_217 : vector<256x256xf32>
          %ge3A_219 = arith.constant 0.00392156886 : f32
          %ge3A_220 = vector.broadcast %ge3A_219 : f32 to vector<256x256xf32>
          %ge3A_221 = arith.cmpf oge, %min3A_216, %ge3A_220 : vector<256x256xf32>
          %and3A_222 = arith.andi %ge3A_218, %ge3A_221 : vector<256x256xi1>
          %and3A_223 = vector.broadcast %lt3A_182 : vector<256x1xi1> to vector<256x256xi1>
          %and3A_224 = arith.andi %and3A_222, %and3A_223 : vector<256x256xi1>
          %jit3A_225 = arith.constant 0.000000e+00 : f32
          %broadcast_in_dim3A_226 = vector.broadcast %jit3A_225 : f32 to vector<256x256xf32>
          %select_n3A_227 = arith.select %and3A_224, %min3A_216, %broadcast_in_dim3A_226 : vector<256x256xi1>, vector<256x256xf32>
          %sub3A_228 = arith.constant 1.000000e+00 : f32
          %sub3A_229 = vector.broadcast %sub3A_228 : f32 to vector<256x256xf32>
          %sub3A_230 = arith.subf %sub3A_229, %select_n3A_227 : vector<256x256xf32>
          %broadcast_in_dim3A_231 = arith.constant 1.000000e+00 : f32
          %broadcast_in_dim3A_232 = vector.broadcast %broadcast_in_dim3A_231 : f32 to vector<1x256xf32>
          %slice3A_233 = vector.extract_strided_slice %sub3A_230 {offsets = [0, 0], sizes = [255, 256], strides = [1, 1]} : vector<256x256xf32> to vector<255x256xf32>
          %concatenate3A_234 = tpu.concatenate %broadcast_in_dim3A_232, %slice3A_233 in 0 : vector<1x256xf32>, vector<255x256xf32> -> vector<256x256xf32>
          %mul3A_235 = arith.mulf %sub3A_230, %concatenate3A_234 : vector<256x256xf32>
          %broadcast_in_dim3A_236 = arith.constant 1.000000e+00 : f32
          %broadcast_in_dim3A_237 = vector.broadcast %broadcast_in_dim3A_236 : f32 to vector<2x256xf32>
          %slice3A_238 = vector.extract_strided_slice %mul3A_235 {offsets = [0, 0], sizes = [254, 256], strides = [1, 1]} : vector<256x256xf32> to vector<254x256xf32>
          %concatenate3A_239 = tpu.concatenate %broadcast_in_dim3A_237, %slice3A_238 in 0 : vector<2x256xf32>, vector<254x256xf32> -> vector<256x256xf32>
          %mul3A_240 = arith.mulf %mul3A_235, %concatenate3A_239 : vector<256x256xf32>
          %broadcast_in_dim3A_241 = arith.constant 1.000000e+00 : f32
          %broadcast_in_dim3A_242 = vector.broadcast %broadcast_in_dim3A_241 : f32 to vector<4x256xf32>
          %slice3A_243 = vector.extract_strided_slice %mul3A_240 {offsets = [0, 0], sizes = [252, 256], strides = [1, 1]} : vector<256x256xf32> to vector<252x256xf32>
          %concatenate3A_244 = tpu.concatenate %broadcast_in_dim3A_242, %slice3A_243 in 0 : vector<4x256xf32>, vector<252x256xf32> -> vector<256x256xf32>
          %mul3A_245 = arith.mulf %mul3A_240, %concatenate3A_244 : vector<256x256xf32>
          %broadcast_in_dim3A_246 = arith.constant 1.000000e+00 : f32
          %broadcast_in_dim3A_247 = vector.broadcast %broadcast_in_dim3A_246 : f32 to vector<8x256xf32>
          %slice3A_248 = vector.extract_strided_slice %mul3A_245 {offsets = [0, 0], sizes = [248, 256], strides = [1, 1]} : vector<256x256xf32> to vector<248x256xf32>
          %concatenate3A_249 = tpu.concatenate %broadcast_in_dim3A_247, %slice3A_248 in 0 : vector<8x256xf32>, vector<248x256xf32> -> vector<256x256xf32>
          %mul3A_250 = arith.mulf %mul3A_245, %concatenate3A_249 : vector<256x256xf32>
          %broadcast_in_dim3A_251 = arith.constant 1.000000e+00 : f32
          %broadcast_in_dim3A_252 = vector.broadcast %broadcast_in_dim3A_251 : f32 to vector<16x256xf32>
          %slice3A_253 = vector.extract_strided_slice %mul3A_250 {offsets = [0, 0], sizes = [240, 256], strides = [1, 1]} : vector<256x256xf32> to vector<240x256xf32>
          %concatenate3A_254 = tpu.concatenate %broadcast_in_dim3A_252, %slice3A_253 in 0 : vector<16x256xf32>, vector<240x256xf32> -> vector<256x256xf32>
          %mul3A_255 = arith.mulf %mul3A_250, %concatenate3A_254 : vector<256x256xf32>
          %broadcast_in_dim3A_256 = arith.constant 1.000000e+00 : f32
          %broadcast_in_dim3A_257 = vector.broadcast %broadcast_in_dim3A_256 : f32 to vector<32x256xf32>
          %slice3A_258 = vector.extract_strided_slice %mul3A_255 {offsets = [0, 0], sizes = [224, 256], strides = [1, 1]} : vector<256x256xf32> to vector<224x256xf32>
          %concatenate3A_259 = tpu.concatenate %broadcast_in_dim3A_257, %slice3A_258 in 0 : vector<32x256xf32>, vector<224x256xf32> -> vector<256x256xf32>
          %mul3A_260 = arith.mulf %mul3A_255, %concatenate3A_259 : vector<256x256xf32>
          %broadcast_in_dim3A_261 = arith.constant 1.000000e+00 : f32
          %broadcast_in_dim3A_262 = vector.broadcast %broadcast_in_dim3A_261 : f32 to vector<64x256xf32>
          %slice3A_263 = vector.extract_strided_slice %mul3A_260 {offsets = [0, 0], sizes = [192, 256], strides = [1, 1]} : vector<256x256xf32> to vector<192x256xf32>
          %concatenate3A_264 = tpu.concatenate %broadcast_in_dim3A_262, %slice3A_263 in 0 : vector<64x256xf32>, vector<192x256xf32> -> vector<256x256xf32>
          %mul3A_265 = arith.mulf %mul3A_260, %concatenate3A_264 : vector<256x256xf32>
          %broadcast_in_dim3A_266 = arith.constant 1.000000e+00 : f32
          %broadcast_in_dim3A_267 = vector.broadcast %broadcast_in_dim3A_266 : f32 to vector<128x256xf32>
          %slice3A_268 = vector.extract_strided_slice %mul3A_265 {offsets = [0, 0], sizes = [128, 256], strides = [1, 1]} : vector<256x256xf32> to vector<128x256xf32>
          %concatenate3A_269 = tpu.concatenate %broadcast_in_dim3A_267, %slice3A_268 in 0 : vector<128x256xf32>, vector<128x256xf32> -> vector<256x256xf32>
          %mul3A_270 = arith.mulf %mul3A_265, %concatenate3A_269 : vector<256x256xf32>
          %broadcast_in_dim3A_271 = arith.constant 1.000000e+00 : f32
          %broadcast_in_dim3A_272 = vector.broadcast %broadcast_in_dim3A_271 : f32 to vector<1x256xf32>
          %slice3A_273 = vector.extract_strided_slice %mul3A_270 {offsets = [0, 0], sizes = [255, 256], strides = [1, 1]} : vector<256x256xf32> to vector<255x256xf32>
          %concatenate3A_274 = tpu.concatenate %broadcast_in_dim3A_272, %slice3A_273 in 0 : vector<1x256xf32>, vector<255x256xf32> -> vector<256x256xf32>
          %mul3A_275 = vector.broadcast %while3A_149 : vector<1x256xf32> to vector<256x256xf32>
          %mul3A_276 = arith.mulf %mul3A_275, %concatenate3A_274 : vector<256x256xf32>
          %gt3A_277 = arith.constant 9.99999974E-5 : f32
          %gt3A_278 = vector.broadcast %gt3A_277 : f32 to vector<256x256xf32>
          %gt3A_279 = arith.cmpf ogt, %mul3A_276, %gt3A_278 : vector<256x256xf32>
          %mul3A_280 = arith.mulf %select_n3A_227, %mul3A_276 : vector<256x256xf32>
          %jit3A_281 = arith.constant 0.000000e+00 : f32
          %broadcast_in_dim3A_282 = vector.broadcast %jit3A_281 : f32 to vector<256x256xf32>
          %select_n3A_283 = arith.select %gt3A_279, %mul3A_280, %broadcast_in_dim3A_282 : vector<256x256xi1>, vector<256x256xf32>
          %mul3A_284 = vector.broadcast %slice3A_187 : vector<256x1xf32> to vector<256x256xf32>
          %mul3A_285 = arith.mulf %select_n3A_283, %mul3A_284 : vector<256x256xf32>
          %reduce_sum3A = arith.constant dense<0.000000e+00> : vector<256xf32>
          %reduce_sum3A_286 = vector.multi_reduction <add>, %mul3A_285, %reduce_sum3A [0] : vector<256x256xf32> to vector<256xf32>
          %broadcast_in_dim3A_287 = vector.shape_cast %reduce_sum3A_286 : vector<256xf32> to vector<1x256xf32>
          %add3A_288 = arith.addf %while3A_150, %broadcast_in_dim3A_287 : vector<1x256xf32>
          %mul3A_289 = vector.broadcast %slice3A_188 : vector<256x1xf32> to vector<256x256xf32>
          %mul3A_290 = arith.mulf %select_n3A_283, %mul3A_289 : vector<256x256xf32>
          %reduce_sum3A_291 = arith.constant dense<0.000000e+00> : vector<256xf32>
          %reduce_sum3A_292 = vector.multi_reduction <add>, %mul3A_290, %reduce_sum3A_291 [0] : vector<256x256xf32> to vector<256xf32>
          %broadcast_in_dim3A_293 = vector.shape_cast %reduce_sum3A_292 : vector<256xf32> to vector<1x256xf32>
          %add3A_294 = arith.addf %while3A_151, %broadcast_in_dim3A_293 : vector<1x256xf32>
          %mul3A_295 = vector.broadcast %slice3A_189 : vector<256x1xf32> to vector<256x256xf32>
          %mul3A_296 = arith.mulf %select_n3A_283, %mul3A_295 : vector<256x256xf32>
          %reduce_sum3A_297 = arith.constant dense<0.000000e+00> : vector<256xf32>
          %reduce_sum3A_298 = vector.multi_reduction <add>, %mul3A_296, %reduce_sum3A_297 [0] : vector<256x256xf32> to vector<256xf32>
          %broadcast_in_dim3A_299 = vector.shape_cast %reduce_sum3A_298 : vector<256xf32> to vector<1x256xf32>
          %add3A_300 = arith.addf %while3A_152, %broadcast_in_dim3A_299 : vector<1x256xf32>
          %slice3A_301 = vector.extract_strided_slice %mul3A_270 {offsets = [255, 0], sizes = [1, 256], strides = [1, 1]} : vector<256x256xf32> to vector<1x256xf32>
          %mul3A_302 = arith.mulf %while3A_149, %slice3A_301 : vector<1x256xf32>
          scf.yield %mul3A_302, %add3A_288, %add3A_294, %add3A_300 : vector<1x256xf32>, vector<1x256xf32>, vector<1x256xf32>, vector<1x256xf32>
        } else {
          scf.yield %while3A_149, %while3A_150, %while3A_151, %while3A_152 : vector<1x256xf32>, vector<1x256xf32>, vector<1x256xf32>, vector<1x256xf32>
        }
        scf.yield %cond3A_169#0, %cond3A_169#1, %cond3A_169#2, %cond3A_169#3 : vector<1x256xf32>, vector<1x256xf32>, vector<1x256xf32>, vector<1x256xf32>
      }
      scf.yield %while3A_147#1, %while3A_147#2, %while3A_147#3 : vector<1x256xf32>, vector<1x256xf32>, vector<1x256xf32>
    } else {
      %scan3A = arith.constant 0 : i32
      %scan3A_111 = arith.constant 64 : i32
      %scan3A_112 = arith.addi %scan3A, %scan3A_111 : i32
      %scan3A_113 = arith.constant 1 : i32
      %scan3A_114:4 = scf.for %scan3A_116 = %scan3A to %scan3A_112 step %scan3A_113 iter_args(%scan3A_117 = %broadcast_in_dim3A_99, %scan3A_118 = %broadcast_in_dim3A_101, %scan3A_119 = %broadcast_in_dim3A_101, %scan3A_120 = %broadcast_in_dim3A_101) -> (vector<1x256xf32>, vector<1x256xf32>, vector<1x256xf32>, vector<1x256xf32>)  : i32 {
        %gt3A = arith.constant 9.99999974E-5 : f32
        %gt3A_121 = vector.broadcast %gt3A : f32 to vector<1x256xf32>
        %gt3A_122 = arith.cmpf ogt, %scan3A_117, %gt3A_121 : vector<1x256xf32>
        %reduce_or3A = arith.constant 1.000000e+00 : f32
        %reduce_or3A_123 = arith.constant 0.000000e+00 : f32
        %reduce_or3A_124 = vector.broadcast %reduce_or3A : f32 to vector<1x256xf32>
        %reduce_or3A_125 = vector.broadcast %reduce_or3A_123 : f32 to vector<1x256xf32>
        %reduce_or3A_126 = arith.select %gt3A_122, %reduce_or3A_124, %reduce_or3A_125 : vector<1x256xi1>, vector<1x256xf32>
        %reduce_or3A_127 = vector.shape_cast %reduce_or3A_126 : vector<1x256xf32> to vector<1x1x256xf32>
        %reduce_or3A_128 = arith.constant dense<0xFF800000> : vector<1xf32>
        %reduce_or3A_129 = vector.multi_reduction <maximumf>, %reduce_or3A_127, %reduce_or3A_128 [1, 2] : vector<1x1x256xf32> to vector<1xf32>
        %reduce_or3A_130 = vector.shape_cast %reduce_or3A_129 : vector<1xf32> to vector<1x1x1xf32>
        %reduce_or3A_131 = vector.extract %reduce_or3A_130[0, 0, 0] : f32 from vector<1x1x1xf32>
        %reduce_or3A_132 = arith.constant 0.000000e+00 : f32
        %reduce_or3A_133 = arith.cmpf ogt, %reduce_or3A_131, %reduce_or3A_132 : f32
        %convert_element_type3A_134 = arith.extui %reduce_or3A_133 : i1 to i32
        %cond3A_135 = arith.constant 0 : i32
        %cond3A_136 = arith.cmpi ne, %convert_element_type3A_134, %cond3A_135 : i32
        %cond3A_137:4 = scf.if %cond3A_136 -> (vector<1x256xf32>, vector<1x256xf32>, vector<1x256xf32>, vector<1x256xf32>) {
          %mul3A_138 = arith.constant 128 : i32
          %mul3A_139 = arith.muli %scan3A_116, %mul3A_138 : i32
          %get3A_140 = arith.index_cast %mul3A_139 : i32 to index
          %get3A_141 = arith.constant 0 : index
          %get3A_142 = vector.load %arg3[%get3A_140, %get3A_141] : memref<8192x16xf32, #tpu.memory_space<vmem>>, vector<128x16xf32>
          %slice3A = vector.extract_strided_slice %get3A_142 {offsets = [0, 0], sizes = [128, 1], strides = [1, 1]} : vector<128x16xf32> to vector<128x1xf32>
          %slice3A_143 = vector.extract_strided_slice %get3A_142 {offsets = [0, 1], sizes = [128, 1], strides = [1, 1]} : vector<128x16xf32> to vector<128x1xf32>
          %slice3A_144 = vector.extract_strided_slice %get3A_142 {offsets = [0, 2], sizes = [128, 1], strides = [1, 1]} : vector<128x16xf32> to vector<128x1xf32>
          %slice3A_145 = vector.extract_strided_slice %get3A_142 {offsets = [0, 3], sizes = [128, 1], strides = [1, 1]} : vector<128x16xf32> to vector<128x1xf32>
          %slice3A_146 = vector.extract_strided_slice %get3A_142 {offsets = [0, 4], sizes = [128, 1], strides = [1, 1]} : vector<128x16xf32> to vector<128x1xf32>
          %slice3A_147 = vector.extract_strided_slice %get3A_142 {offsets = [0, 5], sizes = [128, 1], strides = [1, 1]} : vector<128x16xf32> to vector<128x1xf32>
          %slice3A_148 = vector.extract_strided_slice %get3A_142 {offsets = [0, 6], sizes = [128, 1], strides = [1, 1]} : vector<128x16xf32> to vector<128x1xf32>
          %slice3A_149 = vector.extract_strided_slice %get3A_142 {offsets = [0, 7], sizes = [128, 1], strides = [1, 1]} : vector<128x16xf32> to vector<128x1xf32>
          %slice3A_150 = vector.extract_strided_slice %get3A_142 {offsets = [0, 8], sizes = [128, 1], strides = [1, 1]} : vector<128x16xf32> to vector<128x1xf32>
          %sub3A_151 = vector.broadcast %add3A_61 : vector<1x256xf32> to vector<128x256xf32>
          %sub3A_152 = vector.broadcast %slice3A : vector<128x1xf32> to vector<128x256xf32>
          %sub3A_153 = arith.subf %sub3A_151, %sub3A_152 : vector<128x256xf32>
          %sub3A_154 = vector.broadcast %add3A_98 : vector<1x256xf32> to vector<128x256xf32>
          %sub3A_155 = vector.broadcast %slice3A_143 : vector<128x1xf32> to vector<128x256xf32>
          %sub3A_156 = arith.subf %sub3A_154, %sub3A_155 : vector<128x256xf32>
          %mul3A_157 = vector.broadcast %slice3A_144 : vector<128x1xf32> to vector<128x256xf32>
          %mul3A_158 = arith.mulf %mul3A_157, %sub3A_153 : vector<128x256xf32>
          %mul3A_159 = arith.mulf %mul3A_158, %sub3A_153 : vector<128x256xf32>
          %mul3A_160 = vector.broadcast %slice3A_146 : vector<128x1xf32> to vector<128x256xf32>
          %mul3A_161 = arith.mulf %mul3A_160, %sub3A_156 : vector<128x256xf32>
          %mul3A_162 = arith.mulf %mul3A_161, %sub3A_156 : vector<128x256xf32>
          %add3A_163 = arith.addf %mul3A_159, %mul3A_162 : vector<128x256xf32>
          %mul3A_164 = arith.constant 5.000000e-01 : f32
          %mul3A_165 = vector.broadcast %mul3A_164 : f32 to vector<128x256xf32>
          %mul3A_166 = arith.mulf %mul3A_165, %add3A_163 : vector<128x256xf32>
          %mul3A_167 = vector.broadcast %slice3A_145 : vector<128x1xf32> to vector<128x256xf32>
          %mul3A_168 = arith.mulf %mul3A_167, %sub3A_153 : vector<128x256xf32>
          %mul3A_169 = arith.mulf %mul3A_168, %sub3A_156 : vector<128x256xf32>
          %add3A_170 = arith.addf %mul3A_166, %mul3A_169 : vector<128x256xf32>
          %neg3A = arith.constant 0.000000e+00 : f32
          %neg3A_171 = vector.broadcast %neg3A : f32 to vector<128x256xf32>
          %neg3A_172 = arith.subf %neg3A_171, %add3A_170 : vector<128x256xf32>
          %exp3A = math.exp %neg3A_172 : vector<128x256xf32>
          %mul3A_173 = vector.broadcast %slice3A_150 : vector<128x1xf32> to vector<128x256xf32>
          %mul3A_174 = arith.mulf %mul3A_173, %exp3A : vector<128x256xf32>
          %min3A = arith.constant 9.900000e-01 : f32
          %min3A_175 = vector.broadcast %min3A : f32 to vector<128x256xf32>
          %min3A_176 = arith.minimumf %min3A_175, %mul3A_174 : vector<128x256xf32>
          %ge3A = arith.constant 0.000000e+00 : f32
          %ge3A_177 = vector.broadcast %ge3A : f32 to vector<128x256xf32>
          %ge3A_178 = arith.cmpf oge, %add3A_170, %ge3A_177 : vector<128x256xf32>
          %ge3A_179 = arith.constant 0.00392156886 : f32
          %ge3A_180 = vector.broadcast %ge3A_179 : f32 to vector<128x256xf32>
          %ge3A_181 = arith.cmpf oge, %min3A_176, %ge3A_180 : vector<128x256xf32>
          %and3A_182 = arith.andi %ge3A_178, %ge3A_181 : vector<128x256xi1>
          %jit3A_183 = arith.constant 0.000000e+00 : f32
          %broadcast_in_dim3A_184 = vector.broadcast %jit3A_183 : f32 to vector<128x256xf32>
          %select_n3A_185 = arith.select %and3A_182, %min3A_176, %broadcast_in_dim3A_184 : vector<128x256xi1>, vector<128x256xf32>
          %sub3A_186 = arith.constant 1.000000e+00 : f32
          %sub3A_187 = vector.broadcast %sub3A_186 : f32 to vector<128x256xf32>
          %sub3A_188 = arith.subf %sub3A_187, %select_n3A_185 : vector<128x256xf32>
          %broadcast_in_dim3A_189 = arith.constant 1.000000e+00 : f32
          %broadcast_in_dim3A_190 = vector.broadcast %broadcast_in_dim3A_189 : f32 to vector<1x256xf32>
          %slice3A_191 = vector.extract_strided_slice %sub3A_188 {offsets = [0, 0], sizes = [127, 256], strides = [1, 1]} : vector<128x256xf32> to vector<127x256xf32>
          %concatenate3A_192 = tpu.concatenate %broadcast_in_dim3A_190, %slice3A_191 in 0 : vector<1x256xf32>, vector<127x256xf32> -> vector<128x256xf32>
          %mul3A_193 = arith.mulf %sub3A_188, %concatenate3A_192 : vector<128x256xf32>
          %broadcast_in_dim3A_194 = arith.constant 1.000000e+00 : f32
          %broadcast_in_dim3A_195 = vector.broadcast %broadcast_in_dim3A_194 : f32 to vector<2x256xf32>
          %slice3A_196 = vector.extract_strided_slice %mul3A_193 {offsets = [0, 0], sizes = [126, 256], strides = [1, 1]} : vector<128x256xf32> to vector<126x256xf32>
          %concatenate3A_197 = tpu.concatenate %broadcast_in_dim3A_195, %slice3A_196 in 0 : vector<2x256xf32>, vector<126x256xf32> -> vector<128x256xf32>
          %mul3A_198 = arith.mulf %mul3A_193, %concatenate3A_197 : vector<128x256xf32>
          %broadcast_in_dim3A_199 = arith.constant 1.000000e+00 : f32
          %broadcast_in_dim3A_200 = vector.broadcast %broadcast_in_dim3A_199 : f32 to vector<4x256xf32>
          %slice3A_201 = vector.extract_strided_slice %mul3A_198 {offsets = [0, 0], sizes = [124, 256], strides = [1, 1]} : vector<128x256xf32> to vector<124x256xf32>
          %concatenate3A_202 = tpu.concatenate %broadcast_in_dim3A_200, %slice3A_201 in 0 : vector<4x256xf32>, vector<124x256xf32> -> vector<128x256xf32>
          %mul3A_203 = arith.mulf %mul3A_198, %concatenate3A_202 : vector<128x256xf32>
          %broadcast_in_dim3A_204 = arith.constant 1.000000e+00 : f32
          %broadcast_in_dim3A_205 = vector.broadcast %broadcast_in_dim3A_204 : f32 to vector<8x256xf32>
          %slice3A_206 = vector.extract_strided_slice %mul3A_203 {offsets = [0, 0], sizes = [120, 256], strides = [1, 1]} : vector<128x256xf32> to vector<120x256xf32>
          %concatenate3A_207 = tpu.concatenate %broadcast_in_dim3A_205, %slice3A_206 in 0 : vector<8x256xf32>, vector<120x256xf32> -> vector<128x256xf32>
          %mul3A_208 = arith.mulf %mul3A_203, %concatenate3A_207 : vector<128x256xf32>
          %broadcast_in_dim3A_209 = arith.constant 1.000000e+00 : f32
          %broadcast_in_dim3A_210 = vector.broadcast %broadcast_in_dim3A_209 : f32 to vector<16x256xf32>
          %slice3A_211 = vector.extract_strided_slice %mul3A_208 {offsets = [0, 0], sizes = [112, 256], strides = [1, 1]} : vector<128x256xf32> to vector<112x256xf32>
          %concatenate3A_212 = tpu.concatenate %broadcast_in_dim3A_210, %slice3A_211 in 0 : vector<16x256xf32>, vector<112x256xf32> -> vector<128x256xf32>
          %mul3A_213 = arith.mulf %mul3A_208, %concatenate3A_212 : vector<128x256xf32>
          %broadcast_in_dim3A_214 = arith.constant 1.000000e+00 : f32
          %broadcast_in_dim3A_215 = vector.broadcast %broadcast_in_dim3A_214 : f32 to vector<32x256xf32>
          %slice3A_216 = vector.extract_strided_slice %mul3A_213 {offsets = [0, 0], sizes = [96, 256], strides = [1, 1]} : vector<128x256xf32> to vector<96x256xf32>
          %concatenate3A_217 = tpu.concatenate %broadcast_in_dim3A_215, %slice3A_216 in 0 : vector<32x256xf32>, vector<96x256xf32> -> vector<128x256xf32>
          %mul3A_218 = arith.mulf %mul3A_213, %concatenate3A_217 : vector<128x256xf32>
          %broadcast_in_dim3A_219 = arith.constant 1.000000e+00 : f32
          %broadcast_in_dim3A_220 = vector.broadcast %broadcast_in_dim3A_219 : f32 to vector<64x256xf32>
          %slice3A_221 = vector.extract_strided_slice %mul3A_218 {offsets = [0, 0], sizes = [64, 256], strides = [1, 1]} : vector<128x256xf32> to vector<64x256xf32>
          %concatenate3A_222 = tpu.concatenate %broadcast_in_dim3A_220, %slice3A_221 in 0 : vector<64x256xf32>, vector<64x256xf32> -> vector<128x256xf32>
          %mul3A_223 = arith.mulf %mul3A_218, %concatenate3A_222 : vector<128x256xf32>
          %broadcast_in_dim3A_224 = arith.constant 1.000000e+00 : f32
          %broadcast_in_dim3A_225 = vector.broadcast %broadcast_in_dim3A_224 : f32 to vector<1x256xf32>
          %slice3A_226 = vector.extract_strided_slice %mul3A_223 {offsets = [0, 0], sizes = [127, 256], strides = [1, 1]} : vector<128x256xf32> to vector<127x256xf32>
          %concatenate3A_227 = tpu.concatenate %broadcast_in_dim3A_225, %slice3A_226 in 0 : vector<1x256xf32>, vector<127x256xf32> -> vector<128x256xf32>
          %mul3A_228 = vector.broadcast %scan3A_117 : vector<1x256xf32> to vector<128x256xf32>
          %mul3A_229 = arith.mulf %mul3A_228, %concatenate3A_227 : vector<128x256xf32>
          %gt3A_230 = arith.constant 9.99999974E-5 : f32
          %gt3A_231 = vector.broadcast %gt3A_230 : f32 to vector<128x256xf32>
          %gt3A_232 = arith.cmpf ogt, %mul3A_229, %gt3A_231 : vector<128x256xf32>
          %mul3A_233 = arith.mulf %select_n3A_185, %mul3A_229 : vector<128x256xf32>
          %jit3A_234 = arith.constant 0.000000e+00 : f32
          %broadcast_in_dim3A_235 = vector.broadcast %jit3A_234 : f32 to vector<128x256xf32>
          %select_n3A_236 = arith.select %gt3A_232, %mul3A_233, %broadcast_in_dim3A_235 : vector<128x256xi1>, vector<128x256xf32>
          %mul3A_237 = vector.broadcast %slice3A_147 : vector<128x1xf32> to vector<128x256xf32>
          %mul3A_238 = arith.mulf %select_n3A_236, %mul3A_237 : vector<128x256xf32>
          %reduce_sum3A = arith.constant dense<0.000000e+00> : vector<256xf32>
          %reduce_sum3A_239 = vector.multi_reduction <add>, %mul3A_238, %reduce_sum3A [0] : vector<128x256xf32> to vector<256xf32>
          %broadcast_in_dim3A_240 = vector.shape_cast %reduce_sum3A_239 : vector<256xf32> to vector<1x256xf32>
          %add3A_241 = arith.addf %scan3A_118, %broadcast_in_dim3A_240 : vector<1x256xf32>
          %mul3A_242 = vector.broadcast %slice3A_148 : vector<128x1xf32> to vector<128x256xf32>
          %mul3A_243 = arith.mulf %select_n3A_236, %mul3A_242 : vector<128x256xf32>
          %reduce_sum3A_244 = arith.constant dense<0.000000e+00> : vector<256xf32>
          %reduce_sum3A_245 = vector.multi_reduction <add>, %mul3A_243, %reduce_sum3A_244 [0] : vector<128x256xf32> to vector<256xf32>
          %broadcast_in_dim3A_246 = vector.shape_cast %reduce_sum3A_245 : vector<256xf32> to vector<1x256xf32>
          %add3A_247 = arith.addf %scan3A_119, %broadcast_in_dim3A_246 : vector<1x256xf32>
          %mul3A_248 = vector.broadcast %slice3A_149 : vector<128x1xf32> to vector<128x256xf32>
          %mul3A_249 = arith.mulf %select_n3A_236, %mul3A_248 : vector<128x256xf32>
          %reduce_sum3A_250 = arith.constant dense<0.000000e+00> : vector<256xf32>
          %reduce_sum3A_251 = vector.multi_reduction <add>, %mul3A_249, %reduce_sum3A_250 [0] : vector<128x256xf32> to vector<256xf32>
          %broadcast_in_dim3A_252 = vector.shape_cast %reduce_sum3A_251 : vector<256xf32> to vector<1x256xf32>
          %add3A_253 = arith.addf %scan3A_120, %broadcast_in_dim3A_252 : vector<1x256xf32>
          %slice3A_254 = vector.extract_strided_slice %mul3A_223 {offsets = [127, 0], sizes = [1, 256], strides = [1, 1]} : vector<128x256xf32> to vector<1x256xf32>
          %mul3A_255 = arith.mulf %scan3A_117, %slice3A_254 : vector<1x256xf32>
          scf.yield %mul3A_255, %add3A_241, %add3A_247, %add3A_253 : vector<1x256xf32>, vector<1x256xf32>, vector<1x256xf32>, vector<1x256xf32>
        } else {
          scf.yield %scan3A_117, %scan3A_118, %scan3A_119, %scan3A_120 : vector<1x256xf32>, vector<1x256xf32>, vector<1x256xf32>, vector<1x256xf32>
        }
        scf.yield %cond3A_137#0, %cond3A_137#1, %cond3A_137#2, %cond3A_137#3 : vector<1x256xf32>, vector<1x256xf32>, vector<1x256xf32>, vector<1x256xf32>
      }
      %scan3A_115 = arith.constant 64 : i32
      scf.yield %scan3A_114#1, %scan3A_114#2, %scan3A_114#3 : vector<1x256xf32>, vector<1x256xf32>, vector<1x256xf32>
    }
    %concatenate3A = tpu.concatenate %cond3A_105#0, %cond3A_105#1, %cond3A_105#2 in 0 : vector<1x256xf32>, vector<1x256xf32>, vector<1x256xf32> -> vector<3x256xf32>
    %swap3A = arith.constant 0 : index
    %swap3A_106 = arith.constant 0 : index
    %swap3A_107 = arith.constant 0 : index
    %swap3A_108 = vector.load %arg4[%swap3A, %swap3A_106, %swap3A_107] : memref<1x3x256xf32, #tpu.memory_space<vmem>>, vector<1x3x256xf32>
    %swap3A_109 = vector.shape_cast %swap3A_108 : vector<1x3x256xf32> to vector<3x256xf32>
    %swap3A_110 = vector.shape_cast %concatenate3A : vector<3x256xf32> to vector<1x3x256xf32>
    tpu.vector_store %arg4[%swap3A, %swap3A_106, %swap3A_107], %swap3A_110 {strides = array<i32>} : memref<1x3x256xf32, #tpu.memory_space<vmem>>, vector<1x3x256xf32>,
    return
  }
  func.func @transform_0(%arg0: i32) -> i32 {
    %c0_i32 = arith.constant 0 : i32
    %c0_i32_0 = arith.constant 0 : i32
    return %c0_i32 : i32
  }
  func.func @transform_1(%arg0: i32) -> (i32, i32, i32) {
    %c0_i32 = arith.constant 0 : i32
    %c0_i32_0 = arith.constant 0 : i32
    %c0_i32_1 = arith.constant 0 : i32
    return %arg0, %c0_i32, %c0_i32_0 : i32, i32, i32
  }
  func.func @transform_2(%arg0: i32) -> (i32, i32) {
    %c0_i32 = arith.constant 0 : i32
    %c0_i32_0 = arith.constant 0 : i32
    %c0_i32_1 = arith.constant 0 : i32
    return %c0_i32, %c0_i32_0 : i32, i32
  }
  func.func @transform_3(%arg0: i32) -> (i32, i32, i32) {
    %c0_i32 = arith.constant 0 : i32
    %c0_i32_0 = arith.constant 0 : i32
    %c0_i32_1 = arith.constant 0 : i32
    return %arg0, %c0_i32, %c0_i32_0 : i32, i32, i32
  }
}

</mosaic_0001>

<sc_bundles>
// kernel: gather_offload_async_start
scs
__scs_entry_jumppad:
0x0: {  	(pc) =	sbr.rel $0x88, $3  }
0x1: {  	(tag) =	ssettag $0x0;
	lr =	simm.s32 $0x1  }
0x2: {  	[smem:$0x3F9C] =	sst lr;
	_ =	strace $0xD0000000  }
0x3: {  	_ = 	snop  }
0x4: {  	_ = 	snop  }
0x5: {  	_ = 	snop  }
0x6: {  	_ = 	snop  }
0x7: {  	_ = 	snop  }
__scs_overlays_trampoline_lowered:
0x8: {  	[smem:$0x3FAB] =	sst s0  }
0x9: {  	[smem:$0x3FAC] =	sst s1  }
0xa: {  	[smem:$0x3FAD] =	sst s2  }
0xb: {  	[smem:$0x3FAE] =	sst s3  }
0xc: {  	[smem:$0x3FAF] =	sst s4  }
0xd: {  	[smem:$0x3FB0] =	sst s5  }
0xe: {  	[smem:$0x3FB1] =	sst s6  }
0xf: {  	[smem:$0x3FB2] =	sst s7  }
0x10: {  	[smem:$0x3FB3] =	sst s8  }
0x11: {  	[smem:$0x3FB4] =	sst s9;
	s0 =	simm.s32 @!p0 $0x0  }
0x12: {  	s1 =	sld [smem:$0x3F9A];
	s0 =	simm.s32 @p0 $0x1  }
0x13: {  	[smem:$0x3FB5] =	sst s0;
	s0 =	simm.s32 @!p1 $0x0  }
0x14: {  	s2 =	sld [smem:$0x3F99];
	s0 =	simm.s32 @p1 $0x1  }
0x15: {  	[smem:$0x3FB6] =	sst s0;
	s0 =	simm.s32 @!p2 $0x0  }
0x16: {  	s3 =	sld [smem:$0x3FDB];
	s0 =	simm.s32 @p2 $0x1  }
0x17: {  	s4 =	simm.s32 $0x1BF5;
	[smem:$0x3FB8] =	sst s0  }
0x18: {  	s0 =	sld [smem:$0x3F9B];
	_ =	swait.ge [sflag:s4], $0x0  }
0x19: {  	s7 =	sld [smem:$0x3F9C]  }
0x1a: {  	s8 =	sadd.s32 $0xFFFFE003, lr  }
0x1b: {  	s9 =	sadd.s32 $0xFFFFFEF7, lr;
	s5 =	simm.s32 $0xFFFFFFFF;
	p2 =	slt.u32 s8, $0xFFFFF086  }
0x1c: {  	p1 =	slt.u32 s9, $0xF7A;
	s5 =	simm.s32 @!p2 $0x0  }
0x1d: {  	s5 =	simm.s32 @p1 $0x1;
	p0 =	seq.s32 s7, s2  }
0x1e: {  	s7 =	smul.u32 @!p0 $0xF7A, s2;
	p2 =	seq.s32 @!p0 s5, $0x0  }
0x1f: {  	s9 =	smul.u32 $0xF7A, s1;
	s8 =	simm.s32 @!p0 $0x1BF5;
	p2 =	por !p2, p0  }
0x20: {  	[sflag:s8] =	ssyncset.s32 @!p0 $0xFFFFF086;
	s6 =	sadd.s32 @!p0 s3, s7;
	s7 =	simm.s32 @!p0 $0x108  }
0x21: {  	s3 =	sadd.s32 s3, s9;
	s6 =	sadd.s32 @!p0 $0x88, s6;
	s7 =	simm.s32 @p2 $0x1082  }
0x22: {  	[simem:s7], [sflag:s8] =	dma.local @!p0 [hbm:s6], $0xF7A  }
0x23: {  	s9 =	sor.u32 $0xD0000000, s2;
	s6 =	simm.s32 $0x108;
	_ =	swait.ge @!p0 [sflag:s8], $0x0  }
0x24: {  	s3 =	sadd.s32 $0x88, s3;
	s6 =	simm.s32 @!p1 $0x1082;
	[sflag:s4] =	ssyncset.s32 $0xFFFFF086  }
0x25: {  	[simem:s6], [sflag:s4] =	dma.local [hbm:s3], $0xF7A  }
0x26: {  	[smem:$0x3F9C] =	sst s1;
	(tag) =	ssettag s2;
	_ =	strace s9  }
0x27: {  	s1 =	sld [smem:$0x3FAC]  }
0x28: {  	s2 =	sld [smem:$0x3FAD]  }
0x29: {  	s4 =	sld [smem:$0x3FAF]  }
0x2a: {  	p0 =	seq.s32 s5, $0x0;
	s5 =	sld [smem:$0x3FB0]  }
0x2b: {  	s6 =	sld [smem:$0x3FB1]  }
0x2c: {  	s7 =	sld [smem:$0x3FB2]  }
0x2d: {  	s3 =	simm.s32 $0x108;
	s8 =	sld [smem:$0x3FB3]  }
0x2e: {  	s3 =	simm.s32 @!p0 $0x1082;
	s9 =	sld [smem:$0x3FB4]  }
0x2f: {  	lr =	sadd.s32 s0, s3;
	s0 =	sld [smem:$0x3FAB]  }
0x30: {  	s3 =	sld [smem:$0x3FAE]  }
0x31: {  	[smem:$0x3FB7] =	sst s10  }
0x32: {  	s10 =	sld [smem:$0x3FB5];
	_ =	sdelay $0x3  }
0x33: {  	p0 =	seq.s32 s10, $0x1;
	s10 =	sld [smem:$0x3FB7];
	_ =	sdelay $0x3  }
0x34: {  	[smem:$0x3FB7] =	sst s10  }
0x35: {  	s10 =	sld [smem:$0x3FB6];
	_ =	sdelay $0x3  }
0x36: {  	p1 =	seq.s32 s10, $0x1;
	s10 =	sld [smem:$0x3FB7];
	_ =	sdelay $0x3  }
0x37: {  	[smem:$0x3FB7] =	sst s10  }
0x38: {  	s10 =	sld [smem:$0x3FB8]  }
0x39: {  	_ = 	snop;
	(pc) =	sbr.ind lr, $3  }
0x3a: {  	_ = 	snop  }
0x3b: {  	_ = 	snop  }
0x3c: {  	p2 =	seq.s32 s10, $0x1;
	s10 =	sld [smem:$0x3FB7]  }
0x3d: {  	_ =	shalt  }
0x3e: {  	_ =	shalt  }
0x3f: {  	_ =	shalt  }
0x40: {  	_ =	shalt  }
0x41: {  	_ =	shalt  }
0x42: {  	_ =	shalt  }
0x43: {  	_ =	shalt  }
0x44: {  	_ =	shalt  }
0x45: {  	_ =	shalt  }
0x46: {  	_ =	shalt  }
0x47: {  	_ =	shalt  }
0x48: {  	_ =	shalt  }
0x49: {  	_ =	shalt  }
0x4a: {  	_ =	shalt  }
0x4b: {  	_ =	shalt  }
0x4c: {  	_ =	shalt  }
0x4d: {  	_ =	shalt  }
0x4e: {  	_ =	shalt  }
0x4f: {  	_ =	shalt  }
0x50: {  	_ =	shalt  }
0x51: {  	_ =	shalt  }
0x52: {  	_ =	shalt  }
0x53: {  	_ =	shalt  }
0x54: {  	_ =	shalt  }
0x55: {  	_ =	shalt  }
0x56: {  	_ =	shalt  }
0x57: {  	_ =	shalt  }
0x58: {  	_ =	shalt  }
0x59: {  	_ =	shalt  }
0x5a: {  	_ =	shalt  }
0x5b: {  	_ =	shalt  }
0x5c: {  	_ =	shalt  }
0x5d: {  	_ =	shalt  }
0x5e: {  	_ =	shalt  }
0x5f: {  	_ =	shalt  }
0x60: {  	_ =	shalt  }
0x61: {  	_ =	shalt  }
0x62: {  	_ =	shalt  }
0x63: {  	_ =	shalt  }
0x64: {  	_ =	shalt  }
0x65: {  	_ =	shalt  }
0x66: {  	_ =	shalt  }
0x67: {  	_ =	shalt  }
0x68: {  	_ =	shalt  }
0x69: {  	_ =	shalt  }
0x6a: {  	_ =	shalt  }
0x6b: {  	_ =	shalt  }
0x6c: {  	_ =	shalt  }
0x6d: {  	_ =	shalt  }
0x6e: {  	_ =	shalt  }
0x6f: {  	_ =	shalt  }
0x70: {  	_ =	shalt  }
0x71: {  	_ =	shalt  }
0x72: {  	_ =	shalt  }
0x73: {  	_ =	shalt  }
0x74: {  	_ =	shalt  }
0x75: {  	_ =	shalt  }
0x76: {  	_ =	shalt  }
0x77: {  	_ =	shalt  }
0x78: {  	_ =	shalt  }
0x79: {  	_ =	shalt  }
0x7a: {  	_ =	shalt  }
0x7b: {  	_ =	shalt  }
0x7c: {  	_ =	shalt  }
0x7d: {  	_ =	shalt  }
0x7e: {  	_ =	shalt  }
0x7f: {  	_ =	shalt  }
0x80: {  	_ =	shalt  }
0x81: {  	_ =	shalt  }
0x82: {  	_ =	shalt  }
0x83: {  	_ =	shalt  }
0x84: {  	_ =	shalt  }
0x85: {  	_ =	shalt  }
0x86: {  	_ =	shalt  }
0x87: {  	_ =	shalt  }
.Lfunc_end0:
.L_simem_size_0:
called_computation_lowered:
.L_overlay_start_0:
0x88: {  	s2 =	sld [smem:$0x3FD9]  }
0x89: {  	s3 =	sld [smem:$0x3FFE];
	_ =	sdelay $0x1  }
0x8a: {  	s1 =	srdreg.scid  }
0x8b: {  	s0 =	sand.u32 $0x1, s1  }
0x8c: {  	s17 =	sshll.u32 s0, $0xA;
	s2 =	sadd.s32 s3, s2  }
0x8d: {  	s2 =	sadd.s32 s2, s17  }
0x8e: {  	[smem:$0x3FC3] =	sst s2  }
0x8f: {  	_ = 	snop  }
0x90: {  	s2 =	sld [smem:$0x3FD0];
	(tm) =	ssettm $0x1  }
0x91: {  	s18 =	sld [smem:$0x3FFB];
	_ =	sdelay $0x3  }
0x92: {  	_ =	strace s18  }
0x93: {  	s3 =	sld [smem:$0x3FFC];
	_ =	sdelay $0x3  }
0x94: {  	_ =	strace s3  }
0x95: {  	s3 =	sld [smem:$0x3FFD];
	_ =	sdelay $0x3  }
0x96: {  	_ =	strace s3  }
0x97: {  	_ =	strace $0x8FFFFFFF  }
0x98: {  	s19 =	sld [smem:$0x3FDB];
	_ =	sdelay $0x1  }
0x99: {  	s4 =	simm.s32 $_scs_section_size  }
0x9a: {  	s5 =	simm.s32 $_size__tile_overlayer_lowered;
	s6 =	simm.s32 $_tile_overlayer_lowered  }
0x9b: {  	s22 =	simm.s32 $0x1BFF;
	s21 =	sshll.u32 s6, $0x1;
	s3 =	sadd.s32 s4, s19  }
0x9c: {  	s7 =	simm.s32 $0x0;
	s20 =	sshll.u32 s5, $0x1;
	s5 =	sadd.s32 s21, s3  }
0x9d: {  	[timem:s7], [sflag:s22] =	dma.local [hbm:s5], s20  }
0x9e: {  	_ =	swait.ge [sflag:s22], s20  }
0x9f: {  	s4 =	ssub.s32 $0x0, s20;
	[sflag:s22] =	ssyncset.done $0x0  }
0xa0: {  	[sflag:s22] =	ssyncadd.s32 s4;
	_ =	sdelay $0x1  }
0xa1: {  	s23 =	simm.s32 $0x1B8B  }
0xa2: {  	_ =	swait.ge [sflag:s23], $0x1  }
0xa3: {  	[sflag:s23] =	ssyncset.done $0x0  }
0xa4: {  	s25 =	simm.s32 $0x1B8E;
	s24 =	sld [smem:$0x3FFE];
	[sflag:s23] =	ssyncadd.s32 $0xFFFFFFFF  }
0xa5: {  	s26 =	simm.s32 $execute0_lowered;
	[smem:$0x3FD2] =	sst s25  }
0xa6: {  	s5 =	sshll.u32 s26, $0x1;
	_ =	strace $0x80000046;
	[dreg:$0x1] =	wrdreg $0xFFFFFFFF  }
0xa7: {  	s28 =	simm.s32 $_size_execute0_lowered;
	s3 =	sadd.s32 s3, s5;
	[dreg:$0x0] =	wrdreg $0x0  }
0xa8: {  	s5 =	sshll.u32 s28, $0x1;
	[dreg:$0x2] =	wrdreg s3  }
0xa9: {  	[dreg:$0x3] =	wrdreg s5  }
0xaa: {  	[dreg:$0x4] =	wrdreg $0xC0  }
0xab: {  	_ =	task [dreg:s7], $0x5FFFF  }
0xac: {  	[dreg:$0x1] =	wrdreg $0xFFFFFFFF  }
0xad: {  	[dreg:$0x0] =	wrdreg $0x60  }
0xae: {  	[dreg:$0x2] =	wrdreg s24  }
0xaf: {  	[dreg:$0x3] =	wrdreg s2  }
0xb0: {  	[dreg:$0x4] =	wrdreg $0x9  }
0xb1: {  	_ =	task.clear_ibuf [dreg:s7], $0x5FFFF;
	_ =	strace $0x90000046  }
0xb2: {  	s29 =	simm.s32 $0x9;
	_ =	strace $0x80000048  }
0xb3: {  	_ =	swait.ge [sflag:s29], $0x1  }
0xb4: {  	[sflag:s29] =	ssyncadd.s32 $0xFFFFFFFF  }
0xb5: {  	_ =	strace $0x90000048  }
0xb6: {  	_ =	sfence  }
0xb7: {  	s30 =	sld [smem:$0x0];
	_ =	sdelay $0x2  }
0xb8: {  	s31 =	sshll.u32 s1, $0xD;
	s1 =	sshrl.u32 s1, $0x2  }
0xb9: {  	s3 =	sand.u32 $0x4000, s31;
	s1 =	sadd.s32 s1, s30  }
0xba: {  	s0 =	sor.u32 s3, s0;
	s1 =	sshll.u32 s1, $0x11  }
0xbb: {  	s0 =	sor.u32 s1, s0  }
0xbc: {  	s0 =	sadd.s32 $0x8F2B, s0  }
0xbd: {  	[sflag:s0] =	ssyncadd.remote.s32 $0x1  }
0xbe: {  	_ =	sfence.sel $0xFFFF  }
0xbf: {  	[dreg:$0x0] =	wrdreg $0xFFFFFFFF;
	(pc) =	sbr.abs _section_cstart, $3  }
0xc0: {  	[dreg:$0x1] =	wrdreg $0xFFFFFFFF  }
0xc1: {  	_ =	task.clear_ibuf [dreg:s7], $0x2FFFF;
	_ =	strace $0x9FFFFFFF  }
0xc2: {  	(tm) =	ssettm $0x7FFFFFFF  }
0xc3: {  	_ =	shalt  }
tec
execute0_lowered:
.L_overlay_start_1:
0x0: {  	(tag) =	ssettag $0x1  }
0x1: {  	s2 =	rddreg [dreg:$0x0]  }
0x2: {  	s3 =	rddreg [dreg:$0x1]  }
0x3: {  	s0 =	rddreg [dreg:$0x2];
	s1 =	srdreg.scid;
	_ =	strace $0x80000047  }
0x4: {  	s4 =	simm.s32 $0x1;
	s9 =	simm.s32 $0x3;
	s5 =	sshll.u32 s1, $0x4  }
.Ltmp0:
0x5: {  	s1 =	stileid.u32;
	s5 =	sand.u32 $0x10, s5;
	(pc) =	sbr.rel .LBB2_1-.Ltmp0, $4  }
0x6: {  	s12 =	simm.s32 $0x0;
	s10 =	simm.s32 $0x0;
	s6 =	sor.u32 s1, s5  }
0x7: {  	[sflag:s4] =	ssyncpa.u1 $0x0;
	s5 =	simm.s32 $0x2;
	s6 =	sshll.u32 s6, $0x8  }
0x8: {  	s7 =	sadd.s32 $0x20000, s2;
	[sflag:s5] =	ssyncpa.u1 $0x0;
	s8 =	sadd.s32 $0x100, s6  }
0x9: {  	vm0 =	vmmov $0xff;
	vm1 =	vcmask $0x3F20;
	[sflag:s9] =	ssyncpa.u1 $0x0;
	s9 =	simm.s32 $0x100;
	s11 =	smov.u32 s6  }
.LBB2_9:
0xa: {  	p0 =	seq.s32 s10, $0x2  }
.Ltmp1:
0xb: {  	_ = 	snop;
	(pc) =	sbr.rel @p0 .LBB2_11-.Ltmp1, $1  }
0xc: {  	_ =	sdelay $0x3  }
.LBB2_10:
0xd: {  	s12 =	sadd.s32 $0x100, s11  }
0xe: {  	s13 =	smov.u32 s6;
	p0 =	slt.s32 s12, s8  }
0xf: {  	s13 =	smov.u32 @p0 s12  }
0x10: {  	s10 =	sadd.s32 $0x1, s10;
	s12 =	smov.u32 s11;
	s11 =	smov.u32 s13  }
.LBB2_1:
0x11: {  	p0 =	sne.s32 s10, $0x0  }
.Ltmp2:
0x12: {  	_ = 	snop;
	(pc) =	sbr.rel @!p0 .LBB2_2-.Ltmp2, $1  }
0x13: {  	_ =	sdelay $0x3  }
0x14: {  	s13 =	sand.u32 $0x1, s10  }
0x15: {  	p0 =	seq.s32 s13, $0x0  }
.Ltmp3:
0x16: {  	_ = 	snop;
	(pc) =	sbr.rel @p0 .LBB2_9-.Ltmp3, $1  }
0x17: {  	_ =	sdelay $0x3  }
0x18: {  	_ =	swait.ge [sflag:s5], $0x100  }
0x19: {  	[sflag:s5] =	ssyncset.done $0x0  }
0x1a: {  	s13 =	simm.s32 $0x0;
	[sflag:s5] =	ssyncadd.s32 $0xFFFFFF00  }
0x1b: {  	v0 =	vld.msk [tilespmem:s13+$0x100 ss:$0x1], $0xffff;
	_ =	sdelay $0x4  }
0x1c: {  	vm2 =	vgt.s32 v0, $0x0  }
0x1d: {  	v0 =	vnsel vm2, $0x0, v0  }
0x1e: {  	v0 =	vmin.u32 v0, $0x1FFF  }
0x1f: {  	v0 =	vshll.u32 v0, $0x4;
	_ =	sdelay $0x3  }
0x20: {  	s13 =	simm.s32 $0x8200  }
0x21: {  	[tilespmem:s13], [sflag:$0x1] =	stream.indirect_vreg.gather [hbm:s2], $0x80, v0, vm0, $0x38;
	[tilespmem:$0x10200] =	vst v63  }
0x22: {  	s14 =	simm.s32 $0x8600;
	s31 =	simm.s32 $0x10  }
0x23: {  	[tilespmem:s14], [sflag:$0x1] =	stream.indirect_vreg.gather [hbm:s2], $0x80, v0, vm1, $0x38;
	[tilespmem:$0x10200] =	vst v63  }
0x24: {  	s14 =	simm.s32 $0x80;
	v0 =	vld.msk [tilespmem:s31+$0x100 ss:$0x1], $0xffff  }
.LBB2_5:
0x25: {  	p0 =	sne.s32 s14, $0x3C0;
	_ =	sdelay $0x4  }
0x26: {  	vm2 =	vgt.s32 v0, $0x0  }
0x27: {  	v0 =	vnsel vm2, $0x0, v0  }
0x28: {  	v0 =	vmin.u32 v0, $0x1FFF  }
0x29: {  	v0 =	vshll.u32 v0, $0x4;
	_ =	sdelay $0x3  }
.Ltmp4:
0x2a: {  	s13 =	sadd.s32 $0x800, s13;
	(pc) =	sbr.rel @p0 .LBB2_5-.Ltmp4, $4  }
0x2b: {  	[tilespmem:s13], [sflag:$0x1] =	stream.indirect_vreg.gather [hbm:s2], $0x80, v0, vm0, $0x38;
	[tilespmem:$0x10200] =	vst v63  }
0x2c: {  	s15 =	sshra.s32 s14, $0x2;
	s16 =	sadd.s32 $0x400, s13  }
0x2d: {  	[tilespmem:s16], [sflag:$0x1] =	stream.indirect_vreg.gather [hbm:s2], $0x80, v0, vm1, $0x38;
	[tilespmem:$0x10200] =	vst v63  }
0x2e: {  	s14 =	sadd.s32 $0x40, s14;
	v0 =	vld.msk [tilespmem:s15+$0x100 ss:$0x1], $0xffff  }
0x2f: {  	_ =	sdelay $0x3  }
0x30: {  	vm2 =	vgt.s32 v0, $0x0  }
0x31: {  	v0 =	vnsel vm2, $0x0, v0  }
0x32: {  	v0 =	vmin.u32 v0, $0x1FFF  }
0x33: {  	v0 =	vshll.u32 v0, $0x4;
	_ =	sdelay $0x3  }
0x34: {  	s13 =	sadd.s32 $0x800, s13  }
0x35: {  	[tilespmem:s13], [sflag:$0x1] =	stream.indirect_vreg.gather [hbm:s2], $0x80, v0, vm0, $0x38;
	[tilespmem:$0x10200] =	vst v63  }
0x36: {  	s13 =	sadd.s32 $0x400, s13  }
0x37: {  	[tilespmem:s13], [sflag:$0x1] =	stream.indirect_vreg.gather [hbm:s2], $0x80, v0, vm1, $0x38;
	[tilespmem:$0x10200] =	vst v63  }
0x38: {  	s12 =	sshll.u32 s12, $0x4;
	s14 =	simm.s32 $0x80;
	_ =	swait.ge [sflag:s4], $0x8000  }
0x39: {  	s15 =	simm.s32 $0x8600;
	s12 =	sadd.s32 s12, s7;
	[sflag:s4] =	ssyncset.done $0x0  }
0x3a: {  	s16 =	sadd.s32 $0x0, s12;
	s13 =	simm.s32 $0x8200;
	[sflag:s4] =	ssyncadd.s32 $0xFFFF8000  }
.LBB2_7:
0x3b: {  	[hbm:s16] =	stream.linear.scatter [tilespmem:s13], [sflag:$0x3], $0x400, $0x38;
	[tilespmem:$0x10200] =	vst v63  }
0x3c: {  	s16 =	smov.u32 s14;
	s13 =	smov.u32 s15;
	p0 =	sne.s32 s14, $0xF80  }
.Ltmp5:
0x3d: {  	s14 =	sadd.s32 $0x80, s14;
	(pc) =	sbr.rel @p0 .LBB2_7-.Ltmp5, $2  }
0x3e: {  	_ =	sdelay $0x2  }
0x3f: {  	s15 =	sadd.s32 $0x400, s15;
	s16 =	sadd.s32 s16, s12  }
.Ltmp6:
0x40: {  	(pc) =	sbr.rel .LBB2_9-.Ltmp6, $2  }
0x41: {  	_ =	sdelay $0x2  }
0x42: {  	[hbm:s16] =	stream.linear.scatter [tilespmem:s13], [sflag:$0x3], $0x400, $0x38;
	[tilespmem:$0x10200] =	vst v63  }
.LBB2_2:
.Ltmp7:
0x43: {  	(pc) =	sbr.rel .LBB2_10-.Ltmp7, $4  }
0x44: {  	_ = 	snop  }
0x45: {  	s12 =	sshrl.u32 s11, $0x3  }
0x46: {  	s13 =	sand.u32 $0x7, s11;
	s12 =	sadd.s32 s3, s12  }
0x47: {  	[tilespmem:s9], [sflag:$0x2] =	stream.linear.gather [hbm4b:s12+s13], $0x100, $0x38;
	[tilespmem:$0x10200] =	vst v63  }
.LBB2_11:
0x48: {  	s2 =	simm.s32 $0x3  }
0x49: {  	_ =	swait.ge [sflag:s2], $0x8000  }
0x4a: {  	[sflag:s2] =	ssyncset.done $0x0  }
0x4b: {  	[sflag:s2] =	ssyncadd.s32 $0xFFFF8000  }
0x4c: {  	_ =	sfence.sel $0x180000  }
0x4d: {  	s3 =	simm.s32 $0x2;
	[bflag:$0x0] =	sbarrier.arrive $0xFFFF  }
0x4e: {  	[sflag:s3] =	ssyncpa.u1 $0x1  }
0x4f: {  	s31 =	simm.s32 $0x1;
	[sflag:s2] =	ssyncpa.u1 $0x1  }
0x50: {  	[sflag:s31] =	ssyncpa.u1 $0x1  }
0x51: {  	p0 =	sne.s32 s1, $0x0;
	_ =	strace $0x90000047  }
0x52: {  	s0 =	sadd.s32 @!p0 $0x100000, s0;
	[bflag:$0x2] =	sbarrier.arrive $0xFFFF  }
0x53: {  	[sflag:s0] =	ssyncadd.tile.s32 @!p0 $0x1;
	_ =	shalt  }
.Lfunc_end2:
_tile_overlayer_lowered:
.L_overlay_start_2:
0x54: {  	(tag) =	ssettag $0x2  }
0x55: {  	s0 =	rddreg [dreg:$0x0];
	s2 =	stileid.u32  }
0x56: {  	s1 =	rddreg [dreg:$0x1];
	p0 =	sne.s32 s2, $0x0  }
0x57: {  	s3 =	rddreg [dreg:$0x2];
	[bflag:$0x3] =	sbarrier.arrive $0xFFFF;
	s2 =	simm.s32 @!p0 $0x1C01  }
0x58: {  	[timem:s3], [sflag:s2] =	dma.local @!p0 [hbm:s0], s1  }
0x59: {  	s0 =	simm.s32 @!p0 $0x1  }
0x5a: {  	_ =	swait.ge @!p0 [sflag:s0], s1  }
0x5b: {  	s1 =	ssub.s32 @!p0 $0x0, s1;
	[sflag:s0] =	ssyncset.done @!p0 $0x0  }
0x5c: {  	[sflag:s0] =	ssyncadd.s32 @!p0 s1  }
0x5d: {  	[bflag:$0x3] =	sbarrier.arrive $0xFFFF  }
0x5e: {  	_ =	shalt  }

// kernel: kernel.4.cloned.1.call-start
scs
__scs_entry_jumppad:
0x0: {  	(pc) =	sbr.rel $0x88, $3  }
0x1: {  	(tag) =	ssettag $0x0;
	lr =	simm.s32 $0x1  }
0x2: {  	[smem:$0x3F9C] =	sst lr;
	_ =	strace $0xD0000000  }
0x3: {  	_ = 	snop  }
0x4: {  	_ = 	snop  }
0x5: {  	_ = 	snop  }
0x6: {  	_ = 	snop  }
0x7: {  	_ = 	snop  }
__scs_overlays_trampoline_lowered:
0x8: {  	[smem:$0x3FAB] =	sst s0  }
0x9: {  	[smem:$0x3FAC] =	sst s1  }
0xa: {  	[smem:$0x3FAD] =	sst s2  }
0xb: {  	[smem:$0x3FAE] =	sst s3  }
0xc: {  	[smem:$0x3FAF] =	sst s4  }
0xd: {  	[smem:$0x3FB0] =	sst s5  }
0xe: {  	[smem:$0x3FB1] =	sst s6  }
0xf: {  	[smem:$0x3FB2] =	sst s7  }
0x10: {  	[smem:$0x3FB3] =	sst s8  }
0x11: {  	[smem:$0x3FB4] =	sst s9;
	s0 =	simm.s32 @!p0 $0x0  }
0x12: {  	s1 =	sld [smem:$0x3F9A];
	s0 =	simm.s32 @p0 $0x1  }
0x13: {  	[smem:$0x3FB5] =	sst s0;
	s0 =	simm.s32 @!p1 $0x0  }
0x14: {  	s2 =	sld [smem:$0x3F99];
	s0 =	simm.s32 @p1 $0x1  }
0x15: {  	[smem:$0x3FB6] =	sst s0;
	s0 =	simm.s32 @!p2 $0x0  }
0x16: {  	s3 =	sld [smem:$0x3FDB];
	s0 =	simm.s32 @p2 $0x1  }
0x17: {  	s4 =	simm.s32 $0x1BF5;
	[smem:$0x3FB8] =	sst s0  }
0x18: {  	s0 =	sld [smem:$0x3F9B];
	_ =	swait.ge [sflag:s4], $0x0  }
0x19: {  	s7 =	sld [smem:$0x3F9C]  }
0x1a: {  	s8 =	sadd.s32 $0xFFFFE003, lr  }
0x1b: {  	s9 =	sadd.s32 $0xFFFFFEF7, lr;
	s5 =	simm.s32 $0xFFFFFFFF;
	p2 =	slt.u32 s8, $0xFFFFF086  }
0x1c: {  	p1 =	slt.u32 s9, $0xF7A;
	s5 =	simm.s32 @!p2 $0x0  }
0x1d: {  	s5 =	simm.s32 @p1 $0x1;
	p0 =	seq.s32 s7, s2  }
0x1e: {  	s7 =	smul.u32 @!p0 $0xF7A, s2;
	p2 =	seq.s32 @!p0 s5, $0x0  }
0x1f: {  	s9 =	smul.u32 $0xF7A, s1;
	s8 =	simm.s32 @!p0 $0x1BF5;
	p2 =	por !p2, p0  }
0x20: {  	[sflag:s8] =	ssyncset.s32 @!p0 $0xFFFFF086;
	s6 =	sadd.s32 @!p0 s3, s7;
	s7 =	simm.s32 @!p0 $0x108  }
0x21: {  	s3 =	sadd.s32 s3, s9;
	s6 =	sadd.s32 @!p0 $0x88, s6;
	s7 =	simm.s32 @p2 $0x1082  }
0x22: {  	[simem:s7], [sflag:s8] =	dma.local @!p0 [hbm:s6], $0xF7A  }
0x23: {  	s9 =	sor.u32 $0xD0000000, s2;
	s6 =	simm.s32 $0x108;
	_ =	swait.ge @!p0 [sflag:s8], $0x0  }
0x24: {  	s3 =	sadd.s32 $0x88, s3;
	s6 =	simm.s32 @!p1 $0x1082;
	[sflag:s4] =	ssyncset.s32 $0xFFFFF086  }
0x25: {  	[simem:s6], [sflag:s4] =	dma.local [hbm:s3], $0xF7A  }
0x26: {  	[smem:$0x3F9C] =	sst s1;
	(tag) =	ssettag s2;
	_ =	strace s9  }
0x27: {  	s1 =	sld [smem:$0x3FAC]  }
0x28: {  	s2 =	sld [smem:$0x3FAD]  }
0x29: {  	s4 =	sld [smem:$0x3FAF]  }
0x2a: {  	p0 =	seq.s32 s5, $0x0;
	s5 =	sld [smem:$0x3FB0]  }
0x2b: {  	s6 =	sld [smem:$0x3FB1]  }
0x2c: {  	s7 =	sld [smem:$0x3FB2]  }
0x2d: {  	s3 =	simm.s32 $0x108;
	s8 =	sld [smem:$0x3FB3]  }
0x2e: {  	s3 =	simm.s32 @!p0 $0x1082;
	s9 =	sld [smem:$0x3FB4]  }
0x2f: {  	lr =	sadd.s32 s0, s3;
	s0 =	sld [smem:$0x3FAB]  }
0x30: {  	s3 =	sld [smem:$0x3FAE]  }
0x31: {  	[smem:$0x3FB7] =	sst s10  }
0x32: {  	s10 =	sld [smem:$0x3FB5];
	_ =	sdelay $0x3  }
0x33: {  	p0 =	seq.s32 s10, $0x1;
	s10 =	sld [smem:$0x3FB7];
	_ =	sdelay $0x3  }
0x34: {  	[smem:$0x3FB7] =	sst s10  }
0x35: {  	s10 =	sld [smem:$0x3FB6];
	_ =	sdelay $0x3  }
0x36: {  	p1 =	seq.s32 s10, $0x1;
	s10 =	sld [smem:$0x3FB7];
	_ =	sdelay $0x3  }
0x37: {  	[smem:$0x3FB7] =	sst s10  }
0x38: {  	s10 =	sld [smem:$0x3FB8]  }
0x39: {  	_ = 	snop;
	(pc) =	sbr.ind lr, $3  }
0x3a: {  	_ = 	snop  }
0x3b: {  	_ = 	snop  }
0x3c: {  	p2 =	seq.s32 s10, $0x1;
	s10 =	sld [smem:$0x3FB7]  }
0x3d: {  	_ =	shalt  }
0x3e: {  	_ =	shalt  }
0x3f: {  	_ =	shalt  }
0x40: {  	_ =	shalt  }
0x41: {  	_ =	shalt  }
0x42: {  	_ =	shalt  }
0x43: {  	_ =	shalt  }
0x44: {  	_ =	shalt  }
0x45: {  	_ =	shalt  }
0x46: {  	_ =	shalt  }
0x47: {  	_ =	shalt  }
0x48: {  	_ =	shalt  }
0x49: {  	_ =	shalt  }
0x4a: {  	_ =	shalt  }
0x4b: {  	_ =	shalt  }
0x4c: {  	_ =	shalt  }
0x4d: {  	_ =	shalt  }
0x4e: {  	_ =	shalt  }
0x4f: {  	_ =	shalt  }
0x50: {  	_ =	shalt  }
0x51: {  	_ =	shalt  }
0x52: {  	_ =	shalt  }
0x53: {  	_ =	shalt  }
0x54: {  	_ =	shalt  }
0x55: {  	_ =	shalt  }
0x56: {  	_ =	shalt  }
0x57: {  	_ =	shalt  }
0x58: {  	_ =	shalt  }
0x59: {  	_ =	shalt  }
0x5a: {  	_ =	shalt  }
0x5b: {  	_ =	shalt  }
0x5c: {  	_ =	shalt  }
0x5d: {  	_ =	shalt  }
0x5e: {  	_ =	shalt  }
0x5f: {  	_ =	shalt  }
0x60: {  	_ =	shalt  }
0x61: {  	_ =	shalt  }
0x62: {  	_ =	shalt  }
0x63: {  	_ =	shalt  }
0x64: {  	_ =	shalt  }
0x65: {  	_ =	shalt  }
0x66: {  	_ =	shalt  }
0x67: {  	_ =	shalt  }
0x68: {  	_ =	shalt  }
0x69: {  	_ =	shalt  }
0x6a: {  	_ =	shalt  }
0x6b: {  	_ =	shalt  }
0x6c: {  	_ =	shalt  }
0x6d: {  	_ =	shalt  }
0x6e: {  	_ =	shalt  }
0x6f: {  	_ =	shalt  }
0x70: {  	_ =	shalt  }
0x71: {  	_ =	shalt  }
0x72: {  	_ =	shalt  }
0x73: {  	_ =	shalt  }
0x74: {  	_ =	shalt  }
0x75: {  	_ =	shalt  }
0x76: {  	_ =	shalt  }
0x77: {  	_ =	shalt  }
0x78: {  	_ =	shalt  }
0x79: {  	_ =	shalt  }
0x7a: {  	_ =	shalt  }
0x7b: {  	_ =	shalt  }
0x7c: {  	_ =	shalt  }
0x7d: {  	_ =	shalt  }
0x7e: {  	_ =	shalt  }
0x7f: {  	_ =	shalt  }
0x80: {  	_ =	shalt  }
0x81: {  	_ =	shalt  }
0x82: {  	_ =	shalt  }
0x83: {  	_ =	shalt  }
0x84: {  	_ =	shalt  }
0x85: {  	_ =	shalt  }
0x86: {  	_ =	shalt  }
0x87: {  	_ =	shalt  }
.Lfunc_end0:
.L_simem_size_0:
called_computation.1_lowered:
.L_overlay_start_0:
0x88: {  	s2 =	sld [smem:$0x3FD9]  }
0x89: {  	s3 =	sld [smem:$0x3FFE];
	_ =	sdelay $0x1  }
0x8a: {  	s1 =	srdreg.scid  }
0x8b: {  	s0 =	sand.u32 $0x1, s1  }
0x8c: {  	s17 =	sshll.u32 s0, $0xA;
	s2 =	sadd.s32 s3, s2  }
0x8d: {  	s2 =	sadd.s32 s2, s17  }
0x8e: {  	[smem:$0x3FC3] =	sst s2  }
0x8f: {  	_ = 	snop  }
0x90: {  	s2 =	sld [smem:$0x3FD0];
	(tm) =	ssettm $0x1  }
0x91: {  	s18 =	sld [smem:$0x3FFB];
	_ =	sdelay $0x3  }
0x92: {  	_ =	strace s18  }
0x93: {  	s3 =	sld [smem:$0x3FFC];
	_ =	sdelay $0x3  }
0x94: {  	_ =	strace s3  }
0x95: {  	s3 =	sld [smem:$0x3FFD];
	_ =	sdelay $0x3  }
0x96: {  	_ =	strace s3  }
0x97: {  	_ =	strace $0x8FFFFFFF  }
0x98: {  	s19 =	sld [smem:$0x3FDB];
	_ =	sdelay $0x1  }
0x99: {  	s4 =	simm.s32 $_scs_section_size  }
0x9a: {  	s5 =	simm.s32 $_size__tile_overlayer_lowered;
	s6 =	simm.s32 $_tile_overlayer_lowered  }
0x9b: {  	s22 =	simm.s32 $0x1BFF;
	s21 =	sshll.u32 s6, $0x1;
	s3 =	sadd.s32 s4, s19  }
0x9c: {  	s7 =	simm.s32 $0x0;
	s20 =	sshll.u32 s5, $0x1;
	s5 =	sadd.s32 s21, s3  }
0x9d: {  	[timem:s7], [sflag:s22] =	dma.local [hbm:s5], s20  }
0x9e: {  	_ =	swait.ge [sflag:s22], s20  }
0x9f: {  	s4 =	ssub.s32 $0x0, s20;
	[sflag:s22] =	ssyncset.done $0x0  }
0xa0: {  	[sflag:s22] =	ssyncadd.s32 s4;
	_ =	sdelay $0x1  }
0xa1: {  	s23 =	simm.s32 $0x1B8B  }
0xa2: {  	_ =	swait.ge [sflag:s23], $0x1  }
0xa3: {  	[sflag:s23] =	ssyncset.done $0x0  }
0xa4: {  	s25 =	simm.s32 $0x1B8E;
	s24 =	sld [smem:$0x3FFE];
	[sflag:s23] =	ssyncadd.s32 $0xFFFFFFFF  }
0xa5: {  	s26 =	simm.s32 $execute0_lowered;
	[smem:$0x3FD2] =	sst s25  }
0xa6: {  	s5 =	sshll.u32 s26, $0x1;
	_ =	strace $0x80000049;
	[dreg:$0x1] =	wrdreg $0xFFFFFFFF  }
0xa7: {  	s28 =	simm.s32 $_size_execute0_lowered;
	s3 =	sadd.s32 s3, s5;
	[dreg:$0x0] =	wrdreg $0x0  }
0xa8: {  	s5 =	sshll.u32 s28, $0x1;
	[dreg:$0x2] =	wrdreg s3  }
0xa9: {  	[dreg:$0x3] =	wrdreg s5  }
0xaa: {  	[dreg:$0x4] =	wrdreg $0xC0  }
0xab: {  	_ =	task [dreg:s7], $0x5FFFF  }
0xac: {  	[dreg:$0x1] =	wrdreg $0xFFFFFFFF  }
0xad: {  	[dreg:$0x0] =	wrdreg $0x60  }
0xae: {  	[dreg:$0x2] =	wrdreg s24  }
0xaf: {  	[dreg:$0x3] =	wrdreg s2  }
0xb0: {  	[dreg:$0x4] =	wrdreg $0x9  }
0xb1: {  	_ =	task.clear_ibuf [dreg:s7], $0x5FFFF;
	_ =	strace $0x90000049  }
0xb2: {  	s29 =	simm.s32 $0x9;
	_ =	strace $0x8000004B  }
0xb3: {  	_ =	swait.ge [sflag:s29], $0x1  }
0xb4: {  	[sflag:s29] =	ssyncadd.s32 $0xFFFFFFFF  }
0xb5: {  	_ =	strace $0x9000004B  }
0xb6: {  	_ =	sfence  }
0xb7: {  	s30 =	sld [smem:$0x0];
	_ =	sdelay $0x2  }
0xb8: {  	s31 =	sshll.u32 s1, $0xD;
	s1 =	sshrl.u32 s1, $0x2  }
0xb9: {  	s3 =	sand.u32 $0x4000, s31;
	s1 =	sadd.s32 s1, s30  }
0xba: {  	s0 =	sor.u32 s3, s0;
	s1 =	sshll.u32 s1, $0x11  }
0xbb: {  	s0 =	sor.u32 s1, s0  }
0xbc: {  	s0 =	sadd.s32 $0x8F2B, s0  }
0xbd: {  	[sflag:s0] =	ssyncadd.remote.s32 $0x1  }
0xbe: {  	_ =	sfence.sel $0xFFFF  }
0xbf: {  	[dreg:$0x0] =	wrdreg $0xFFFFFFFF;
	(pc) =	sbr.abs _section_cstart, $3  }
0xc0: {  	[dreg:$0x1] =	wrdreg $0xFFFFFFFF  }
0xc1: {  	_ =	task.clear_ibuf [dreg:s7], $0x2FFFF;
	_ =	strace $0x9FFFFFFF  }
0xc2: {  	(tm) =	ssettm $0x7FFFFFFF  }
0xc3: {  	_ =	shalt  }
tec
execute0_lowered:
.L_overlay_start_1:
0x0: {  	(tag) =	ssettag $0x1  }
0x1: {  	s0 =	srdreg.scid;
	s18 =	rddreg [dreg:$0x0]  }
0x2: {  	s17 =	stileid.u32;
	s2 =	simm.s32 $0x0;
	s0 =	sand.u32 $0x1, s0  }
0x3: {  	s1 =	sshll.u32 s17, $0x1;
	[smem:$0x7FF] =	sst s2;
	s3 =	ssub.s32 $0x2, s0  }
0x4: {  	s6 =	sor.u32 s0, s1;
	s1 =	sadd.s32 $0x1200, s18;
	s13 =	sshrl.u32 s3, $0x1  }
0x5: {  	s14 =	sshll.u32 s6, $0xD;
	s8 =	sshll.u32 s6, $0x3;
	s7 =	ssub.s32 s3, s13  }
0x6: {  	s15 =	sadd.s32 s1, s14;
	s3 =	sadd.s32 $0x1300, s18;
	s9 =	sor.u32 $0x1, s8  }
0x7: {  	s11 =	sor.u32 $0x2, s8;
	s13 =	sor.u32 $0x4, s8;
	[dreg:$0x3] =	wrdreg s15  }
0x8: {  	s4 =	sadd.s32 s14, s3;
	s10 =	sshll.u32 s9, $0xA;
	s21 =	sshll.u32 s11, $0xA  }
0x9: {  	s15 =	sshll.u32 s13, $0xA;
	s9 =	sand.u32 $0x9, s9;
	s11 =	sand.u32 $0xA, s11  }
0xa: {  	s13 =	sand.u32 $0xC, s13;
	[dreg:$0x4] =	wrdreg s4;
	s16 =	sadd.s32 s1, s10  }
0xb: {  	s7 =	smax.u32 s7, $0x1;
	s19 =	sadd.s32 s10, s3;
	[dreg:$0x7] =	wrdreg s16  }
0xc: {  	s4 =	sadd.s32 $0x1400, s18;
	s22 =	sadd.s32 s1, s21;
	[dreg:$0x8] =	wrdreg s19  }
0xd: {  	s12 =	sadd.s32 s21, s3;
	v1 =	vmov s9;
	s9 =	simm.s32 $0x80;
	[dreg:$0xb] =	wrdreg s22  }
0xe: {  	v2 =	vmov s11;
	s11 =	simm.s32 $0x8210;
	s5 =	sadd.s32 s14, s4;
	[dreg:$0xc] =	wrdreg s12  }
0xf: {  	v4 =	vmov s13;
	s13 =	simm.s32 $0x0;
	s20 =	sadd.s32 s10, s4;
	[dreg:$0x5] =	wrdreg s5  }
0x10: {  	s23 =	sadd.s32 s21, s4;
	s16 =	sadd.s32 s1, s15;
	[dreg:$0x9] =	wrdreg s20  }
0x11: {  	s19 =	sshllo.u32 s6, $0x3;
	s6 =	sshll.u32 s6, $0x1;
	[dreg:$0xd] =	wrdreg s23  }
0x12: {  	s5 =	sadd.s32 $0x1500, s18;
	[dreg:$0x13] =	wrdreg s16;
	s20 =	sadd.s32 s15, s3  }
0x13: {  	s16 =	sshll.u32 s19, $0xA;
	s6 =	sadd.s32 s6, s18;
	s0 =	sadd.s32 s14, s5  }
0x14: {  	s19 =	sand.u32 $0xF, s19;
	s10 =	sadd.s32 s10, s5;
	[dreg:$0x6] =	wrdreg s0  }
0x15: {  	s22 =	sadd.s32 s15, s5;
	s6 =	sadd.s32 $0x1000, s6;
	[dreg:$0xa] =	wrdreg s10  }
0x16: {  	s10 =	sor.u32 $0x3, s8;
	s0 =	sadd.s32 s21, s5;
	s21 =	sadd.s32 s15, s4  }
0x17: {  	s15 =	sor.u32 $0x6, s8;
	s24 =	sshll.u32 s10, $0xA;
	[dreg:$0xe] =	wrdreg s0  }
0x18: {  	s0 =	sshll.u32 s15, $0xA;
	s10 =	sand.u32 $0xB, s10;
	s18 =	sand.u32 $0xE, s15  }
0x19: {  	s25 =	sadd.s32 s1, s24;
	s26 =	sadd.s32 s24, s3;
	s14 =	sadd.s32 s24, s4  }
0x1a: {  	s12 =	sadd.s32 s24, s5;
	s28 =	sadd.s32 s1, s0;
	[dreg:$0xf] =	wrdreg s25  }
0x1b: {  	s29 =	sadd.s32 s0, s3;
	s30 =	sadd.s32 s0, s4;
	[dreg:$0x10] =	wrdreg s26  }
0x1c: {  	s31 =	sadd.s32 s0, s5;
	s0 =	sadd.s32 s1, s16;
	[dreg:$0x11] =	wrdreg s14  }
0x1d: {  	v3 =	vmov s10;
	s10 =	simm.s32 $0x8000;
	[dreg:$0x12] =	wrdreg s12;
	s12 =	sor.u32 $0x5, s8  }
.Ltmp0:
0x1e: {  	s8 =	sand.u32 $0x8, s8;
	s14 =	sshll.u32 s12, $0xA;
	(pc) =	sbr.rel .LBB2_1-.Ltmp0, $4  }
0x1f: {  	v0 =	vmov s8;
	s8 =	simm.s32 $0x2;
	s23 =	sadd.s32 s1, s14;
	s24 =	sadd.s32 s14, s3  }
0x20: {  	v9 =	vimm.s32 $0x0;
	s25 =	sadd.s32 s14, s4;
	s26 =	sadd.s32 s14, s5;
	s3 =	sadd.s32 s16, s3  }
0x21: {  	vm0 =	vcmask $0x300;
	v10 =	vlaneseq.u32;
	v8 =	vmov s17;
	s4 =	sadd.s32 s16, s4;
	s5 =	sadd.s32 s16, s5;
	s16 =	sand.u32 $0xD, s12  }
0x22: {  	v7 =	vmov s19;
	v6 =	vmov s18;
	s1 =	rddreg [dreg:$0x1];
	_ =	strace $0x8000004A;
	s12 =	simm.s32 $0x1;
	v5 =	vmov s16  }
.LBB2_33:
0x23: {  	vm1 =	veq.s32 v10, $0x7;
	s13 =	sadd.s32 $0x1, s13  }
0x24: {  	v11 =	vsel vm1, s16, v11;
	p0 =	sne.s32 s13, s7  }
.Ltmp1:
0x25: {  	s14 =	simm.s32 $0xA210;
	[tilespmem:$0xA210] =	vst v11;
	(pc) =	sbr.rel @!p0 .LBB2_34-.Ltmp1, $4  }
0x26: {  	[hbm4b:s6+s2] =	stream.linear.scatter [tilespmem:s14], [sflag:$0x2], $0x10, $0x38;
	[tilespmem:$0xA220] =	vst v63  }
0x27: {  	_ =	swait.ge [sflag:s8], $0x10  }
0x28: {  	[sflag:s8] =	ssyncset.done $0x0  }
0x29: {  	[sflag:s8] =	ssyncadd.s32 $0xFFFFFFF0  }
.LBB2_1:
0x2a: {  	s14 =	rddreg [dreg:$0x0]  }
0x2b: {  	[tilespmem:s2], [sflag:$0x2] =	stream.linear.gather [hbm4b:s14+s2], $0x8000, $0x38;
	[tilespmem:$0xA220] =	vst v63  }
0x2c: {  	_ =	swait.ge [sflag:s8], $0x8000  }
0x2d: {  	[sflag:s8] =	ssyncset.done $0x0  }
0x2e: {  	[sflag:s8] =	ssyncadd.s32 $0xFFFF8000  }
0x2f: {  	[tilespmem:$0x8000] =	vst v9  }
0x30: {  	[tilespmem:$0x8010] =	vst v9  }
0x31: {  	[tilespmem:$0x8020] =	vst v9  }
0x32: {  	[tilespmem:$0x8030] =	vst v9  }
0x33: {  	[tilespmem:$0x8040] =	vst v9  }
0x34: {  	[tilespmem:$0x8050] =	vst v9  }
0x35: {  	[tilespmem:$0x8060] =	vst v9  }
0x36: {  	[tilespmem:$0x8070] =	vst v9  }
0x37: {  	[tilespmem:$0x8080] =	vst v9  }
0x38: {  	[tilespmem:$0x8090] =	vst v9  }
0x39: {  	[tilespmem:$0x80A0] =	vst v9  }
0x3a: {  	[tilespmem:$0x80B0] =	vst v9  }
0x3b: {  	[tilespmem:$0x80C0] =	vst v9  }
0x3c: {  	[tilespmem:$0x80D0] =	vst v9  }
0x3d: {  	[tilespmem:$0x80E0] =	vst v9  }
0x3e: {  	[tilespmem:$0x80F0] =	vst v9  }
0x3f: {  	[tilespmem:$0x8100] =	vst v9  }
0x40: {  	[tilespmem:$0x8110] =	vst v9  }
0x41: {  	[tilespmem:$0x8120] =	vst v9  }
0x42: {  	[tilespmem:$0x8130] =	vst v9  }
0x43: {  	[tilespmem:$0x8140] =	vst v9  }
0x44: {  	[tilespmem:$0x8150] =	vst v9  }
0x45: {  	[tilespmem:$0x8160] =	vst v9  }
0x46: {  	[tilespmem:$0x8170] =	vst v9  }
0x47: {  	[tilespmem:$0x8180] =	vst v9  }
0x48: {  	[tilespmem:$0x8190] =	vst v9  }
0x49: {  	[tilespmem:$0x81A0] =	vst v9  }
0x4a: {  	[tilespmem:$0x81B0] =	vst v9  }
0x4b: {  	[tilespmem:$0x81C0] =	vst v9  }
0x4c: {  	[tilespmem:$0x81D0] =	vst v9  }
0x4d: {  	[tilespmem:$0x81E0] =	vst v9  }
0x4e: {  	[tilespmem:$0x81F0] =	vst v9  }
0x4f: {  	s14 =	simm.s32 $0x4000;
	[tilespmem:$0x8200] =	vst v9  }
0x50: {  	v11 =	vld [tilespmem:s14+$0xFFFFC000]  }
0x51: {  	v12 =	vld [tilespmem:s14+$0xFFFFE000]  }
0x52: {  	v13 =	vld [tilespmem:s14+$0x0]  }
0x53: {  	v14 =	vld [tilespmem:s14+$0x2000];
	_ =	sdelay $0x2  }
0x54: {  	vm1 =	vle.s32 v11, v0;
	vm2 =	vle.s32 v0, v12  }
0x55: {  	vm1 =	vmand vm1, vm2;
	vm2 =	vle.s32 v13, v8  }
0x56: {  	vm1 =	vmand vm1, vm2;
	vm2 =	vle.s32 v8, v14  }
0x57: {  	vm1 =	vmand vm1, vm2  }
0x58: {  	v11 =	vmpcnt.ones.xlane vm1;
	_ =	sdelay $0x1  }
0x59: {  	v11 =	vxor.u32 $0x80000000, v11  }
0x5a: {  	(xrf0) =	vmax.scan.msk.u32 $0xffff, v11;
	_ =	sdelay $0x5  }
0x5b: {  	v11, _, _ =	vpop (xrf0)  }
0x5c: {  	(v2sf) =	vpush v11, $0xF;
	_ =	sdelay $0xe  }
0x5d: {  	s15 =	spop (v2sf)  }
0x5e: {  	s15 =	sxor.u32 $0x80000000, s15  }
0x5f: {  	p1 =	slt.s32 s15, $0x1  }
0x60: {  	v11 =	vimm.s32 @!p1 $0x0  }
0x61: {  	v11 =	vsel @!p1 vm1, $0x1, v11  }
0x62: {  	p0 =	por @!p1 $0x1, $0x1;
	(xrf0) =	vadd.scan.msk.s32 @!p1 $0xffff, v11  }
0x63: {  	s16 =	simm.s32 $0x0;
	p0 =	por !p0, p1  }
0x64: {  	s16 =	simm.s32 @p0 $0x200  }
0x65: {  	v11 =	vmov @!p1 s16  }
0x66: {  	v11 =	vadd.s32 @!p1 $0xFFFFFFFF, v11  }
0x67: {  	v12 =	vbroadcast @!p1 v11, $0x0  }
0x68: {  	v13, _, _ =	vpop @!p1 (xrf0)  }
0x69: {  	v12 =	vadd.s32 @!p1 v13, v12;
	_ =	sdelay $0x1  }
0x6a: {  	s16 =	sadd.s32 @!p1 $0x0, s15;
	v11 =	vlaneseq.u32 @!p1  }
0x6b: {  	s18 =	simm.s32 @!p1 $0x8000;
	s15 =	simm.s32 $0x10;
	s16 =	smov.u32 @p1 s2;
	v11 =	vor.u32 @!p1 s2, v11  }
.LBB2_2:
0x6c: {  	s17 =	smov.u32 s16  }
0x6d: {  	s14 =	sadd.s32 $0x10, s14;
	s19 =	smov.u32 s15;
	s15 =	sadd.s32 $0x10, s15;
	[tilespmem:v12+s18+$0x0] =	vst.idx.msk @!p1 vm1, v11  }
0x6e: {  	p0 =	sne.s32 s15, $0x2000;
	s18 =	smov.u32 s16;
	v11 =	vld [tilespmem:s14+$0xFFFFC000]  }
0x6f: {  	v12 =	vld [tilespmem:s14+$0xFFFFE000]  }
0x70: {  	v13 =	vld [tilespmem:s14+$0x0]  }
0x71: {  	v14 =	vld [tilespmem:s14+$0x2000];
	_ =	sdelay $0x2  }
0x72: {  	vm1 =	vle.s32 v11, v0;
	vm2 =	vle.s32 v0, v12  }
0x73: {  	vm1 =	vmand vm1, vm2;
	vm2 =	vle.s32 v13, v8  }
0x74: {  	vm1 =	vmand vm1, vm2;
	vm2 =	vle.s32 v8, v14  }
0x75: {  	vm1 =	vmand vm1, vm2  }
0x76: {  	v11 =	vmpcnt.ones.xlane vm1;
	_ =	sdelay $0x1  }
0x77: {  	v11 =	vxor.u32 $0x80000000, v11  }
0x78: {  	(xrf0) =	vmax.scan.msk.u32 $0xffff, v11;
	_ =	sdelay $0x5  }
0x79: {  	v11, _, _ =	vpop (xrf0)  }
0x7a: {  	(v2sf) =	vpush v11, $0xF;
	_ =	sdelay $0xe  }
0x7b: {  	s16 =	spop (v2sf)  }
0x7c: {  	s16 =	sxor.u32 $0x80000000, s16  }
0x7d: {  	p1 =	slt.s32 s16, $0x1  }
0x7e: {  	v11 =	vimm.s32 @!p1 $0x0;
	p2 =	slt.s32 @!p1 s17, $0x200;
	v12 =	vlaneseq.u32 @!p1;
	s16 =	sadd.s32 @!p1 s17, s16  }
0x7f: {  	v13 =	vsel @!p1 vm1, $0x1, v11;
	p2 =	por !p2, p1;
	v11 =	vor.u32 @!p1 s19, v12;
	s16 =	smov.u32 @p1 s17  }
0x80: {  	s18 =	simm.s32 @p2 $0x200;
	(xrf0) =	vadd.scan.msk.s32 @!p1 $0xffff, v13  }
0x81: {  	v12 =	vmov @!p1 s18  }
0x82: {  	v12 =	vadd.s32 @!p1 $0xFFFFFFFF, v12  }
0x83: {  	v12 =	vbroadcast @!p1 v12, $0x0;
	_ =	sdelay $0x2  }
0x84: {  	v13, _, _ =	vpop @!p1 (xrf0)  }
.Ltmp2:
0x85: {  	v12 =	vadd.s32 @!p1 v13, v12;
	(pc) =	sbr.rel @p0 .LBB2_2-.Ltmp2, $2  }
0x86: {  	_ =	sdelay $0x2  }
0x87: {  	s18 =	simm.s32 @!p1 $0x8000  }
0x88: {  	p0 =	slt.s32 s16, $0x1  }
.Ltmp3:
0x89: {  	_ = 	snop;
	(pc) =	sbr.rel @p0 .LBB2_5-.Ltmp3, $2  }
0x8a: {  	_ =	sdelay $0x2  }
0x8b: {  	[tilespmem:v12+s18+$0x0] =	vst.idx.msk @!p1 vm1, v11  }
0x8c: {  	[tilespmem:s11], [sflag:$0x1] =	stream.indirect.gather [hbm4b:s1+s9], $0x10, s10, s9, $0xb8;
	[tilespmem:$0xA220] =	vst v63  }
0x8d: {  	_ =	swait.ge [sflag:s12], $0x800  }
0x8e: {  	[sflag:s12] =	ssyncset.done $0x0  }
0x8f: {  	s14 =	rddreg [dreg:$0x3];
	[sflag:s12] =	ssyncadd.s32 $0xFFFFF800  }
0x90: {  	[hbm4b:s14+s2] =	stream.linear.scatter [tilespmem:s11], [sflag:$0x2], $0x800, $0x38;
	[tilespmem:$0xA220] =	vst v63  }
0x91: {  	p0 =	slt.u32 s16, $0x81;
	_ =	swait.ge [sflag:s8], $0x800  }
0x92: {  	s15 =	simm.s32 @!p0 $0x8080;
	[sflag:s8] =	ssyncset.done $0x0  }
0x93: {  	s17 =	simm.s32 @!p0 $0x8A10;
	s14 =	simm.s32 @!p0 $0x80;
	[sflag:s8] =	ssyncadd.s32 $0xFFFFF800  }
0x94: {  	[tilespmem:s17], [sflag:$0x1] =	stream.indirect.gather @!p0 [hbm4b:s1+s14], $0x10, s15, s14, $0xb8;
	[tilespmem:$0xA220] =	vst v63  }
0x95: {  	s14 =	simm.s32 @!p0 $0x1  }
0x96: {  	_ =	swait.ge @!p0 [sflag:s14], $0x800  }
0x97: {  	[sflag:s14] =	ssyncset.done @!p0 $0x0  }
0x98: {  	s15 =	rddreg [dreg:$0x4];
	[sflag:s14] =	ssyncadd.s32 @!p0 $0xFFFFF800;
	s14 =	simm.s32 @!p0 $0x0  }
0x99: {  	[hbm4b:s15+s14] =	stream.linear.scatter @!p0 [tilespmem:s17], [sflag:$0x2], $0x800, $0x38;
	[tilespmem:$0xA220] =	vst v63  }
0x9a: {  	p1 =	slt.u32 @!p0 s16, $0x101;
	s14 =	simm.s32 @!p0 $0x2  }
0x9b: {  	p2 =	por p1, p0;
	_ =	swait.ge @!p0 [sflag:s14], $0x800  }
0x9c: {  	s15 =	simm.s32 @!p2 $0x8100;
	[sflag:s14] =	ssyncset.done @!p0 $0x0  }
0x9d: {  	s17 =	simm.s32 @!p2 $0x9210;
	[sflag:s14] =	ssyncadd.s32 @!p0 $0xFFFFF800;
	s14 =	simm.s32 @!p2 $0x80  }
0x9e: {  	[tilespmem:s17], [sflag:$0x1] =	stream.indirect.gather @!p2 [hbm4b:s1+s14], $0x10, s15, s14, $0xb8;
	[tilespmem:$0xA220] =	vst v63  }
0x9f: {  	s14 =	simm.s32 @!p2 $0x1  }
0xa0: {  	_ =	swait.ge @!p2 [sflag:s14], $0x800  }
0xa1: {  	p3 =	slt.u32 @!p2 s16, $0x181;
	[sflag:s14] =	ssyncset.done @!p2 $0x0  }
0xa2: {  	s15 =	rddreg [dreg:$0x5];
	[sflag:s14] =	ssyncadd.s32 @!p2 $0xFFFFF800;
	s14 =	simm.s32 @!p2 $0x0  }
0xa3: {  	[hbm4b:s15+s14] =	stream.linear.scatter @!p2 [tilespmem:s17], [sflag:$0x2], $0x800, $0x38;
	[tilespmem:$0xA220] =	vst v63  }
0xa4: {  	p1 =	por @!p0 p3, p1;
	s14 =	simm.s32 @!p2 $0x2  }
0xa5: {  	p0 =	por p1, p0;
	_ =	swait.ge @!p2 [sflag:s14], $0x800  }
0xa6: {  	s15 =	simm.s32 @!p0 $0x8180;
	[sflag:s14] =	ssyncset.done @!p2 $0x0  }
0xa7: {  	s17 =	simm.s32 @!p0 $0x9A10;
	[sflag:s14] =	ssyncadd.s32 @!p2 $0xFFFFF800;
	s14 =	simm.s32 @!p0 $0x80  }
0xa8: {  	[tilespmem:s17], [sflag:$0x1] =	stream.indirect.gather @!p0 [hbm4b:s1+s14], $0x10, s15, s14, $0xb8;
	[tilespmem:$0xA220] =	vst v63  }
0xa9: {  	s14 =	simm.s32 @!p0 $0x1  }
0xaa: {  	_ =	swait.ge @!p0 [sflag:s14], $0x800  }
0xab: {  	[sflag:s14] =	ssyncset.done @!p0 $0x0  }
0xac: {  	s15 =	rddreg [dreg:$0x6];
	[sflag:s14] =	ssyncadd.s32 @!p0 $0xFFFFF800;
	s14 =	simm.s32 @!p0 $0x0  }
0xad: {  	[hbm4b:s15+s14] =	stream.linear.scatter @!p0 [tilespmem:s17], [sflag:$0x2], $0x800, $0x38;
	[tilespmem:$0xA220] =	vst v63  }
0xae: {  	s14 =	simm.s32 @!p0 $0x2  }
0xaf: {  	_ =	swait.ge @!p0 [sflag:s14], $0x800  }
0xb0: {  	[sflag:s14] =	ssyncset.done @!p0 $0x0  }
0xb1: {  	[sflag:s14] =	ssyncadd.s32 @!p0 $0xFFFFF800  }
.LBB2_5:
0xb2: {  	s15 =	simm.s32 $0x4000  }
0xb3: {  	v11 =	vld [tilespmem:s15+$0xFFFFC000]  }
0xb4: {  	v12 =	vld [tilespmem:s15+$0xFFFFE000]  }
0xb5: {  	v13 =	vld [tilespmem:s15+$0x0]  }
0xb6: {  	v14 =	vld [tilespmem:s15+$0x2000];
	_ =	sdelay $0x2  }
0xb7: {  	vm1 =	vle.s32 v11, v1;
	vm2 =	vle.s32 v1, v12  }
0xb8: {  	vm1 =	vmand vm1, vm2;
	vm2 =	vle.s32 v13, v8  }
0xb9: {  	vm1 =	vmand vm1, vm2;
	vm2 =	vle.s32 v8, v14  }
0xba: {  	vm1 =	vmand vm1, vm2  }
0xbb: {  	v11 =	vmpcnt.ones.xlane vm1;
	_ =	sdelay $0x1  }
0xbc: {  	v11 =	vxor.u32 $0x80000000, v11  }
0xbd: {  	(xrf0) =	vmax.scan.msk.u32 $0xffff, v11;
	_ =	sdelay $0x5  }
0xbe: {  	v11, _, _ =	vpop (xrf0)  }
0xbf: {  	(v2sf) =	vpush v11, $0xF;
	_ =	sdelay $0xe  }
0xc0: {  	s14 =	spop (v2sf)  }
0xc1: {  	s14 =	sxor.u32 $0x80000000, s14  }
0xc2: {  	p1 =	slt.s32 s14, $0x1  }
0xc3: {  	v11 =	vimm.s32 @!p1 $0x0  }
0xc4: {  	v11 =	vsel @!p1 vm1, $0x1, v11  }
0xc5: {  	p0 =	por @!p1 $0x1, $0x1;
	(xrf0) =	vadd.scan.msk.s32 @!p1 $0xffff, v11  }
0xc6: {  	s17 =	simm.s32 $0x0;
	v12 =	vlaneseq.u32 @!p1;
	s14 =	sadd.s32 @!p1 $0x0, s14;
	p0 =	por !p0, p1  }
0xc7: {  	v12 =	vor.u32 @!p1 s17, v12;
	s14 =	smov.u32 @p1 s17;
	s17 =	simm.s32 @p0 $0x200  }
0xc8: {  	v11 =	vmov @!p1 s17  }
0xc9: {  	v11 =	vadd.s32 @!p1 $0xFFFFFFFF, v11  }
0xca: {  	v13 =	vbroadcast @!p1 v11, $0x0  }
0xcb: {  	v14, _, _ =	vpop @!p1 (xrf0)  }
0xcc: {  	v13 =	vadd.s32 @!p1 v14, v13;
	_ =	sdelay $0x1  }
0xcd: {  	v11 =	vmov s16  }
0xce: {  	s18 =	simm.s32 @!p1 $0x8000;
	s16 =	simm.s32 $0x10;
	v11 =	vnsel vm0, $0x0, v11  }
.LBB2_6:
0xcf: {  	s17 =	smov.u32 s14  }
0xd0: {  	s15 =	sadd.s32 $0x10, s15;
	s19 =	smov.u32 s16;
	s16 =	sadd.s32 $0x10, s16;
	[tilespmem:v13+s18+$0x0] =	vst.idx.msk @!p1 vm1, v12  }
0xd1: {  	p0 =	sne.s32 s16, $0x2000;
	s18 =	smov.u32 s14;
	v12 =	vld [tilespmem:s15+$0xFFFFC000]  }
0xd2: {  	v13 =	vld [tilespmem:s15+$0xFFFFE000]  }
0xd3: {  	v14 =	vld [tilespmem:s15+$0x0]  }
0xd4: {  	v15 =	vld [tilespmem:s15+$0x2000];
	_ =	sdelay $0x2  }
0xd5: {  	vm1 =	vle.s32 v12, v1;
	vm2 =	vle.s32 v1, v13  }
0xd6: {  	vm1 =	vmand vm1, vm2;
	vm2 =	vle.s32 v14, v8  }
0xd7: {  	vm1 =	vmand vm1, vm2;
	vm2 =	vle.s32 v8, v15  }
0xd8: {  	vm1 =	vmand vm1, vm2  }
0xd9: {  	v12 =	vmpcnt.ones.xlane vm1;
	_ =	sdelay $0x1  }
0xda: {  	v12 =	vxor.u32 $0x80000000, v12  }
0xdb: {  	(xrf0) =	vmax.scan.msk.u32 $0xffff, v12;
	_ =	sdelay $0x5  }
0xdc: {  	v12, _, _ =	vpop (xrf0)  }
0xdd: {  	(v2sf) =	vpush v12, $0xF;
	_ =	sdelay $0xe  }
0xde: {  	s14 =	spop (v2sf)  }
0xdf: {  	s14 =	sxor.u32 $0x80000000, s14  }
0xe0: {  	p1 =	slt.s32 s14, $0x1  }
0xe1: {  	v12 =	vimm.s32 @!p1 $0x0;
	p2 =	slt.s32 @!p1 s17, $0x200;
	v13 =	vlaneseq.u32 @!p1;
	s14 =	sadd.s32 @!p1 s17, s14  }
0xe2: {  	v14 =	vsel @!p1 vm1, $0x1, v12;
	p2 =	por !p2, p1;
	v12 =	vor.u32 @!p1 s19, v13;
	s14 =	smov.u32 @p1 s17  }
0xe3: {  	s18 =	simm.s32 @p2 $0x200;
	(xrf0) =	vadd.scan.msk.s32 @!p1 $0xffff, v14  }
0xe4: {  	v13 =	vmov @!p1 s18  }
0xe5: {  	v13 =	vadd.s32 @!p1 $0xFFFFFFFF, v13  }
0xe6: {  	v13 =	vbroadcast @!p1 v13, $0x0;
	_ =	sdelay $0x2  }
0xe7: {  	v14, _, _ =	vpop @!p1 (xrf0)  }
.Ltmp4:
0xe8: {  	v13 =	vadd.s32 @!p1 v14, v13;
	(pc) =	sbr.rel @p0 .LBB2_6-.Ltmp4, $2  }
0xe9: {  	_ =	sdelay $0x2  }
0xea: {  	s18 =	simm.s32 @!p1 $0x8000  }
0xeb: {  	p0 =	slt.s32 s14, $0x1  }
.Ltmp5:
0xec: {  	_ = 	snop;
	(pc) =	sbr.rel @p0 .LBB2_9-.Ltmp5, $2  }
0xed: {  	_ =	sdelay $0x2  }
0xee: {  	[tilespmem:v13+s18+$0x0] =	vst.idx.msk @!p1 vm1, v12  }
0xef: {  	[tilespmem:s11], [sflag:$0x1] =	stream.indirect.gather [hbm4b:s1+s9], $0x10, s10, s9, $0xb8;
	[tilespmem:$0xA220] =	vst v63  }
0xf0: {  	_ =	swait.ge [sflag:s12], $0x800  }
0xf1: {  	[sflag:s12] =	ssyncset.done $0x0  }
0xf2: {  	s15 =	rddreg [dreg:$0x7];
	[sflag:s12] =	ssyncadd.s32 $0xFFFFF800  }
0xf3: {  	[hbm4b:s15+s2] =	stream.linear.scatter [tilespmem:s11], [sflag:$0x2], $0x800, $0x38;
	[tilespmem:$0xA220] =	vst v63  }
0xf4: {  	p0 =	slt.u32 s14, $0x81;
	_ =	swait.ge [sflag:s8], $0x800  }
0xf5: {  	s16 =	simm.s32 @!p0 $0x8080;
	[sflag:s8] =	ssyncset.done $0x0  }
0xf6: {  	s17 =	simm.s32 @!p0 $0x8A10;
	s15 =	simm.s32 @!p0 $0x80;
	[sflag:s8] =	ssyncadd.s32 $0xFFFFF800  }
0xf7: {  	[tilespmem:s17], [sflag:$0x1] =	stream.indirect.gather @!p0 [hbm4b:s1+s15], $0x10, s16, s15, $0xb8;
	[tilespmem:$0xA220] =	vst v63  }
0xf8: {  	s15 =	simm.s32 @!p0 $0x1  }
0xf9: {  	_ =	swait.ge @!p0 [sflag:s15], $0x800  }
0xfa: {  	[sflag:s15] =	ssyncset.done @!p0 $0x0  }
0xfb: {  	s16 =	rddreg [dreg:$0x8];
	[sflag:s15] =	ssyncadd.s32 @!p0 $0xFFFFF800;
	s15 =	simm.s32 @!p0 $0x0  }
0xfc: {  	[hbm4b:s16+s15] =	stream.linear.scatter @!p0 [tilespmem:s17], [sflag:$0x2], $0x800, $0x38;
	[tilespmem:$0xA220] =	vst v63  }
0xfd: {  	p1 =	slt.u32 @!p0 s14, $0x101;
	s15 =	simm.s32 @!p0 $0x2  }
0xfe: {  	p2 =	por p1, p0;
	_ =	swait.ge @!p0 [sflag:s15], $0x800  }
0xff: {  	s16 =	simm.s32 @!p2 $0x8100;
	[sflag:s15] =	ssyncset.done @!p0 $0x0  }
0x100: {  	s17 =	simm.s32 @!p2 $0x9210;
	[sflag:s15] =	ssyncadd.s32 @!p0 $0xFFFFF800;
	s15 =	simm.s32 @!p2 $0x80  }
0x101: {  	[tilespmem:s17], [sflag:$0x1] =	stream.indirect.gather @!p2 [hbm4b:s1+s15], $0x10, s16, s15, $0xb8;
	[tilespmem:$0xA220] =	vst v63  }
0x102: {  	s15 =	simm.s32 @!p2 $0x1  }
0x103: {  	_ =	swait.ge @!p2 [sflag:s15], $0x800  }
0x104: {  	p3 =	slt.u32 @!p2 s14, $0x181;
	[sflag:s15] =	ssyncset.done @!p2 $0x0  }
0x105: {  	s16 =	rddreg [dreg:$0x9];
	[sflag:s15] =	ssyncadd.s32 @!p2 $0xFFFFF800;
	s15 =	simm.s32 @!p2 $0x0  }
0x106: {  	[hbm4b:s16+s15] =	stream.linear.scatter @!p2 [tilespmem:s17], [sflag:$0x2], $0x800, $0x38;
	[tilespmem:$0xA220] =	vst v63  }
0x107: {  	p1 =	por @!p0 p3, p1;
	s15 =	simm.s32 @!p2 $0x2  }
0x108: {  	p0 =	por p1, p0;
	_ =	swait.ge @!p2 [sflag:s15], $0x800  }
0x109: {  	s16 =	simm.s32 @!p0 $0x8180;
	[sflag:s15] =	ssyncset.done @!p2 $0x0  }
0x10a: {  	s17 =	simm.s32 @!p0 $0x9A10;
	[sflag:s15] =	ssyncadd.s32 @!p2 $0xFFFFF800;
	s15 =	simm.s32 @!p0 $0x80  }
0x10b: {  	[tilespmem:s17], [sflag:$0x1] =	stream.indirect.gather @!p0 [hbm4b:s1+s15], $0x10, s16, s15, $0xb8;
	[tilespmem:$0xA220] =	vst v63  }
0x10c: {  	s15 =	simm.s32 @!p0 $0x1  }
0x10d: {  	_ =	swait.ge @!p0 [sflag:s15], $0x800  }
0x10e: {  	[sflag:s15] =	ssyncset.done @!p0 $0x0  }
0x10f: {  	s16 =	rddreg [dreg:$0xa];
	[sflag:s15] =	ssyncadd.s32 @!p0 $0xFFFFF800;
	s15 =	simm.s32 @!p0 $0x0  }
0x110: {  	[hbm4b:s16+s15] =	stream.linear.scatter @!p0 [tilespmem:s17], [sflag:$0x2], $0x800, $0x38;
	[tilespmem:$0xA220] =	vst v63  }
0x111: {  	s15 =	simm.s32 @!p0 $0x2  }
0x112: {  	_ =	swait.ge @!p0 [sflag:s15], $0x800  }
0x113: {  	[sflag:s15] =	ssyncset.done @!p0 $0x0  }
0x114: {  	[sflag:s15] =	ssyncadd.s32 @!p0 $0xFFFFF800  }
.LBB2_9:
0x115: {  	s16 =	simm.s32 $0x4000  }
0x116: {  	v12 =	vld [tilespmem:s16+$0xFFFFC000]  }
0x117: {  	v13 =	vld [tilespmem:s16+$0xFFFFE000]  }
0x118: {  	v14 =	vld [tilespmem:s16+$0x0]  }
0x119: {  	v15 =	vld [tilespmem:s16+$0x2000];
	_ =	sdelay $0x2  }
0x11a: {  	vm1 =	vle.s32 v12, v2;
	vm2 =	vle.s32 v2, v13  }
0x11b: {  	vm1 =	vmand vm1, vm2;
	vm2 =	vle.s32 v14, v8  }
0x11c: {  	vm1 =	vmand vm1, vm2;
	vm2 =	vle.s32 v8, v15  }
0x11d: {  	vm1 =	vmand vm1, vm2  }
0x11e: {  	v12 =	vmpcnt.ones.xlane vm1;
	_ =	sdelay $0x1  }
0x11f: {  	v12 =	vxor.u32 $0x80000000, v12  }
0x120: {  	(xrf0) =	vmax.scan.msk.u32 $0xffff, v12;
	_ =	sdelay $0x5  }
0x121: {  	v12, _, _ =	vpop (xrf0)  }
0x122: {  	(v2sf) =	vpush v12, $0xF;
	_ =	sdelay $0xe  }
0x123: {  	s15 =	spop (v2sf)  }
0x124: {  	s15 =	sxor.u32 $0x80000000, s15  }
0x125: {  	p1 =	slt.s32 s15, $0x1  }
0x126: {  	v12 =	vimm.s32 @!p1 $0x0  }
0x127: {  	v12 =	vsel @!p1 vm1, $0x1, v12  }
0x128: {  	p0 =	por @!p1 $0x1, $0x1;
	(xrf0) =	vadd.scan.msk.s32 @!p1 $0xffff, v12  }
0x129: {  	s17 =	simm.s32 $0x0;
	v13 =	vlaneseq.u32 @!p1;
	s15 =	sadd.s32 @!p1 $0x0, s15;
	p0 =	por !p0, p1  }
0x12a: {  	s15 =	smov.u32 @p1 s17;
	v12 =	vor.u32 @!p1 s17, v13;
	s17 =	simm.s32 @p0 $0x200  }
0x12b: {  	v13 =	vmov @!p1 s17  }
0x12c: {  	v13 =	vadd.s32 @!p1 $0xFFFFFFFF, v13  }
0x12d: {  	v13 =	vbroadcast @!p1 v13, $0x0  }
0x12e: {  	v14, _, _ =	vpop @!p1 (xrf0)  }
0x12f: {  	v13 =	vadd.s32 @!p1 v14, v13;
	_ =	sdelay $0x1  }
0x130: {  	vm2 =	veq.s32 v10, $0x1  }
0x131: {  	v11 =	vsel vm2, s14, v11;
	s14 =	simm.s32 $0x10;
	s18 =	simm.s32 @!p1 $0x8000  }
.LBB2_10:
0x132: {  	s17 =	smov.u32 s15  }
0x133: {  	s16 =	sadd.s32 $0x10, s16;
	s19 =	smov.u32 s14;
	s14 =	sadd.s32 $0x10, s14;
	[tilespmem:v13+s18+$0x0] =	vst.idx.msk @!p1 vm1, v12  }
0x134: {  	p0 =	sne.s32 s14, $0x2000;
	s18 =	smov.u32 s15;
	v12 =	vld [tilespmem:s16+$0xFFFFC000]  }
0x135: {  	v13 =	vld [tilespmem:s16+$0xFFFFE000]  }
0x136: {  	v14 =	vld [tilespmem:s16+$0x0]  }
0x137: {  	v15 =	vld [tilespmem:s16+$0x2000];
	_ =	sdelay $0x2  }
0x138: {  	vm1 =	vle.s32 v12, v2;
	vm2 =	vle.s32 v2, v13  }
0x139: {  	vm1 =	vmand vm1, vm2;
	vm2 =	vle.s32 v14, v8  }
0x13a: {  	vm1 =	vmand vm1, vm2;
	vm2 =	vle.s32 v8, v15  }
0x13b: {  	vm1 =	vmand vm1, vm2  }
0x13c: {  	v12 =	vmpcnt.ones.xlane vm1;
	_ =	sdelay $0x1  }
0x13d: {  	v12 =	vxor.u32 $0x80000000, v12  }
0x13e: {  	(xrf0) =	vmax.scan.msk.u32 $0xffff, v12;
	_ =	sdelay $0x5  }
0x13f: {  	v12, _, _ =	vpop (xrf0)  }
0x140: {  	(v2sf) =	vpush v12, $0xF;
	_ =	sdelay $0xe  }
0x141: {  	s15 =	spop (v2sf)  }
0x142: {  	s15 =	sxor.u32 $0x80000000, s15  }
0x143: {  	p1 =	slt.s32 s15, $0x1  }
0x144: {  	v12 =	vimm.s32 @!p1 $0x0;
	p2 =	slt.s32 @!p1 s17, $0x200;
	v13 =	vlaneseq.u32 @!p1;
	s15 =	sadd.s32 @!p1 s17, s15  }
0x145: {  	v14 =	vsel @!p1 vm1, $0x1, v12;
	p2 =	por !p2, p1;
	v12 =	vor.u32 @!p1 s19, v13;
	s15 =	smov.u32 @p1 s17  }
0x146: {  	s18 =	simm.s32 @p2 $0x200;
	(xrf0) =	vadd.scan.msk.s32 @!p1 $0xffff, v14  }
0x147: {  	v13 =	vmov @!p1 s18  }
0x148: {  	v13 =	vadd.s32 @!p1 $0xFFFFFFFF, v13  }
0x149: {  	v13 =	vbroadcast @!p1 v13, $0x0;
	_ =	sdelay $0x2  }
0x14a: {  	v14, _, _ =	vpop @!p1 (xrf0)  }
.Ltmp6:
0x14b: {  	v13 =	vadd.s32 @!p1 v14, v13;
	(pc) =	sbr.rel @p0 .LBB2_10-.Ltmp6, $2  }
0x14c: {  	_ =	sdelay $0x2  }
0x14d: {  	s18 =	simm.s32 @!p1 $0x8000  }
0x14e: {  	p0 =	slt.s32 s15, $0x1  }
.Ltmp7:
0x14f: {  	_ = 	snop;
	(pc) =	sbr.rel @p0 .LBB2_13-.Ltmp7, $2  }
0x150: {  	_ =	sdelay $0x2  }
0x151: {  	[tilespmem:v13+s18+$0x0] =	vst.idx.msk @!p1 vm1, v12  }
0x152: {  	[tilespmem:s11], [sflag:$0x1] =	stream.indirect.gather [hbm4b:s1+s9], $0x10, s10, s9, $0xb8;
	[tilespmem:$0xA220] =	vst v63  }
0x153: {  	_ =	swait.ge [sflag:s12], $0x800  }
0x154: {  	[sflag:s12] =	ssyncset.done $0x0  }
0x155: {  	s14 =	rddreg [dreg:$0xb];
	[sflag:s12] =	ssyncadd.s32 $0xFFFFF800  }
0x156: {  	[hbm4b:s14+s2] =	stream.linear.scatter [tilespmem:s11], [sflag:$0x2], $0x800, $0x38;
	[tilespmem:$0xA220] =	vst v63  }
0x157: {  	p0 =	slt.u32 s15, $0x81;
	_ =	swait.ge [sflag:s8], $0x800  }
0x158: {  	s16 =	simm.s32 @!p0 $0x8080;
	[sflag:s8] =	ssyncset.done $0x0  }
0x159: {  	s17 =	simm.s32 @!p0 $0x8A10;
	s14 =	simm.s32 @!p0 $0x80;
	[sflag:s8] =	ssyncadd.s32 $0xFFFFF800  }
0x15a: {  	[tilespmem:s17], [sflag:$0x1] =	stream.indirect.gather @!p0 [hbm4b:s1+s14], $0x10, s16, s14, $0xb8;
	[tilespmem:$0xA220] =	vst v63  }
0x15b: {  	s14 =	simm.s32 @!p0 $0x1  }
0x15c: {  	_ =	swait.ge @!p0 [sflag:s14], $0x800  }
0x15d: {  	[sflag:s14] =	ssyncset.done @!p0 $0x0  }
0x15e: {  	s16 =	rddreg [dreg:$0xc];
	[sflag:s14] =	ssyncadd.s32 @!p0 $0xFFFFF800;
	s14 =	simm.s32 @!p0 $0x0  }
0x15f: {  	[hbm4b:s16+s14] =	stream.linear.scatter @!p0 [tilespmem:s17], [sflag:$0x2], $0x800, $0x38;
	[tilespmem:$0xA220] =	vst v63  }
0x160: {  	p1 =	slt.u32 @!p0 s15, $0x101;
	s14 =	simm.s32 @!p0 $0x2  }
0x161: {  	p2 =	por p1, p0;
	_ =	swait.ge @!p0 [sflag:s14], $0x800  }
0x162: {  	s16 =	simm.s32 @!p2 $0x8100;
	[sflag:s14] =	ssyncset.done @!p0 $0x0  }
0x163: {  	s17 =	simm.s32 @!p2 $0x9210;
	[sflag:s14] =	ssyncadd.s32 @!p0 $0xFFFFF800;
	s14 =	simm.s32 @!p2 $0x80  }
0x164: {  	[tilespmem:s17], [sflag:$0x1] =	stream.indirect.gather @!p2 [hbm4b:s1+s14], $0x10, s16, s14, $0xb8;
	[tilespmem:$0xA220] =	vst v63  }
0x165: {  	s14 =	simm.s32 @!p2 $0x1  }
0x166: {  	_ =	swait.ge @!p2 [sflag:s14], $0x800  }
0x167: {  	p3 =	slt.u32 @!p2 s15, $0x181;
	[sflag:s14] =	ssyncset.done @!p2 $0x0  }
0x168: {  	s16 =	rddreg [dreg:$0xd];
	[sflag:s14] =	ssyncadd.s32 @!p2 $0xFFFFF800;
	s14 =	simm.s32 @!p2 $0x0  }
0x169: {  	[hbm4b:s16+s14] =	stream.linear.scatter @!p2 [tilespmem:s17], [sflag:$0x2], $0x800, $0x38;
	[tilespmem:$0xA220] =	vst v63  }
0x16a: {  	p1 =	por @!p0 p3, p1;
	s14 =	simm.s32 @!p2 $0x2  }
0x16b: {  	p0 =	por p1, p0;
	_ =	swait.ge @!p2 [sflag:s14], $0x800  }
0x16c: {  	s16 =	simm.s32 @!p0 $0x8180;
	[sflag:s14] =	ssyncset.done @!p2 $0x0  }
0x16d: {  	s17 =	simm.s32 @!p0 $0x9A10;
	[sflag:s14] =	ssyncadd.s32 @!p2 $0xFFFFF800;
	s14 =	simm.s32 @!p0 $0x80  }
0x16e: {  	[tilespmem:s17], [sflag:$0x1] =	stream.indirect.gather @!p0 [hbm4b:s1+s14], $0x10, s16, s14, $0xb8;
	[tilespmem:$0xA220] =	vst v63  }
0x16f: {  	s14 =	simm.s32 @!p0 $0x1  }
0x170: {  	_ =	swait.ge @!p0 [sflag:s14], $0x800  }
0x171: {  	[sflag:s14] =	ssyncset.done @!p0 $0x0  }
0x172: {  	s16 =	rddreg [dreg:$0xe];
	[sflag:s14] =	ssyncadd.s32 @!p0 $0xFFFFF800;
	s14 =	simm.s32 @!p0 $0x0  }
0x173: {  	[hbm4b:s16+s14] =	stream.linear.scatter @!p0 [tilespmem:s17], [sflag:$0x2], $0x800, $0x38;
	[tilespmem:$0xA220] =	vst v63  }
0x174: {  	s14 =	simm.s32 @!p0 $0x2  }
0x175: {  	_ =	swait.ge @!p0 [sflag:s14], $0x800  }
0x176: {  	[sflag:s14] =	ssyncset.done @!p0 $0x0  }
0x177: {  	[sflag:s14] =	ssyncadd.s32 @!p0 $0xFFFFF800  }
.LBB2_13:
0x178: {  	s16 =	simm.s32 $0x4000  }
0x179: {  	v12 =	vld [tilespmem:s16+$0xFFFFC000]  }
0x17a: {  	v13 =	vld [tilespmem:s16+$0xFFFFE000]  }
0x17b: {  	v14 =	vld [tilespmem:s16+$0x0]  }
0x17c: {  	v15 =	vld [tilespmem:s16+$0x2000];
	_ =	sdelay $0x2  }
0x17d: {  	vm1 =	vle.s32 v12, v3;
	vm2 =	vle.s32 v3, v13  }
0x17e: {  	vm1 =	vmand vm1, vm2;
	vm2 =	vle.s32 v14, v8  }
0x17f: {  	vm1 =	vmand vm1, vm2;
	vm2 =	vle.s32 v8, v15  }
0x180: {  	vm1 =	vmand vm1, vm2  }
0x181: {  	v12 =	vmpcnt.ones.xlane vm1;
	_ =	sdelay $0x1  }
0x182: {  	v12 =	vxor.u32 $0x80000000, v12  }
0x183: {  	(xrf0) =	vmax.scan.msk.u32 $0xffff, v12;
	_ =	sdelay $0x5  }
0x184: {  	v12, _, _ =	vpop (xrf0)  }
0x185: {  	(v2sf) =	vpush v12, $0xF;
	_ =	sdelay $0xe  }
0x186: {  	s14 =	spop (v2sf)  }
0x187: {  	s14 =	sxor.u32 $0x80000000, s14  }
0x188: {  	p1 =	slt.s32 s14, $0x1  }
0x189: {  	v12 =	vimm.s32 @!p1 $0x0  }
0x18a: {  	v12 =	vsel @!p1 vm1, $0x1, v12  }
0x18b: {  	p0 =	por @!p1 $0x1, $0x1;
	(xrf0) =	vadd.scan.msk.s32 @!p1 $0xffff, v12  }
0x18c: {  	s17 =	simm.s32 $0x0;
	v13 =	vlaneseq.u32 @!p1;
	s14 =	sadd.s32 @!p1 $0x0, s14;
	p0 =	por !p0, p1  }
0x18d: {  	s14 =	smov.u32 @p1 s17;
	v12 =	vor.u32 @!p1 s17, v13;
	s17 =	simm.s32 @p0 $0x200  }
0x18e: {  	v13 =	vmov @!p1 s17  }
0x18f: {  	v13 =	vadd.s32 @!p1 $0xFFFFFFFF, v13  }
0x190: {  	v13 =	vbroadcast @!p1 v13, $0x0  }
0x191: {  	v14, _, _ =	vpop @!p1 (xrf0)  }
0x192: {  	v13 =	vadd.s32 @!p1 v14, v13;
	_ =	sdelay $0x1  }
0x193: {  	vm2 =	veq.s32 v10, $0x2  }
0x194: {  	v11 =	vsel vm2, s15, v11;
	s15 =	simm.s32 $0x10;
	s18 =	simm.s32 @!p1 $0x8000  }
.LBB2_14:
0x195: {  	s17 =	smov.u32 s14  }
0x196: {  	s16 =	sadd.s32 $0x10, s16;
	s19 =	smov.u32 s15;
	s15 =	sadd.s32 $0x10, s15;
	[tilespmem:v13+s18+$0x0] =	vst.idx.msk @!p1 vm1, v12  }
0x197: {  	p0 =	sne.s32 s15, $0x2000;
	s18 =	smov.u32 s14;
	v12 =	vld [tilespmem:s16+$0xFFFFC000]  }
0x198: {  	v13 =	vld [tilespmem:s16+$0xFFFFE000]  }
0x199: {  	v14 =	vld [tilespmem:s16+$0x0]  }
0x19a: {  	v15 =	vld [tilespmem:s16+$0x2000];
	_ =	sdelay $0x2  }
0x19b: {  	vm1 =	vle.s32 v12, v3;
	vm2 =	vle.s32 v3, v13  }
0x19c: {  	vm1 =	vmand vm1, vm2;
	vm2 =	vle.s32 v14, v8  }
0x19d: {  	vm1 =	vmand vm1, vm2;
	vm2 =	vle.s32 v8, v15  }
0x19e: {  	vm1 =	vmand vm1, vm2  }
0x19f: {  	v12 =	vmpcnt.ones.xlane vm1;
	_ =	sdelay $0x1  }
0x1a0: {  	v12 =	vxor.u32 $0x80000000, v12  }
0x1a1: {  	(xrf0) =	vmax.scan.msk.u32 $0xffff, v12;
	_ =	sdelay $0x5  }
0x1a2: {  	v12, _, _ =	vpop (xrf0)  }
0x1a3: {  	(v2sf) =	vpush v12, $0xF;
	_ =	sdelay $0xe  }
0x1a4: {  	s14 =	spop (v2sf)  }
0x1a5: {  	s14 =	sxor.u32 $0x80000000, s14  }
0x1a6: {  	p1 =	slt.s32 s14, $0x1  }
0x1a7: {  	v12 =	vimm.s32 @!p1 $0x0;
	p2 =	slt.s32 @!p1 s17, $0x200;
	v13 =	vlaneseq.u32 @!p1;
	s14 =	sadd.s32 @!p1 s17, s14  }
0x1a8: {  	v14 =	vsel @!p1 vm1, $0x1, v12;
	p2 =	por !p2, p1;
	v12 =	vor.u32 @!p1 s19, v13;
	s14 =	smov.u32 @p1 s17  }
0x1a9: {  	s18 =	simm.s32 @p2 $0x200;
	(xrf0) =	vadd.scan.msk.s32 @!p1 $0xffff, v14  }
0x1aa: {  	v13 =	vmov @!p1 s18  }
0x1ab: {  	v13 =	vadd.s32 @!p1 $0xFFFFFFFF, v13  }
0x1ac: {  	v13 =	vbroadcast @!p1 v13, $0x0;
	_ =	sdelay $0x2  }
0x1ad: {  	v14, _, _ =	vpop @!p1 (xrf0)  }
.Ltmp8:
0x1ae: {  	v13 =	vadd.s32 @!p1 v14, v13;
	(pc) =	sbr.rel @p0 .LBB2_14-.Ltmp8, $2  }
0x1af: {  	_ =	sdelay $0x2  }
0x1b0: {  	s18 =	simm.s32 @!p1 $0x8000  }
0x1b1: {  	p0 =	slt.s32 s14, $0x1  }
.Ltmp9:
0x1b2: {  	_ = 	snop;
	(pc) =	sbr.rel @p0 .LBB2_17-.Ltmp9, $2  }
0x1b3: {  	_ =	sdelay $0x2  }
0x1b4: {  	[tilespmem:v13+s18+$0x0] =	vst.idx.msk @!p1 vm1, v12  }
0x1b5: {  	[tilespmem:s11], [sflag:$0x1] =	stream.indirect.gather [hbm4b:s1+s9], $0x10, s10, s9, $0xb8;
	[tilespmem:$0xA220] =	vst v63  }
0x1b6: {  	_ =	swait.ge [sflag:s12], $0x800  }
0x1b7: {  	[sflag:s12] =	ssyncset.done $0x0  }
0x1b8: {  	s15 =	rddreg [dreg:$0xf];
	[sflag:s12] =	ssyncadd.s32 $0xFFFFF800  }
0x1b9: {  	[hbm4b:s15+s2] =	stream.linear.scatter [tilespmem:s11], [sflag:$0x2], $0x800, $0x38;
	[tilespmem:$0xA220] =	vst v63  }
0x1ba: {  	p0 =	slt.u32 s14, $0x81;
	_ =	swait.ge [sflag:s8], $0x800  }
0x1bb: {  	s16 =	simm.s32 @!p0 $0x8080;
	[sflag:s8] =	ssyncset.done $0x0  }
0x1bc: {  	s17 =	simm.s32 @!p0 $0x8A10;
	s15 =	simm.s32 @!p0 $0x80;
	[sflag:s8] =	ssyncadd.s32 $0xFFFFF800  }
0x1bd: {  	[tilespmem:s17], [sflag:$0x1] =	stream.indirect.gather @!p0 [hbm4b:s1+s15], $0x10, s16, s15, $0xb8;
	[tilespmem:$0xA220] =	vst v63  }
0x1be: {  	s15 =	simm.s32 @!p0 $0x1  }
0x1bf: {  	_ =	swait.ge @!p0 [sflag:s15], $0x800  }
0x1c0: {  	[sflag:s15] =	ssyncset.done @!p0 $0x0  }
0x1c1: {  	s16 =	rddreg [dreg:$0x10];
	[sflag:s15] =	ssyncadd.s32 @!p0 $0xFFFFF800;
	s15 =	simm.s32 @!p0 $0x0  }
0x1c2: {  	[hbm4b:s16+s15] =	stream.linear.scatter @!p0 [tilespmem:s17], [sflag:$0x2], $0x800, $0x38;
	[tilespmem:$0xA220] =	vst v63  }
0x1c3: {  	p1 =	slt.u32 @!p0 s14, $0x101;
	s15 =	simm.s32 @!p0 $0x2  }
0x1c4: {  	p2 =	por p1, p0;
	_ =	swait.ge @!p0 [sflag:s15], $0x800  }
0x1c5: {  	s16 =	simm.s32 @!p2 $0x8100;
	[sflag:s15] =	ssyncset.done @!p0 $0x0  }
0x1c6: {  	s17 =	simm.s32 @!p2 $0x9210;
	[sflag:s15] =	ssyncadd.s32 @!p0 $0xFFFFF800;
	s15 =	simm.s32 @!p2 $0x80  }
0x1c7: {  	[tilespmem:s17], [sflag:$0x1] =	stream.indirect.gather @!p2 [hbm4b:s1+s15], $0x10, s16, s15, $0xb8;
	[tilespmem:$0xA220] =	vst v63  }
0x1c8: {  	s15 =	simm.s32 @!p2 $0x1  }
0x1c9: {  	_ =	swait.ge @!p2 [sflag:s15], $0x800  }
0x1ca: {  	p3 =	slt.u32 @!p2 s14, $0x181;
	[sflag:s15] =	ssyncset.done @!p2 $0x0  }
0x1cb: {  	s16 =	rddreg [dreg:$0x11];
	[sflag:s15] =	ssyncadd.s32 @!p2 $0xFFFFF800;
	s15 =	simm.s32 @!p2 $0x0  }
0x1cc: {  	[hbm4b:s16+s15] =	stream.linear.scatter @!p2 [tilespmem:s17], [sflag:$0x2], $0x800, $0x38;
	[tilespmem:$0xA220] =	vst v63  }
0x1cd: {  	p1 =	por @!p0 p3, p1;
	s15 =	simm.s32 @!p2 $0x2  }
0x1ce: {  	p0 =	por p1, p0;
	_ =	swait.ge @!p2 [sflag:s15], $0x800  }
0x1cf: {  	s16 =	simm.s32 @!p0 $0x8180;
	[sflag:s15] =	ssyncset.done @!p2 $0x0  }
0x1d0: {  	s17 =	simm.s32 @!p0 $0x9A10;
	[sflag:s15] =	ssyncadd.s32 @!p2 $0xFFFFF800;
	s15 =	simm.s32 @!p0 $0x80  }
0x1d1: {  	[tilespmem:s17], [sflag:$0x1] =	stream.indirect.gather @!p0 [hbm4b:s1+s15], $0x10, s16, s15, $0xb8;
	[tilespmem:$0xA220] =	vst v63  }
0x1d2: {  	s15 =	simm.s32 @!p0 $0x1  }
0x1d3: {  	_ =	swait.ge @!p0 [sflag:s15], $0x800  }
0x1d4: {  	[sflag:s15] =	ssyncset.done @!p0 $0x0  }
0x1d5: {  	s16 =	rddreg [dreg:$0x12];
	[sflag:s15] =	ssyncadd.s32 @!p0 $0xFFFFF800;
	s15 =	simm.s32 @!p0 $0x0  }
0x1d6: {  	[hbm4b:s16+s15] =	stream.linear.scatter @!p0 [tilespmem:s17], [sflag:$0x2], $0x800, $0x38;
	[tilespmem:$0xA220] =	vst v63  }
0x1d7: {  	s15 =	simm.s32 @!p0 $0x2  }
0x1d8: {  	_ =	swait.ge @!p0 [sflag:s15], $0x800  }
0x1d9: {  	[sflag:s15] =	ssyncset.done @!p0 $0x0  }
0x1da: {  	[sflag:s15] =	ssyncadd.s32 @!p0 $0xFFFFF800  }
.LBB2_17:
0x1db: {  	s16 =	simm.s32 $0x4000  }
0x1dc: {  	v12 =	vld [tilespmem:s16+$0xFFFFC000]  }
0x1dd: {  	v13 =	vld [tilespmem:s16+$0xFFFFE000]  }
0x1de: {  	v14 =	vld [tilespmem:s16+$0x0]  }
0x1df: {  	v15 =	vld [tilespmem:s16+$0x2000];
	_ =	sdelay $0x2  }
0x1e0: {  	vm1 =	vle.s32 v12, v4;
	vm2 =	vle.s32 v4, v13  }
0x1e1: {  	vm1 =	vmand vm1, vm2;
	vm2 =	vle.s32 v14, v8  }
0x1e2: {  	vm1 =	vmand vm1, vm2;
	vm2 =	vle.s32 v8, v15  }
0x1e3: {  	vm1 =	vmand vm1, vm2  }
0x1e4: {  	v12 =	vmpcnt.ones.xlane vm1;
	_ =	sdelay $0x1  }
0x1e5: {  	v12 =	vxor.u32 $0x80000000, v12  }
0x1e6: {  	(xrf0) =	vmax.scan.msk.u32 $0xffff, v12;
	_ =	sdelay $0x5  }
0x1e7: {  	v12, _, _ =	vpop (xrf0)  }
0x1e8: {  	(v2sf) =	vpush v12, $0xF;
	_ =	sdelay $0xe  }
0x1e9: {  	s15 =	spop (v2sf)  }
0x1ea: {  	s15 =	sxor.u32 $0x80000000, s15  }
0x1eb: {  	p1 =	slt.s32 s15, $0x1  }
0x1ec: {  	v12 =	vimm.s32 @!p1 $0x0  }
0x1ed: {  	v12 =	vsel @!p1 vm1, $0x1, v12  }
0x1ee: {  	p0 =	por @!p1 $0x1, $0x1;
	(xrf0) =	vadd.scan.msk.s32 @!p1 $0xffff, v12  }
0x1ef: {  	s17 =	simm.s32 $0x0;
	v13 =	vlaneseq.u32 @!p1;
	s15 =	sadd.s32 @!p1 $0x0, s15;
	p0 =	por !p0, p1  }
0x1f0: {  	s15 =	smov.u32 @p1 s17;
	v12 =	vor.u32 @!p1 s17, v13;
	s17 =	simm.s32 @p0 $0x200  }
0x1f1: {  	v13 =	vmov @!p1 s17  }
0x1f2: {  	v13 =	vadd.s32 @!p1 $0xFFFFFFFF, v13  }
0x1f3: {  	v13 =	vbroadcast @!p1 v13, $0x0  }
0x1f4: {  	v14, _, _ =	vpop @!p1 (xrf0)  }
0x1f5: {  	v13 =	vadd.s32 @!p1 v14, v13;
	_ =	sdelay $0x1  }
0x1f6: {  	vm2 =	veq.s32 v10, $0x3  }
0x1f7: {  	v11 =	vsel vm2, s14, v11;
	s14 =	simm.s32 $0x10;
	s18 =	simm.s32 @!p1 $0x8000  }
.LBB2_18:
0x1f8: {  	s17 =	smov.u32 s15  }
0x1f9: {  	s16 =	sadd.s32 $0x10, s16;
	s19 =	smov.u32 s14;
	s14 =	sadd.s32 $0x10, s14;
	[tilespmem:v13+s18+$0x0] =	vst.idx.msk @!p1 vm1, v12  }
0x1fa: {  	p0 =	sne.s32 s14, $0x2000;
	s18 =	smov.u32 s15;
	v12 =	vld [tilespmem:s16+$0xFFFFC000]  }
0x1fb: {  	v13 =	vld [tilespmem:s16+$0xFFFFE000]  }
0x1fc: {  	v14 =	vld [tilespmem:s16+$0x0]  }
0x1fd: {  	v15 =	vld [tilespmem:s16+$0x2000];
	_ =	sdelay $0x2  }
0x1fe: {  	vm1 =	vle.s32 v12, v4;
	vm2 =	vle.s32 v4, v13  }
0x1ff: {  	vm1 =	vmand vm1, vm2;
	vm2 =	vle.s32 v14, v8  }
0x200: {  	vm1 =	vmand vm1, vm2;
	vm2 =	vle.s32 v8, v15  }
0x201: {  	vm1 =	vmand vm1, vm2  }
0x202: {  	v12 =	vmpcnt.ones.xlane vm1;
	_ =	sdelay $0x1  }
0x203: {  	v12 =	vxor.u32 $0x80000000, v12  }
0x204: {  	(xrf0) =	vmax.scan.msk.u32 $0xffff, v12;
	_ =	sdelay $0x5  }
0x205: {  	v12, _, _ =	vpop (xrf0)  }
0x206: {  	(v2sf) =	vpush v12, $0xF;
	_ =	sdelay $0xe  }
0x207: {  	s15 =	spop (v2sf)  }
0x208: {  	s15 =	sxor.u32 $0x80000000, s15  }
0x209: {  	p1 =	slt.s32 s15, $0x1  }
0x20a: {  	v12 =	vimm.s32 @!p1 $0x0;
	p2 =	slt.s32 @!p1 s17, $0x200;
	v13 =	vlaneseq.u32 @!p1;
	s15 =	sadd.s32 @!p1 s17, s15  }
0x20b: {  	v14 =	vsel @!p1 vm1, $0x1, v12;
	p2 =	por !p2, p1;
	v12 =	vor.u32 @!p1 s19, v13;
	s15 =	smov.u32 @p1 s17  }
0x20c: {  	s18 =	simm.s32 @p2 $0x200;
	(xrf0) =	vadd.scan.msk.s32 @!p1 $0xffff, v14  }
0x20d: {  	v13 =	vmov @!p1 s18  }
0x20e: {  	v13 =	vadd.s32 @!p1 $0xFFFFFFFF, v13  }
0x20f: {  	v13 =	vbroadcast @!p1 v13, $0x0;
	_ =	sdelay $0x2  }
0x210: {  	v14, _, _ =	vpop @!p1 (xrf0)  }
.Ltmp10:
0x211: {  	v13 =	vadd.s32 @!p1 v14, v13;
	(pc) =	sbr.rel @p0 .LBB2_18-.Ltmp10, $2  }
0x212: {  	_ =	sdelay $0x2  }
0x213: {  	s18 =	simm.s32 @!p1 $0x8000  }
0x214: {  	p0 =	slt.s32 s15, $0x1  }
.Ltmp11:
0x215: {  	_ = 	snop;
	(pc) =	sbr.rel @p0 .LBB2_21-.Ltmp11, $2  }
0x216: {  	_ =	sdelay $0x2  }
0x217: {  	[tilespmem:v13+s18+$0x0] =	vst.idx.msk @!p1 vm1, v12  }
0x218: {  	[tilespmem:s11], [sflag:$0x1] =	stream.indirect.gather [hbm4b:s1+s9], $0x10, s10, s9, $0xb8;
	[tilespmem:$0xA220] =	vst v63  }
0x219: {  	_ =	swait.ge [sflag:s12], $0x800  }
0x21a: {  	[sflag:s12] =	ssyncset.done $0x0  }
0x21b: {  	s14 =	rddreg [dreg:$0x13];
	[sflag:s12] =	ssyncadd.s32 $0xFFFFF800  }
0x21c: {  	[hbm4b:s14+s2] =	stream.linear.scatter [tilespmem:s11], [sflag:$0x2], $0x800, $0x38;
	[tilespmem:$0xA220] =	vst v63  }
0x21d: {  	p0 =	slt.u32 s15, $0x81;
	_ =	swait.ge [sflag:s8], $0x800  }
0x21e: {  	s16 =	simm.s32 @!p0 $0x8080;
	[sflag:s8] =	ssyncset.done $0x0  }
0x21f: {  	s17 =	simm.s32 @!p0 $0x8A10;
	s14 =	simm.s32 @!p0 $0x80;
	[sflag:s8] =	ssyncadd.s32 $0xFFFFF800  }
0x220: {  	[tilespmem:s17], [sflag:$0x1] =	stream.indirect.gather @!p0 [hbm4b:s1+s14], $0x10, s16, s14, $0xb8;
	[tilespmem:$0xA220] =	vst v63  }
0x221: {  	s14 =	simm.s32 @!p0 $0x1  }
0x222: {  	_ =	swait.ge @!p0 [sflag:s14], $0x800  }
0x223: {  	[sflag:s14] =	ssyncset.done @!p0 $0x0  }
0x224: {  	[sflag:s14] =	ssyncadd.s32 @!p0 $0xFFFFF800;
	s14 =	simm.s32 @!p0 $0x0  }
0x225: {  	[hbm4b:s20+s14] =	stream.linear.scatter @!p0 [tilespmem:s17], [sflag:$0x2], $0x800, $0x38;
	[tilespmem:$0xA220] =	vst v63  }
0x226: {  	p1 =	slt.u32 @!p0 s15, $0x101;
	s14 =	simm.s32 @!p0 $0x2  }
0x227: {  	p2 =	por p1, p0;
	_ =	swait.ge @!p0 [sflag:s14], $0x800  }
0x228: {  	s16 =	simm.s32 @!p2 $0x8100;
	[sflag:s14] =	ssyncset.done @!p0 $0x0  }
0x229: {  	s17 =	simm.s32 @!p2 $0x9210;
	[sflag:s14] =	ssyncadd.s32 @!p0 $0xFFFFF800;
	s14 =	simm.s32 @!p2 $0x80  }
0x22a: {  	[tilespmem:s17], [sflag:$0x1] =	stream.indirect.gather @!p2 [hbm4b:s1+s14], $0x10, s16, s14, $0xb8;
	[tilespmem:$0xA220] =	vst v63  }
0x22b: {  	s14 =	simm.s32 @!p2 $0x1  }
0x22c: {  	_ =	swait.ge @!p2 [sflag:s14], $0x800  }
0x22d: {  	[sflag:s14] =	ssyncset.done @!p2 $0x0  }
0x22e: {  	p3 =	slt.u32 @!p2 s15, $0x181;
	[sflag:s14] =	ssyncadd.s32 @!p2 $0xFFFFF800;
	s14 =	simm.s32 @!p2 $0x0  }
0x22f: {  	[hbm4b:s21+s14] =	stream.linear.scatter @!p2 [tilespmem:s17], [sflag:$0x2], $0x800, $0x38;
	[tilespmem:$0xA220] =	vst v63  }
0x230: {  	p1 =	por @!p0 p3, p1;
	s14 =	simm.s32 @!p2 $0x2  }
0x231: {  	p0 =	por p1, p0;
	_ =	swait.ge @!p2 [sflag:s14], $0x800  }
0x232: {  	s16 =	simm.s32 @!p0 $0x8180;
	[sflag:s14] =	ssyncset.done @!p2 $0x0  }
0x233: {  	s17 =	simm.s32 @!p0 $0x9A10;
	[sflag:s14] =	ssyncadd.s32 @!p2 $0xFFFFF800;
	s14 =	simm.s32 @!p0 $0x80  }
0x234: {  	[tilespmem:s17], [sflag:$0x1] =	stream.indirect.gather @!p0 [hbm4b:s1+s14], $0x10, s16, s14, $0xb8;
	[tilespmem:$0xA220] =	vst v63  }
0x235: {  	s14 =	simm.s32 @!p0 $0x1  }
0x236: {  	_ =	swait.ge @!p0 [sflag:s14], $0x800  }
0x237: {  	[sflag:s14] =	ssyncset.done @!p0 $0x0  }
0x238: {  	[sflag:s14] =	ssyncadd.s32 @!p0 $0xFFFFF800;
	s14 =	simm.s32 @!p0 $0x0  }
0x239: {  	[hbm4b:s22+s14] =	stream.linear.scatter @!p0 [tilespmem:s17], [sflag:$0x2], $0x800, $0x38;
	[tilespmem:$0xA220] =	vst v63  }
0x23a: {  	s14 =	simm.s32 @!p0 $0x2  }
0x23b: {  	_ =	swait.ge @!p0 [sflag:s14], $0x800  }
0x23c: {  	[sflag:s14] =	ssyncset.done @!p0 $0x0  }
0x23d: {  	[sflag:s14] =	ssyncadd.s32 @!p0 $0xFFFFF800  }
.LBB2_21:
0x23e: {  	s16 =	simm.s32 $0x4000  }
0x23f: {  	v12 =	vld [tilespmem:s16+$0xFFFFC000]  }
0x240: {  	v13 =	vld [tilespmem:s16+$0xFFFFE000]  }
0x241: {  	v14 =	vld [tilespmem:s16+$0x0]  }
0x242: {  	v15 =	vld [tilespmem:s16+$0x2000];
	_ =	sdelay $0x2  }
0x243: {  	vm1 =	vle.s32 v12, v5;
	vm2 =	vle.s32 v5, v13  }
0x244: {  	vm1 =	vmand vm1, vm2;
	vm2 =	vle.s32 v14, v8  }
0x245: {  	vm1 =	vmand vm1, vm2;
	vm2 =	vle.s32 v8, v15  }
0x246: {  	vm1 =	vmand vm1, vm2  }
0x247: {  	v12 =	vmpcnt.ones.xlane vm1;
	_ =	sdelay $0x1  }
0x248: {  	v12 =	vxor.u32 $0x80000000, v12  }
0x249: {  	(xrf0) =	vmax.scan.msk.u32 $0xffff, v12;
	_ =	sdelay $0x5  }
0x24a: {  	v12, _, _ =	vpop (xrf0)  }
0x24b: {  	(v2sf) =	vpush v12, $0xF;
	_ =	sdelay $0xe  }
0x24c: {  	s14 =	spop (v2sf)  }
0x24d: {  	s14 =	sxor.u32 $0x80000000, s14  }
0x24e: {  	p1 =	slt.s32 s14, $0x1  }
0x24f: {  	v12 =	vimm.s32 @!p1 $0x0  }
0x250: {  	v12 =	vsel @!p1 vm1, $0x1, v12  }
0x251: {  	p0 =	por @!p1 $0x1, $0x1;
	(xrf0) =	vadd.scan.msk.s32 @!p1 $0xffff, v12  }
0x252: {  	s17 =	simm.s32 $0x0;
	v13 =	vlaneseq.u32 @!p1;
	s14 =	sadd.s32 @!p1 $0x0, s14;
	p0 =	por !p0, p1  }
0x253: {  	s14 =	smov.u32 @p1 s17;
	v12 =	vor.u32 @!p1 s17, v13;
	s17 =	simm.s32 @p0 $0x200  }
0x254: {  	v13 =	vmov @!p1 s17  }
0x255: {  	v13 =	vadd.s32 @!p1 $0xFFFFFFFF, v13  }
0x256: {  	v13 =	vbroadcast @!p1 v13, $0x0  }
0x257: {  	v14, _, _ =	vpop @!p1 (xrf0)  }
0x258: {  	v13 =	vadd.s32 @!p1 v14, v13;
	_ =	sdelay $0x1  }
0x259: {  	vm2 =	veq.s32 v10, $0x4  }
0x25a: {  	v11 =	vsel vm2, s15, v11;
	s15 =	simm.s32 $0x10;
	s18 =	simm.s32 @!p1 $0x8000  }
.LBB2_22:
0x25b: {  	s17 =	smov.u32 s14  }
0x25c: {  	s16 =	sadd.s32 $0x10, s16;
	s19 =	smov.u32 s15;
	s15 =	sadd.s32 $0x10, s15;
	[tilespmem:v13+s18+$0x0] =	vst.idx.msk @!p1 vm1, v12  }
0x25d: {  	p0 =	sne.s32 s15, $0x2000;
	s18 =	smov.u32 s14;
	v12 =	vld [tilespmem:s16+$0xFFFFC000]  }
0x25e: {  	v13 =	vld [tilespmem:s16+$0xFFFFE000]  }
0x25f: {  	v14 =	vld [tilespmem:s16+$0x0]  }
0x260: {  	v15 =	vld [tilespmem:s16+$0x2000];
	_ =	sdelay $0x2  }
0x261: {  	vm1 =	vle.s32 v12, v5;
	vm2 =	vle.s32 v5, v13  }
0x262: {  	vm1 =	vmand vm1, vm2;
	vm2 =	vle.s32 v14, v8  }
0x263: {  	vm1 =	vmand vm1, vm2;
	vm2 =	vle.s32 v8, v15  }
0x264: {  	vm1 =	vmand vm1, vm2  }
0x265: {  	v12 =	vmpcnt.ones.xlane vm1;
	_ =	sdelay $0x1  }
0x266: {  	v12 =	vxor.u32 $0x80000000, v12  }
0x267: {  	(xrf0) =	vmax.scan.msk.u32 $0xffff, v12;
	_ =	sdelay $0x5  }
0x268: {  	v12, _, _ =	vpop (xrf0)  }
0x269: {  	(v2sf) =	vpush v12, $0xF;
	_ =	sdelay $0xe  }
0x26a: {  	s14 =	spop (v2sf)  }
0x26b: {  	s14 =	sxor.u32 $0x80000000, s14  }
0x26c: {  	p1 =	slt.s32 s14, $0x1  }
0x26d: {  	v12 =	vimm.s32 @!p1 $0x0;
	p2 =	slt.s32 @!p1 s17, $0x200;
	v13 =	vlaneseq.u32 @!p1;
	s14 =	sadd.s32 @!p1 s17, s14  }
0x26e: {  	v14 =	vsel @!p1 vm1, $0x1, v12;
	p2 =	por !p2, p1;
	v12 =	vor.u32 @!p1 s19, v13;
	s14 =	smov.u32 @p1 s17  }
0x26f: {  	s18 =	simm.s32 @p2 $0x200;
	(xrf0) =	vadd.scan.msk.s32 @!p1 $0xffff, v14  }
0x270: {  	v13 =	vmov @!p1 s18  }
0x271: {  	v13 =	vadd.s32 @!p1 $0xFFFFFFFF, v13  }
0x272: {  	v13 =	vbroadcast @!p1 v13, $0x0;
	_ =	sdelay $0x2  }
0x273: {  	v14, _, _ =	vpop @!p1 (xrf0)  }
.Ltmp12:
0x274: {  	v13 =	vadd.s32 @!p1 v14, v13;
	(pc) =	sbr.rel @p0 .LBB2_22-.Ltmp12, $2  }
0x275: {  	_ =	sdelay $0x2  }
0x276: {  	s18 =	simm.s32 @!p1 $0x8000  }
0x277: {  	p0 =	slt.s32 s14, $0x1  }
.Ltmp13:
0x278: {  	_ = 	snop;
	(pc) =	sbr.rel @p0 .LBB2_25-.Ltmp13, $2  }
0x279: {  	_ =	sdelay $0x2  }
0x27a: {  	[tilespmem:v13+s18+$0x0] =	vst.idx.msk @!p1 vm1, v12  }
0x27b: {  	[tilespmem:s11], [sflag:$0x1] =	stream.indirect.gather [hbm4b:s1+s9], $0x10, s10, s9, $0xb8;
	[tilespmem:$0xA220] =	vst v63  }
0x27c: {  	_ =	swait.ge [sflag:s12], $0x800  }
0x27d: {  	[sflag:s12] =	ssyncset.done $0x0  }
0x27e: {  	[sflag:s12] =	ssyncadd.s32 $0xFFFFF800  }
0x27f: {  	[hbm4b:s23+s2] =	stream.linear.scatter [tilespmem:s11], [sflag:$0x2], $0x800, $0x38;
	[tilespmem:$0xA220] =	vst v63  }
0x280: {  	p0 =	slt.u32 s14, $0x81;
	_ =	swait.ge [sflag:s8], $0x800  }
0x281: {  	s15 =	simm.s32 @!p0 $0x80;
	[sflag:s8] =	ssyncset.done $0x0  }
0x282: {  	s16 =	simm.s32 @!p0 $0x8080;
	s17 =	simm.s32 @!p0 $0x8A10;
	[sflag:s8] =	ssyncadd.s32 $0xFFFFF800  }
0x283: {  	[tilespmem:s17], [sflag:$0x1] =	stream.indirect.gather @!p0 [hbm4b:s1+s15], $0x10, s16, s15, $0xb8;
	[tilespmem:$0xA220] =	vst v63  }
0x284: {  	s15 =	simm.s32 @!p0 $0x1  }
0x285: {  	_ =	swait.ge @!p0 [sflag:s15], $0x800  }
0x286: {  	[sflag:s15] =	ssyncset.done @!p0 $0x0  }
0x287: {  	[sflag:s15] =	ssyncadd.s32 @!p0 $0xFFFFF800;
	s15 =	simm.s32 @!p0 $0x0  }
0x288: {  	[hbm4b:s24+s15] =	stream.linear.scatter @!p0 [tilespmem:s17], [sflag:$0x2], $0x800, $0x38;
	[tilespmem:$0xA220] =	vst v63  }
0x289: {  	p1 =	slt.u32 @!p0 s14, $0x101;
	s15 =	simm.s32 @!p0 $0x2  }
0x28a: {  	p2 =	por p1, p0;
	_ =	swait.ge @!p0 [sflag:s15], $0x800  }
0x28b: {  	s16 =	simm.s32 @!p2 $0x8100;
	[sflag:s15] =	ssyncset.done @!p0 $0x0  }
0x28c: {  	s17 =	simm.s32 @!p2 $0x9210;
	[sflag:s15] =	ssyncadd.s32 @!p0 $0xFFFFF800;
	s15 =	simm.s32 @!p2 $0x80  }
0x28d: {  	[tilespmem:s17], [sflag:$0x1] =	stream.indirect.gather @!p2 [hbm4b:s1+s15], $0x10, s16, s15, $0xb8;
	[tilespmem:$0xA220] =	vst v63  }
0x28e: {  	s15 =	simm.s32 @!p2 $0x1  }
0x28f: {  	_ =	swait.ge @!p2 [sflag:s15], $0x800  }
0x290: {  	[sflag:s15] =	ssyncset.done @!p2 $0x0  }
0x291: {  	p3 =	slt.u32 @!p2 s14, $0x181;
	[sflag:s15] =	ssyncadd.s32 @!p2 $0xFFFFF800;
	s15 =	simm.s32 @!p2 $0x0  }
0x292: {  	[hbm4b:s25+s15] =	stream.linear.scatter @!p2 [tilespmem:s17], [sflag:$0x2], $0x800, $0x38;
	[tilespmem:$0xA220] =	vst v63  }
0x293: {  	p1 =	por @!p0 p3, p1;
	s15 =	simm.s32 @!p2 $0x2  }
0x294: {  	p0 =	por p1, p0;
	_ =	swait.ge @!p2 [sflag:s15], $0x800  }
0x295: {  	s16 =	simm.s32 @!p0 $0x8180;
	[sflag:s15] =	ssyncset.done @!p2 $0x0  }
0x296: {  	s17 =	simm.s32 @!p0 $0x9A10;
	[sflag:s15] =	ssyncadd.s32 @!p2 $0xFFFFF800;
	s15 =	simm.s32 @!p0 $0x80  }
0x297: {  	[tilespmem:s17], [sflag:$0x1] =	stream.indirect.gather @!p0 [hbm4b:s1+s15], $0x10, s16, s15, $0xb8;
	[tilespmem:$0xA220] =	vst v63  }
0x298: {  	s15 =	simm.s32 @!p0 $0x1  }
0x299: {  	_ =	swait.ge @!p0 [sflag:s15], $0x800  }
0x29a: {  	[sflag:s15] =	ssyncset.done @!p0 $0x0  }
0x29b: {  	[sflag:s15] =	ssyncadd.s32 @!p0 $0xFFFFF800;
	s15 =	simm.s32 @!p0 $0x0  }
0x29c: {  	[hbm4b:s26+s15] =	stream.linear.scatter @!p0 [tilespmem:s17], [sflag:$0x2], $0x800, $0x38;
	[tilespmem:$0xA220] =	vst v63  }
0x29d: {  	s15 =	simm.s32 @!p0 $0x2  }
0x29e: {  	_ =	swait.ge @!p0 [sflag:s15], $0x800  }
0x29f: {  	[sflag:s15] =	ssyncset.done @!p0 $0x0  }
0x2a0: {  	[sflag:s15] =	ssyncadd.s32 @!p0 $0xFFFFF800  }
.LBB2_25:
0x2a1: {  	s16 =	simm.s32 $0x4000  }
0x2a2: {  	v12 =	vld [tilespmem:s16+$0xFFFFC000]  }
0x2a3: {  	v13 =	vld [tilespmem:s16+$0xFFFFE000]  }
0x2a4: {  	v14 =	vld [tilespmem:s16+$0x0]  }
0x2a5: {  	v15 =	vld [tilespmem:s16+$0x2000];
	_ =	sdelay $0x2  }
0x2a6: {  	vm1 =	vle.s32 v12, v6;
	vm2 =	vle.s32 v6, v13  }
0x2a7: {  	vm1 =	vmand vm1, vm2;
	vm2 =	vle.s32 v14, v8  }
0x2a8: {  	vm1 =	vmand vm1, vm2;
	vm2 =	vle.s32 v8, v15  }
0x2a9: {  	vm1 =	vmand vm1, vm2  }
0x2aa: {  	v12 =	vmpcnt.ones.xlane vm1;
	_ =	sdelay $0x1  }
0x2ab: {  	v12 =	vxor.u32 $0x80000000, v12  }
0x2ac: {  	(xrf0) =	vmax.scan.msk.u32 $0xffff, v12;
	_ =	sdelay $0x5  }
0x2ad: {  	v12, _, _ =	vpop (xrf0)  }
0x2ae: {  	(v2sf) =	vpush v12, $0xF;
	_ =	sdelay $0xe  }
0x2af: {  	s15 =	spop (v2sf)  }
0x2b0: {  	s15 =	sxor.u32 $0x80000000, s15  }
0x2b1: {  	p1 =	slt.s32 s15, $0x1  }
0x2b2: {  	v12 =	vimm.s32 @!p1 $0x0  }
0x2b3: {  	v12 =	vsel @!p1 vm1, $0x1, v12  }
0x2b4: {  	p0 =	por @!p1 $0x1, $0x1;
	(xrf0) =	vadd.scan.msk.s32 @!p1 $0xffff, v12  }
0x2b5: {  	s17 =	simm.s32 $0x0;
	v13 =	vlaneseq.u32 @!p1;
	s15 =	sadd.s32 @!p1 $0x0, s15;
	p0 =	por !p0, p1  }
0x2b6: {  	s15 =	smov.u32 @p1 s17;
	v12 =	vor.u32 @!p1 s17, v13;
	s17 =	simm.s32 @p0 $0x200  }
0x2b7: {  	v13 =	vmov @!p1 s17  }
0x2b8: {  	v13 =	vadd.s32 @!p1 $0xFFFFFFFF, v13  }
0x2b9: {  	v13 =	vbroadcast @!p1 v13, $0x0  }
0x2ba: {  	v14, _, _ =	vpop @!p1 (xrf0)  }
0x2bb: {  	v13 =	vadd.s32 @!p1 v14, v13;
	_ =	sdelay $0x1  }
0x2bc: {  	vm2 =	veq.s32 v10, $0x5  }
0x2bd: {  	v11 =	vsel vm2, s14, v11;
	s14 =	simm.s32 $0x10;
	s18 =	simm.s32 @!p1 $0x8000  }
.LBB2_26:
0x2be: {  	s17 =	smov.u32 s15  }
0x2bf: {  	s16 =	sadd.s32 $0x10, s16;
	s19 =	smov.u32 s14;
	s14 =	sadd.s32 $0x10, s14;
	[tilespmem:v13+s18+$0x0] =	vst.idx.msk @!p1 vm1, v12  }
0x2c0: {  	p0 =	sne.s32 s14, $0x2000;
	s18 =	smov.u32 s15;
	v12 =	vld [tilespmem:s16+$0xFFFFC000]  }
0x2c1: {  	v13 =	vld [tilespmem:s16+$0xFFFFE000]  }
0x2c2: {  	v14 =	vld [tilespmem:s16+$0x0]  }
0x2c3: {  	v15 =	vld [tilespmem:s16+$0x2000];
	_ =	sdelay $0x2  }
0x2c4: {  	vm1 =	vle.s32 v12, v6;
	vm2 =	vle.s32 v6, v13  }
0x2c5: {  	vm1 =	vmand vm1, vm2;
	vm2 =	vle.s32 v14, v8  }
0x2c6: {  	vm1 =	vmand vm1, vm2;
	vm2 =	vle.s32 v8, v15  }
0x2c7: {  	vm1 =	vmand vm1, vm2  }
0x2c8: {  	v12 =	vmpcnt.ones.xlane vm1;
	_ =	sdelay $0x1  }
0x2c9: {  	v12 =	vxor.u32 $0x80000000, v12  }
0x2ca: {  	(xrf0) =	vmax.scan.msk.u32 $0xffff, v12;
	_ =	sdelay $0x5  }
0x2cb: {  	v12, _, _ =	vpop (xrf0)  }
0x2cc: {  	(v2sf) =	vpush v12, $0xF;
	_ =	sdelay $0xe  }
0x2cd: {  	s15 =	spop (v2sf)  }
0x2ce: {  	s15 =	sxor.u32 $0x80000000, s15  }
0x2cf: {  	p1 =	slt.s32 s15, $0x1  }
0x2d0: {  	v12 =	vimm.s32 @!p1 $0x0;
	p2 =	slt.s32 @!p1 s17, $0x200;
	v13 =	vlaneseq.u32 @!p1;
	s15 =	sadd.s32 @!p1 s17, s15  }
0x2d1: {  	v14 =	vsel @!p1 vm1, $0x1, v12;
	p2 =	por !p2, p1;
	v12 =	vor.u32 @!p1 s19, v13;
	s15 =	smov.u32 @p1 s17  }
0x2d2: {  	s18 =	simm.s32 @p2 $0x200;
	(xrf0) =	vadd.scan.msk.s32 @!p1 $0xffff, v14  }
0x2d3: {  	v13 =	vmov @!p1 s18  }
0x2d4: {  	v13 =	vadd.s32 @!p1 $0xFFFFFFFF, v13  }
0x2d5: {  	v13 =	vbroadcast @!p1 v13, $0x0;
	_ =	sdelay $0x2  }
0x2d6: {  	v14, _, _ =	vpop @!p1 (xrf0)  }
.Ltmp14:
0x2d7: {  	v13 =	vadd.s32 @!p1 v14, v13;
	(pc) =	sbr.rel @p0 .LBB2_26-.Ltmp14, $2  }
0x2d8: {  	_ =	sdelay $0x2  }
0x2d9: {  	s18 =	simm.s32 @!p1 $0x8000  }
0x2da: {  	p0 =	slt.s32 s15, $0x1  }
.Ltmp15:
0x2db: {  	_ = 	snop;
	(pc) =	sbr.rel @p0 .LBB2_29-.Ltmp15, $2  }
0x2dc: {  	_ =	sdelay $0x2  }
0x2dd: {  	[tilespmem:v13+s18+$0x0] =	vst.idx.msk @!p1 vm1, v12  }
0x2de: {  	[tilespmem:s11], [sflag:$0x1] =	stream.indirect.gather [hbm4b:s1+s9], $0x10, s10, s9, $0xb8;
	[tilespmem:$0xA220] =	vst v63  }
0x2df: {  	_ =	swait.ge [sflag:s12], $0x800  }
0x2e0: {  	[sflag:s12] =	ssyncset.done $0x0  }
0x2e1: {  	[sflag:s12] =	ssyncadd.s32 $0xFFFFF800  }
0x2e2: {  	[hbm4b:s28+s2] =	stream.linear.scatter [tilespmem:s11], [sflag:$0x2], $0x800, $0x38;
	[tilespmem:$0xA220] =	vst v63  }
0x2e3: {  	p0 =	slt.u32 s15, $0x81;
	_ =	swait.ge [sflag:s8], $0x800  }
0x2e4: {  	s14 =	simm.s32 @!p0 $0x80;
	[sflag:s8] =	ssyncset.done $0x0  }
0x2e5: {  	s16 =	simm.s32 @!p0 $0x8080;
	s17 =	simm.s32 @!p0 $0x8A10;
	[sflag:s8] =	ssyncadd.s32 $0xFFFFF800  }
0x2e6: {  	[tilespmem:s17], [sflag:$0x1] =	stream.indirect.gather @!p0 [hbm4b:s1+s14], $0x10, s16, s14, $0xb8;
	[tilespmem:$0xA220] =	vst v63  }
0x2e7: {  	s14 =	simm.s32 @!p0 $0x1  }
0x2e8: {  	_ =	swait.ge @!p0 [sflag:s14], $0x800  }
0x2e9: {  	[sflag:s14] =	ssyncset.done @!p0 $0x0  }
0x2ea: {  	[sflag:s14] =	ssyncadd.s32 @!p0 $0xFFFFF800;
	s14 =	simm.s32 @!p0 $0x0  }
0x2eb: {  	[hbm4b:s29+s14] =	stream.linear.scatter @!p0 [tilespmem:s17], [sflag:$0x2], $0x800, $0x38;
	[tilespmem:$0xA220] =	vst v63  }
0x2ec: {  	p1 =	slt.u32 @!p0 s15, $0x101;
	s14 =	simm.s32 @!p0 $0x2  }
0x2ed: {  	p2 =	por p1, p0;
	_ =	swait.ge @!p0 [sflag:s14], $0x800  }
0x2ee: {  	s16 =	simm.s32 @!p2 $0x8100;
	[sflag:s14] =	ssyncset.done @!p0 $0x0  }
0x2ef: {  	s17 =	simm.s32 @!p2 $0x9210;
	[sflag:s14] =	ssyncadd.s32 @!p0 $0xFFFFF800;
	s14 =	simm.s32 @!p2 $0x80  }
0x2f0: {  	[tilespmem:s17], [sflag:$0x1] =	stream.indirect.gather @!p2 [hbm4b:s1+s14], $0x10, s16, s14, $0xb8;
	[tilespmem:$0xA220] =	vst v63  }
0x2f1: {  	s14 =	simm.s32 @!p2 $0x1  }
0x2f2: {  	_ =	swait.ge @!p2 [sflag:s14], $0x800  }
0x2f3: {  	[sflag:s14] =	ssyncset.done @!p2 $0x0  }
0x2f4: {  	p3 =	slt.u32 @!p2 s15, $0x181;
	[sflag:s14] =	ssyncadd.s32 @!p2 $0xFFFFF800;
	s14 =	simm.s32 @!p2 $0x0  }
0x2f5: {  	[hbm4b:s30+s14] =	stream.linear.scatter @!p2 [tilespmem:s17], [sflag:$0x2], $0x800, $0x38;
	[tilespmem:$0xA220] =	vst v63  }
0x2f6: {  	p1 =	por @!p0 p3, p1;
	s14 =	simm.s32 @!p2 $0x2  }
0x2f7: {  	p0 =	por p1, p0;
	_ =	swait.ge @!p2 [sflag:s14], $0x800  }
0x2f8: {  	s16 =	simm.s32 @!p0 $0x8180;
	[sflag:s14] =	ssyncset.done @!p2 $0x0  }
0x2f9: {  	s17 =	simm.s32 @!p0 $0x9A10;
	[sflag:s14] =	ssyncadd.s32 @!p2 $0xFFFFF800;
	s14 =	simm.s32 @!p0 $0x80  }
0x2fa: {  	[tilespmem:s17], [sflag:$0x1] =	stream.indirect.gather @!p0 [hbm4b:s1+s14], $0x10, s16, s14, $0xb8;
	[tilespmem:$0xA220] =	vst v63  }
0x2fb: {  	s14 =	simm.s32 @!p0 $0x1  }
0x2fc: {  	_ =	swait.ge @!p0 [sflag:s14], $0x800  }
0x2fd: {  	[sflag:s14] =	ssyncset.done @!p0 $0x0  }
0x2fe: {  	[sflag:s14] =	ssyncadd.s32 @!p0 $0xFFFFF800;
	s14 =	simm.s32 @!p0 $0x0  }
0x2ff: {  	[hbm4b:s31+s14] =	stream.linear.scatter @!p0 [tilespmem:s17], [sflag:$0x2], $0x800, $0x38;
	[tilespmem:$0xA220] =	vst v63  }
0x300: {  	s14 =	simm.s32 @!p0 $0x2  }
0x301: {  	_ =	swait.ge @!p0 [sflag:s14], $0x800  }
0x302: {  	[sflag:s14] =	ssyncset.done @!p0 $0x0  }
0x303: {  	[sflag:s14] =	ssyncadd.s32 @!p0 $0xFFFFF800  }
.LBB2_29:
0x304: {  	s14 =	simm.s32 $0x4000  }
0x305: {  	v12 =	vld [tilespmem:s14+$0xFFFFC000]  }
0x306: {  	v13 =	vld [tilespmem:s14+$0xFFFFE000]  }
0x307: {  	v14 =	vld [tilespmem:s14+$0x0]  }
0x308: {  	v15 =	vld [tilespmem:s14+$0x2000];
	_ =	sdelay $0x2  }
0x309: {  	vm1 =	vle.s32 v12, v7;
	vm2 =	vle.s32 v7, v13  }
0x30a: {  	vm1 =	vmand vm1, vm2;
	vm2 =	vle.s32 v14, v8  }
0x30b: {  	vm1 =	vmand vm1, vm2;
	vm2 =	vle.s32 v8, v15  }
0x30c: {  	vm1 =	vmand vm1, vm2  }
0x30d: {  	v12 =	vmpcnt.ones.xlane vm1;
	_ =	sdelay $0x1  }
0x30e: {  	v12 =	vxor.u32 $0x80000000, v12  }
0x30f: {  	(xrf0) =	vmax.scan.msk.u32 $0xffff, v12;
	_ =	sdelay $0x5  }
0x310: {  	v12, _, _ =	vpop (xrf0)  }
0x311: {  	(v2sf) =	vpush v12, $0xF;
	_ =	sdelay $0xe  }
0x312: {  	s16 =	spop (v2sf)  }
0x313: {  	s16 =	sxor.u32 $0x80000000, s16  }
0x314: {  	p1 =	slt.s32 s16, $0x1  }
0x315: {  	v12 =	vimm.s32 @!p1 $0x0  }
0x316: {  	v12 =	vsel @!p1 vm1, $0x1, v12  }
0x317: {  	p0 =	por @!p1 $0x1, $0x1;
	(xrf0) =	vadd.scan.msk.s32 @!p1 $0xffff, v12  }
0x318: {  	s17 =	simm.s32 $0x0;
	v13 =	vlaneseq.u32 @!p1;
	s16 =	sadd.s32 @!p1 $0x0, s16;
	p0 =	por !p0, p1  }
0x319: {  	s16 =	smov.u32 @p1 s17;
	v12 =	vor.u32 @!p1 s17, v13;
	s17 =	simm.s32 @p0 $0x200  }
0x31a: {  	v13 =	vmov @!p1 s17  }
0x31b: {  	v13 =	vadd.s32 @!p1 $0xFFFFFFFF, v13  }
0x31c: {  	v13 =	vbroadcast @!p1 v13, $0x0  }
0x31d: {  	v14, _, _ =	vpop @!p1 (xrf0)  }
0x31e: {  	v13 =	vadd.s32 @!p1 v14, v13;
	_ =	sdelay $0x1  }
0x31f: {  	vm2 =	veq.s32 v10, $0x6  }
0x320: {  	v11 =	vsel vm2, s15, v11;
	s15 =	simm.s32 $0x10;
	s18 =	simm.s32 @!p1 $0x8000  }
.LBB2_30:
0x321: {  	s17 =	smov.u32 s16  }
0x322: {  	s14 =	sadd.s32 $0x10, s14;
	s19 =	smov.u32 s15;
	s15 =	sadd.s32 $0x10, s15;
	[tilespmem:v13+s18+$0x0] =	vst.idx.msk @!p1 vm1, v12  }
0x323: {  	p0 =	sne.s32 s15, $0x2000;
	s18 =	smov.u32 s16;
	v12 =	vld [tilespmem:s14+$0xFFFFC000]  }
0x324: {  	v13 =	vld [tilespmem:s14+$0xFFFFE000]  }
0x325: {  	v14 =	vld [tilespmem:s14+$0x0]  }
0x326: {  	v15 =	vld [tilespmem:s14+$0x2000];
	_ =	sdelay $0x2  }
0x327: {  	vm1 =	vle.s32 v12, v7;
	vm2 =	vle.s32 v7, v13  }
0x328: {  	vm1 =	vmand vm1, vm2;
	vm2 =	vle.s32 v14, v8  }
0x329: {  	vm1 =	vmand vm1, vm2;
	vm2 =	vle.s32 v8, v15  }
0x32a: {  	vm1 =	vmand vm1, vm2  }
0x32b: {  	v12 =	vmpcnt.ones.xlane vm1;
	_ =	sdelay $0x1  }
0x32c: {  	v12 =	vxor.u32 $0x80000000, v12  }
0x32d: {  	(xrf0) =	vmax.scan.msk.u32 $0xffff, v12;
	_ =	sdelay $0x5  }
0x32e: {  	v12, _, _ =	vpop (xrf0)  }
0x32f: {  	(v2sf) =	vpush v12, $0xF;
	_ =	sdelay $0xe  }
0x330: {  	s16 =	spop (v2sf)  }
0x331: {  	s16 =	sxor.u32 $0x80000000, s16  }
0x332: {  	p1 =	slt.s32 s16, $0x1  }
0x333: {  	v12 =	vimm.s32 @!p1 $0x0;
	p2 =	slt.s32 @!p1 s17, $0x200;
	v13 =	vlaneseq.u32 @!p1;
	s16 =	sadd.s32 @!p1 s17, s16  }
0x334: {  	v14 =	vsel @!p1 vm1, $0x1, v12;
	p2 =	por !p2, p1;
	v12 =	vor.u32 @!p1 s19, v13;
	s16 =	smov.u32 @p1 s17  }
0x335: {  	s18 =	simm.s32 @p2 $0x200;
	(xrf0) =	vadd.scan.msk.s32 @!p1 $0xffff, v14  }
0x336: {  	v13 =	vmov @!p1 s18  }
0x337: {  	v13 =	vadd.s32 @!p1 $0xFFFFFFFF, v13  }
0x338: {  	v13 =	vbroadcast @!p1 v13, $0x0;
	_ =	sdelay $0x2  }
0x339: {  	v14, _, _ =	vpop @!p1 (xrf0)  }
.Ltmp16:
0x33a: {  	v13 =	vadd.s32 @!p1 v14, v13;
	(pc) =	sbr.rel @p0 .LBB2_30-.Ltmp16, $2  }
0x33b: {  	_ =	sdelay $0x2  }
0x33c: {  	s18 =	simm.s32 @!p1 $0x8000  }
0x33d: {  	p0 =	slt.s32 s16, $0x1  }
.Ltmp17:
0x33e: {  	_ = 	snop;
	(pc) =	sbr.rel @p0 .LBB2_33-.Ltmp17, $2  }
0x33f: {  	_ =	sdelay $0x2  }
0x340: {  	[tilespmem:v13+s18+$0x0] =	vst.idx.msk @!p1 vm1, v12  }
0x341: {  	[tilespmem:s11], [sflag:$0x1] =	stream.indirect.gather [hbm4b:s1+s9], $0x10, s10, s9, $0xb8;
	[tilespmem:$0xA220] =	vst v63  }
0x342: {  	_ =	swait.ge [sflag:s12], $0x800  }
0x343: {  	[sflag:s12] =	ssyncset.done $0x0  }
0x344: {  	[sflag:s12] =	ssyncadd.s32 $0xFFFFF800  }
0x345: {  	[hbm4b:s0+s2] =	stream.linear.scatter [tilespmem:s11], [sflag:$0x2], $0x800, $0x38;
	[tilespmem:$0xA220] =	vst v63  }
0x346: {  	p0 =	slt.u32 s16, $0x81;
	_ =	swait.ge [sflag:s8], $0x800  }
0x347: {  	s14 =	simm.s32 @!p0 $0x80;
	[sflag:s8] =	ssyncset.done $0x0  }
0x348: {  	s15 =	simm.s32 @!p0 $0x8080;
	s17 =	simm.s32 @!p0 $0x8A10;
	[sflag:s8] =	ssyncadd.s32 $0xFFFFF800  }
0x349: {  	[tilespmem:s17], [sflag:$0x1] =	stream.indirect.gather @!p0 [hbm4b:s1+s14], $0x10, s15, s14, $0xb8;
	[tilespmem:$0xA220] =	vst v63  }
0x34a: {  	s14 =	simm.s32 @!p0 $0x1  }
0x34b: {  	_ =	swait.ge @!p0 [sflag:s14], $0x800  }
0x34c: {  	[sflag:s14] =	ssyncset.done @!p0 $0x0  }
0x34d: {  	[sflag:s14] =	ssyncadd.s32 @!p0 $0xFFFFF800;
	s14 =	simm.s32 @!p0 $0x0  }
0x34e: {  	[hbm4b:s3+s14] =	stream.linear.scatter @!p0 [tilespmem:s17], [sflag:$0x2], $0x800, $0x38;
	[tilespmem:$0xA220] =	vst v63  }
0x34f: {  	p1 =	slt.u32 @!p0 s16, $0x101;
	s14 =	simm.s32 @!p0 $0x2  }
0x350: {  	p2 =	por p1, p0;
	_ =	swait.ge @!p0 [sflag:s14], $0x800  }
0x351: {  	s15 =	simm.s32 @!p2 $0x8100;
	[sflag:s14] =	ssyncset.done @!p0 $0x0  }
0x352: {  	s17 =	simm.s32 @!p2 $0x9210;
	[sflag:s14] =	ssyncadd.s32 @!p0 $0xFFFFF800;
	s14 =	simm.s32 @!p2 $0x80  }
0x353: {  	[tilespmem:s17], [sflag:$0x1] =	stream.indirect.gather @!p2 [hbm4b:s1+s14], $0x10, s15, s14, $0xb8;
	[tilespmem:$0xA220] =	vst v63  }
0x354: {  	s14 =	simm.s32 @!p2 $0x1  }
0x355: {  	_ =	swait.ge @!p2 [sflag:s14], $0x800  }
0x356: {  	[sflag:s14] =	ssyncset.done @!p2 $0x0  }
0x357: {  	p3 =	slt.u32 @!p2 s16, $0x181;
	[sflag:s14] =	ssyncadd.s32 @!p2 $0xFFFFF800;
	s14 =	simm.s32 @!p2 $0x0  }
0x358: {  	[hbm4b:s4+s14] =	stream.linear.scatter @!p2 [tilespmem:s17], [sflag:$0x2], $0x800, $0x38;
	[tilespmem:$0xA220] =	vst v63  }
0x359: {  	p1 =	por @!p0 p3, p1;
	s14 =	simm.s32 @!p2 $0x2  }
0x35a: {  	p0 =	por p1, p0;
	_ =	swait.ge @!p2 [sflag:s14], $0x800  }
0x35b: {  	s15 =	simm.s32 @!p0 $0x8180;
	[sflag:s14] =	ssyncset.done @!p2 $0x0  }
0x35c: {  	s17 =	simm.s32 @!p0 $0x9A10;
	[sflag:s14] =	ssyncadd.s32 @!p2 $0xFFFFF800;
	s14 =	simm.s32 @!p0 $0x80  }
0x35d: {  	[tilespmem:s17], [sflag:$0x1] =	stream.indirect.gather @!p0 [hbm4b:s1+s14], $0x10, s15, s14, $0xb8;
	[tilespmem:$0xA220] =	vst v63  }
0x35e: {  	s14 =	simm.s32 @!p0 $0x1  }
0x35f: {  	_ =	swait.ge @!p0 [sflag:s14], $0x800  }
0x360: {  	[sflag:s14] =	ssyncset.done @!p0 $0x0  }
0x361: {  	[sflag:s14] =	ssyncadd.s32 @!p0 $0xFFFFF800;
	s14 =	simm.s32 @!p0 $0x0  }
0x362: {  	[hbm4b:s5+s14] =	stream.linear.scatter @!p0 [tilespmem:s17], [sflag:$0x2], $0x800, $0x38;
	[tilespmem:$0xA220] =	vst v63  }
.Ltmp18:
0x363: {  	_ = 	snop;
	(pc) =	sbr.rel .LBB2_33-.Ltmp18, $4  }
0x364: {  	s14 =	simm.s32 @!p0 $0x2  }
0x365: {  	_ =	swait.ge @!p0 [sflag:s14], $0x800  }
0x366: {  	[sflag:s14] =	ssyncset.done @!p0 $0x0  }
0x367: {  	[sflag:s14] =	ssyncadd.s32 @!p0 $0xFFFFF800  }
.LBB2_34:
0x368: {  	_ =	sfence.sel $0x180000  }
0x369: {  	[bflag:$0x0] =	sbarrier.arrive $0xFFFF  }
0x36a: {  	_ =	strace $0x9000004A  }
0x36b: {  	s0 =	stileid.u32;
	[bflag:$0x2] =	sbarrier.arrive $0xFFFF  }
0x36c: {  	p0 =	sne.s32 s0, $0x0;
	s0 =	rddreg [dreg:$0x2]  }
0x36d: {  	s0 =	sadd.s32 @!p0 $0x100000, s0  }
0x36e: {  	[sflag:s0] =	ssyncadd.tile.s32 @!p0 $0x1;
	_ =	shalt  }
.Lfunc_end2:
_tile_overlayer_lowered:
.L_overlay_start_2:
0x36f: {  	(tag) =	ssettag $0x2  }
0x370: {  	s0 =	rddreg [dreg:$0x0];
	s2 =	stileid.u32  }
0x371: {  	s1 =	rddreg [dreg:$0x1];
	p0 =	sne.s32 s2, $0x0  }
0x372: {  	s3 =	rddreg [dreg:$0x2];
	[bflag:$0x3] =	sbarrier.arrive $0xFFFF;
	s2 =	simm.s32 @!p0 $0x1C02  }
0x373: {  	[timem:s3], [sflag:s2] =	dma.local @!p0 [hbm:s0], s1  }
0x374: {  	s0 =	simm.s32 @!p0 $0x2  }
0x375: {  	_ =	swait.ge @!p0 [sflag:s0], s1  }
0x376: {  	s1 =	ssub.s32 @!p0 $0x0, s1;
	[sflag:s0] =	ssyncset.done @!p0 $0x0  }
0x377: {  	[sflag:s0] =	ssyncadd.s32 @!p0 s1  }
0x378: {  	[bflag:$0x3] =	sbarrier.arrive $0xFFFF  }
0x379: {  	_ =	shalt  }

</sc_bundles>
